<compile_context>
chip_gen: v7x
topology: tpu7x:2x2x1
jax: 0.10.2.dev20260603
libtpu: 0.0.44.dev20260713+nightly
codegen_flags: <defaults>
</compile_context>

<pallas_src>
import jax
import jax.numpy as jnp
from jax import lax
from jax.experimental import pallas as pl
from jax.experimental.pallas import tpu as pltpu
from jax.experimental.pallas import tpu_sc as plsc

N = 10000
E = 320000
D = 128
DE = 16
H = 128

NC = 2
NS = 16
NW = NC * NS
EPT = E // NW
C = 128
NCHUNK = 80
EPT2 = NCHUNK * C
E2 = NW * EPT2
N2 = 10240
NACC = 10048

SW = 1000
NSW = N // SW
SLAB = 8

_mesh = lambda: plsc.VectorSubcoreMesh(core_axis_name="c", subcore_axis_name="s")


def _deg_body(row_hbm, degp_hbm, idx_v, buf_v, acc_sh):
    cid = lax.axis_index("c")
    sid = lax.axis_index("s")
    wid = cid * NS + sid

    def zloop(k, _):
        for q in range(H // 16):
            buf_v[k, pl.ds(q * 16, 16)] = jnp.zeros((16,), jnp.float32)
        return _
    lax.fori_loop(0, C, zloop, None)

    @pl.when(sid < NSW)
    def _z():
        for t in range(SW // C):
            pltpu.sync_copy(buf_v, acc_sh.at[pl.ds(sid * SW + t * C, C)])
        rem = SW % C
        if rem:
            pltpu.sync_copy(buf_v.at[pl.ds(0, rem)],
                            acc_sh.at[pl.ds(sid * SW + (SW // C) * C, rem)])
    plsc.subcore_barrier()

    def oloop(k, _):
        for q in range(H // 16):
            buf_v[k, pl.ds(q * 16, 16)] = jnp.ones((16,), jnp.float32)
        return _
    lax.fori_loop(0, C, oloop, None)

    pltpu.sync_copy(row_hbm.at[wid], idx_v)

    def chunk(j, _):
        pltpu.sync_copy(buf_v, acc_sh.at[idx_v.at[j]], add=True)
        return _
    lax.fori_loop(0, NCHUNK, chunk, None)
    plsc.subcore_barrier()

    @pl.when(sid < NSW)
    def _w():
        pltpu.sync_copy(acc_sh.at[pl.ds(sid * SW, SW)],
                        degp_hbm.at[pl.ds(cid * N + sid * SW, SW)])


def _deg(row3):
    return pl.kernel(
        _deg_body,
        out_type=jax.ShapeDtypeStruct((2 * N, H), jnp.float32),
        mesh=_mesh(),
        scratch_types=[
            pltpu.VMEM((NCHUNK, C), jnp.int32),
            pltpu.VMEM((C, H), jnp.float32),
            pltpu.VMEM_SHARED((NACC, H), jnp.float32),
        ],
    )(row3)


def _conv_body(h_hbm, e_hbm, dis_hbm, row_hbm, col_hbm, out_hbm,
               idxr_v, idxc_v, dra_v, drb_v, eb0_v, eb1_v,
               semE, semG, semD, semS, acc_sh):
    cid = lax.axis_index("c")
    sid = lax.axis_index("s")
    wid = cid * NS + sid
    EBUF = (eb0_v, eb1_v)

    def _row(j):
        return ((j >> 3) & 1) * 8 + (j & 7)

    def _e_copy(j, buf, issue):
        cp = pltpu.make_async_copy(
            e_hbm.at[pl.ds(wid * EPT2 + j * C, C)], buf, semE)
        cp.start() if issue else cp.wait()

    def _gadd(j, buf):
        return pltpu.async_copy(h_hbm.at[idxr_v.at[_row(j)]], buf, semG,
                                add=True)

    def _dis_issue(j, p):
        pltpu.async_copy(dis_hbm.at[idxr_v.at[_row(j)]], dra_v.at[p], semD)
        pltpu.async_copy(dis_hbm.at[idxc_v.at[_row(j)]], drb_v.at[p], semD)

    def _dis_wait(j, p):
        pltpu.make_async_copy(dis_hbm.at[idxr_v.at[_row(j)]],
                              dra_v.at[p], semD).wait()
        pltpu.make_async_copy(dis_hbm.at[idxc_v.at[_row(j)]],
                              drb_v.at[p], semD).wait()

    def _slab_load(s):
        q = (s & 1) * 8
        pltpu.sync_copy(row_hbm.at[wid].at[pl.ds(s * 8, 8)],
                        idxr_v.at[pl.ds(q, 8)])
        pltpu.sync_copy(col_hbm.at[wid].at[pl.ds(s * 8, 8)],
                        idxc_v.at[pl.ds(q, 8)])

    def _compute(buf, p, glo, ghi):
        def group(g2, _3):
            av = dra_v[p, pl.ds(g2 * 16, 16)]
            bv = drb_v[p, pl.ds(g2 * 16, 16)]
            nsv = av * bv
            for i in range(16):
                ns = nsv[i]
                k = g2 * 16 + i
                for q in range(H // 16):
                    v = buf[k, pl.ds(q * 16, 16)]
                    buf[k, pl.ds(q * 16, 16)] = jnp.maximum(v, 0.0) * ns
            return _3
        lax.fori_loop(glo, ghi, group, None)

    def zloop(k, _):
        for q in range(H // 16):
            eb0_v[k, pl.ds(q * 16, 16)] = jnp.zeros((16,), jnp.float32)
        return _
    lax.fori_loop(0, C, zloop, None)

    @pl.when(sid < NSW)
    def _z():
        for t in range(SW // C):
            pltpu.sync_copy(eb0_v, acc_sh.at[pl.ds(sid * SW + t * C, C)])
        rem = SW % C
        if rem:
            pltpu.sync_copy(eb0_v.at[pl.ds(0, rem)],
                            acc_sh.at[pl.ds(sid * SW + (SW // C) * C, rem)])
    plsc.subcore_barrier()

    _slab_load(0)
    _e_copy(0, eb0_v, True)
    _dis_issue(0, 0)

    def step(j2, _):
        for p in range(2):
            j = 2 * j2 + p
            buf, other = EBUF[p], EBUF[1 - p]
            _e_copy(j, buf, False)
            if p == 1:
                @pl.when((((j2 + 1) & 3) == 0) & (j2 < NCHUNK // 2 - 1))
                def _sl():
                    _slab_load((j + 1) >> 3)

                @pl.when(j2 < NCHUNK // 2 - 1)
                def _pe():
                    _e_copy(j + 1, other, True)
            else:
                _e_copy(j + 1, other, True)
            _dis_wait(j, p)
            _compute(buf, p, 0, 0)
            if p == 1:
                @pl.when(j2 < NCHUNK // 2 - 1)
                def _pg():
                    _dis_issue(j + 1, 1 - p)
            else:
                _dis_issue(j + 1, 1 - p)
            _compute(buf, p, 4, 4)
        return _
    lax.fori_loop(0, NCHUNK // 2, step, None)
    plsc.subcore_barrier()

    @pl.when(sid < NSW)
    def _w():
        pltpu.sync_copy(acc_sh.at[pl.ds(sid * SW, SW)],
                        out_hbm.at[pl.ds(cid * N + sid * SW, SW)])


def _conv(hpad, e, dis, row3, col3):
    return pl.kernel(
        _conv_body,
        out_type=jax.ShapeDtypeStruct((2 * N, H), jnp.float32),
        mesh=_mesh(),
        scratch_types=[
            pltpu.VMEM((16, C), jnp.int32),
            pltpu.VMEM((16, C), jnp.int32),
            pltpu.VMEM((2, C), jnp.float32),
            pltpu.VMEM((2, C), jnp.float32),
            pltpu.VMEM((C, H), jnp.float32),
            pltpu.VMEM((C, H), jnp.float32),
            pltpu.SemaphoreType.DMA,
            pltpu.SemaphoreType.DMA,
            pltpu.SemaphoreType.DMA,
            pltpu.SemaphoreType.DMA,
            pltpu.VMEM_SHARED((NACC, H), jnp.float32),
        ],
    )(hpad, e, dis, row3, col3)


def _mm_h1_body(x_ref, w_ref, b_ref, deg_ref, o_ref, dis_ref):
    o_ref[...] = (jnp.dot(x_ref[...], w_ref[...],
                          preferred_element_type=jnp.float32) + b_ref[...])
    nid = (lax.broadcasted_iota(jnp.int32, (N2 // H, H), 0) * H
           + lax.broadcasted_iota(jnp.int32, (N2 // H, H), 1))
    dis_ref[...] = jnp.where(nid < N, lax.rsqrt(deg_ref[...]), 0.0)


def _mm_h1(x, W1, b1, degpad):
    return pl.pallas_call(
        _mm_h1_body,
        out_shape=[jax.ShapeDtypeStruct((N, H), jnp.float32),
                   jax.ShapeDtypeStruct((N2 // H, H), jnp.float32)],
    )(x, W1, b1.reshape(1, H), degpad)


EB = 2048


def _mm_e_body(a_ref, w_ref, b_ref, o1_ref, o2_ref, o3_ref):
    acc = jnp.dot(a_ref[...], w_ref[...],
                  preferred_element_type=jnp.float32) + b_ref[...]
    o1_ref[...] = acc[:, :H]
    o2_ref[...] = acc[:, H:2 * H]
    o3_ref[...] = acc[:, 2 * H:]


def _mm_e(edge_attr_p, We_all, be_all):
    eo = jax.ShapeDtypeStruct((E2, H), jnp.float32)
    return pl.pallas_call(
        _mm_e_body,
        grid=(E2 // EB,),
        in_specs=[
            pl.BlockSpec((EB, DE), lambda i: (i, 0)),
            pl.BlockSpec((DE, 3 * H), lambda i: (0, 0)),
            pl.BlockSpec((1, 3 * H), lambda i: (0, 0)),
        ],
        out_specs=[
            pl.BlockSpec((EB, H), lambda i: (i, 0)),
            pl.BlockSpec((EB, H), lambda i: (i, 0)),
            pl.BlockSpec((EB, H), lambda i: (i, 0)),
        ],
        out_shape=[eo, eo, eo],
    )(edge_attr_p, We_all, be_all)


def _bn_lin_body(p_ref, g_ref, beta_ref, w_ref, b_ref, o_ref):
    z = jnp.maximum(p_ref[:N, :] + p_ref[N:, :], 0.0)
    mu = jnp.mean(z, axis=0, keepdims=True)
    d = z - mu
    var = jnp.mean(d * d, axis=0, keepdims=True)
    y = g_ref[...] * d * lax.rsqrt(var + 1e-5) + beta_ref[...]
    o_ref[...] = (jnp.dot(y, w_ref[...],
                          preferred_element_type=jnp.float32) + b_ref[...])


def _bn_lin(p, g, beta, W, b, dout):
    return pl.pallas_call(
        _bn_lin_body,
        out_shape=jax.ShapeDtypeStruct((N, dout), jnp.float32),
    )(p, g.reshape(1, H), beta.reshape(1, H), W, b.reshape(1, dout))


def _pad_tiles(a, fill):
    a = a.reshape(NW, EPT, *a.shape[1:])
    pad = jnp.full((NW, EPT2 - EPT, *a.shape[2:]), fill, dtype=a.dtype)
    return jnp.concatenate([a, pad], axis=1)


def _pad_h(h):
    return jnp.concatenate([h, jnp.zeros((N2 - N, H), jnp.float32)], axis=0)


def kernel(x, edge_index, edge_attr, W1, b1, We1, be1, g1, beta1,
           W2, b2, We2, be2, g2, beta2,
           W3, b3, We3, be3, g3, beta3, Wout, bout):
    row = edge_index[0]
    col = edge_index[1]
    row3 = _pad_tiles(row, N).reshape(NW, NCHUNK, C)
    col3 = _pad_tiles(col, N).reshape(NW, NCHUNK, C)

    degp = _deg(row3)
    deg0 = degp[:N, 0] + degp[N:, 0] + 1.0
    degpad = jnp.concatenate(
        [deg0, jnp.ones((N2 - N,), jnp.float32)]).reshape(N2 // H, H)

    h1, dispad = _mm_h1(x, W1, b1, degpad)
    dis = dispad.reshape(N2)

    We_all = jnp.concatenate([We1, We2, We3], axis=1)
    be_all = jnp.concatenate([be1, be2, be3]).reshape(1, 3 * H)
    eap = _pad_tiles(edge_attr, 0.0).reshape(E2, DE)
    e1, e2, e3 = _mm_e(eap, We_all, be_all)

    p = _conv(_pad_h(h1), e1, dis, row3, col3)
    h2 = _bn_lin(p, g1, beta1, W2, b2, H)
    p = _conv(_pad_h(h2), e2, dis, row3, col3)
    h3 = _bn_lin(p, g2, beta2, W3, b3, H)
    p = _conv(_pad_h(h3), e3, dis, row3, col3)
    return _bn_lin(p, g3, beta3, Wout, bout, H)

# --- scband reference (transcript-rebuilt; emitter-appended) ---
"""Pipeline reference for scband-gcn-edge-emb-28432683499903 (READ-ONLY COPY).

The authoritative reference and input builder live on the scoring server;
editing this copy changes nothing except your own understanding.
"""

import jax, jax.numpy as jnp
import numpy as np

N = 10000
E = 320000
D = 128
DE = 16
H = 128
EMB = 128


def setup_inputs(seed: int = 0) -> dict:
    key = jax.random.key(seed)
    ks = jax.random.split(key, 32)
    inp = {}
    inp["x"] = jax.random.normal(ks[0], (N, D), dtype=jnp.float32)
    inp["edge_index"] = jax.random.randint(ks[1], (2, E), 0, N)
    inp["edge_attr"] = jax.random.normal(ks[2], (E, DE), dtype=jnp.float32)
    # conv1: linear(D->H), edge_encoder(DE->H)
    inp["W1"] = jax.random.normal(ks[3], (D, H), dtype=jnp.float32) * 0.05
    inp["b1"] = jnp.zeros((H,), dtype=jnp.float32)
    inp["We1"] = jax.random.normal(ks[4], (DE, H), dtype=jnp.float32) * 0.05
    inp["be1"] = jnp.zeros((H,), dtype=jnp.float32)
    inp["g1"] = jnp.ones((H,), dtype=jnp.float32)
    inp["beta1"] = jnp.zeros((H,), dtype=jnp.float32)
    # conv2
    inp["W2"] = jax.random.normal(ks[5], (H, H), dtype=jnp.float32) * 0.05
    inp["b2"] = jnp.zeros((H,), dtype=jnp.float32)
    inp["We2"] = jax.random.normal(ks[6], (DE, H), dtype=jnp.float32) * 0.05
    inp["be2"] = jnp.zeros((H,), dtype=jnp.float32)
    inp["g2"] = jnp.ones((H,), dtype=jnp.float32)
    inp["beta2"] = jnp.zeros((H,), dtype=jnp.float32)
    # conv3
    inp["W3"] = jax.random.normal(ks[7], (H, H), dtype=jnp.float32) * 0.05
    inp["b3"] = jnp.zeros((H,), dtype=jnp.float32)
    inp["We3"] = jax.random.normal(ks[8], (DE, H), dtype=jnp.float32) * 0.05
    inp["be3"] = jnp.zeros((H,), dtype=jnp.float32)
    inp["g3"] = jnp.ones((H,), dtype=jnp.float32)
    inp["beta3"] = jnp.zeros((H,), dtype=jnp.float32)
    # lin_node
    inp["Wout"] = jax.random.normal(ks[9], (H, EMB), dtype=jnp.float32) * 0.05
    inp["bout"] = jnp.zeros((EMB,), dtype=jnp.float32)
    return inp


def _gcn_conv(x, edge_index, edge_attr, W, b, We, be):
    h = x @ W + b
    e = edge_attr @ We + be
    row = edge_index[0]
    col = edge_index[1]
    deg = jnp.zeros((h.shape[0],), dtype=h.dtype).at[row].add(1.0) + 1.0
    deg_inv_sqrt = deg ** -0.5
    norm = deg_inv_sqrt[row] * deg_inv_sqrt[col]
    msg = norm[:, None] * jax.nn.relu(h[row] + e)
    out = jnp.zeros_like(h).at[col].add(msg)
    return out


def _bn(x, g, beta, eps=1e-5):
    mu = jnp.mean(x, axis=0)
    var = jnp.var(x, axis=0)
    return g * (x - mu) / jnp.sqrt(var + eps) + beta


def reference(x, edge_index, edge_attr, W1, b1, We1, be1, g1, beta1,
              W2, b2, We2, be2, g2, beta2,
              W3, b3, We3, be3, g3, beta3, Wout, bout):
    h = _gcn_conv(x, edge_index, edge_attr, W1, b1, We1, be1)
    h = _bn(jax.nn.relu(h), g1, beta1)
    h = _gcn_conv(h, edge_index, edge_attr, W2, b2, We2, be2)
    h = _bn(jax.nn.relu(h), g2, beta2)
    h = _gcn_conv(h, edge_index, edge_attr, W3, b3, We3, be3)
    h = _bn(jax.nn.relu(h), g3, beta3)
    out = h @ Wout + bout
    return out

if __name__ == "__main__":
    import jax
    _d = setup_inputs()
    print(jax.jit(kernel)(*tuple(_d.values())))

</pallas_src>

<mosaic_0001>
#map = affine_map<(d0, d1) -> (0, 0)>
#map1 = affine_map<(d0, d1) -> (0)>
#map2 = affine_map<(d0, d1) -> (0, 0, 0)>
module attributes {stable_mosaic.version = 14 : i64} {
  func.func @_conv_body(%arg0: i32, %arg1: i32, %arg2: memref<10240x128xf32, #tpu.memory_space<hbm>>, %arg3: memref<327680x128xf32, #tpu.memory_space<hbm>>, %arg4: memref<10240xf32, #tpu.memory_space<hbm>>, %arg5: memref<32x80x128xi32, #tpu.memory_space<hbm>>, %arg6: memref<32x80x128xi32, #tpu.memory_space<hbm>>, %arg7: memref<20000x128xf32, #tpu.memory_space<hbm>>, %arg8: memref<16x128xi32, #tpu.memory_space<vmem>>, %arg9: memref<16x128xi32, #tpu.memory_space<vmem>>, %arg10: memref<2x128xf32, #tpu.memory_space<vmem>>, %arg11: memref<2x128xf32, #tpu.memory_space<vmem>>, %arg12: memref<128x128xf32, #tpu.memory_space<vmem>>, %arg13: memref<128x128xf32, #tpu.memory_space<vmem>>, %arg14: memref<!tpu.dma_semaphore, #tpu.memory_space<semaphore_mem>>, %arg15: memref<!tpu.dma_semaphore, #tpu.memory_space<semaphore_mem>>, %arg16: memref<!tpu.dma_semaphore, #tpu.memory_space<semaphore_mem>>, %arg17: memref<!tpu.dma_semaphore, #tpu.memory_space<semaphore_mem>>, %arg18: memref<10048x128xf32, #tpu.memory_space<vmem_shared>>) attributes {dimension_semantics = [#tpu.dimension_semantics<core_parallel>, #tpu.dimension_semantics<subcore_parallel>], iteration_bounds = array<i64: 2, 16>, scalar_prefetch = 0 : i64, scratch_operands = 11 : i64, tpu.core_type = #tpu.core_type<sc_vector_subcore>, window_params = [{transform_indices = #map}, {transform_indices = #map}, {transform_indices = #map1}, {transform_indices = #map2}, {transform_indices = #map2}, {transform_indices = #map}]} {
    %mul3A = arith.constant 16 : i32
    %mul3A_0 = arith.muli %arg0, %mul3A : i32
    %add3A = arith.addi %mul3A_0, %arg1 : i32
    %scan3A = arith.constant 0 : i32
    %scan3A_1 = arith.constant 128 : i32
    %scan3A_2 = arith.addi %scan3A, %scan3A_1 : i32
    %scan3A_3 = arith.constant 1 : i32
    scf.for %scan3A_45 = %scan3A to %scan3A_2 step %scan3A_3  : i32 {
      %broadcast_in_dim3A = arith.constant 0.000000e+00 : f32
      %broadcast_in_dim3A_46 = vector.broadcast %broadcast_in_dim3A : f32 to vector<16xf32>
      %swap3A = arith.index_cast %scan3A_45 : i32 to index
      %swap3A_47 = arith.constant 0 : index
      %swap3A_48 = tpu.vector_load %arg12[%swap3A, %swap3A_47] {strides = array<i32>} : memref<128x128xf32, #tpu.memory_space<vmem>>, vector<1x16xf32>,
      %swap3A_49 = vector.shape_cast %swap3A_48 : vector<1x16xf32> to vector<16xf32>
      %swap3A_50 = vector.shape_cast %broadcast_in_dim3A_46 : vector<16xf32> to vector<1x16xf32>
      tpu.vector_store %arg12[%swap3A, %swap3A_47], %swap3A_50 {strides = array<i32>} : memref<128x128xf32, #tpu.memory_space<vmem>>, vector<1x16xf32>,
      %broadcast_in_dim3A_51 = arith.constant 0.000000e+00 : f32
      %broadcast_in_dim3A_52 = vector.broadcast %broadcast_in_dim3A_51 : f32 to vector<16xf32>
      %swap3A_53 = arith.index_cast %scan3A_45 : i32 to index
      %swap3A_54 = arith.constant 16 : index
      %swap3A_55 = tpu.vector_load %arg12[%swap3A_53, %swap3A_54] {strides = array<i32>} : memref<128x128xf32, #tpu.memory_space<vmem>>, vector<1x16xf32>,
      %swap3A_56 = vector.shape_cast %swap3A_55 : vector<1x16xf32> to vector<16xf32>
      %swap3A_57 = vector.shape_cast %broadcast_in_dim3A_52 : vector<16xf32> to vector<1x16xf32>
      tpu.vector_store %arg12[%swap3A_53, %swap3A_54], %swap3A_57 {strides = array<i32>} : memref<128x128xf32, #tpu.memory_space<vmem>>, vector<1x16xf32>,
      %broadcast_in_dim3A_58 = arith.constant 0.000000e+00 : f32
      %broadcast_in_dim3A_59 = vector.broadcast %broadcast_in_dim3A_58 : f32 to vector<16xf32>
      %swap3A_60 = arith.index_cast %scan3A_45 : i32 to index
      %swap3A_61 = arith.constant 32 : index
      %swap3A_62 = tpu.vector_load %arg12[%swap3A_60, %swap3A_61] {strides = array<i32>} : memref<128x128xf32, #tpu.memory_space<vmem>>, vector<1x16xf32>,
      %swap3A_63 = vector.shape_cast %swap3A_62 : vector<1x16xf32> to vector<16xf32>
      %swap3A_64 = vector.shape_cast %broadcast_in_dim3A_59 : vector<16xf32> to vector<1x16xf32>
      tpu.vector_store %arg12[%swap3A_60, %swap3A_61], %swap3A_64 {strides = array<i32>} : memref<128x128xf32, #tpu.memory_space<vmem>>, vector<1x16xf32>,
      %broadcast_in_dim3A_65 = arith.constant 0.000000e+00 : f32
      %broadcast_in_dim3A_66 = vector.broadcast %broadcast_in_dim3A_65 : f32 to vector<16xf32>
      %swap3A_67 = arith.index_cast %scan3A_45 : i32 to index
      %swap3A_68 = arith.constant 48 : index
      %swap3A_69 = tpu.vector_load %arg12[%swap3A_67, %swap3A_68] {strides = array<i32>} : memref<128x128xf32, #tpu.memory_space<vmem>>, vector<1x16xf32>,
      %swap3A_70 = vector.shape_cast %swap3A_69 : vector<1x16xf32> to vector<16xf32>
      %swap3A_71 = vector.shape_cast %broadcast_in_dim3A_66 : vector<16xf32> to vector<1x16xf32>
      tpu.vector_store %arg12[%swap3A_67, %swap3A_68], %swap3A_71 {strides = array<i32>} : memref<128x128xf32, #tpu.memory_space<vmem>>, vector<1x16xf32>,
      %broadcast_in_dim3A_72 = arith.constant 0.000000e+00 : f32
      %broadcast_in_dim3A_73 = vector.broadcast %broadcast_in_dim3A_72 : f32 to vector<16xf32>
      %swap3A_74 = arith.index_cast %scan3A_45 : i32 to index
      %swap3A_75 = arith.constant 64 : index
      %swap3A_76 = tpu.vector_load %arg12[%swap3A_74, %swap3A_75] {strides = array<i32>} : memref<128x128xf32, #tpu.memory_space<vmem>>, vector<1x16xf32>,
      %swap3A_77 = vector.shape_cast %swap3A_76 : vector<1x16xf32> to vector<16xf32>
      %swap3A_78 = vector.shape_cast %broadcast_in_dim3A_73 : vector<16xf32> to vector<1x16xf32>
      tpu.vector_store %arg12[%swap3A_74, %swap3A_75], %swap3A_78 {strides = array<i32>} : memref<128x128xf32, #tpu.memory_space<vmem>>, vector<1x16xf32>,
      %broadcast_in_dim3A_79 = arith.constant 0.000000e+00 : f32
      %broadcast_in_dim3A_80 = vector.broadcast %broadcast_in_dim3A_79 : f32 to vector<16xf32>
      %swap3A_81 = arith.index_cast %scan3A_45 : i32 to index
      %swap3A_82 = arith.constant 80 : index
      %swap3A_83 = tpu.vector_load %arg12[%swap3A_81, %swap3A_82] {strides = array<i32>} : memref<128x128xf32, #tpu.memory_space<vmem>>, vector<1x16xf32>,
      %swap3A_84 = vector.shape_cast %swap3A_83 : vector<1x16xf32> to vector<16xf32>
      %swap3A_85 = vector.shape_cast %broadcast_in_dim3A_80 : vector<16xf32> to vector<1x16xf32>
      tpu.vector_store %arg12[%swap3A_81, %swap3A_82], %swap3A_85 {strides = array<i32>} : memref<128x128xf32, #tpu.memory_space<vmem>>, vector<1x16xf32>,
      %broadcast_in_dim3A_86 = arith.constant 0.000000e+00 : f32
      %broadcast_in_dim3A_87 = vector.broadcast %broadcast_in_dim3A_86 : f32 to vector<16xf32>
      %swap3A_88 = arith.index_cast %scan3A_45 : i32 to index
      %swap3A_89 = arith.constant 96 : index
      %swap3A_90 = tpu.vector_load %arg12[%swap3A_88, %swap3A_89] {strides = array<i32>} : memref<128x128xf32, #tpu.memory_space<vmem>>, vector<1x16xf32>,
      %swap3A_91 = vector.shape_cast %swap3A_90 : vector<1x16xf32> to vector<16xf32>
      %swap3A_92 = vector.shape_cast %broadcast_in_dim3A_87 : vector<16xf32> to vector<1x16xf32>
      tpu.vector_store %arg12[%swap3A_88, %swap3A_89], %swap3A_92 {strides = array<i32>} : memref<128x128xf32, #tpu.memory_space<vmem>>, vector<1x16xf32>,
      %broadcast_in_dim3A_93 = arith.constant 0.000000e+00 : f32
      %broadcast_in_dim3A_94 = vector.broadcast %broadcast_in_dim3A_93 : f32 to vector<16xf32>
      %swap3A_95 = arith.index_cast %scan3A_45 : i32 to index
      %swap3A_96 = arith.constant 112 : index
      %swap3A_97 = tpu.vector_load %arg12[%swap3A_95, %swap3A_96] {strides = array<i32>} : memref<128x128xf32, #tpu.memory_space<vmem>>, vector<1x16xf32>,
      %swap3A_98 = vector.shape_cast %swap3A_97 : vector<1x16xf32> to vector<16xf32>
      %swap3A_99 = vector.shape_cast %broadcast_in_dim3A_94 : vector<16xf32> to vector<1x16xf32>
      tpu.vector_store %arg12[%swap3A_95, %swap3A_96], %swap3A_99 {strides = array<i32>} : memref<128x128xf32, #tpu.memory_space<vmem>>, vector<1x16xf32>,
    }
    %scan3A_4 = arith.constant 128 : i32
    %lt3A = arith.constant 10 : i32
    %lt3A_5 = arith.cmpi slt, %arg1, %lt3A : i32
    %convert_element_type3A = arith.extui %lt3A_5 : i1 to i32
    %cond3A = arith.constant 0 : i32
    %cond3A_6 = arith.cmpi ne, %convert_element_type3A, %cond3A : i32
    scf.if %cond3A_6 {
      %mul3A_45 = arith.constant 1000 : i32
      %mul3A_46 = arith.muli %arg1, %mul3A_45 : i32
      %add3A_47 = arith.constant 0 : i32
      %add3A_48 = arith.addi %mul3A_46, %add3A_47 : i32
      "tpu.region"() ({
        %run_scoped3A = tpu.sem_alloc : memref<!tpu.dma_semaphore, #tpu.memory_space<semaphore_mem>>
        %dma_start3A_77 = arith.constant 0 : i32
        %dma_start3A_78 = tpu.memref_slice %arg18[%add3A_48, %dma_start3A_77] : memref<10048x128xf32, #tpu.memory_space<vmem_shared>> -> memref<128x128xf32, #tpu.memory_space<vmem_shared>>
        %dma_start3A_79 = arith.constant 0 : i32
        %dma_start3A_80 = tpu.memref_slice %arg18[%add3A_48, %dma_start3A_79] : memref<10048x128xf32, #tpu.memory_space<vmem_shared>> -> memref<128x128xf32, #tpu.memory_space<vmem_shared>>
        tpu.enqueue_dma source(%arg12 : memref<128x128xf32, #tpu.memory_space<vmem>>) target(%dma_start3A_80 : memref<128x128xf32, #tpu.memory_space<vmem_shared>>) target_semaphore(%run_scoped3A : memref<!tpu.dma_semaphore, #tpu.memory_space<semaphore_mem>>)
        %dma_wait3A = arith.constant 0 : i32
        %dma_wait3A_81 = tpu.memref_slice %arg18[%add3A_48, %dma_wait3A] : memref<10048x128xf32, #tpu.memory_space<vmem_shared>> -> memref<128x128xf32, #tpu.memory_space<vmem_shared>>
        %dma_wait3A_82 = arith.constant 0 : i32
        %dma_wait3A_83 = tpu.memref_slice %arg18[%add3A_48, %dma_wait3A_82] : memref<10048x128xf32, #tpu.memory_space<vmem_shared>> -> memref<128x128xf32, #tpu.memory_space<vmem_shared>>
        tpu.wait_dma2 semaphore(%run_scoped3A : memref<!tpu.dma_semaphore, #tpu.memory_space<semaphore_mem>>) src(%arg12 : memref<128x128xf32, #tpu.memory_space<vmem>>) dst(%dma_wait3A_83 : memref<128x128xf32, #tpu.memory_space<vmem_shared>>)
        tpu.yield
      }) : () -> ()
      %mul3A_49 = arith.constant 1000 : i32
      %mul3A_50 = arith.muli %arg1, %mul3A_49 : i32
      %add3A_51 = arith.constant 128 : i32
      %add3A_52 = arith.addi %mul3A_50, %add3A_51 : i32
      "tpu.region"() ({
        %run_scoped3A = tpu.sem_alloc : memref<!tpu.dma_semaphore, #tpu.memory_space<semaphore_mem>>
        %dma_start3A_77 = arith.constant 0 : i32
        %dma_start3A_78 = tpu.memref_slice %arg18[%add3A_52, %dma_start3A_77] : memref<10048x128xf32, #tpu.memory_space<vmem_shared>> -> memref<128x128xf32, #tpu.memory_space<vmem_shared>>
        %dma_start3A_79 = arith.constant 0 : i32
        %dma_start3A_80 = tpu.memref_slice %arg18[%add3A_52, %dma_start3A_79] : memref<10048x128xf32, #tpu.memory_space<vmem_shared>> -> memref<128x128xf32, #tpu.memory_space<vmem_shared>>
        tpu.enqueue_dma source(%arg12 : memref<128x128xf32, #tpu.memory_space<vmem>>) target(%dma_start3A_80 : memref<128x128xf32, #tpu.memory_space<vmem_shared>>) target_semaphore(%run_scoped3A : memref<!tpu.dma_semaphore, #tpu.memory_space<semaphore_mem>>)
        %dma_wait3A = arith.constant 0 : i32
        %dma_wait3A_81 = tpu.memref_slice %arg18[%add3A_52, %dma_wait3A] : memref<10048x128xf32, #tpu.memory_space<vmem_shared>> -> memref<128x128xf32, #tpu.memory_space<vmem_shared>>
        %dma_wait3A_82 = arith.constant 0 : i32
        %dma_wait3A_83 = tpu.memref_slice %arg18[%add3A_52, %dma_wait3A_82] : memref<10048x128xf32, #tpu.memory_space<vmem_shared>> -> memref<128x128xf32, #tpu.memory_space<vmem_shared>>
        tpu.wait_dma2 semaphore(%run_scoped3A : memref<!tpu.dma_semaphore, #tpu.memory_space<semaphore_mem>>) src(%arg12 : memref<128x128xf32, #tpu.memory_space<vmem>>) dst(%dma_wait3A_83 : memref<128x128xf32, #tpu.memory_space<vmem_shared>>)
        tpu.yield
      }) : () -> ()
      %mul3A_53 = arith.constant 1000 : i32
      %mul3A_54 = arith.muli %arg1, %mul3A_53 : i32
      %add3A_55 = arith.constant 256 : i32
      %add3A_56 = arith.addi %mul3A_54, %add3A_55 : i32
      "tpu.region"() ({
        %run_scoped3A = tpu.sem_alloc : memref<!tpu.dma_semaphore, #tpu.memory_space<semaphore_mem>>
        %dma_start3A_77 = arith.constant 0 : i32
        %dma_start3A_78 = tpu.memref_slice %arg18[%add3A_56, %dma_start3A_77] : memref<10048x128xf32, #tpu.memory_space<vmem_shared>> -> memref<128x128xf32, #tpu.memory_space<vmem_shared>>
        %dma_start3A_79 = arith.constant 0 : i32
        %dma_start3A_80 = tpu.memref_slice %arg18[%add3A_56, %dma_start3A_79] : memref<10048x128xf32, #tpu.memory_space<vmem_shared>> -> memref<128x128xf32, #tpu.memory_space<vmem_shared>>
        tpu.enqueue_dma source(%arg12 : memref<128x128xf32, #tpu.memory_space<vmem>>) target(%dma_start3A_80 : memref<128x128xf32, #tpu.memory_space<vmem_shared>>) target_semaphore(%run_scoped3A : memref<!tpu.dma_semaphore, #tpu.memory_space<semaphore_mem>>)
        %dma_wait3A = arith.constant 0 : i32
        %dma_wait3A_81 = tpu.memref_slice %arg18[%add3A_56, %dma_wait3A] : memref<10048x128xf32, #tpu.memory_space<vmem_shared>> -> memref<128x128xf32, #tpu.memory_space<vmem_shared>>
        %dma_wait3A_82 = arith.constant 0 : i32
        %dma_wait3A_83 = tpu.memref_slice %arg18[%add3A_56, %dma_wait3A_82] : memref<10048x128xf32, #tpu.memory_space<vmem_shared>> -> memref<128x128xf32, #tpu.memory_space<vmem_shared>>
        tpu.wait_dma2 semaphore(%run_scoped3A : memref<!tpu.dma_semaphore, #tpu.memory_space<semaphore_mem>>) src(%arg12 : memref<128x128xf32, #tpu.memory_space<vmem>>) dst(%dma_wait3A_83 : memref<128x128xf32, #tpu.memory_space<vmem_shared>>)
        tpu.yield
      }) : () -> ()
      %mul3A_57 = arith.constant 1000 : i32
      %mul3A_58 = arith.muli %arg1, %mul3A_57 : i32
      %add3A_59 = arith.constant 384 : i32
      %add3A_60 = arith.addi %mul3A_58, %add3A_59 : i32
      "tpu.region"() ({
        %run_scoped3A = tpu.sem_alloc : memref<!tpu.dma_semaphore, #tpu.memory_space<semaphore_mem>>
        %dma_start3A_77 = arith.constant 0 : i32
        %dma_start3A_78 = tpu.memref_slice %arg18[%add3A_60, %dma_start3A_77] : memref<10048x128xf32, #tpu.memory_space<vmem_shared>> -> memref<128x128xf32, #tpu.memory_space<vmem_shared>>
        %dma_start3A_79 = arith.constant 0 : i32
        %dma_start3A_80 = tpu.memref_slice %arg18[%add3A_60, %dma_start3A_79] : memref<10048x128xf32, #tpu.memory_space<vmem_shared>> -> memref<128x128xf32, #tpu.memory_space<vmem_shared>>
        tpu.enqueue_dma source(%arg12 : memref<128x128xf32, #tpu.memory_space<vmem>>) target(%dma_start3A_80 : memref<128x128xf32, #tpu.memory_space<vmem_shared>>) target_semaphore(%run_scoped3A : memref<!tpu.dma_semaphore, #tpu.memory_space<semaphore_mem>>)
        %dma_wait3A = arith.constant 0 : i32
        %dma_wait3A_81 = tpu.memref_slice %arg18[%add3A_60, %dma_wait3A] : memref<10048x128xf32, #tpu.memory_space<vmem_shared>> -> memref<128x128xf32, #tpu.memory_space<vmem_shared>>
        %dma_wait3A_82 = arith.constant 0 : i32
        %dma_wait3A_83 = tpu.memref_slice %arg18[%add3A_60, %dma_wait3A_82] : memref<10048x128xf32, #tpu.memory_space<vmem_shared>> -> memref<128x128xf32, #tpu.memory_space<vmem_shared>>
        tpu.wait_dma2 semaphore(%run_scoped3A : memref<!tpu.dma_semaphore, #tpu.memory_space<semaphore_mem>>) src(%arg12 : memref<128x128xf32, #tpu.memory_space<vmem>>) dst(%dma_wait3A_83 : memref<128x128xf32, #tpu.memory_space<vmem_shared>>)
        tpu.yield
      }) : () -> ()
      %mul3A_61 = arith.constant 1000 : i32
      %mul3A_62 = arith.muli %arg1, %mul3A_61 : i32
      %add3A_63 = arith.constant 512 : i32
      %add3A_64 = arith.addi %mul3A_62, %add3A_63 : i32
      "tpu.region"() ({
        %run_scoped3A = tpu.sem_alloc : memref<!tpu.dma_semaphore, #tpu.memory_space<semaphore_mem>>
        %dma_start3A_77 = arith.constant 0 : i32
        %dma_start3A_78 = tpu.memref_slice %arg18[%add3A_64, %dma_start3A_77] : memref<10048x128xf32, #tpu.memory_space<vmem_shared>> -> memref<128x128xf32, #tpu.memory_space<vmem_shared>>
        %dma_start3A_79 = arith.constant 0 : i32
        %dma_start3A_80 = tpu.memref_slice %arg18[%add3A_64, %dma_start3A_79] : memref<10048x128xf32, #tpu.memory_space<vmem_shared>> -> memref<128x128xf32, #tpu.memory_space<vmem_shared>>
        tpu.enqueue_dma source(%arg12 : memref<128x128xf32, #tpu.memory_space<vmem>>) target(%dma_start3A_80 : memref<128x128xf32, #tpu.memory_space<vmem_shared>>) target_semaphore(%run_scoped3A : memref<!tpu.dma_semaphore, #tpu.memory_space<semaphore_mem>>)
        %dma_wait3A = arith.constant 0 : i32
        %dma_wait3A_81 = tpu.memref_slice %arg18[%add3A_64, %dma_wait3A] : memref<10048x128xf32, #tpu.memory_space<vmem_shared>> -> memref<128x128xf32, #tpu.memory_space<vmem_shared>>
        %dma_wait3A_82 = arith.constant 0 : i32
        %dma_wait3A_83 = tpu.memref_slice %arg18[%add3A_64, %dma_wait3A_82] : memref<10048x128xf32, #tpu.memory_space<vmem_shared>> -> memref<128x128xf32, #tpu.memory_space<vmem_shared>>
        tpu.wait_dma2 semaphore(%run_scoped3A : memref<!tpu.dma_semaphore, #tpu.memory_space<semaphore_mem>>) src(%arg12 : memref<128x128xf32, #tpu.memory_space<vmem>>) dst(%dma_wait3A_83 : memref<128x128xf32, #tpu.memory_space<vmem_shared>>)
        tpu.yield
      }) : () -> ()
      %mul3A_65 = arith.constant 1000 : i32
      %mul3A_66 = arith.muli %arg1, %mul3A_65 : i32
      %add3A_67 = arith.constant 640 : i32
      %add3A_68 = arith.addi %mul3A_66, %add3A_67 : i32
      "tpu.region"() ({
        %run_scoped3A = tpu.sem_alloc : memref<!tpu.dma_semaphore, #tpu.memory_space<semaphore_mem>>
        %dma_start3A_77 = arith.constant 0 : i32
        %dma_start3A_78 = tpu.memref_slice %arg18[%add3A_68, %dma_start3A_77] : memref<10048x128xf32, #tpu.memory_space<vmem_shared>> -> memref<128x128xf32, #tpu.memory_space<vmem_shared>>
        %dma_start3A_79 = arith.constant 0 : i32
        %dma_start3A_80 = tpu.memref_slice %arg18[%add3A_68, %dma_start3A_79] : memref<10048x128xf32, #tpu.memory_space<vmem_shared>> -> memref<128x128xf32, #tpu.memory_space<vmem_shared>>
        tpu.enqueue_dma source(%arg12 : memref<128x128xf32, #tpu.memory_space<vmem>>) target(%dma_start3A_80 : memref<128x128xf32, #tpu.memory_space<vmem_shared>>) target_semaphore(%run_scoped3A : memref<!tpu.dma_semaphore, #tpu.memory_space<semaphore_mem>>)
        %dma_wait3A = arith.constant 0 : i32
        %dma_wait3A_81 = tpu.memref_slice %arg18[%add3A_68, %dma_wait3A] : memref<10048x128xf32, #tpu.memory_space<vmem_shared>> -> memref<128x128xf32, #tpu.memory_space<vmem_shared>>
        %dma_wait3A_82 = arith.constant 0 : i32
        %dma_wait3A_83 = tpu.memref_slice %arg18[%add3A_68, %dma_wait3A_82] : memref<10048x128xf32, #tpu.memory_space<vmem_shared>> -> memref<128x128xf32, #tpu.memory_space<vmem_shared>>
        tpu.wait_dma2 semaphore(%run_scoped3A : memref<!tpu.dma_semaphore, #tpu.memory_space<semaphore_mem>>) src(%arg12 : memref<128x128xf32, #tpu.memory_space<vmem>>) dst(%dma_wait3A_83 : memref<128x128xf32, #tpu.memory_space<vmem_shared>>)
        tpu.yield
      }) : () -> ()
      %mul3A_69 = arith.constant 1000 : i32
      %mul3A_70 = arith.muli %arg1, %mul3A_69 : i32
      %add3A_71 = arith.constant 768 : i32
      %add3A_72 = arith.addi %mul3A_70, %add3A_71 : i32
      "tpu.region"() ({
        %run_scoped3A = tpu.sem_alloc : memref<!tpu.dma_semaphore, #tpu.memory_space<semaphore_mem>>
        %dma_start3A_77 = arith.constant 0 : i32
        %dma_start3A_78 = tpu.memref_slice %arg18[%add3A_72, %dma_start3A_77] : memref<10048x128xf32, #tpu.memory_space<vmem_shared>> -> memref<128x128xf32, #tpu.memory_space<vmem_shared>>
        %dma_start3A_79 = arith.constant 0 : i32
        %dma_start3A_80 = tpu.memref_slice %arg18[%add3A_72, %dma_start3A_79] : memref<10048x128xf32, #tpu.memory_space<vmem_shared>> -> memref<128x128xf32, #tpu.memory_space<vmem_shared>>
        tpu.enqueue_dma source(%arg12 : memref<128x128xf32, #tpu.memory_space<vmem>>) target(%dma_start3A_80 : memref<128x128xf32, #tpu.memory_space<vmem_shared>>) target_semaphore(%run_scoped3A : memref<!tpu.dma_semaphore, #tpu.memory_space<semaphore_mem>>)
        %dma_wait3A = arith.constant 0 : i32
        %dma_wait3A_81 = tpu.memref_slice %arg18[%add3A_72, %dma_wait3A] : memref<10048x128xf32, #tpu.memory_space<vmem_shared>> -> memref<128x128xf32, #tpu.memory_space<vmem_shared>>
        %dma_wait3A_82 = arith.constant 0 : i32
        %dma_wait3A_83 = tpu.memref_slice %arg18[%add3A_72, %dma_wait3A_82] : memref<10048x128xf32, #tpu.memory_space<vmem_shared>> -> memref<128x128xf32, #tpu.memory_space<vmem_shared>>
        tpu.wait_dma2 semaphore(%run_scoped3A : memref<!tpu.dma_semaphore, #tpu.memory_space<semaphore_mem>>) src(%arg12 : memref<128x128xf32, #tpu.memory_space<vmem>>) dst(%dma_wait3A_83 : memref<128x128xf32, #tpu.memory_space<vmem_shared>>)
        tpu.yield
      }) : () -> ()
      %mul3A_73 = arith.constant 1000 : i32
      %mul3A_74 = arith.muli %arg1, %mul3A_73 : i32
      %add3A_75 = arith.constant 896 : i32
      %add3A_76 = arith.addi %mul3A_74, %add3A_75 : i32
      "tpu.region"() ({
        %run_scoped3A = tpu.sem_alloc : memref<!tpu.dma_semaphore, #tpu.memory_space<semaphore_mem>>
        %dma_start3A_77 = arith.constant 0 : i32
        %dma_start3A_78 = arith.constant 0 : i32
        %dma_start3A_79 = tpu.memref_slice %arg12[%dma_start3A_77, %dma_start3A_78] : memref<128x128xf32, #tpu.memory_space<vmem>> -> memref<104x128xf32, #tpu.memory_space<vmem>>
        %dma_start3A_80 = arith.constant 0 : i32
        %dma_start3A_81 = tpu.memref_slice %arg18[%add3A_76, %dma_start3A_80] : memref<10048x128xf32, #tpu.memory_space<vmem_shared>> -> memref<104x128xf32, #tpu.memory_space<vmem_shared>>
        %dma_start3A_82 = arith.constant 0 : i32
        %dma_start3A_83 = tpu.memref_slice %arg18[%add3A_76, %dma_start3A_82] : memref<10048x128xf32, #tpu.memory_space<vmem_shared>> -> memref<104x128xf32, #tpu.memory_space<vmem_shared>>
        %dma_start3A_84 = arith.constant 0 : i32
        %dma_start3A_85 = arith.constant 0 : i32
        %dma_start3A_86 = tpu.memref_slice %arg12[%dma_start3A_84, %dma_start3A_85] : memref<128x128xf32, #tpu.memory_space<vmem>> -> memref<104x128xf32, #tpu.memory_space<vmem>>
        tpu.enqueue_dma source(%dma_start3A_86 : memref<104x128xf32, #tpu.memory_space<vmem>>) target(%dma_start3A_83 : memref<104x128xf32, #tpu.memory_space<vmem_shared>>) target_semaphore(%run_scoped3A : memref<!tpu.dma_semaphore, #tpu.memory_space<semaphore_mem>>)
        %dma_wait3A = arith.constant 0 : i32
        %dma_wait3A_87 = arith.constant 0 : i32
        %dma_wait3A_88 = tpu.memref_slice %arg12[%dma_wait3A, %dma_wait3A_87] : memref<128x128xf32, #tpu.memory_space<vmem>> -> memref<104x128xf32, #tpu.memory_space<vmem>>
        %dma_wait3A_89 = arith.constant 0 : i32
        %dma_wait3A_90 = tpu.memref_slice %arg18[%add3A_76, %dma_wait3A_89] : memref<10048x128xf32, #tpu.memory_space<vmem_shared>> -> memref<104x128xf32, #tpu.memory_space<vmem_shared>>
        %dma_wait3A_91 = arith.constant 0 : i32
        %dma_wait3A_92 = tpu.memref_slice %arg18[%add3A_76, %dma_wait3A_91] : memref<10048x128xf32, #tpu.memory_space<vmem_shared>> -> memref<104x128xf32, #tpu.memory_space<vmem_shared>>
        %dma_wait3A_93 = arith.constant 0 : i32
        %dma_wait3A_94 = arith.constant 0 : i32
        %dma_wait3A_95 = tpu.memref_slice %arg12[%dma_wait3A_93, %dma_wait3A_94] : memref<128x128xf32, #tpu.memory_space<vmem>> -> memref<104x128xf32, #tpu.memory_space<vmem>>
        tpu.wait_dma2 semaphore(%run_scoped3A : memref<!tpu.dma_semaphore, #tpu.memory_space<semaphore_mem>>) src(%dma_wait3A_95 : memref<104x128xf32, #tpu.memory_space<vmem>>) dst(%dma_wait3A_92 : memref<104x128xf32, #tpu.memory_space<vmem_shared>>)
        tpu.yield
      }) : () -> ()
    } else {
    }
    %barrier3A = arith.constant 0 : index
    tpu.barrier barrier_id(%barrier3A)
    "tpu.region"() ({
      %run_scoped3A = tpu.sem_alloc : memref<!tpu.dma_semaphore, #tpu.memory_space<semaphore_mem>>
      %dma_start3A_45 = arith.constant 0 : i32
      %dma_start3A_46 = arith.constant 0 : i32
      %dma_start3A_47 = tpu.memref_slice %arg8[%dma_start3A_45, %dma_start3A_46] : memref<16x128xi32, #tpu.memory_space<vmem>> -> memref<8x128xi32, #tpu.memory_space<vmem>>
      %dma_start3A_48 = arith.constant 0 : i32
      %dma_start3A_49 = arith.constant 0 : i32
      %dma_start3A_50 = tpu.memref_slice %arg5[%add3A, %dma_start3A_48, %dma_start3A_49] : memref<32x80x128xi32, #tpu.memory_space<hbm>> -> memref<1x80x128xi32, #tpu.memory_space<hbm>>
      %dma_start3A_51 = tpu.memref_squeeze %dma_start3A_50 : memref<1x80x128xi32, #tpu.memory_space<hbm>> -> memref<80x128xi32, #tpu.memory_space<hbm>>
      %dma_start3A_52 = arith.constant 0 : i32
      %dma_start3A_53 = arith.constant 0 : i32
      %dma_start3A_54 = tpu.memref_slice %dma_start3A_51[%dma_start3A_52, %dma_start3A_53] : memref<80x128xi32, #tpu.memory_space<hbm>> -> memref<8x128xi32, #tpu.memory_space<hbm>>
      %dma_start3A_55 = arith.constant 0 : i32
      %dma_start3A_56 = arith.constant 0 : i32
      %dma_start3A_57 = tpu.memref_slice %arg8[%dma_start3A_55, %dma_start3A_56] : memref<16x128xi32, #tpu.memory_space<vmem>> -> memref<8x128xi32, #tpu.memory_space<vmem>>
      %dma_start3A_58 = arith.constant 0 : i32
      %dma_start3A_59 = arith.constant 0 : i32
      %dma_start3A_60 = tpu.memref_slice %arg5[%add3A, %dma_start3A_58, %dma_start3A_59] : memref<32x80x128xi32, #tpu.memory_space<hbm>> -> memref<1x80x128xi32, #tpu.memory_space<hbm>>
      %dma_start3A_61 = tpu.memref_squeeze %dma_start3A_60 : memref<1x80x128xi32, #tpu.memory_space<hbm>> -> memref<80x128xi32, #tpu.memory_space<hbm>>
      %dma_start3A_62 = arith.constant 0 : i32
      %dma_start3A_63 = arith.constant 0 : i32
      %dma_start3A_64 = tpu.memref_slice %dma_start3A_61[%dma_start3A_62, %dma_start3A_63] : memref<80x128xi32, #tpu.memory_space<hbm>> -> memref<8x128xi32, #tpu.memory_space<hbm>>
      tpu.enqueue_dma source(%dma_start3A_64 : memref<8x128xi32, #tpu.memory_space<hbm>>) target(%dma_start3A_57 : memref<8x128xi32, #tpu.memory_space<vmem>>) target_semaphore(%run_scoped3A : memref<!tpu.dma_semaphore, #tpu.memory_space<semaphore_mem>>)
      %dma_wait3A = arith.constant 0 : i32
      %dma_wait3A_65 = arith.constant 0 : i32
      %dma_wait3A_66 = tpu.memref_slice %arg8[%dma_wait3A, %dma_wait3A_65] : memref<16x128xi32, #tpu.memory_space<vmem>> -> memref<8x128xi32, #tpu.memory_space<vmem>>
      %dma_wait3A_67 = arith.constant 0 : i32
      %dma_wait3A_68 = arith.constant 0 : i32
      %dma_wait3A_69 = tpu.memref_slice %arg5[%add3A, %dma_wait3A_67, %dma_wait3A_68] : memref<32x80x128xi32, #tpu.memory_space<hbm>> -> memref<1x80x128xi32, #tpu.memory_space<hbm>>
      %dma_wait3A_70 = tpu.memref_squeeze %dma_wait3A_69 : memref<1x80x128xi32, #tpu.memory_space<hbm>> -> memref<80x128xi32, #tpu.memory_space<hbm>>
      %dma_wait3A_71 = arith.constant 0 : i32
      %dma_wait3A_72 = arith.constant 0 : i32
      %dma_wait3A_73 = tpu.memref_slice %dma_wait3A_70[%dma_wait3A_71, %dma_wait3A_72] : memref<80x128xi32, #tpu.memory_space<hbm>> -> memref<8x128xi32, #tpu.memory_space<hbm>>
      %dma_wait3A_74 = arith.constant 0 : i32
      %dma_wait3A_75 = arith.constant 0 : i32
      %dma_wait3A_76 = tpu.memref_slice %arg8[%dma_wait3A_74, %dma_wait3A_75] : memref<16x128xi32, #tpu.memory_space<vmem>> -> memref<8x128xi32, #tpu.memory_space<vmem>>
      %dma_wait3A_77 = arith.constant 0 : i32
      %dma_wait3A_78 = arith.constant 0 : i32
      %dma_wait3A_79 = tpu.memref_slice %arg5[%add3A, %dma_wait3A_77, %dma_wait3A_78] : memref<32x80x128xi32, #tpu.memory_space<hbm>> -> memref<1x80x128xi32, #tpu.memory_space<hbm>>
      %dma_wait3A_80 = tpu.memref_squeeze %dma_wait3A_79 : memref<1x80x128xi32, #tpu.memory_space<hbm>> -> memref<80x128xi32, #tpu.memory_space<hbm>>
      %dma_wait3A_81 = arith.constant 0 : i32
      %dma_wait3A_82 = arith.constant 0 : i32
      %dma_wait3A_83 = tpu.memref_slice %dma_wait3A_80[%dma_wait3A_81, %dma_wait3A_82] : memref<80x128xi32, #tpu.memory_space<hbm>> -> memref<8x128xi32, #tpu.memory_space<hbm>>
      tpu.wait_dma2 semaphore(%run_scoped3A : memref<!tpu.dma_semaphore, #tpu.memory_space<semaphore_mem>>) src(%dma_wait3A_83 : memref<8x128xi32, #tpu.memory_space<hbm>>) dst(%dma_wait3A_76 : memref<8x128xi32, #tpu.memory_space<vmem>>)
      tpu.yield
    }) : () -> ()
    "tpu.region"() ({
      %run_scoped3A = tpu.sem_alloc : memref<!tpu.dma_semaphore, #tpu.memory_space<semaphore_mem>>
      %dma_start3A_45 = arith.constant 0 : i32
      %dma_start3A_46 = arith.constant 0 : i32
      %dma_start3A_47 = tpu.memref_slice %arg9[%dma_start3A_45, %dma_start3A_46] : memref<16x128xi32, #tpu.memory_space<vmem>> -> memref<8x128xi32, #tpu.memory_space<vmem>>
      %dma_start3A_48 = arith.constant 0 : i32
      %dma_start3A_49 = arith.constant 0 : i32
      %dma_start3A_50 = tpu.memref_slice %arg6[%add3A, %dma_start3A_48, %dma_start3A_49] : memref<32x80x128xi32, #tpu.memory_space<hbm>> -> memref<1x80x128xi32, #tpu.memory_space<hbm>>
      %dma_start3A_51 = tpu.memref_squeeze %dma_start3A_50 : memref<1x80x128xi32, #tpu.memory_space<hbm>> -> memref<80x128xi32, #tpu.memory_space<hbm>>
      %dma_start3A_52 = arith.constant 0 : i32
      %dma_start3A_53 = arith.constant 0 : i32
      %dma_start3A_54 = tpu.memref_slice %dma_start3A_51[%dma_start3A_52, %dma_start3A_53] : memref<80x128xi32, #tpu.memory_space<hbm>> -> memref<8x128xi32, #tpu.memory_space<hbm>>
      %dma_start3A_55 = arith.constant 0 : i32
      %dma_start3A_56 = arith.constant 0 : i32
      %dma_start3A_57 = tpu.memref_slice %arg9[%dma_start3A_55, %dma_start3A_56] : memref<16x128xi32, #tpu.memory_space<vmem>> -> memref<8x128xi32, #tpu.memory_space<vmem>>
      %dma_start3A_58 = arith.constant 0 : i32
      %dma_start3A_59 = arith.constant 0 : i32
      %dma_start3A_60 = tpu.memref_slice %arg6[%add3A, %dma_start3A_58, %dma_start3A_59] : memref<32x80x128xi32, #tpu.memory_space<hbm>> -> memref<1x80x128xi32, #tpu.memory_space<hbm>>
      %dma_start3A_61 = tpu.memref_squeeze %dma_start3A_60 : memref<1x80x128xi32, #tpu.memory_space<hbm>> -> memref<80x128xi32, #tpu.memory_space<hbm>>
      %dma_start3A_62 = arith.constant 0 : i32
      %dma_start3A_63 = arith.constant 0 : i32
      %dma_start3A_64 = tpu.memref_slice %dma_start3A_61[%dma_start3A_62, %dma_start3A_63] : memref<80x128xi32, #tpu.memory_space<hbm>> -> memref<8x128xi32, #tpu.memory_space<hbm>>
      tpu.enqueue_dma source(%dma_start3A_64 : memref<8x128xi32, #tpu.memory_space<hbm>>) target(%dma_start3A_57 : memref<8x128xi32, #tpu.memory_space<vmem>>) target_semaphore(%run_scoped3A : memref<!tpu.dma_semaphore, #tpu.memory_space<semaphore_mem>>)
      %dma_wait3A = arith.constant 0 : i32
      %dma_wait3A_65 = arith.constant 0 : i32
      %dma_wait3A_66 = tpu.memref_slice %arg9[%dma_wait3A, %dma_wait3A_65] : memref<16x128xi32, #tpu.memory_space<vmem>> -> memref<8x128xi32, #tpu.memory_space<vmem>>
      %dma_wait3A_67 = arith.constant 0 : i32
      %dma_wait3A_68 = arith.constant 0 : i32
      %dma_wait3A_69 = tpu.memref_slice %arg6[%add3A, %dma_wait3A_67, %dma_wait3A_68] : memref<32x80x128xi32, #tpu.memory_space<hbm>> -> memref<1x80x128xi32, #tpu.memory_space<hbm>>
      %dma_wait3A_70 = tpu.memref_squeeze %dma_wait3A_69 : memref<1x80x128xi32, #tpu.memory_space<hbm>> -> memref<80x128xi32, #tpu.memory_space<hbm>>
      %dma_wait3A_71 = arith.constant 0 : i32
      %dma_wait3A_72 = arith.constant 0 : i32
      %dma_wait3A_73 = tpu.memref_slice %dma_wait3A_70[%dma_wait3A_71, %dma_wait3A_72] : memref<80x128xi32, #tpu.memory_space<hbm>> -> memref<8x128xi32, #tpu.memory_space<hbm>>
      %dma_wait3A_74 = arith.constant 0 : i32
      %dma_wait3A_75 = arith.constant 0 : i32
      %dma_wait3A_76 = tpu.memref_slice %arg9[%dma_wait3A_74, %dma_wait3A_75] : memref<16x128xi32, #tpu.memory_space<vmem>> -> memref<8x128xi32, #tpu.memory_space<vmem>>
      %dma_wait3A_77 = arith.constant 0 : i32
      %dma_wait3A_78 = arith.constant 0 : i32
      %dma_wait3A_79 = tpu.memref_slice %arg6[%add3A, %dma_wait3A_77, %dma_wait3A_78] : memref<32x80x128xi32, #tpu.memory_space<hbm>> -> memref<1x80x128xi32, #tpu.memory_space<hbm>>
      %dma_wait3A_80 = tpu.memref_squeeze %dma_wait3A_79 : memref<1x80x128xi32, #tpu.memory_space<hbm>> -> memref<80x128xi32, #tpu.memory_space<hbm>>
      %dma_wait3A_81 = arith.constant 0 : i32
      %dma_wait3A_82 = arith.constant 0 : i32
      %dma_wait3A_83 = tpu.memref_slice %dma_wait3A_80[%dma_wait3A_81, %dma_wait3A_82] : memref<80x128xi32, #tpu.memory_space<hbm>> -> memref<8x128xi32, #tpu.memory_space<hbm>>
      tpu.wait_dma2 semaphore(%run_scoped3A : memref<!tpu.dma_semaphore, #tpu.memory_space<semaphore_mem>>) src(%dma_wait3A_83 : memref<8x128xi32, #tpu.memory_space<hbm>>) dst(%dma_wait3A_76 : memref<8x128xi32, #tpu.memory_space<vmem>>)
      tpu.yield
    }) : () -> ()
    %mul3A_7 = arith.constant 10240 : i32
    %mul3A_8 = arith.muli %add3A, %mul3A_7 : i32
    %add3A_9 = arith.constant 0 : i32
    %add3A_10 = arith.addi %mul3A_8, %add3A_9 : i32
    %dma_start3A = arith.constant 0 : i32
    %dma_start3A_11 = tpu.memref_slice %arg3[%add3A_10, %dma_start3A] : memref<327680x128xf32, #tpu.memory_space<hbm>> -> memref<128x128xf32, #tpu.memory_space<hbm>>
    %dma_start3A_12 = arith.constant 0 : i32
    %dma_start3A_13 = tpu.memref_slice %arg3[%add3A_10, %dma_start3A_12] : memref<327680x128xf32, #tpu.memory_space<hbm>> -> memref<128x128xf32, #tpu.memory_space<hbm>>
    tpu.enqueue_dma source(%dma_start3A_13 : memref<128x128xf32, #tpu.memory_space<hbm>>) target(%arg12 : memref<128x128xf32, #tpu.memory_space<vmem>>) target_semaphore(%arg14 : memref<!tpu.dma_semaphore, #tpu.memory_space<semaphore_mem>>)
    %dma_start3A_14 = arith.constant 0 : i32
    %dma_start3A_15 = arith.constant 0 : i32
    %dma_start3A_16 = arith.constant 0 : i32
    %dma_start3A_17 = tpu.memref_slice %arg10[%dma_start3A_15, %dma_start3A_16] : memref<2x128xf32, #tpu.memory_space<vmem>> -> memref<1x128xf32, #tpu.memory_space<vmem>>
    %dma_start3A_18 = tpu.memref_squeeze %dma_start3A_17 : memref<1x128xf32, #tpu.memory_space<vmem>> -> memref<128xf32, #tpu.memory_space<vmem>>
    %dma_start3A_19 = arith.constant 0 : i32
    %dma_start3A_20 = tpu.memref_slice %arg8[%dma_start3A_14, %dma_start3A_19] : memref<16x128xi32, #tpu.memory_space<vmem>> -> memref<1x128xi32, #tpu.memory_space<vmem>>
    %dma_start3A_21 = tpu.memref_squeeze %dma_start3A_20 : memref<1x128xi32, #tpu.memory_space<vmem>> -> memref<128xi32, #tpu.memory_space<vmem>>
    %dma_start3A_22 = arith.constant 0 : i32
    %dma_start3A_23 = tpu.memref_slice %arg4[%dma_start3A_22] : memref<10240xf32, #tpu.memory_space<hbm>> -> memref<10240xf32, #tpu.memory_space<hbm>>
    tpu.enqueue_indirect_dma source(%dma_start3A_23 : memref<10240xf32, #tpu.memory_space<hbm>>) target(%dma_start3A_18 : memref<128xf32, #tpu.memory_space<vmem>>) offsets(%dma_start3A_21 : memref<128xi32, #tpu.memory_space<vmem>>) semaphore(%arg16 : memref<!tpu.dma_semaphore, #tpu.memory_space<semaphore_mem>>)
    %dma_start3A_24 = arith.constant 0 : i32
    %dma_start3A_25 = arith.constant 0 : i32
    %dma_start3A_26 = arith.constant 0 : i32
    %dma_start3A_27 = tpu.memref_slice %arg11[%dma_start3A_25, %dma_start3A_26] : memref<2x128xf32, #tpu.memory_space<vmem>> -> memref<1x128xf32, #tpu.memory_space<vmem>>
    %dma_start3A_28 = tpu.memref_squeeze %dma_start3A_27 : memref<1x128xf32, #tpu.memory_space<vmem>> -> memref<128xf32, #tpu.memory_space<vmem>>
    %dma_start3A_29 = arith.constant 0 : i32
    %dma_start3A_30 = tpu.memref_slice %arg9[%dma_start3A_24, %dma_start3A_29] : memref<16x128xi32, #tpu.memory_space<vmem>> -> memref<1x128xi32, #tpu.memory_space<vmem>>
    %dma_start3A_31 = tpu.memref_squeeze %dma_start3A_30 : memref<1x128xi32, #tpu.memory_space<vmem>> -> memref<128xi32, #tpu.memory_space<vmem>>
    %dma_start3A_32 = arith.constant 0 : i32
    %dma_start3A_33 = tpu.memref_slice %arg4[%dma_start3A_32] : memref<10240xf32, #tpu.memory_space<hbm>> -> memref<10240xf32, #tpu.memory_space<hbm>>
    tpu.enqueue_indirect_dma source(%dma_start3A_33 : memref<10240xf32, #tpu.memory_space<hbm>>) target(%dma_start3A_28 : memref<128xf32, #tpu.memory_space<vmem>>) offsets(%dma_start3A_31 : memref<128xi32, #tpu.memory_space<vmem>>) semaphore(%arg16 : memref<!tpu.dma_semaphore, #tpu.memory_space<semaphore_mem>>)
    %scan3A_34 = arith.constant 0 : i32
    %scan3A_35 = arith.constant 40 : i32
    %scan3A_36 = arith.addi %scan3A_34, %scan3A_35 : i32
    %scan3A_37 = arith.constant 1 : i32
    scf.for %scan3A_45 = %scan3A_34 to %scan3A_36 step %scan3A_37  : i32 {
      %mul3A_46 = arith.constant 2 : i32
      %mul3A_47 = arith.muli %mul3A_46, %scan3A_45 : i32
      %add3A_48 = arith.constant 0 : i32
      %add3A_49 = arith.addi %mul3A_47, %add3A_48 : i32
      %mul3A_50 = arith.constant 10240 : i32
      %mul3A_51 = arith.muli %add3A, %mul3A_50 : i32
      %mul3A_52 = arith.constant 128 : i32
      %mul3A_53 = arith.muli %add3A_49, %mul3A_52 : i32
      %add3A_54 = arith.addi %mul3A_51, %mul3A_53 : i32
      %dma_wait3A = arith.constant 0 : i32
      %dma_wait3A_55 = tpu.memref_slice %arg3[%add3A_54, %dma_wait3A] : memref<327680x128xf32, #tpu.memory_space<hbm>> -> memref<128x128xf32, #tpu.memory_space<hbm>>
      %dma_wait3A_56 = arith.constant 0 : i32
      %dma_wait3A_57 = tpu.memref_slice %arg3[%add3A_54, %dma_wait3A_56] : memref<327680x128xf32, #tpu.memory_space<hbm>> -> memref<128x128xf32, #tpu.memory_space<hbm>>
      tpu.wait_dma2 semaphore(%arg14 : memref<!tpu.dma_semaphore, #tpu.memory_space<semaphore_mem>>) src(%dma_wait3A_57 : memref<128x128xf32, #tpu.memory_space<hbm>>) dst(%arg12 : memref<128x128xf32, #tpu.memory_space<vmem>>)
      %add3A_58 = arith.constant 1 : i32
      %add3A_59 = arith.addi %add3A_49, %add3A_58 : i32
      %mul3A_60 = arith.constant 10240 : i32
      %mul3A_61 = arith.muli %add3A, %mul3A_60 : i32
      %mul3A_62 = arith.constant 128 : i32
      %mul3A_63 = arith.muli %add3A_59, %mul3A_62 : i32
      %add3A_64 = arith.addi %mul3A_61, %mul3A_63 : i32
      %dma_start3A_65 = arith.constant 0 : i32
      %dma_start3A_66 = tpu.memref_slice %arg3[%add3A_64, %dma_start3A_65] : memref<327680x128xf32, #tpu.memory_space<hbm>> -> memref<128x128xf32, #tpu.memory_space<hbm>>
      %dma_start3A_67 = arith.constant 0 : i32
      %dma_start3A_68 = tpu.memref_slice %arg3[%add3A_64, %dma_start3A_67] : memref<327680x128xf32, #tpu.memory_space<hbm>> -> memref<128x128xf32, #tpu.memory_space<hbm>>
      tpu.enqueue_dma source(%dma_start3A_68 : memref<128x128xf32, #tpu.memory_space<hbm>>) target(%arg13 : memref<128x128xf32, #tpu.memory_space<vmem>>) target_semaphore(%arg14 : memref<!tpu.dma_semaphore, #tpu.memory_space<semaphore_mem>>)
      %shift_right_arithmetic3A = arith.constant 3 : i32
      %shift_right_arithmetic3A_69 = arith.shrsi %add3A_49, %shift_right_arithmetic3A : i32
      %and3A = arith.constant 1 : i32
      %and3A_70 = arith.andi %shift_right_arithmetic3A_69, %and3A : i32
      %mul3A_71 = arith.constant 8 : i32
      %mul3A_72 = arith.muli %and3A_70, %mul3A_71 : i32
      %and3A_73 = arith.constant 7 : i32
      %and3A_74 = arith.andi %add3A_49, %and3A_73 : i32
      %add3A_75 = arith.addi %mul3A_72, %and3A_74 : i32
      %dma_wait3A_76 = arith.constant 0 : i32
      %dma_wait3A_77 = arith.constant 0 : i32
      %dma_wait3A_78 = tpu.memref_slice %arg10[%dma_wait3A_76, %dma_wait3A_77] : memref<2x128xf32, #tpu.memory_space<vmem>> -> memref<1x128xf32, #tpu.memory_space<vmem>>
      %dma_wait3A_79 = tpu.memref_squeeze %dma_wait3A_78 : memref<1x128xf32, #tpu.memory_space<vmem>> -> memref<128xf32, #tpu.memory_space<vmem>>
      %dma_wait3A_80 = arith.constant 0 : i32
      %dma_wait3A_81 = tpu.memref_slice %arg8[%add3A_75, %dma_wait3A_80] : memref<16x128xi32, #tpu.memory_space<vmem>> -> memref<1x128xi32, #tpu.memory_space<vmem>>
      %dma_wait3A_82 = tpu.memref_squeeze %dma_wait3A_81 : memref<1x128xi32, #tpu.memory_space<vmem>> -> memref<128xi32, #tpu.memory_space<vmem>>
      %dma_wait3A_83 = arith.constant 0 : i32
      %dma_wait3A_84 = tpu.memref_slice %arg4[%dma_wait3A_83] : memref<10240xf32, #tpu.memory_space<hbm>> -> memref<10240xf32, #tpu.memory_space<hbm>>
      tpu.wait_indirect_dma semaphore(%arg16 : memref<!tpu.dma_semaphore, #tpu.memory_space<semaphore_mem>>) src(%dma_wait3A_84 : memref<10240xf32, #tpu.memory_space<hbm>>) dst(%dma_wait3A_79 : memref<128xf32, #tpu.memory_space<vmem>>)
      %shift_right_arithmetic3A_85 = arith.constant 3 : i32
      %shift_right_arithmetic3A_86 = arith.shrsi %add3A_49, %shift_right_arithmetic3A_85 : i32
      %and3A_87 = arith.constant 1 : i32
      %and3A_88 = arith.andi %shift_right_arithmetic3A_86, %and3A_87 : i32
      %mul3A_89 = arith.constant 8 : i32
      %mul3A_90 = arith.muli %and3A_88, %mul3A_89 : i32
      %and3A_91 = arith.constant 7 : i32
      %and3A_92 = arith.andi %add3A_49, %and3A_91 : i32
      %add3A_93 = arith.addi %mul3A_90, %and3A_92 : i32
      %dma_wait3A_94 = arith.constant 0 : i32
      %dma_wait3A_95 = arith.constant 0 : i32
      %dma_wait3A_96 = tpu.memref_slice %arg11[%dma_wait3A_94, %dma_wait3A_95] : memref<2x128xf32, #tpu.memory_space<vmem>> -> memref<1x128xf32, #tpu.memory_space<vmem>>
      %dma_wait3A_97 = tpu.memref_squeeze %dma_wait3A_96 : memref<1x128xf32, #tpu.memory_space<vmem>> -> memref<128xf32, #tpu.memory_space<vmem>>
      %dma_wait3A_98 = arith.constant 0 : i32
      %dma_wait3A_99 = tpu.memref_slice %arg9[%add3A_93, %dma_wait3A_98] : memref<16x128xi32, #tpu.memory_space<vmem>> -> memref<1x128xi32, #tpu.memory_space<vmem>>
      %dma_wait3A_100 = tpu.memref_squeeze %dma_wait3A_99 : memref<1x128xi32, #tpu.memory_space<vmem>> -> memref<128xi32, #tpu.memory_space<vmem>>
      %dma_wait3A_101 = arith.constant 0 : i32
      %dma_wait3A_102 = tpu.memref_slice %arg4[%dma_wait3A_101] : memref<10240xf32, #tpu.memory_space<hbm>> -> memref<10240xf32, #tpu.memory_space<hbm>>
      tpu.wait_indirect_dma semaphore(%arg16 : memref<!tpu.dma_semaphore, #tpu.memory_space<semaphore_mem>>) src(%dma_wait3A_102 : memref<10240xf32, #tpu.memory_space<hbm>>) dst(%dma_wait3A_97 : memref<128xf32, #tpu.memory_space<vmem>>)
      %scan3A_103 = arith.constant 0 : i32
      %scan3A_104 = arith.constant 0 : i32
      %scan3A_105 = arith.addi %scan3A_103, %scan3A_104 : i32
      %scan3A_106 = arith.constant 0 : i32
      %add3A_107 = arith.constant 1 : i32
      %add3A_108 = arith.addi %add3A_49, %add3A_107 : i32
      %shift_right_arithmetic3A_109 = arith.constant 3 : i32
      %shift_right_arithmetic3A_110 = arith.shrsi %add3A_108, %shift_right_arithmetic3A_109 : i32
      %and3A_111 = arith.constant 1 : i32
      %and3A_112 = arith.andi %shift_right_arithmetic3A_110, %and3A_111 : i32
      %mul3A_113 = arith.constant 8 : i32
      %mul3A_114 = arith.muli %and3A_112, %mul3A_113 : i32
      %and3A_115 = arith.constant 7 : i32
      %and3A_116 = arith.andi %add3A_108, %and3A_115 : i32
      %add3A_117 = arith.addi %mul3A_114, %and3A_116 : i32
      %dma_start3A_118 = arith.constant 1 : i32
      %dma_start3A_119 = arith.constant 0 : i32
      %dma_start3A_120 = tpu.memref_slice %arg10[%dma_start3A_118, %dma_start3A_119] : memref<2x128xf32, #tpu.memory_space<vmem>> -> memref<1x128xf32, #tpu.memory_space<vmem>>
      %dma_start3A_121 = tpu.memref_squeeze %dma_start3A_120 : memref<1x128xf32, #tpu.memory_space<vmem>> -> memref<128xf32, #tpu.memory_space<vmem>>
      %dma_start3A_122 = arith.constant 0 : i32
      %dma_start3A_123 = tpu.memref_slice %arg8[%add3A_117, %dma_start3A_122] : memref<16x128xi32, #tpu.memory_space<vmem>> -> memref<1x128xi32, #tpu.memory_space<vmem>>
      %dma_start3A_124 = tpu.memref_squeeze %dma_start3A_123 : memref<1x128xi32, #tpu.memory_space<vmem>> -> memref<128xi32, #tpu.memory_space<vmem>>
      %dma_start3A_125 = arith.constant 0 : i32
      %dma_start3A_126 = tpu.memref_slice %arg4[%dma_start3A_125] : memref<10240xf32, #tpu.memory_space<hbm>> -> memref<10240xf32, #tpu.memory_space<hbm>>
      tpu.enqueue_indirect_dma source(%dma_start3A_126 : memref<10240xf32, #tpu.memory_space<hbm>>) target(%dma_start3A_121 : memref<128xf32, #tpu.memory_space<vmem>>) offsets(%dma_start3A_124 : memref<128xi32, #tpu.memory_space<vmem>>) semaphore(%arg16 : memref<!tpu.dma_semaphore, #tpu.memory_space<semaphore_mem>>)
      %shift_right_arithmetic3A_127 = arith.constant 3 : i32
      %shift_right_arithmetic3A_128 = arith.shrsi %add3A_108, %shift_right_arithmetic3A_127 : i32
      %and3A_129 = arith.constant 1 : i32
      %and3A_130 = arith.andi %shift_right_arithmetic3A_128, %and3A_129 : i32
      %mul3A_131 = arith.constant 8 : i32
      %mul3A_132 = arith.muli %and3A_130, %mul3A_131 : i32
      %and3A_133 = arith.constant 7 : i32
      %and3A_134 = arith.andi %add3A_108, %and3A_133 : i32
      %add3A_135 = arith.addi %mul3A_132, %and3A_134 : i32
      %dma_start3A_136 = arith.constant 1 : i32
      %dma_start3A_137 = arith.constant 0 : i32
      %dma_start3A_138 = tpu.memref_slice %arg11[%dma_start3A_136, %dma_start3A_137] : memref<2x128xf32, #tpu.memory_space<vmem>> -> memref<1x128xf32, #tpu.memory_space<vmem>>
      %dma_start3A_139 = tpu.memref_squeeze %dma_start3A_138 : memref<1x128xf32, #tpu.memory_space<vmem>> -> memref<128xf32, #tpu.memory_space<vmem>>
      %dma_start3A_140 = arith.constant 0 : i32
      %dma_start3A_141 = tpu.memref_slice %arg9[%add3A_135, %dma_start3A_140] : memref<16x128xi32, #tpu.memory_space<vmem>> -> memref<1x128xi32, #tpu.memory_space<vmem>>
      %dma_start3A_142 = tpu.memref_squeeze %dma_start3A_141 : memref<1x128xi32, #tpu.memory_space<vmem>> -> memref<128xi32, #tpu.memory_space<vmem>>
      %dma_start3A_143 = arith.constant 0 : i32
      %dma_start3A_144 = tpu.memref_slice %arg4[%dma_start3A_143] : memref<10240xf32, #tpu.memory_space<hbm>> -> memref<10240xf32, #tpu.memory_space<hbm>>
      tpu.enqueue_indirect_dma source(%dma_start3A_144 : memref<10240xf32, #tpu.memory_space<hbm>>) target(%dma_start3A_139 : memref<128xf32, #tpu.memory_space<vmem>>) offsets(%dma_start3A_142 : memref<128xi32, #tpu.memory_space<vmem>>) semaphore(%arg16 : memref<!tpu.dma_semaphore, #tpu.memory_space<semaphore_mem>>)
      %scan3A_145 = arith.constant 4 : i32
      %scan3A_146 = arith.constant 0 : i32
      %scan3A_147 = arith.addi %scan3A_145, %scan3A_146 : i32
      %scan3A_148 = arith.constant 0 : i32
      %mul3A_149 = arith.constant 2 : i32
      %mul3A_150 = arith.muli %mul3A_149, %scan3A_45 : i32
      %add3A_151 = arith.constant 1 : i32
      %add3A_152 = arith.addi %mul3A_150, %add3A_151 : i32
      %mul3A_153 = arith.constant 10240 : i32
      %mul3A_154 = arith.muli %add3A, %mul3A_153 : i32
      %mul3A_155 = arith.constant 128 : i32
      %mul3A_156 = arith.muli %add3A_152, %mul3A_155 : i32
      %add3A_157 = arith.addi %mul3A_154, %mul3A_156 : i32
      %dma_wait3A_158 = arith.constant 0 : i32
      %dma_wait3A_159 = tpu.memref_slice %arg3[%add3A_157, %dma_wait3A_158] : memref<327680x128xf32, #tpu.memory_space<hbm>> -> memref<128x128xf32, #tpu.memory_space<hbm>>
      %dma_wait3A_160 = arith.constant 0 : i32
      %dma_wait3A_161 = tpu.memref_slice %arg3[%add3A_157, %dma_wait3A_160] : memref<327680x128xf32, #tpu.memory_space<hbm>> -> memref<128x128xf32, #tpu.memory_space<hbm>>
      tpu.wait_dma2 semaphore(%arg14 : memref<!tpu.dma_semaphore, #tpu.memory_space<semaphore_mem>>) src(%dma_wait3A_161 : memref<128x128xf32, #tpu.memory_space<hbm>>) dst(%arg13 : memref<128x128xf32, #tpu.memory_space<vmem>>)
      %add3A_162 = arith.constant 1 : i32
      %add3A_163 = arith.addi %scan3A_45, %add3A_162 : i32
      %and3A_164 = arith.constant 3 : i32
      %and3A_165 = arith.andi %add3A_163, %and3A_164 : i32
      %eq3A = arith.constant 0 : i32
      %eq3A_166 = arith.cmpi eq, %and3A_165, %eq3A : i32
      %lt3A_167 = arith.constant 39 : i32
      %lt3A_168 = arith.cmpi slt, %scan3A_45, %lt3A_167 : i32
      %and3A_169 = arith.andi %eq3A_166, %lt3A_168 : i1
      %convert_element_type3A_170 = arith.extui %and3A_169 : i1 to i32
      %cond3A_171 = arith.constant 0 : i32
      %cond3A_172 = arith.cmpi ne, %convert_element_type3A_170, %cond3A_171 : i32
      scf.if %cond3A_172 {
        %add3A_227 = arith.constant 1 : i32
        %add3A_228 = arith.addi %add3A_152, %add3A_227 : i32
        %shift_right_arithmetic3A_229 = arith.constant 3 : i32
        %shift_right_arithmetic3A_230 = arith.shrsi %add3A_228, %shift_right_arithmetic3A_229 : i32
        %and3A_231 = arith.constant 1 : i32
        %and3A_232 = arith.andi %shift_right_arithmetic3A_230, %and3A_231 : i32
        %mul3A_233 = arith.constant 8 : i32
        %mul3A_234 = arith.muli %and3A_232, %mul3A_233 : i32
        %mul3A_235 = arith.constant 8 : i32
        %mul3A_236 = arith.muli %shift_right_arithmetic3A_230, %mul3A_235 : i32
        "tpu.region"() ({
          %run_scoped3A = tpu.sem_alloc : memref<!tpu.dma_semaphore, #tpu.memory_space<semaphore_mem>>
          %dma_start3A_239 = arith.constant 0 : i32
          %dma_start3A_240 = tpu.memref_slice %arg8[%mul3A_234, %dma_start3A_239] : memref<16x128xi32, #tpu.memory_space<vmem>> -> memref<8x128xi32, #tpu.memory_space<vmem>>
          %dma_start3A_241 = arith.constant 0 : i32
          %dma_start3A_242 = arith.constant 0 : i32
          %dma_start3A_243 = tpu.memref_slice %arg5[%add3A, %dma_start3A_241, %dma_start3A_242] : memref<32x80x128xi32, #tpu.memory_space<hbm>> -> memref<1x80x128xi32, #tpu.memory_space<hbm>>
          %dma_start3A_244 = tpu.memref_squeeze %dma_start3A_243 : memref<1x80x128xi32, #tpu.memory_space<hbm>> -> memref<80x128xi32, #tpu.memory_space<hbm>>
          %dma_start3A_245 = arith.constant 0 : i32
          %dma_start3A_246 = tpu.memref_slice %dma_start3A_244[%mul3A_236, %dma_start3A_245] : memref<80x128xi32, #tpu.memory_space<hbm>> -> memref<8x128xi32, #tpu.memory_space<hbm>>
          %dma_start3A_247 = arith.constant 0 : i32
          %dma_start3A_248 = tpu.memref_slice %arg8[%mul3A_234, %dma_start3A_247] : memref<16x128xi32, #tpu.memory_space<vmem>> -> memref<8x128xi32, #tpu.memory_space<vmem>>
          %dma_start3A_249 = arith.constant 0 : i32
          %dma_start3A_250 = arith.constant 0 : i32
          %dma_start3A_251 = tpu.memref_slice %arg5[%add3A, %dma_start3A_249, %dma_start3A_250] : memref<32x80x128xi32, #tpu.memory_space<hbm>> -> memref<1x80x128xi32, #tpu.memory_space<hbm>>
          %dma_start3A_252 = tpu.memref_squeeze %dma_start3A_251 : memref<1x80x128xi32, #tpu.memory_space<hbm>> -> memref<80x128xi32, #tpu.memory_space<hbm>>
          %dma_start3A_253 = arith.constant 0 : i32
          %dma_start3A_254 = tpu.memref_slice %dma_start3A_252[%mul3A_236, %dma_start3A_253] : memref<80x128xi32, #tpu.memory_space<hbm>> -> memref<8x128xi32, #tpu.memory_space<hbm>>
          tpu.enqueue_dma source(%dma_start3A_254 : memref<8x128xi32, #tpu.memory_space<hbm>>) target(%dma_start3A_248 : memref<8x128xi32, #tpu.memory_space<vmem>>) target_semaphore(%run_scoped3A : memref<!tpu.dma_semaphore, #tpu.memory_space<semaphore_mem>>)
          %dma_wait3A_255 = arith.constant 0 : i32
          %dma_wait3A_256 = tpu.memref_slice %arg8[%mul3A_234, %dma_wait3A_255] : memref<16x128xi32, #tpu.memory_space<vmem>> -> memref<8x128xi32, #tpu.memory_space<vmem>>
          %dma_wait3A_257 = arith.constant 0 : i32
          %dma_wait3A_258 = arith.constant 0 : i32
          %dma_wait3A_259 = tpu.memref_slice %arg5[%add3A, %dma_wait3A_257, %dma_wait3A_258] : memref<32x80x128xi32, #tpu.memory_space<hbm>> -> memref<1x80x128xi32, #tpu.memory_space<hbm>>
          %dma_wait3A_260 = tpu.memref_squeeze %dma_wait3A_259 : memref<1x80x128xi32, #tpu.memory_space<hbm>> -> memref<80x128xi32, #tpu.memory_space<hbm>>
          %dma_wait3A_261 = arith.constant 0 : i32
          %dma_wait3A_262 = tpu.memref_slice %dma_wait3A_260[%mul3A_236, %dma_wait3A_261] : memref<80x128xi32, #tpu.memory_space<hbm>> -> memref<8x128xi32, #tpu.memory_space<hbm>>
          %dma_wait3A_263 = arith.constant 0 : i32
          %dma_wait3A_264 = tpu.memref_slice %arg8[%mul3A_234, %dma_wait3A_263] : memref<16x128xi32, #tpu.memory_space<vmem>> -> memref<8x128xi32, #tpu.memory_space<vmem>>
          %dma_wait3A_265 = arith.constant 0 : i32
          %dma_wait3A_266 = arith.constant 0 : i32
          %dma_wait3A_267 = tpu.memref_slice %arg5[%add3A, %dma_wait3A_265, %dma_wait3A_266] : memref<32x80x128xi32, #tpu.memory_space<hbm>> -> memref<1x80x128xi32, #tpu.memory_space<hbm>>
          %dma_wait3A_268 = tpu.memref_squeeze %dma_wait3A_267 : memref<1x80x128xi32, #tpu.memory_space<hbm>> -> memref<80x128xi32, #tpu.memory_space<hbm>>
          %dma_wait3A_269 = arith.constant 0 : i32
          %dma_wait3A_270 = tpu.memref_slice %dma_wait3A_268[%mul3A_236, %dma_wait3A_269] : memref<80x128xi32, #tpu.memory_space<hbm>> -> memref<8x128xi32, #tpu.memory_space<hbm>>
          tpu.wait_dma2 semaphore(%run_scoped3A : memref<!tpu.dma_semaphore, #tpu.memory_space<semaphore_mem>>) src(%dma_wait3A_270 : memref<8x128xi32, #tpu.memory_space<hbm>>) dst(%dma_wait3A_264 : memref<8x128xi32, #tpu.memory_space<vmem>>)
          tpu.yield
        }) : () -> ()
        %mul3A_237 = arith.constant 8 : i32
        %mul3A_238 = arith.muli %shift_right_arithmetic3A_230, %mul3A_237 : i32
        "tpu.region"() ({
          %run_scoped3A = tpu.sem_alloc : memref<!tpu.dma_semaphore, #tpu.memory_space<semaphore_mem>>
          %dma_start3A_239 = arith.constant 0 : i32
          %dma_start3A_240 = tpu.memref_slice %arg9[%mul3A_234, %dma_start3A_239] : memref<16x128xi32, #tpu.memory_space<vmem>> -> memref<8x128xi32, #tpu.memory_space<vmem>>
          %dma_start3A_241 = arith.constant 0 : i32
          %dma_start3A_242 = arith.constant 0 : i32
          %dma_start3A_243 = tpu.memref_slice %arg6[%add3A, %dma_start3A_241, %dma_start3A_242] : memref<32x80x128xi32, #tpu.memory_space<hbm>> -> memref<1x80x128xi32, #tpu.memory_space<hbm>>
          %dma_start3A_244 = tpu.memref_squeeze %dma_start3A_243 : memref<1x80x128xi32, #tpu.memory_space<hbm>> -> memref<80x128xi32, #tpu.memory_space<hbm>>
          %dma_start3A_245 = arith.constant 0 : i32
          %dma_start3A_246 = tpu.memref_slice %dma_start3A_244[%mul3A_238, %dma_start3A_245] : memref<80x128xi32, #tpu.memory_space<hbm>> -> memref<8x128xi32, #tpu.memory_space<hbm>>
          %dma_start3A_247 = arith.constant 0 : i32
          %dma_start3A_248 = tpu.memref_slice %arg9[%mul3A_234, %dma_start3A_247] : memref<16x128xi32, #tpu.memory_space<vmem>> -> memref<8x128xi32, #tpu.memory_space<vmem>>
          %dma_start3A_249 = arith.constant 0 : i32
          %dma_start3A_250 = arith.constant 0 : i32
          %dma_start3A_251 = tpu.memref_slice %arg6[%add3A, %dma_start3A_249, %dma_start3A_250] : memref<32x80x128xi32, #tpu.memory_space<hbm>> -> memref<1x80x128xi32, #tpu.memory_space<hbm>>
          %dma_start3A_252 = tpu.memref_squeeze %dma_start3A_251 : memref<1x80x128xi32, #tpu.memory_space<hbm>> -> memref<80x128xi32, #tpu.memory_space<hbm>>
          %dma_start3A_253 = arith.constant 0 : i32
          %dma_start3A_254 = tpu.memref_slice %dma_start3A_252[%mul3A_238, %dma_start3A_253] : memref<80x128xi32, #tpu.memory_space<hbm>> -> memref<8x128xi32, #tpu.memory_space<hbm>>
          tpu.enqueue_dma source(%dma_start3A_254 : memref<8x128xi32, #tpu.memory_space<hbm>>) target(%dma_start3A_248 : memref<8x128xi32, #tpu.memory_space<vmem>>) target_semaphore(%run_scoped3A : memref<!tpu.dma_semaphore, #tpu.memory_space<semaphore_mem>>)
          %dma_wait3A_255 = arith.constant 0 : i32
          %dma_wait3A_256 = tpu.memref_slice %arg9[%mul3A_234, %dma_wait3A_255] : memref<16x128xi32, #tpu.memory_space<vmem>> -> memref<8x128xi32, #tpu.memory_space<vmem>>
          %dma_wait3A_257 = arith.constant 0 : i32
          %dma_wait3A_258 = arith.constant 0 : i32
          %dma_wait3A_259 = tpu.memref_slice %arg6[%add3A, %dma_wait3A_257, %dma_wait3A_258] : memref<32x80x128xi32, #tpu.memory_space<hbm>> -> memref<1x80x128xi32, #tpu.memory_space<hbm>>
          %dma_wait3A_260 = tpu.memref_squeeze %dma_wait3A_259 : memref<1x80x128xi32, #tpu.memory_space<hbm>> -> memref<80x128xi32, #tpu.memory_space<hbm>>
          %dma_wait3A_261 = arith.constant 0 : i32
          %dma_wait3A_262 = tpu.memref_slice %dma_wait3A_260[%mul3A_238, %dma_wait3A_261] : memref<80x128xi32, #tpu.memory_space<hbm>> -> memref<8x128xi32, #tpu.memory_space<hbm>>
          %dma_wait3A_263 = arith.constant 0 : i32
          %dma_wait3A_264 = tpu.memref_slice %arg9[%mul3A_234, %dma_wait3A_263] : memref<16x128xi32, #tpu.memory_space<vmem>> -> memref<8x128xi32, #tpu.memory_space<vmem>>
          %dma_wait3A_265 = arith.constant 0 : i32
          %dma_wait3A_266 = arith.constant 0 : i32
          %dma_wait3A_267 = tpu.memref_slice %arg6[%add3A, %dma_wait3A_265, %dma_wait3A_266] : memref<32x80x128xi32, #tpu.memory_space<hbm>> -> memref<1x80x128xi32, #tpu.memory_space<hbm>>
          %dma_wait3A_268 = tpu.memref_squeeze %dma_wait3A_267 : memref<1x80x128xi32, #tpu.memory_space<hbm>> -> memref<80x128xi32, #tpu.memory_space<hbm>>
          %dma_wait3A_269 = arith.constant 0 : i32
          %dma_wait3A_270 = tpu.memref_slice %dma_wait3A_268[%mul3A_238, %dma_wait3A_269] : memref<80x128xi32, #tpu.memory_space<hbm>> -> memref<8x128xi32, #tpu.memory_space<hbm>>
          tpu.wait_dma2 semaphore(%run_scoped3A : memref<!tpu.dma_semaphore, #tpu.memory_space<semaphore_mem>>) src(%dma_wait3A_270 : memref<8x128xi32, #tpu.memory_space<hbm>>) dst(%dma_wait3A_264 : memref<8x128xi32, #tpu.memory_space<vmem>>)
          tpu.yield
        }) : () -> ()
      } else {
      }
      %lt3A_173 = arith.constant 39 : i32
      %lt3A_174 = arith.cmpi slt, %scan3A_45, %lt3A_173 : i32
      %convert_element_type3A_175 = arith.extui %lt3A_174 : i1 to i32
      %cond3A_176 = arith.constant 0 : i32
      %cond3A_177 = arith.cmpi ne, %convert_element_type3A_175, %cond3A_176 : i32
      scf.if %cond3A_177 {
        %add3A_227 = arith.constant 1 : i32
        %add3A_228 = arith.addi %add3A_152, %add3A_227 : i32
        %mul3A_229 = arith.constant 10240 : i32
        %mul3A_230 = arith.muli %add3A, %mul3A_229 : i32
        %mul3A_231 = arith.constant 128 : i32
        %mul3A_232 = arith.muli %add3A_228, %mul3A_231 : i32
        %add3A_233 = arith.addi %mul3A_230, %mul3A_232 : i32
        %dma_start3A_234 = arith.constant 0 : i32
        %dma_start3A_235 = tpu.memref_slice %arg3[%add3A_233, %dma_start3A_234] : memref<327680x128xf32, #tpu.memory_space<hbm>> -> memref<128x128xf32, #tpu.memory_space<hbm>>
        %dma_start3A_236 = arith.constant 0 : i32
        %dma_start3A_237 = tpu.memref_slice %arg3[%add3A_233, %dma_start3A_236] : memref<327680x128xf32, #tpu.memory_space<hbm>> -> memref<128x128xf32, #tpu.memory_space<hbm>>
        tpu.enqueue_dma source(%dma_start3A_237 : memref<128x128xf32, #tpu.memory_space<hbm>>) target(%arg12 : memref<128x128xf32, #tpu.memory_space<vmem>>) target_semaphore(%arg14 : memref<!tpu.dma_semaphore, #tpu.memory_space<semaphore_mem>>)
      } else {
      }
      %shift_right_arithmetic3A_178 = arith.constant 3 : i32
      %shift_right_arithmetic3A_179 = arith.shrsi %add3A_152, %shift_right_arithmetic3A_178 : i32
      %and3A_180 = arith.constant 1 : i32
      %and3A_181 = arith.andi %shift_right_arithmetic3A_179, %and3A_180 : i32
      %mul3A_182 = arith.constant 8 : i32
      %mul3A_183 = arith.muli %and3A_181, %mul3A_182 : i32
      %and3A_184 = arith.constant 7 : i32
      %and3A_185 = arith.andi %add3A_152, %and3A_184 : i32
      %add3A_186 = arith.addi %mul3A_183, %and3A_185 : i32
      %dma_wait3A_187 = arith.constant 1 : i32
      %dma_wait3A_188 = arith.constant 0 : i32
      %dma_wait3A_189 = tpu.memref_slice %arg10[%dma_wait3A_187, %dma_wait3A_188] : memref<2x128xf32, #tpu.memory_space<vmem>> -> memref<1x128xf32, #tpu.memory_space<vmem>>
      %dma_wait3A_190 = tpu.memref_squeeze %dma_wait3A_189 : memref<1x128xf32, #tpu.memory_space<vmem>> -> memref<128xf32, #tpu.memory_space<vmem>>
      %dma_wait3A_191 = arith.constant 0 : i32
      %dma_wait3A_192 = tpu.memref_slice %arg8[%add3A_186, %dma_wait3A_191] : memref<16x128xi32, #tpu.memory_space<vmem>> -> memref<1x128xi32, #tpu.memory_space<vmem>>
      %dma_wait3A_193 = tpu.memref_squeeze %dma_wait3A_192 : memref<1x128xi32, #tpu.memory_space<vmem>> -> memref<128xi32, #tpu.memory_space<vmem>>
      %dma_wait3A_194 = arith.constant 0 : i32
      %dma_wait3A_195 = tpu.memref_slice %arg4[%dma_wait3A_194] : memref<10240xf32, #tpu.memory_space<hbm>> -> memref<10240xf32, #tpu.memory_space<hbm>>
      tpu.wait_indirect_dma semaphore(%arg16 : memref<!tpu.dma_semaphore, #tpu.memory_space<semaphore_mem>>) src(%dma_wait3A_195 : memref<10240xf32, #tpu.memory_space<hbm>>) dst(%dma_wait3A_190 : memref<128xf32, #tpu.memory_space<vmem>>)
      %shift_right_arithmetic3A_196 = arith.constant 3 : i32
      %shift_right_arithmetic3A_197 = arith.shrsi %add3A_152, %shift_right_arithmetic3A_196 : i32
      %and3A_198 = arith.constant 1 : i32
      %and3A_199 = arith.andi %shift_right_arithmetic3A_197, %and3A_198 : i32
      %mul3A_200 = arith.constant 8 : i32
      %mul3A_201 = arith.muli %and3A_199, %mul3A_200 : i32
      %and3A_202 = arith.constant 7 : i32
      %and3A_203 = arith.andi %add3A_152, %and3A_202 : i32
      %add3A_204 = arith.addi %mul3A_201, %and3A_203 : i32
      %dma_wait3A_205 = arith.constant 1 : i32
      %dma_wait3A_206 = arith.constant 0 : i32
      %dma_wait3A_207 = tpu.memref_slice %arg11[%dma_wait3A_205, %dma_wait3A_206] : memref<2x128xf32, #tpu.memory_space<vmem>> -> memref<1x128xf32, #tpu.memory_space<vmem>>
      %dma_wait3A_208 = tpu.memref_squeeze %dma_wait3A_207 : memref<1x128xf32, #tpu.memory_space<vmem>> -> memref<128xf32, #tpu.memory_space<vmem>>
      %dma_wait3A_209 = arith.constant 0 : i32
      %dma_wait3A_210 = tpu.memref_slice %arg9[%add3A_204, %dma_wait3A_209] : memref<16x128xi32, #tpu.memory_space<vmem>> -> memref<1x128xi32, #tpu.memory_space<vmem>>
      %dma_wait3A_211 = tpu.memref_squeeze %dma_wait3A_210 : memref<1x128xi32, #tpu.memory_space<vmem>> -> memref<128xi32, #tpu.memory_space<vmem>>
      %dma_wait3A_212 = arith.constant 0 : i32
      %dma_wait3A_213 = tpu.memref_slice %arg4[%dma_wait3A_212] : memref<10240xf32, #tpu.memory_space<hbm>> -> memref<10240xf32, #tpu.memory_space<hbm>>
      tpu.wait_indirect_dma semaphore(%arg16 : memref<!tpu.dma_semaphore, #tpu.memory_space<semaphore_mem>>) src(%dma_wait3A_213 : memref<10240xf32, #tpu.memory_space<hbm>>) dst(%dma_wait3A_208 : memref<128xf32, #tpu.memory_space<vmem>>)
      %scan3A_214 = arith.constant 0 : i32
      %scan3A_215 = arith.constant 0 : i32
      %scan3A_216 = arith.addi %scan3A_214, %scan3A_215 : i32
      %scan3A_217 = arith.constant 0 : i32
      %lt3A_218 = arith.constant 39 : i32
      %lt3A_219 = arith.cmpi slt, %scan3A_45, %lt3A_218 : i32
      %convert_element_type3A_220 = arith.extui %lt3A_219 : i1 to i32
      %cond3A_221 = arith.constant 0 : i32
      %cond3A_222 = arith.cmpi ne, %convert_element_type3A_220, %cond3A_221 : i32
      scf.if %cond3A_222 {
        %add3A_227 = arith.constant 1 : i32
        %add3A_228 = arith.addi %add3A_152, %add3A_227 : i32
        %shift_right_arithmetic3A_229 = arith.constant 3 : i32
        %shift_right_arithmetic3A_230 = arith.shrsi %add3A_228, %shift_right_arithmetic3A_229 : i32
        %and3A_231 = arith.constant 1 : i32
        %and3A_232 = arith.andi %shift_right_arithmetic3A_230, %and3A_231 : i32
        %mul3A_233 = arith.constant 8 : i32
        %mul3A_234 = arith.muli %and3A_232, %mul3A_233 : i32
        %and3A_235 = arith.constant 7 : i32
        %and3A_236 = arith.andi %add3A_228, %and3A_235 : i32
        %add3A_237 = arith.addi %mul3A_234, %and3A_236 : i32
        %dma_start3A_238 = arith.constant 0 : i32
        %dma_start3A_239 = arith.constant 0 : i32
        %dma_start3A_240 = tpu.memref_slice %arg10[%dma_start3A_238, %dma_start3A_239] : memref<2x128xf32, #tpu.memory_space<vmem>> -> memref<1x128xf32, #tpu.memory_space<vmem>>
        %dma_start3A_241 = tpu.memref_squeeze %dma_start3A_240 : memref<1x128xf32, #tpu.memory_space<vmem>> -> memref<128xf32, #tpu.memory_space<vmem>>
        %dma_start3A_242 = arith.constant 0 : i32
        %dma_start3A_243 = tpu.memref_slice %arg8[%add3A_237, %dma_start3A_242] : memref<16x128xi32, #tpu.memory_space<vmem>> -> memref<1x128xi32, #tpu.memory_space<vmem>>
        %dma_start3A_244 = tpu.memref_squeeze %dma_start3A_243 : memref<1x128xi32, #tpu.memory_space<vmem>> -> memref<128xi32, #tpu.memory_space<vmem>>
        %dma_start3A_245 = arith.constant 0 : i32
        %dma_start3A_246 = tpu.memref_slice %arg4[%dma_start3A_245] : memref<10240xf32, #tpu.memory_space<hbm>> -> memref<10240xf32, #tpu.memory_space<hbm>>
        tpu.enqueue_indirect_dma source(%dma_start3A_246 : memref<10240xf32, #tpu.memory_space<hbm>>) target(%dma_start3A_241 : memref<128xf32, #tpu.memory_space<vmem>>) offsets(%dma_start3A_244 : memref<128xi32, #tpu.memory_space<vmem>>) semaphore(%arg16 : memref<!tpu.dma_semaphore, #tpu.memory_space<semaphore_mem>>)
        %shift_right_arithmetic3A_247 = arith.constant 3 : i32
        %shift_right_arithmetic3A_248 = arith.shrsi %add3A_228, %shift_right_arithmetic3A_247 : i32
        %and3A_249 = arith.constant 1 : i32
        %and3A_250 = arith.andi %shift_right_arithmetic3A_248, %and3A_249 : i32
        %mul3A_251 = arith.constant 8 : i32
        %mul3A_252 = arith.muli %and3A_250, %mul3A_251 : i32
        %and3A_253 = arith.constant 7 : i32
        %and3A_254 = arith.andi %add3A_228, %and3A_253 : i32
        %add3A_255 = arith.addi %mul3A_252, %and3A_254 : i32
        %dma_start3A_256 = arith.constant 0 : i32
        %dma_start3A_257 = arith.constant 0 : i32
        %dma_start3A_258 = tpu.memref_slice %arg11[%dma_start3A_256, %dma_start3A_257] : memref<2x128xf32, #tpu.memory_space<vmem>> -> memref<1x128xf32, #tpu.memory_space<vmem>>
        %dma_start3A_259 = tpu.memref_squeeze %dma_start3A_258 : memref<1x128xf32, #tpu.memory_space<vmem>> -> memref<128xf32, #tpu.memory_space<vmem>>
        %dma_start3A_260 = arith.constant 0 : i32
        %dma_start3A_261 = tpu.memref_slice %arg9[%add3A_255, %dma_start3A_260] : memref<16x128xi32, #tpu.memory_space<vmem>> -> memref<1x128xi32, #tpu.memory_space<vmem>>
        %dma_start3A_262 = tpu.memref_squeeze %dma_start3A_261 : memref<1x128xi32, #tpu.memory_space<vmem>> -> memref<128xi32, #tpu.memory_space<vmem>>
        %dma_start3A_263 = arith.constant 0 : i32
        %dma_start3A_264 = tpu.memref_slice %arg4[%dma_start3A_263] : memref<10240xf32, #tpu.memory_space<hbm>> -> memref<10240xf32, #tpu.memory_space<hbm>>
        tpu.enqueue_indirect_dma source(%dma_start3A_264 : memref<10240xf32, #tpu.memory_space<hbm>>) target(%dma_start3A_259 : memref<128xf32, #tpu.memory_space<vmem>>) offsets(%dma_start3A_262 : memref<128xi32, #tpu.memory_space<vmem>>) semaphore(%arg16 : memref<!tpu.dma_semaphore, #tpu.memory_space<semaphore_mem>>)
      } else {
      }
      %scan3A_223 = arith.constant 4 : i32
      %scan3A_224 = arith.constant 0 : i32
      %scan3A_225 = arith.addi %scan3A_223, %scan3A_224 : i32
      %scan3A_226 = arith.constant 0 : i32
    }
    %scan3A_38 = arith.constant 40 : i32
    %barrier3A_39 = arith.constant 0 : index
    tpu.barrier barrier_id(%barrier3A_39)
    %lt3A_40 = arith.constant 10 : i32
    %lt3A_41 = arith.cmpi slt, %arg1, %lt3A_40 : i32
    %convert_element_type3A_42 = arith.extui %lt3A_41 : i1 to i32
    %cond3A_43 = arith.constant 0 : i32
    %cond3A_44 = arith.cmpi ne, %convert_element_type3A_42, %cond3A_43 : i32
    scf.if %cond3A_44 {
      %mul3A_45 = arith.constant 1000 : i32
      %mul3A_46 = arith.muli %arg1, %mul3A_45 : i32
      %mul3A_47 = arith.constant 10000 : i32
      %mul3A_48 = arith.muli %arg0, %mul3A_47 : i32
      %mul3A_49 = arith.constant 1000 : i32
      %mul3A_50 = arith.muli %arg1, %mul3A_49 : i32
      %add3A_51 = arith.addi %mul3A_48, %mul3A_50 : i32
      "tpu.region"() ({
        %run_scoped3A = tpu.sem_alloc : memref<!tpu.dma_semaphore, #tpu.memory_space<semaphore_mem>>
        %dma_start3A_52 = arith.constant 0 : i32
        %dma_start3A_53 = tpu.memref_slice %arg7[%add3A_51, %dma_start3A_52] : memref<20000x128xf32, #tpu.memory_space<hbm>> -> memref<1000x128xf32, #tpu.memory_space<hbm>>
        %dma_start3A_54 = arith.constant 0 : i32
        %dma_start3A_55 = tpu.memref_slice %arg18[%mul3A_46, %dma_start3A_54] : memref<10048x128xf32, #tpu.memory_space<vmem_shared>> -> memref<1000x128xf32, #tpu.memory_space<vmem_shared>>
        tpu.enqueue_dma source(%dma_start3A_55 : memref<1000x128xf32, #tpu.memory_space<vmem_shared>>) target(%dma_start3A_53 : memref<1000x128xf32, #tpu.memory_space<hbm>>) target_semaphore(%run_scoped3A : memref<!tpu.dma_semaphore, #tpu.memory_space<semaphore_mem>>)
        %dma_wait3A = arith.constant 0 : i32
        %dma_wait3A_56 = tpu.memref_slice %arg7[%add3A_51, %dma_wait3A] : memref<20000x128xf32, #tpu.memory_space<hbm>> -> memref<1000x128xf32, #tpu.memory_space<hbm>>
        %dma_wait3A_57 = arith.constant 0 : i32
        %dma_wait3A_58 = tpu.memref_slice %arg18[%mul3A_46, %dma_wait3A_57] : memref<10048x128xf32, #tpu.memory_space<vmem_shared>> -> memref<1000x128xf32, #tpu.memory_space<vmem_shared>>
        tpu.wait_dma2 semaphore(%run_scoped3A : memref<!tpu.dma_semaphore, #tpu.memory_space<semaphore_mem>>) src(%dma_wait3A_58 : memref<1000x128xf32, #tpu.memory_space<vmem_shared>>) dst(%dma_wait3A_56 : memref<1000x128xf32, #tpu.memory_space<hbm>>)
        tpu.yield
      }) : () -> ()
    } else {
    }
    return
  }
}

#map = affine_map<(d0, d1) -> (0, 0)>
#map1 = affine_map<(d0, d1) -> (0)>
#map2 = affine_map<(d0, d1) -> (0, 0, 0)>
module attributes {stable_mosaic.version = 14 : i64} {
  func.func @_conv_body(%arg0: i32, %arg1: i32, %arg2: memref<10240x128xf32, #tpu.memory_space<hbm>>, %arg3: memref<327680x128xf32, #tpu.memory_space<hbm>>, %arg4: memref<10240xf32, #tpu.memory_space<hbm>>, %arg5: memref<32x80x128xi32, #tpu.memory_space<hbm>>, %arg6: memref<32x80x128xi32, #tpu.memory_space<hbm>>, %arg7: memref<20000x128xf32, #tpu.memory_space<hbm>>, %arg8: memref<16x128xi32, #tpu.memory_space<vmem>>, %arg9: memref<16x128xi32, #tpu.memory_space<vmem>>, %arg10: memref<2x128xf32, #tpu.memory_space<vmem>>, %arg11: memref<2x128xf32, #tpu.memory_space<vmem>>, %arg12: memref<128x128xf32, #tpu.memory_space<vmem>>, %arg13: memref<128x128xf32, #tpu.memory_space<vmem>>, %arg14: memref<!tpu.dma_semaphore, #tpu.memory_space<semaphore_mem>>, %arg15: memref<!tpu.dma_semaphore, #tpu.memory_space<semaphore_mem>>, %arg16: memref<!tpu.dma_semaphore, #tpu.memory_space<semaphore_mem>>, %arg17: memref<!tpu.dma_semaphore, #tpu.memory_space<semaphore_mem>>, %arg18: memref<10048x128xf32, #tpu.memory_space<vmem_shared>>) attributes {dimension_semantics = [#tpu.dimension_semantics<core_parallel>, #tpu.dimension_semantics<subcore_parallel>], iteration_bounds = array<i64: 2, 16>, scalar_prefetch = 0 : i64, scratch_operands = 11 : i64, tpu.core_type = #tpu.core_type<sc_vector_subcore>, window_params = [{transform_indices = #map}, {transform_indices = #map}, {transform_indices = #map1}, {transform_indices = #map2}, {transform_indices = #map2}, {transform_indices = #map}]} {
    %mul3A = arith.constant 16 : i32
    %mul3A_0 = arith.muli %arg0, %mul3A : i32
    %add3A = arith.addi %mul3A_0, %arg1 : i32
    %scan3A = arith.constant 0 : i32
    %scan3A_1 = arith.constant 128 : i32
    %scan3A_2 = arith.addi %scan3A, %scan3A_1 : i32
    %scan3A_3 = arith.constant 1 : i32
    scf.for %scan3A_45 = %scan3A to %scan3A_2 step %scan3A_3  : i32 {
      %broadcast_in_dim3A = arith.constant 0.000000e+00 : f32
      %broadcast_in_dim3A_46 = vector.broadcast %broadcast_in_dim3A : f32 to vector<16xf32>
      %swap3A = arith.index_cast %scan3A_45 : i32 to index
      %swap3A_47 = arith.constant 0 : index
      %swap3A_48 = tpu.vector_load %arg12[%swap3A, %swap3A_47] {strides = array<i32>} : memref<128x128xf32, #tpu.memory_space<vmem>>, vector<1x16xf32>,
      %swap3A_49 = vector.shape_cast %swap3A_48 : vector<1x16xf32> to vector<16xf32>
      %swap3A_50 = vector.shape_cast %broadcast_in_dim3A_46 : vector<16xf32> to vector<1x16xf32>
      tpu.vector_store %arg12[%swap3A, %swap3A_47], %swap3A_50 {strides = array<i32>} : memref<128x128xf32, #tpu.memory_space<vmem>>, vector<1x16xf32>,
      %broadcast_in_dim3A_51 = arith.constant 0.000000e+00 : f32
      %broadcast_in_dim3A_52 = vector.broadcast %broadcast_in_dim3A_51 : f32 to vector<16xf32>
      %swap3A_53 = arith.index_cast %scan3A_45 : i32 to index
      %swap3A_54 = arith.constant 16 : index
      %swap3A_55 = tpu.vector_load %arg12[%swap3A_53, %swap3A_54] {strides = array<i32>} : memref<128x128xf32, #tpu.memory_space<vmem>>, vector<1x16xf32>,
      %swap3A_56 = vector.shape_cast %swap3A_55 : vector<1x16xf32> to vector<16xf32>
      %swap3A_57 = vector.shape_cast %broadcast_in_dim3A_52 : vector<16xf32> to vector<1x16xf32>
      tpu.vector_store %arg12[%swap3A_53, %swap3A_54], %swap3A_57 {strides = array<i32>} : memref<128x128xf32, #tpu.memory_space<vmem>>, vector<1x16xf32>,
      %broadcast_in_dim3A_58 = arith.constant 0.000000e+00 : f32
      %broadcast_in_dim3A_59 = vector.broadcast %broadcast_in_dim3A_58 : f32 to vector<16xf32>
      %swap3A_60 = arith.index_cast %scan3A_45 : i32 to index
      %swap3A_61 = arith.constant 32 : index
      %swap3A_62 = tpu.vector_load %arg12[%swap3A_60, %swap3A_61] {strides = array<i32>} : memref<128x128xf32, #tpu.memory_space<vmem>>, vector<1x16xf32>,
      %swap3A_63 = vector.shape_cast %swap3A_62 : vector<1x16xf32> to vector<16xf32>
      %swap3A_64 = vector.shape_cast %broadcast_in_dim3A_59 : vector<16xf32> to vector<1x16xf32>
      tpu.vector_store %arg12[%swap3A_60, %swap3A_61], %swap3A_64 {strides = array<i32>} : memref<128x128xf32, #tpu.memory_space<vmem>>, vector<1x16xf32>,
      %broadcast_in_dim3A_65 = arith.constant 0.000000e+00 : f32
      %broadcast_in_dim3A_66 = vector.broadcast %broadcast_in_dim3A_65 : f32 to vector<16xf32>
      %swap3A_67 = arith.index_cast %scan3A_45 : i32 to index
      %swap3A_68 = arith.constant 48 : index
      %swap3A_69 = tpu.vector_load %arg12[%swap3A_67, %swap3A_68] {strides = array<i32>} : memref<128x128xf32, #tpu.memory_space<vmem>>, vector<1x16xf32>,
      %swap3A_70 = vector.shape_cast %swap3A_69 : vector<1x16xf32> to vector<16xf32>
      %swap3A_71 = vector.shape_cast %broadcast_in_dim3A_66 : vector<16xf32> to vector<1x16xf32>
      tpu.vector_store %arg12[%swap3A_67, %swap3A_68], %swap3A_71 {strides = array<i32>} : memref<128x128xf32, #tpu.memory_space<vmem>>, vector<1x16xf32>,
      %broadcast_in_dim3A_72 = arith.constant 0.000000e+00 : f32
      %broadcast_in_dim3A_73 = vector.broadcast %broadcast_in_dim3A_72 : f32 to vector<16xf32>
      %swap3A_74 = arith.index_cast %scan3A_45 : i32 to index
      %swap3A_75 = arith.constant 64 : index
      %swap3A_76 = tpu.vector_load %arg12[%swap3A_74, %swap3A_75] {strides = array<i32>} : memref<128x128xf32, #tpu.memory_space<vmem>>, vector<1x16xf32>,
      %swap3A_77 = vector.shape_cast %swap3A_76 : vector<1x16xf32> to vector<16xf32>
      %swap3A_78 = vector.shape_cast %broadcast_in_dim3A_73 : vector<16xf32> to vector<1x16xf32>
      tpu.vector_store %arg12[%swap3A_74, %swap3A_75], %swap3A_78 {strides = array<i32>} : memref<128x128xf32, #tpu.memory_space<vmem>>, vector<1x16xf32>,
      %broadcast_in_dim3A_79 = arith.constant 0.000000e+00 : f32
      %broadcast_in_dim3A_80 = vector.broadcast %broadcast_in_dim3A_79 : f32 to vector<16xf32>
      %swap3A_81 = arith.index_cast %scan3A_45 : i32 to index
      %swap3A_82 = arith.constant 80 : index
      %swap3A_83 = tpu.vector_load %arg12[%swap3A_81, %swap3A_82] {strides = array<i32>} : memref<128x128xf32, #tpu.memory_space<vmem>>, vector<1x16xf32>,
      %swap3A_84 = vector.shape_cast %swap3A_83 : vector<1x16xf32> to vector<16xf32>
      %swap3A_85 = vector.shape_cast %broadcast_in_dim3A_80 : vector<16xf32> to vector<1x16xf32>
      tpu.vector_store %arg12[%swap3A_81, %swap3A_82], %swap3A_85 {strides = array<i32>} : memref<128x128xf32, #tpu.memory_space<vmem>>, vector<1x16xf32>,
      %broadcast_in_dim3A_86 = arith.constant 0.000000e+00 : f32
      %broadcast_in_dim3A_87 = vector.broadcast %broadcast_in_dim3A_86 : f32 to vector<16xf32>
      %swap3A_88 = arith.index_cast %scan3A_45 : i32 to index
      %swap3A_89 = arith.constant 96 : index
      %swap3A_90 = tpu.vector_load %arg12[%swap3A_88, %swap3A_89] {strides = array<i32>} : memref<128x128xf32, #tpu.memory_space<vmem>>, vector<1x16xf32>,
      %swap3A_91 = vector.shape_cast %swap3A_90 : vector<1x16xf32> to vector<16xf32>
      %swap3A_92 = vector.shape_cast %broadcast_in_dim3A_87 : vector<16xf32> to vector<1x16xf32>
      tpu.vector_store %arg12[%swap3A_88, %swap3A_89], %swap3A_92 {strides = array<i32>} : memref<128x128xf32, #tpu.memory_space<vmem>>, vector<1x16xf32>,
      %broadcast_in_dim3A_93 = arith.constant 0.000000e+00 : f32
      %broadcast_in_dim3A_94 = vector.broadcast %broadcast_in_dim3A_93 : f32 to vector<16xf32>
      %swap3A_95 = arith.index_cast %scan3A_45 : i32 to index
      %swap3A_96 = arith.constant 112 : index
      %swap3A_97 = tpu.vector_load %arg12[%swap3A_95, %swap3A_96] {strides = array<i32>} : memref<128x128xf32, #tpu.memory_space<vmem>>, vector<1x16xf32>,
      %swap3A_98 = vector.shape_cast %swap3A_97 : vector<1x16xf32> to vector<16xf32>
      %swap3A_99 = vector.shape_cast %broadcast_in_dim3A_94 : vector<16xf32> to vector<1x16xf32>
      tpu.vector_store %arg12[%swap3A_95, %swap3A_96], %swap3A_99 {strides = array<i32>} : memref<128x128xf32, #tpu.memory_space<vmem>>, vector<1x16xf32>,
    }
    %scan3A_4 = arith.constant 128 : i32
    %lt3A = arith.constant 10 : i32
    %lt3A_5 = arith.cmpi slt, %arg1, %lt3A : i32
    %convert_element_type3A = arith.extui %lt3A_5 : i1 to i32
    %cond3A = arith.constant 0 : i32
    %cond3A_6 = arith.cmpi ne, %convert_element_type3A, %cond3A : i32
    scf.if %cond3A_6 {
      %mul3A_45 = arith.constant 1000 : i32
      %mul3A_46 = arith.muli %arg1, %mul3A_45 : i32
      %add3A_47 = arith.constant 0 : i32
      %add3A_48 = arith.addi %mul3A_46, %add3A_47 : i32
      "tpu.region"() ({
        %run_scoped3A = tpu.sem_alloc : memref<!tpu.dma_semaphore, #tpu.memory_space<semaphore_mem>>
        %dma_start3A_77 = arith.constant 0 : i32
        %dma_start3A_78 = tpu.memref_slice %arg18[%add3A_48, %dma_start3A_77] : memref<10048x128xf32, #tpu.memory_space<vmem_shared>> -> memref<128x128xf32, #tpu.memory_space<vmem_shared>>
        %dma_start3A_79 = arith.constant 0 : i32
        %dma_start3A_80 = tpu.memref_slice %arg18[%add3A_48, %dma_start3A_79] : memref<10048x128xf32, #tpu.memory_space<vmem_shared>> -> memref<128x128xf32, #tpu.memory_space<vmem_shared>>
        tpu.enqueue_dma source(%arg12 : memref<128x128xf32, #tpu.memory_space<vmem>>) target(%dma_start3A_80 : memref<128x128xf32, #tpu.memory_space<vmem_shared>>) target_semaphore(%run_scoped3A : memref<!tpu.dma_semaphore, #tpu.memory_space<semaphore_mem>>)
        %dma_wait3A = arith.constant 0 : i32
        %dma_wait3A_81 = tpu.memref_slice %arg18[%add3A_48, %dma_wait3A] : memref<10048x128xf32, #tpu.memory_space<vmem_shared>> -> memref<128x128xf32, #tpu.memory_space<vmem_shared>>
        %dma_wait3A_82 = arith.constant 0 : i32
        %dma_wait3A_83 = tpu.memref_slice %arg18[%add3A_48, %dma_wait3A_82] : memref<10048x128xf32, #tpu.memory_space<vmem_shared>> -> memref<128x128xf32, #tpu.memory_space<vmem_shared>>
        tpu.wait_dma2 semaphore(%run_scoped3A : memref<!tpu.dma_semaphore, #tpu.memory_space<semaphore_mem>>) src(%arg12 : memref<128x128xf32, #tpu.memory_space<vmem>>) dst(%dma_wait3A_83 : memref<128x128xf32, #tpu.memory_space<vmem_shared>>)
        tpu.yield
      }) : () -> ()
      %mul3A_49 = arith.constant 1000 : i32
      %mul3A_50 = arith.muli %arg1, %mul3A_49 : i32
      %add3A_51 = arith.constant 128 : i32
      %add3A_52 = arith.addi %mul3A_50, %add3A_51 : i32
      "tpu.region"() ({
        %run_scoped3A = tpu.sem_alloc : memref<!tpu.dma_semaphore, #tpu.memory_space<semaphore_mem>>
        %dma_start3A_77 = arith.constant 0 : i32
        %dma_start3A_78 = tpu.memref_slice %arg18[%add3A_52, %dma_start3A_77] : memref<10048x128xf32, #tpu.memory_space<vmem_shared>> -> memref<128x128xf32, #tpu.memory_space<vmem_shared>>
        %dma_start3A_79 = arith.constant 0 : i32
        %dma_start3A_80 = tpu.memref_slice %arg18[%add3A_52, %dma_start3A_79] : memref<10048x128xf32, #tpu.memory_space<vmem_shared>> -> memref<128x128xf32, #tpu.memory_space<vmem_shared>>
        tpu.enqueue_dma source(%arg12 : memref<128x128xf32, #tpu.memory_space<vmem>>) target(%dma_start3A_80 : memref<128x128xf32, #tpu.memory_space<vmem_shared>>) target_semaphore(%run_scoped3A : memref<!tpu.dma_semaphore, #tpu.memory_space<semaphore_mem>>)
        %dma_wait3A = arith.constant 0 : i32
        %dma_wait3A_81 = tpu.memref_slice %arg18[%add3A_52, %dma_wait3A] : memref<10048x128xf32, #tpu.memory_space<vmem_shared>> -> memref<128x128xf32, #tpu.memory_space<vmem_shared>>
        %dma_wait3A_82 = arith.constant 0 : i32
        %dma_wait3A_83 = tpu.memref_slice %arg18[%add3A_52, %dma_wait3A_82] : memref<10048x128xf32, #tpu.memory_space<vmem_shared>> -> memref<128x128xf32, #tpu.memory_space<vmem_shared>>
        tpu.wait_dma2 semaphore(%run_scoped3A : memref<!tpu.dma_semaphore, #tpu.memory_space<semaphore_mem>>) src(%arg12 : memref<128x128xf32, #tpu.memory_space<vmem>>) dst(%dma_wait3A_83 : memref<128x128xf32, #tpu.memory_space<vmem_shared>>)
        tpu.yield
      }) : () -> ()
      %mul3A_53 = arith.constant 1000 : i32
      %mul3A_54 = arith.muli %arg1, %mul3A_53 : i32
      %add3A_55 = arith.constant 256 : i32
      %add3A_56 = arith.addi %mul3A_54, %add3A_55 : i32
      "tpu.region"() ({
        %run_scoped3A = tpu.sem_alloc : memref<!tpu.dma_semaphore, #tpu.memory_space<semaphore_mem>>
        %dma_start3A_77 = arith.constant 0 : i32
        %dma_start3A_78 = tpu.memref_slice %arg18[%add3A_56, %dma_start3A_77] : memref<10048x128xf32, #tpu.memory_space<vmem_shared>> -> memref<128x128xf32, #tpu.memory_space<vmem_shared>>
        %dma_start3A_79 = arith.constant 0 : i32
        %dma_start3A_80 = tpu.memref_slice %arg18[%add3A_56, %dma_start3A_79] : memref<10048x128xf32, #tpu.memory_space<vmem_shared>> -> memref<128x128xf32, #tpu.memory_space<vmem_shared>>
        tpu.enqueue_dma source(%arg12 : memref<128x128xf32, #tpu.memory_space<vmem>>) target(%dma_start3A_80 : memref<128x128xf32, #tpu.memory_space<vmem_shared>>) target_semaphore(%run_scoped3A : memref<!tpu.dma_semaphore, #tpu.memory_space<semaphore_mem>>)
        %dma_wait3A = arith.constant 0 : i32
        %dma_wait3A_81 = tpu.memref_slice %arg18[%add3A_56, %dma_wait3A] : memref<10048x128xf32, #tpu.memory_space<vmem_shared>> -> memref<128x128xf32, #tpu.memory_space<vmem_shared>>
        %dma_wait3A_82 = arith.constant 0 : i32
        %dma_wait3A_83 = tpu.memref_slice %arg18[%add3A_56, %dma_wait3A_82] : memref<10048x128xf32, #tpu.memory_space<vmem_shared>> -> memref<128x128xf32, #tpu.memory_space<vmem_shared>>
        tpu.wait_dma2 semaphore(%run_scoped3A : memref<!tpu.dma_semaphore, #tpu.memory_space<semaphore_mem>>) src(%arg12 : memref<128x128xf32, #tpu.memory_space<vmem>>) dst(%dma_wait3A_83 : memref<128x128xf32, #tpu.memory_space<vmem_shared>>)
        tpu.yield
      }) : () -> ()
      %mul3A_57 = arith.constant 1000 : i32
      %mul3A_58 = arith.muli %arg1, %mul3A_57 : i32
      %add3A_59 = arith.constant 384 : i32
      %add3A_60 = arith.addi %mul3A_58, %add3A_59 : i32
      "tpu.region"() ({
        %run_scoped3A = tpu.sem_alloc : memref<!tpu.dma_semaphore, #tpu.memory_space<semaphore_mem>>
        %dma_start3A_77 = arith.constant 0 : i32
        %dma_start3A_78 = tpu.memref_slice %arg18[%add3A_60, %dma_start3A_77] : memref<10048x128xf32, #tpu.memory_space<vmem_shared>> -> memref<128x128xf32, #tpu.memory_space<vmem_shared>>
        %dma_start3A_79 = arith.constant 0 : i32
        %dma_start3A_80 = tpu.memref_slice %arg18[%add3A_60, %dma_start3A_79] : memref<10048x128xf32, #tpu.memory_space<vmem_shared>> -> memref<128x128xf32, #tpu.memory_space<vmem_shared>>
        tpu.enqueue_dma source(%arg12 : memref<128x128xf32, #tpu.memory_space<vmem>>) target(%dma_start3A_80 : memref<128x128xf32, #tpu.memory_space<vmem_shared>>) target_semaphore(%run_scoped3A : memref<!tpu.dma_semaphore, #tpu.memory_space<semaphore_mem>>)
        %dma_wait3A = arith.constant 0 : i32
        %dma_wait3A_81 = tpu.memref_slice %arg18[%add3A_60, %dma_wait3A] : memref<10048x128xf32, #tpu.memory_space<vmem_shared>> -> memref<128x128xf32, #tpu.memory_space<vmem_shared>>
        %dma_wait3A_82 = arith.constant 0 : i32
        %dma_wait3A_83 = tpu.memref_slice %arg18[%add3A_60, %dma_wait3A_82] : memref<10048x128xf32, #tpu.memory_space<vmem_shared>> -> memref<128x128xf32, #tpu.memory_space<vmem_shared>>
        tpu.wait_dma2 semaphore(%run_scoped3A : memref<!tpu.dma_semaphore, #tpu.memory_space<semaphore_mem>>) src(%arg12 : memref<128x128xf32, #tpu.memory_space<vmem>>) dst(%dma_wait3A_83 : memref<128x128xf32, #tpu.memory_space<vmem_shared>>)
        tpu.yield
      }) : () -> ()
      %mul3A_61 = arith.constant 1000 : i32
      %mul3A_62 = arith.muli %arg1, %mul3A_61 : i32
      %add3A_63 = arith.constant 512 : i32
      %add3A_64 = arith.addi %mul3A_62, %add3A_63 : i32
      "tpu.region"() ({
        %run_scoped3A = tpu.sem_alloc : memref<!tpu.dma_semaphore, #tpu.memory_space<semaphore_mem>>
        %dma_start3A_77 = arith.constant 0 : i32
        %dma_start3A_78 = tpu.memref_slice %arg18[%add3A_64, %dma_start3A_77] : memref<10048x128xf32, #tpu.memory_space<vmem_shared>> -> memref<128x128xf32, #tpu.memory_space<vmem_shared>>
        %dma_start3A_79 = arith.constant 0 : i32
        %dma_start3A_80 = tpu.memref_slice %arg18[%add3A_64, %dma_start3A_79] : memref<10048x128xf32, #tpu.memory_space<vmem_shared>> -> memref<128x128xf32, #tpu.memory_space<vmem_shared>>
        tpu.enqueue_dma source(%arg12 : memref<128x128xf32, #tpu.memory_space<vmem>>) target(%dma_start3A_80 : memref<128x128xf32, #tpu.memory_space<vmem_shared>>) target_semaphore(%run_scoped3A : memref<!tpu.dma_semaphore, #tpu.memory_space<semaphore_mem>>)
        %dma_wait3A = arith.constant 0 : i32
        %dma_wait3A_81 = tpu.memref_slice %arg18[%add3A_64, %dma_wait3A] : memref<10048x128xf32, #tpu.memory_space<vmem_shared>> -> memref<128x128xf32, #tpu.memory_space<vmem_shared>>
        %dma_wait3A_82 = arith.constant 0 : i32
        %dma_wait3A_83 = tpu.memref_slice %arg18[%add3A_64, %dma_wait3A_82] : memref<10048x128xf32, #tpu.memory_space<vmem_shared>> -> memref<128x128xf32, #tpu.memory_space<vmem_shared>>
        tpu.wait_dma2 semaphore(%run_scoped3A : memref<!tpu.dma_semaphore, #tpu.memory_space<semaphore_mem>>) src(%arg12 : memref<128x128xf32, #tpu.memory_space<vmem>>) dst(%dma_wait3A_83 : memref<128x128xf32, #tpu.memory_space<vmem_shared>>)
        tpu.yield
      }) : () -> ()
      %mul3A_65 = arith.constant 1000 : i32
      %mul3A_66 = arith.muli %arg1, %mul3A_65 : i32
      %add3A_67 = arith.constant 640 : i32
      %add3A_68 = arith.addi %mul3A_66, %add3A_67 : i32
      "tpu.region"() ({
        %run_scoped3A = tpu.sem_alloc : memref<!tpu.dma_semaphore, #tpu.memory_space<semaphore_mem>>
        %dma_start3A_77 = arith.constant 0 : i32
        %dma_start3A_78 = tpu.memref_slice %arg18[%add3A_68, %dma_start3A_77] : memref<10048x128xf32, #tpu.memory_space<vmem_shared>> -> memref<128x128xf32, #tpu.memory_space<vmem_shared>>
        %dma_start3A_79 = arith.constant 0 : i32
        %dma_start3A_80 = tpu.memref_slice %arg18[%add3A_68, %dma_start3A_79] : memref<10048x128xf32, #tpu.memory_space<vmem_shared>> -> memref<128x128xf32, #tpu.memory_space<vmem_shared>>
        tpu.enqueue_dma source(%arg12 : memref<128x128xf32, #tpu.memory_space<vmem>>) target(%dma_start3A_80 : memref<128x128xf32, #tpu.memory_space<vmem_shared>>) target_semaphore(%run_scoped3A : memref<!tpu.dma_semaphore, #tpu.memory_space<semaphore_mem>>)
        %dma_wait3A = arith.constant 0 : i32
        %dma_wait3A_81 = tpu.memref_slice %arg18[%add3A_68, %dma_wait3A] : memref<10048x128xf32, #tpu.memory_space<vmem_shared>> -> memref<128x128xf32, #tpu.memory_space<vmem_shared>>
        %dma_wait3A_82 = arith.constant 0 : i32
        %dma_wait3A_83 = tpu.memref_slice %arg18[%add3A_68, %dma_wait3A_82] : memref<10048x128xf32, #tpu.memory_space<vmem_shared>> -> memref<128x128xf32, #tpu.memory_space<vmem_shared>>
        tpu.wait_dma2 semaphore(%run_scoped3A : memref<!tpu.dma_semaphore, #tpu.memory_space<semaphore_mem>>) src(%arg12 : memref<128x128xf32, #tpu.memory_space<vmem>>) dst(%dma_wait3A_83 : memref<128x128xf32, #tpu.memory_space<vmem_shared>>)
        tpu.yield
      }) : () -> ()
      %mul3A_69 = arith.constant 1000 : i32
      %mul3A_70 = arith.muli %arg1, %mul3A_69 : i32
      %add3A_71 = arith.constant 768 : i32
      %add3A_72 = arith.addi %mul3A_70, %add3A_71 : i32
      "tpu.region"() ({
        %run_scoped3A = tpu.sem_alloc : memref<!tpu.dma_semaphore, #tpu.memory_space<semaphore_mem>>
        %dma_start3A_77 = arith.constant 0 : i32
        %dma_start3A_78 = tpu.memref_slice %arg18[%add3A_72, %dma_start3A_77] : memref<10048x128xf32, #tpu.memory_space<vmem_shared>> -> memref<128x128xf32, #tpu.memory_space<vmem_shared>>
        %dma_start3A_79 = arith.constant 0 : i32
        %dma_start3A_80 = tpu.memref_slice %arg18[%add3A_72, %dma_start3A_79] : memref<10048x128xf32, #tpu.memory_space<vmem_shared>> -> memref<128x128xf32, #tpu.memory_space<vmem_shared>>
        tpu.enqueue_dma source(%arg12 : memref<128x128xf32, #tpu.memory_space<vmem>>) target(%dma_start3A_80 : memref<128x128xf32, #tpu.memory_space<vmem_shared>>) target_semaphore(%run_scoped3A : memref<!tpu.dma_semaphore, #tpu.memory_space<semaphore_mem>>)
        %dma_wait3A = arith.constant 0 : i32
        %dma_wait3A_81 = tpu.memref_slice %arg18[%add3A_72, %dma_wait3A] : memref<10048x128xf32, #tpu.memory_space<vmem_shared>> -> memref<128x128xf32, #tpu.memory_space<vmem_shared>>
        %dma_wait3A_82 = arith.constant 0 : i32
        %dma_wait3A_83 = tpu.memref_slice %arg18[%add3A_72, %dma_wait3A_82] : memref<10048x128xf32, #tpu.memory_space<vmem_shared>> -> memref<128x128xf32, #tpu.memory_space<vmem_shared>>
        tpu.wait_dma2 semaphore(%run_scoped3A : memref<!tpu.dma_semaphore, #tpu.memory_space<semaphore_mem>>) src(%arg12 : memref<128x128xf32, #tpu.memory_space<vmem>>) dst(%dma_wait3A_83 : memref<128x128xf32, #tpu.memory_space<vmem_shared>>)
        tpu.yield
      }) : () -> ()
      %mul3A_73 = arith.constant 1000 : i32
      %mul3A_74 = arith.muli %arg1, %mul3A_73 : i32
      %add3A_75 = arith.constant 896 : i32
      %add3A_76 = arith.addi %mul3A_74, %add3A_75 : i32
      "tpu.region"() ({
        %run_scoped3A = tpu.sem_alloc : memref<!tpu.dma_semaphore, #tpu.memory_space<semaphore_mem>>
        %dma_start3A_77 = arith.constant 0 : i32
        %dma_start3A_78 = arith.constant 0 : i32
        %dma_start3A_79 = tpu.memref_slice %arg12[%dma_start3A_77, %dma_start3A_78] : memref<128x128xf32, #tpu.memory_space<vmem>> -> memref<104x128xf32, #tpu.memory_space<vmem>>
        %dma_start3A_80 = arith.constant 0 : i32
        %dma_start3A_81 = tpu.memref_slice %arg18[%add3A_76, %dma_start3A_80] : memref<10048x128xf32, #tpu.memory_space<vmem_shared>> -> memref<104x128xf32, #tpu.memory_space<vmem_shared>>
        %dma_start3A_82 = arith.constant 0 : i32
        %dma_start3A_83 = tpu.memref_slice %arg18[%add3A_76, %dma_start3A_82] : memref<10048x128xf32, #tpu.memory_space<vmem_shared>> -> memref<104x128xf32, #tpu.memory_space<vmem_shared>>
        %dma_start3A_84 = arith.constant 0 : i32
        %dma_start3A_85 = arith.constant 0 : i32
        %dma_start3A_86 = tpu.memref_slice %arg12[%dma_start3A_84, %dma_start3A_85] : memref<128x128xf32, #tpu.memory_space<vmem>> -> memref<104x128xf32, #tpu.memory_space<vmem>>
        tpu.enqueue_dma source(%dma_start3A_86 : memref<104x128xf32, #tpu.memory_space<vmem>>) target(%dma_start3A_83 : memref<104x128xf32, #tpu.memory_space<vmem_shared>>) target_semaphore(%run_scoped3A : memref<!tpu.dma_semaphore, #tpu.memory_space<semaphore_mem>>)
        %dma_wait3A = arith.constant 0 : i32
        %dma_wait3A_87 = arith.constant 0 : i32
        %dma_wait3A_88 = tpu.memref_slice %arg12[%dma_wait3A, %dma_wait3A_87] : memref<128x128xf32, #tpu.memory_space<vmem>> -> memref<104x128xf32, #tpu.memory_space<vmem>>
        %dma_wait3A_89 = arith.constant 0 : i32
        %dma_wait3A_90 = tpu.memref_slice %arg18[%add3A_76, %dma_wait3A_89] : memref<10048x128xf32, #tpu.memory_space<vmem_shared>> -> memref<104x128xf32, #tpu.memory_space<vmem_shared>>
        %dma_wait3A_91 = arith.constant 0 : i32
        %dma_wait3A_92 = tpu.memref_slice %arg18[%add3A_76, %dma_wait3A_91] : memref<10048x128xf32, #tpu.memory_space<vmem_shared>> -> memref<104x128xf32, #tpu.memory_space<vmem_shared>>
        %dma_wait3A_93 = arith.constant 0 : i32
        %dma_wait3A_94 = arith.constant 0 : i32
        %dma_wait3A_95 = tpu.memref_slice %arg12[%dma_wait3A_93, %dma_wait3A_94] : memref<128x128xf32, #tpu.memory_space<vmem>> -> memref<104x128xf32, #tpu.memory_space<vmem>>
        tpu.wait_dma2 semaphore(%run_scoped3A : memref<!tpu.dma_semaphore, #tpu.memory_space<semaphore_mem>>) src(%dma_wait3A_95 : memref<104x128xf32, #tpu.memory_space<vmem>>) dst(%dma_wait3A_92 : memref<104x128xf32, #tpu.memory_space<vmem_shared>>)
        tpu.yield
      }) : () -> ()
    } else {
    }
    %barrier3A = arith.constant 0 : index
    tpu.barrier barrier_id(%barrier3A)
    "tpu.region"() ({
      %run_scoped3A = tpu.sem_alloc : memref<!tpu.dma_semaphore, #tpu.memory_space<semaphore_mem>>
      %dma_start3A_45 = arith.constant 0 : i32
      %dma_start3A_46 = arith.constant 0 : i32
      %dma_start3A_47 = tpu.memref_slice %arg8[%dma_start3A_45, %dma_start3A_46] : memref<16x128xi32, #tpu.memory_space<vmem>> -> memref<8x128xi32, #tpu.memory_space<vmem>>
      %dma_start3A_48 = arith.constant 0 : i32
      %dma_start3A_49 = arith.constant 0 : i32
      %dma_start3A_50 = tpu.memref_slice %arg5[%add3A, %dma_start3A_48, %dma_start3A_49] : memref<32x80x128xi32, #tpu.memory_space<hbm>> -> memref<1x80x128xi32, #tpu.memory_space<hbm>>
      %dma_start3A_51 = tpu.memref_squeeze %dma_start3A_50 : memref<1x80x128xi32, #tpu.memory_space<hbm>> -> memref<80x128xi32, #tpu.memory_space<hbm>>
      %dma_start3A_52 = arith.constant 0 : i32
      %dma_start3A_53 = arith.constant 0 : i32
      %dma_start3A_54 = tpu.memref_slice %dma_start3A_51[%dma_start3A_52, %dma_start3A_53] : memref<80x128xi32, #tpu.memory_space<hbm>> -> memref<8x128xi32, #tpu.memory_space<hbm>>
      %dma_start3A_55 = arith.constant 0 : i32
      %dma_start3A_56 = arith.constant 0 : i32
      %dma_start3A_57 = tpu.memref_slice %arg8[%dma_start3A_55, %dma_start3A_56] : memref<16x128xi32, #tpu.memory_space<vmem>> -> memref<8x128xi32, #tpu.memory_space<vmem>>
      %dma_start3A_58 = arith.constant 0 : i32
      %dma_start3A_59 = arith.constant 0 : i32
      %dma_start3A_60 = tpu.memref_slice %arg5[%add3A, %dma_start3A_58, %dma_start3A_59] : memref<32x80x128xi32, #tpu.memory_space<hbm>> -> memref<1x80x128xi32, #tpu.memory_space<hbm>>
      %dma_start3A_61 = tpu.memref_squeeze %dma_start3A_60 : memref<1x80x128xi32, #tpu.memory_space<hbm>> -> memref<80x128xi32, #tpu.memory_space<hbm>>
      %dma_start3A_62 = arith.constant 0 : i32
      %dma_start3A_63 = arith.constant 0 : i32
      %dma_start3A_64 = tpu.memref_slice %dma_start3A_61[%dma_start3A_62, %dma_start3A_63] : memref<80x128xi32, #tpu.memory_space<hbm>> -> memref<8x128xi32, #tpu.memory_space<hbm>>
      tpu.enqueue_dma source(%dma_start3A_64 : memref<8x128xi32, #tpu.memory_space<hbm>>) target(%dma_start3A_57 : memref<8x128xi32, #tpu.memory_space<vmem>>) target_semaphore(%run_scoped3A : memref<!tpu.dma_semaphore, #tpu.memory_space<semaphore_mem>>)
      %dma_wait3A = arith.constant 0 : i32
      %dma_wait3A_65 = arith.constant 0 : i32
      %dma_wait3A_66 = tpu.memref_slice %arg8[%dma_wait3A, %dma_wait3A_65] : memref<16x128xi32, #tpu.memory_space<vmem>> -> memref<8x128xi32, #tpu.memory_space<vmem>>
      %dma_wait3A_67 = arith.constant 0 : i32
      %dma_wait3A_68 = arith.constant 0 : i32
      %dma_wait3A_69 = tpu.memref_slice %arg5[%add3A, %dma_wait3A_67, %dma_wait3A_68] : memref<32x80x128xi32, #tpu.memory_space<hbm>> -> memref<1x80x128xi32, #tpu.memory_space<hbm>>
      %dma_wait3A_70 = tpu.memref_squeeze %dma_wait3A_69 : memref<1x80x128xi32, #tpu.memory_space<hbm>> -> memref<80x128xi32, #tpu.memory_space<hbm>>
      %dma_wait3A_71 = arith.constant 0 : i32
      %dma_wait3A_72 = arith.constant 0 : i32
      %dma_wait3A_73 = tpu.memref_slice %dma_wait3A_70[%dma_wait3A_71, %dma_wait3A_72] : memref<80x128xi32, #tpu.memory_space<hbm>> -> memref<8x128xi32, #tpu.memory_space<hbm>>
      %dma_wait3A_74 = arith.constant 0 : i32
      %dma_wait3A_75 = arith.constant 0 : i32
      %dma_wait3A_76 = tpu.memref_slice %arg8[%dma_wait3A_74, %dma_wait3A_75] : memref<16x128xi32, #tpu.memory_space<vmem>> -> memref<8x128xi32, #tpu.memory_space<vmem>>
      %dma_wait3A_77 = arith.constant 0 : i32
      %dma_wait3A_78 = arith.constant 0 : i32
      %dma_wait3A_79 = tpu.memref_slice %arg5[%add3A, %dma_wait3A_77, %dma_wait3A_78] : memref<32x80x128xi32, #tpu.memory_space<hbm>> -> memref<1x80x128xi32, #tpu.memory_space<hbm>>
      %dma_wait3A_80 = tpu.memref_squeeze %dma_wait3A_79 : memref<1x80x128xi32, #tpu.memory_space<hbm>> -> memref<80x128xi32, #tpu.memory_space<hbm>>
      %dma_wait3A_81 = arith.constant 0 : i32
      %dma_wait3A_82 = arith.constant 0 : i32
      %dma_wait3A_83 = tpu.memref_slice %dma_wait3A_80[%dma_wait3A_81, %dma_wait3A_82] : memref<80x128xi32, #tpu.memory_space<hbm>> -> memref<8x128xi32, #tpu.memory_space<hbm>>
      tpu.wait_dma2 semaphore(%run_scoped3A : memref<!tpu.dma_semaphore, #tpu.memory_space<semaphore_mem>>) src(%dma_wait3A_83 : memref<8x128xi32, #tpu.memory_space<hbm>>) dst(%dma_wait3A_76 : memref<8x128xi32, #tpu.memory_space<vmem>>)
      tpu.yield
    }) : () -> ()
    "tpu.region"() ({
      %run_scoped3A = tpu.sem_alloc : memref<!tpu.dma_semaphore, #tpu.memory_space<semaphore_mem>>
      %dma_start3A_45 = arith.constant 0 : i32
      %dma_start3A_46 = arith.constant 0 : i32
      %dma_start3A_47 = tpu.memref_slice %arg9[%dma_start3A_45, %dma_start3A_46] : memref<16x128xi32, #tpu.memory_space<vmem>> -> memref<8x128xi32, #tpu.memory_space<vmem>>
      %dma_start3A_48 = arith.constant 0 : i32
      %dma_start3A_49 = arith.constant 0 : i32
      %dma_start3A_50 = tpu.memref_slice %arg6[%add3A, %dma_start3A_48, %dma_start3A_49] : memref<32x80x128xi32, #tpu.memory_space<hbm>> -> memref<1x80x128xi32, #tpu.memory_space<hbm>>
      %dma_start3A_51 = tpu.memref_squeeze %dma_start3A_50 : memref<1x80x128xi32, #tpu.memory_space<hbm>> -> memref<80x128xi32, #tpu.memory_space<hbm>>
      %dma_start3A_52 = arith.constant 0 : i32
      %dma_start3A_53 = arith.constant 0 : i32
      %dma_start3A_54 = tpu.memref_slice %dma_start3A_51[%dma_start3A_52, %dma_start3A_53] : memref<80x128xi32, #tpu.memory_space<hbm>> -> memref<8x128xi32, #tpu.memory_space<hbm>>
      %dma_start3A_55 = arith.constant 0 : i32
      %dma_start3A_56 = arith.constant 0 : i32
      %dma_start3A_57 = tpu.memref_slice %arg9[%dma_start3A_55, %dma_start3A_56] : memref<16x128xi32, #tpu.memory_space<vmem>> -> memref<8x128xi32, #tpu.memory_space<vmem>>
      %dma_start3A_58 = arith.constant 0 : i32
      %dma_start3A_59 = arith.constant 0 : i32
      %dma_start3A_60 = tpu.memref_slice %arg6[%add3A, %dma_start3A_58, %dma_start3A_59] : memref<32x80x128xi32, #tpu.memory_space<hbm>> -> memref<1x80x128xi32, #tpu.memory_space<hbm>>
      %dma_start3A_61 = tpu.memref_squeeze %dma_start3A_60 : memref<1x80x128xi32, #tpu.memory_space<hbm>> -> memref<80x128xi32, #tpu.memory_space<hbm>>
      %dma_start3A_62 = arith.constant 0 : i32
      %dma_start3A_63 = arith.constant 0 : i32
      %dma_start3A_64 = tpu.memref_slice %dma_start3A_61[%dma_start3A_62, %dma_start3A_63] : memref<80x128xi32, #tpu.memory_space<hbm>> -> memref<8x128xi32, #tpu.memory_space<hbm>>
      tpu.enqueue_dma source(%dma_start3A_64 : memref<8x128xi32, #tpu.memory_space<hbm>>) target(%dma_start3A_57 : memref<8x128xi32, #tpu.memory_space<vmem>>) target_semaphore(%run_scoped3A : memref<!tpu.dma_semaphore, #tpu.memory_space<semaphore_mem>>)
      %dma_wait3A = arith.constant 0 : i32
      %dma_wait3A_65 = arith.constant 0 : i32
      %dma_wait3A_66 = tpu.memref_slice %arg9[%dma_wait3A, %dma_wait3A_65] : memref<16x128xi32, #tpu.memory_space<vmem>> -> memref<8x128xi32, #tpu.memory_space<vmem>>
      %dma_wait3A_67 = arith.constant 0 : i32
      %dma_wait3A_68 = arith.constant 0 : i32
      %dma_wait3A_69 = tpu.memref_slice %arg6[%add3A, %dma_wait3A_67, %dma_wait3A_68] : memref<32x80x128xi32, #tpu.memory_space<hbm>> -> memref<1x80x128xi32, #tpu.memory_space<hbm>>
      %dma_wait3A_70 = tpu.memref_squeeze %dma_wait3A_69 : memref<1x80x128xi32, #tpu.memory_space<hbm>> -> memref<80x128xi32, #tpu.memory_space<hbm>>
      %dma_wait3A_71 = arith.constant 0 : i32
      %dma_wait3A_72 = arith.constant 0 : i32
      %dma_wait3A_73 = tpu.memref_slice %dma_wait3A_70[%dma_wait3A_71, %dma_wait3A_72] : memref<80x128xi32, #tpu.memory_space<hbm>> -> memref<8x128xi32, #tpu.memory_space<hbm>>
      %dma_wait3A_74 = arith.constant 0 : i32
      %dma_wait3A_75 = arith.constant 0 : i32
      %dma_wait3A_76 = tpu.memref_slice %arg9[%dma_wait3A_74, %dma_wait3A_75] : memref<16x128xi32, #tpu.memory_space<vmem>> -> memref<8x128xi32, #tpu.memory_space<vmem>>
      %dma_wait3A_77 = arith.constant 0 : i32
      %dma_wait3A_78 = arith.constant 0 : i32
      %dma_wait3A_79 = tpu.memref_slice %arg6[%add3A, %dma_wait3A_77, %dma_wait3A_78] : memref<32x80x128xi32, #tpu.memory_space<hbm>> -> memref<1x80x128xi32, #tpu.memory_space<hbm>>
      %dma_wait3A_80 = tpu.memref_squeeze %dma_wait3A_79 : memref<1x80x128xi32, #tpu.memory_space<hbm>> -> memref<80x128xi32, #tpu.memory_space<hbm>>
      %dma_wait3A_81 = arith.constant 0 : i32
      %dma_wait3A_82 = arith.constant 0 : i32
      %dma_wait3A_83 = tpu.memref_slice %dma_wait3A_80[%dma_wait3A_81, %dma_wait3A_82] : memref<80x128xi32, #tpu.memory_space<hbm>> -> memref<8x128xi32, #tpu.memory_space<hbm>>
      tpu.wait_dma2 semaphore(%run_scoped3A : memref<!tpu.dma_semaphore, #tpu.memory_space<semaphore_mem>>) src(%dma_wait3A_83 : memref<8x128xi32, #tpu.memory_space<hbm>>) dst(%dma_wait3A_76 : memref<8x128xi32, #tpu.memory_space<vmem>>)
      tpu.yield
    }) : () -> ()
    %mul3A_7 = arith.constant 10240 : i32
    %mul3A_8 = arith.muli %add3A, %mul3A_7 : i32
    %add3A_9 = arith.constant 0 : i32
    %add3A_10 = arith.addi %mul3A_8, %add3A_9 : i32
    %dma_start3A = arith.constant 0 : i32
    %dma_start3A_11 = tpu.memref_slice %arg3[%add3A_10, %dma_start3A] : memref<327680x128xf32, #tpu.memory_space<hbm>> -> memref<128x128xf32, #tpu.memory_space<hbm>>
    %dma_start3A_12 = arith.constant 0 : i32
    %dma_start3A_13 = tpu.memref_slice %arg3[%add3A_10, %dma_start3A_12] : memref<327680x128xf32, #tpu.memory_space<hbm>> -> memref<128x128xf32, #tpu.memory_space<hbm>>
    tpu.enqueue_dma source(%dma_start3A_13 : memref<128x128xf32, #tpu.memory_space<hbm>>) target(%arg12 : memref<128x128xf32, #tpu.memory_space<vmem>>) target_semaphore(%arg14 : memref<!tpu.dma_semaphore, #tpu.memory_space<semaphore_mem>>)
    %dma_start3A_14 = arith.constant 0 : i32
    %dma_start3A_15 = arith.constant 0 : i32
    %dma_start3A_16 = arith.constant 0 : i32
    %dma_start3A_17 = tpu.memref_slice %arg10[%dma_start3A_15, %dma_start3A_16] : memref<2x128xf32, #tpu.memory_space<vmem>> -> memref<1x128xf32, #tpu.memory_space<vmem>>
    %dma_start3A_18 = tpu.memref_squeeze %dma_start3A_17 : memref<1x128xf32, #tpu.memory_space<vmem>> -> memref<128xf32, #tpu.memory_space<vmem>>
    %dma_start3A_19 = arith.constant 0 : i32
    %dma_start3A_20 = tpu.memref_slice %arg8[%dma_start3A_14, %dma_start3A_19] : memref<16x128xi32, #tpu.memory_space<vmem>> -> memref<1x128xi32, #tpu.memory_space<vmem>>
    %dma_start3A_21 = tpu.memref_squeeze %dma_start3A_20 : memref<1x128xi32, #tpu.memory_space<vmem>> -> memref<128xi32, #tpu.memory_space<vmem>>
    %dma_start3A_22 = arith.constant 0 : i32
    %dma_start3A_23 = tpu.memref_slice %arg4[%dma_start3A_22] : memref<10240xf32, #tpu.memory_space<hbm>> -> memref<10240xf32, #tpu.memory_space<hbm>>
    tpu.enqueue_indirect_dma source(%dma_start3A_23 : memref<10240xf32, #tpu.memory_space<hbm>>) target(%dma_start3A_18 : memref<128xf32, #tpu.memory_space<vmem>>) offsets(%dma_start3A_21 : memref<128xi32, #tpu.memory_space<vmem>>) semaphore(%arg16 : memref<!tpu.dma_semaphore, #tpu.memory_space<semaphore_mem>>)
    %dma_start3A_24 = arith.constant 0 : i32
    %dma_start3A_25 = arith.constant 0 : i32
    %dma_start3A_26 = arith.constant 0 : i32
    %dma_start3A_27 = tpu.memref_slice %arg11[%dma_start3A_25, %dma_start3A_26] : memref<2x128xf32, #tpu.memory_space<vmem>> -> memref<1x128xf32, #tpu.memory_space<vmem>>
    %dma_start3A_28 = tpu.memref_squeeze %dma_start3A_27 : memref<1x128xf32, #tpu.memory_space<vmem>> -> memref<128xf32, #tpu.memory_space<vmem>>
    %dma_start3A_29 = arith.constant 0 : i32
    %dma_start3A_30 = tpu.memref_slice %arg9[%dma_start3A_24, %dma_start3A_29] : memref<16x128xi32, #tpu.memory_space<vmem>> -> memref<1x128xi32, #tpu.memory_space<vmem>>
    %dma_start3A_31 = tpu.memref_squeeze %dma_start3A_30 : memref<1x128xi32, #tpu.memory_space<vmem>> -> memref<128xi32, #tpu.memory_space<vmem>>
    %dma_start3A_32 = arith.constant 0 : i32
    %dma_start3A_33 = tpu.memref_slice %arg4[%dma_start3A_32] : memref<10240xf32, #tpu.memory_space<hbm>> -> memref<10240xf32, #tpu.memory_space<hbm>>
    tpu.enqueue_indirect_dma source(%dma_start3A_33 : memref<10240xf32, #tpu.memory_space<hbm>>) target(%dma_start3A_28 : memref<128xf32, #tpu.memory_space<vmem>>) offsets(%dma_start3A_31 : memref<128xi32, #tpu.memory_space<vmem>>) semaphore(%arg16 : memref<!tpu.dma_semaphore, #tpu.memory_space<semaphore_mem>>)
    %scan3A_34 = arith.constant 0 : i32
    %scan3A_35 = arith.constant 40 : i32
    %scan3A_36 = arith.addi %scan3A_34, %scan3A_35 : i32
    %scan3A_37 = arith.constant 1 : i32
    scf.for %scan3A_45 = %scan3A_34 to %scan3A_36 step %scan3A_37  : i32 {
      %mul3A_46 = arith.constant 2 : i32
      %mul3A_47 = arith.muli %mul3A_46, %scan3A_45 : i32
      %add3A_48 = arith.constant 0 : i32
      %add3A_49 = arith.addi %mul3A_47, %add3A_48 : i32
      %mul3A_50 = arith.constant 10240 : i32
      %mul3A_51 = arith.muli %add3A, %mul3A_50 : i32
      %mul3A_52 = arith.constant 128 : i32
      %mul3A_53 = arith.muli %add3A_49, %mul3A_52 : i32
      %add3A_54 = arith.addi %mul3A_51, %mul3A_53 : i32
      %dma_wait3A = arith.constant 0 : i32
      %dma_wait3A_55 = tpu.memref_slice %arg3[%add3A_54, %dma_wait3A] : memref<327680x128xf32, #tpu.memory_space<hbm>> -> memref<128x128xf32, #tpu.memory_space<hbm>>
      %dma_wait3A_56 = arith.constant 0 : i32
      %dma_wait3A_57 = tpu.memref_slice %arg3[%add3A_54, %dma_wait3A_56] : memref<327680x128xf32, #tpu.memory_space<hbm>> -> memref<128x128xf32, #tpu.memory_space<hbm>>
      tpu.wait_dma2 semaphore(%arg14 : memref<!tpu.dma_semaphore, #tpu.memory_space<semaphore_mem>>) src(%dma_wait3A_57 : memref<128x128xf32, #tpu.memory_space<hbm>>) dst(%arg12 : memref<128x128xf32, #tpu.memory_space<vmem>>)
      %add3A_58 = arith.constant 1 : i32
      %add3A_59 = arith.addi %add3A_49, %add3A_58 : i32
      %mul3A_60 = arith.constant 10240 : i32
      %mul3A_61 = arith.muli %add3A, %mul3A_60 : i32
      %mul3A_62 = arith.constant 128 : i32
      %mul3A_63 = arith.muli %add3A_59, %mul3A_62 : i32
      %add3A_64 = arith.addi %mul3A_61, %mul3A_63 : i32
      %dma_start3A_65 = arith.constant 0 : i32
      %dma_start3A_66 = tpu.memref_slice %arg3[%add3A_64, %dma_start3A_65] : memref<327680x128xf32, #tpu.memory_space<hbm>> -> memref<128x128xf32, #tpu.memory_space<hbm>>
      %dma_start3A_67 = arith.constant 0 : i32
      %dma_start3A_68 = tpu.memref_slice %arg3[%add3A_64, %dma_start3A_67] : memref<327680x128xf32, #tpu.memory_space<hbm>> -> memref<128x128xf32, #tpu.memory_space<hbm>>
      tpu.enqueue_dma source(%dma_start3A_68 : memref<128x128xf32, #tpu.memory_space<hbm>>) target(%arg13 : memref<128x128xf32, #tpu.memory_space<vmem>>) target_semaphore(%arg14 : memref<!tpu.dma_semaphore, #tpu.memory_space<semaphore_mem>>)
      %shift_right_arithmetic3A = arith.constant 3 : i32
      %shift_right_arithmetic3A_69 = arith.shrsi %add3A_49, %shift_right_arithmetic3A : i32
      %and3A = arith.constant 1 : i32
      %and3A_70 = arith.andi %shift_right_arithmetic3A_69, %and3A : i32
      %mul3A_71 = arith.constant 8 : i32
      %mul3A_72 = arith.muli %and3A_70, %mul3A_71 : i32
      %and3A_73 = arith.constant 7 : i32
      %and3A_74 = arith.andi %add3A_49, %and3A_73 : i32
      %add3A_75 = arith.addi %mul3A_72, %and3A_74 : i32
      %dma_wait3A_76 = arith.constant 0 : i32
      %dma_wait3A_77 = arith.constant 0 : i32
      %dma_wait3A_78 = tpu.memref_slice %arg10[%dma_wait3A_76, %dma_wait3A_77] : memref<2x128xf32, #tpu.memory_space<vmem>> -> memref<1x128xf32, #tpu.memory_space<vmem>>
      %dma_wait3A_79 = tpu.memref_squeeze %dma_wait3A_78 : memref<1x128xf32, #tpu.memory_space<vmem>> -> memref<128xf32, #tpu.memory_space<vmem>>
      %dma_wait3A_80 = arith.constant 0 : i32
      %dma_wait3A_81 = tpu.memref_slice %arg8[%add3A_75, %dma_wait3A_80] : memref<16x128xi32, #tpu.memory_space<vmem>> -> memref<1x128xi32, #tpu.memory_space<vmem>>
      %dma_wait3A_82 = tpu.memref_squeeze %dma_wait3A_81 : memref<1x128xi32, #tpu.memory_space<vmem>> -> memref<128xi32, #tpu.memory_space<vmem>>
      %dma_wait3A_83 = arith.constant 0 : i32
      %dma_wait3A_84 = tpu.memref_slice %arg4[%dma_wait3A_83] : memref<10240xf32, #tpu.memory_space<hbm>> -> memref<10240xf32, #tpu.memory_space<hbm>>
      tpu.wait_indirect_dma semaphore(%arg16 : memref<!tpu.dma_semaphore, #tpu.memory_space<semaphore_mem>>) src(%dma_wait3A_84 : memref<10240xf32, #tpu.memory_space<hbm>>) dst(%dma_wait3A_79 : memref<128xf32, #tpu.memory_space<vmem>>)
      %shift_right_arithmetic3A_85 = arith.constant 3 : i32
      %shift_right_arithmetic3A_86 = arith.shrsi %add3A_49, %shift_right_arithmetic3A_85 : i32
      %and3A_87 = arith.constant 1 : i32
      %and3A_88 = arith.andi %shift_right_arithmetic3A_86, %and3A_87 : i32
      %mul3A_89 = arith.constant 8 : i32
      %mul3A_90 = arith.muli %and3A_88, %mul3A_89 : i32
      %and3A_91 = arith.constant 7 : i32
      %and3A_92 = arith.andi %add3A_49, %and3A_91 : i32
      %add3A_93 = arith.addi %mul3A_90, %and3A_92 : i32
      %dma_wait3A_94 = arith.constant 0 : i32
      %dma_wait3A_95 = arith.constant 0 : i32
      %dma_wait3A_96 = tpu.memref_slice %arg11[%dma_wait3A_94, %dma_wait3A_95] : memref<2x128xf32, #tpu.memory_space<vmem>> -> memref<1x128xf32, #tpu.memory_space<vmem>>
      %dma_wait3A_97 = tpu.memref_squeeze %dma_wait3A_96 : memref<1x128xf32, #tpu.memory_space<vmem>> -> memref<128xf32, #tpu.memory_space<vmem>>
      %dma_wait3A_98 = arith.constant 0 : i32
      %dma_wait3A_99 = tpu.memref_slice %arg9[%add3A_93, %dma_wait3A_98] : memref<16x128xi32, #tpu.memory_space<vmem>> -> memref<1x128xi32, #tpu.memory_space<vmem>>
      %dma_wait3A_100 = tpu.memref_squeeze %dma_wait3A_99 : memref<1x128xi32, #tpu.memory_space<vmem>> -> memref<128xi32, #tpu.memory_space<vmem>>
      %dma_wait3A_101 = arith.constant 0 : i32
      %dma_wait3A_102 = tpu.memref_slice %arg4[%dma_wait3A_101] : memref<10240xf32, #tpu.memory_space<hbm>> -> memref<10240xf32, #tpu.memory_space<hbm>>
      tpu.wait_indirect_dma semaphore(%arg16 : memref<!tpu.dma_semaphore, #tpu.memory_space<semaphore_mem>>) src(%dma_wait3A_102 : memref<10240xf32, #tpu.memory_space<hbm>>) dst(%dma_wait3A_97 : memref<128xf32, #tpu.memory_space<vmem>>)
      %scan3A_103 = arith.constant 0 : i32
      %scan3A_104 = arith.constant 0 : i32
      %scan3A_105 = arith.addi %scan3A_103, %scan3A_104 : i32
      %scan3A_106 = arith.constant 0 : i32
      %add3A_107 = arith.constant 1 : i32
      %add3A_108 = arith.addi %add3A_49, %add3A_107 : i32
      %shift_right_arithmetic3A_109 = arith.constant 3 : i32
      %shift_right_arithmetic3A_110 = arith.shrsi %add3A_108, %shift_right_arithmetic3A_109 : i32
      %and3A_111 = arith.constant 1 : i32
      %and3A_112 = arith.andi %shift_right_arithmetic3A_110, %and3A_111 : i32
      %mul3A_113 = arith.constant 8 : i32
      %mul3A_114 = arith.muli %and3A_112, %mul3A_113 : i32
      %and3A_115 = arith.constant 7 : i32
      %and3A_116 = arith.andi %add3A_108, %and3A_115 : i32
      %add3A_117 = arith.addi %mul3A_114, %and3A_116 : i32
      %dma_start3A_118 = arith.constant 1 : i32
      %dma_start3A_119 = arith.constant 0 : i32
      %dma_start3A_120 = tpu.memref_slice %arg10[%dma_start3A_118, %dma_start3A_119] : memref<2x128xf32, #tpu.memory_space<vmem>> -> memref<1x128xf32, #tpu.memory_space<vmem>>
      %dma_start3A_121 = tpu.memref_squeeze %dma_start3A_120 : memref<1x128xf32, #tpu.memory_space<vmem>> -> memref<128xf32, #tpu.memory_space<vmem>>
      %dma_start3A_122 = arith.constant 0 : i32
      %dma_start3A_123 = tpu.memref_slice %arg8[%add3A_117, %dma_start3A_122] : memref<16x128xi32, #tpu.memory_space<vmem>> -> memref<1x128xi32, #tpu.memory_space<vmem>>
      %dma_start3A_124 = tpu.memref_squeeze %dma_start3A_123 : memref<1x128xi32, #tpu.memory_space<vmem>> -> memref<128xi32, #tpu.memory_space<vmem>>
      %dma_start3A_125 = arith.constant 0 : i32
      %dma_start3A_126 = tpu.memref_slice %arg4[%dma_start3A_125] : memref<10240xf32, #tpu.memory_space<hbm>> -> memref<10240xf32, #tpu.memory_space<hbm>>
      tpu.enqueue_indirect_dma source(%dma_start3A_126 : memref<10240xf32, #tpu.memory_space<hbm>>) target(%dma_start3A_121 : memref<128xf32, #tpu.memory_space<vmem>>) offsets(%dma_start3A_124 : memref<128xi32, #tpu.memory_space<vmem>>) semaphore(%arg16 : memref<!tpu.dma_semaphore, #tpu.memory_space<semaphore_mem>>)
      %shift_right_arithmetic3A_127 = arith.constant 3 : i32
      %shift_right_arithmetic3A_128 = arith.shrsi %add3A_108, %shift_right_arithmetic3A_127 : i32
      %and3A_129 = arith.constant 1 : i32
      %and3A_130 = arith.andi %shift_right_arithmetic3A_128, %and3A_129 : i32
      %mul3A_131 = arith.constant 8 : i32
      %mul3A_132 = arith.muli %and3A_130, %mul3A_131 : i32
      %and3A_133 = arith.constant 7 : i32
      %and3A_134 = arith.andi %add3A_108, %and3A_133 : i32
      %add3A_135 = arith.addi %mul3A_132, %and3A_134 : i32
      %dma_start3A_136 = arith.constant 1 : i32
      %dma_start3A_137 = arith.constant 0 : i32
      %dma_start3A_138 = tpu.memref_slice %arg11[%dma_start3A_136, %dma_start3A_137] : memref<2x128xf32, #tpu.memory_space<vmem>> -> memref<1x128xf32, #tpu.memory_space<vmem>>
      %dma_start3A_139 = tpu.memref_squeeze %dma_start3A_138 : memref<1x128xf32, #tpu.memory_space<vmem>> -> memref<128xf32, #tpu.memory_space<vmem>>
      %dma_start3A_140 = arith.constant 0 : i32
      %dma_start3A_141 = tpu.memref_slice %arg9[%add3A_135, %dma_start3A_140] : memref<16x128xi32, #tpu.memory_space<vmem>> -> memref<1x128xi32, #tpu.memory_space<vmem>>
      %dma_start3A_142 = tpu.memref_squeeze %dma_start3A_141 : memref<1x128xi32, #tpu.memory_space<vmem>> -> memref<128xi32, #tpu.memory_space<vmem>>
      %dma_start3A_143 = arith.constant 0 : i32
      %dma_start3A_144 = tpu.memref_slice %arg4[%dma_start3A_143] : memref<10240xf32, #tpu.memory_space<hbm>> -> memref<10240xf32, #tpu.memory_space<hbm>>
      tpu.enqueue_indirect_dma source(%dma_start3A_144 : memref<10240xf32, #tpu.memory_space<hbm>>) target(%dma_start3A_139 : memref<128xf32, #tpu.memory_space<vmem>>) offsets(%dma_start3A_142 : memref<128xi32, #tpu.memory_space<vmem>>) semaphore(%arg16 : memref<!tpu.dma_semaphore, #tpu.memory_space<semaphore_mem>>)
      %scan3A_145 = arith.constant 4 : i32
      %scan3A_146 = arith.constant 0 : i32
      %scan3A_147 = arith.addi %scan3A_145, %scan3A_146 : i32
      %scan3A_148 = arith.constant 0 : i32
      %mul3A_149 = arith.constant 2 : i32
      %mul3A_150 = arith.muli %mul3A_149, %scan3A_45 : i32
      %add3A_151 = arith.constant 1 : i32
      %add3A_152 = arith.addi %mul3A_150, %add3A_151 : i32
      %mul3A_153 = arith.constant 10240 : i32
      %mul3A_154 = arith.muli %add3A, %mul3A_153 : i32
      %mul3A_155 = arith.constant 128 : i32
      %mul3A_156 = arith.muli %add3A_152, %mul3A_155 : i32
      %add3A_157 = arith.addi %mul3A_154, %mul3A_156 : i32
      %dma_wait3A_158 = arith.constant 0 : i32
      %dma_wait3A_159 = tpu.memref_slice %arg3[%add3A_157, %dma_wait3A_158] : memref<327680x128xf32, #tpu.memory_space<hbm>> -> memref<128x128xf32, #tpu.memory_space<hbm>>
      %dma_wait3A_160 = arith.constant 0 : i32
      %dma_wait3A_161 = tpu.memref_slice %arg3[%add3A_157, %dma_wait3A_160] : memref<327680x128xf32, #tpu.memory_space<hbm>> -> memref<128x128xf32, #tpu.memory_space<hbm>>
      tpu.wait_dma2 semaphore(%arg14 : memref<!tpu.dma_semaphore, #tpu.memory_space<semaphore_mem>>) src(%dma_wait3A_161 : memref<128x128xf32, #tpu.memory_space<hbm>>) dst(%arg13 : memref<128x128xf32, #tpu.memory_space<vmem>>)
      %add3A_162 = arith.constant 1 : i32
      %add3A_163 = arith.addi %scan3A_45, %add3A_162 : i32
      %and3A_164 = arith.constant 3 : i32
      %and3A_165 = arith.andi %add3A_163, %and3A_164 : i32
      %eq3A = arith.constant 0 : i32
      %eq3A_166 = arith.cmpi eq, %and3A_165, %eq3A : i32
      %lt3A_167 = arith.constant 39 : i32
      %lt3A_168 = arith.cmpi slt, %scan3A_45, %lt3A_167 : i32
      %and3A_169 = arith.andi %eq3A_166, %lt3A_168 : i1
      %convert_element_type3A_170 = arith.extui %and3A_169 : i1 to i32
      %cond3A_171 = arith.constant 0 : i32
      %cond3A_172 = arith.cmpi ne, %convert_element_type3A_170, %cond3A_171 : i32
      scf.if %cond3A_172 {
        %add3A_227 = arith.constant 1 : i32
        %add3A_228 = arith.addi %add3A_152, %add3A_227 : i32
        %shift_right_arithmetic3A_229 = arith.constant 3 : i32
        %shift_right_arithmetic3A_230 = arith.shrsi %add3A_228, %shift_right_arithmetic3A_229 : i32
        %and3A_231 = arith.constant 1 : i32
        %and3A_232 = arith.andi %shift_right_arithmetic3A_230, %and3A_231 : i32
        %mul3A_233 = arith.constant 8 : i32
        %mul3A_234 = arith.muli %and3A_232, %mul3A_233 : i32
        %mul3A_235 = arith.constant 8 : i32
        %mul3A_236 = arith.muli %shift_right_arithmetic3A_230, %mul3A_235 : i32
        "tpu.region"() ({
          %run_scoped3A = tpu.sem_alloc : memref<!tpu.dma_semaphore, #tpu.memory_space<semaphore_mem>>
          %dma_start3A_239 = arith.constant 0 : i32
          %dma_start3A_240 = tpu.memref_slice %arg8[%mul3A_234, %dma_start3A_239] : memref<16x128xi32, #tpu.memory_space<vmem>> -> memref<8x128xi32, #tpu.memory_space<vmem>>
          %dma_start3A_241 = arith.constant 0 : i32
          %dma_start3A_242 = arith.constant 0 : i32
          %dma_start3A_243 = tpu.memref_slice %arg5[%add3A, %dma_start3A_241, %dma_start3A_242] : memref<32x80x128xi32, #tpu.memory_space<hbm>> -> memref<1x80x128xi32, #tpu.memory_space<hbm>>
          %dma_start3A_244 = tpu.memref_squeeze %dma_start3A_243 : memref<1x80x128xi32, #tpu.memory_space<hbm>> -> memref<80x128xi32, #tpu.memory_space<hbm>>
          %dma_start3A_245 = arith.constant 0 : i32
          %dma_start3A_246 = tpu.memref_slice %dma_start3A_244[%mul3A_236, %dma_start3A_245] : memref<80x128xi32, #tpu.memory_space<hbm>> -> memref<8x128xi32, #tpu.memory_space<hbm>>
          %dma_start3A_247 = arith.constant 0 : i32
          %dma_start3A_248 = tpu.memref_slice %arg8[%mul3A_234, %dma_start3A_247] : memref<16x128xi32, #tpu.memory_space<vmem>> -> memref<8x128xi32, #tpu.memory_space<vmem>>
          %dma_start3A_249 = arith.constant 0 : i32
          %dma_start3A_250 = arith.constant 0 : i32
          %dma_start3A_251 = tpu.memref_slice %arg5[%add3A, %dma_start3A_249, %dma_start3A_250] : memref<32x80x128xi32, #tpu.memory_space<hbm>> -> memref<1x80x128xi32, #tpu.memory_space<hbm>>
          %dma_start3A_252 = tpu.memref_squeeze %dma_start3A_251 : memref<1x80x128xi32, #tpu.memory_space<hbm>> -> memref<80x128xi32, #tpu.memory_space<hbm>>
          %dma_start3A_253 = arith.constant 0 : i32
          %dma_start3A_254 = tpu.memref_slice %dma_start3A_252[%mul3A_236, %dma_start3A_253] : memref<80x128xi32, #tpu.memory_space<hbm>> -> memref<8x128xi32, #tpu.memory_space<hbm>>
          tpu.enqueue_dma source(%dma_start3A_254 : memref<8x128xi32, #tpu.memory_space<hbm>>) target(%dma_start3A_248 : memref<8x128xi32, #tpu.memory_space<vmem>>) target_semaphore(%run_scoped3A : memref<!tpu.dma_semaphore, #tpu.memory_space<semaphore_mem>>)
          %dma_wait3A_255 = arith.constant 0 : i32
          %dma_wait3A_256 = tpu.memref_slice %arg8[%mul3A_234, %dma_wait3A_255] : memref<16x128xi32, #tpu.memory_space<vmem>> -> memref<8x128xi32, #tpu.memory_space<vmem>>
          %dma_wait3A_257 = arith.constant 0 : i32
          %dma_wait3A_258 = arith.constant 0 : i32
          %dma_wait3A_259 = tpu.memref_slice %arg5[%add3A, %dma_wait3A_257, %dma_wait3A_258] : memref<32x80x128xi32, #tpu.memory_space<hbm>> -> memref<1x80x128xi32, #tpu.memory_space<hbm>>
          %dma_wait3A_260 = tpu.memref_squeeze %dma_wait3A_259 : memref<1x80x128xi32, #tpu.memory_space<hbm>> -> memref<80x128xi32, #tpu.memory_space<hbm>>
          %dma_wait3A_261 = arith.constant 0 : i32
          %dma_wait3A_262 = tpu.memref_slice %dma_wait3A_260[%mul3A_236, %dma_wait3A_261] : memref<80x128xi32, #tpu.memory_space<hbm>> -> memref<8x128xi32, #tpu.memory_space<hbm>>
          %dma_wait3A_263 = arith.constant 0 : i32
          %dma_wait3A_264 = tpu.memref_slice %arg8[%mul3A_234, %dma_wait3A_263] : memref<16x128xi32, #tpu.memory_space<vmem>> -> memref<8x128xi32, #tpu.memory_space<vmem>>
          %dma_wait3A_265 = arith.constant 0 : i32
          %dma_wait3A_266 = arith.constant 0 : i32
          %dma_wait3A_267 = tpu.memref_slice %arg5[%add3A, %dma_wait3A_265, %dma_wait3A_266] : memref<32x80x128xi32, #tpu.memory_space<hbm>> -> memref<1x80x128xi32, #tpu.memory_space<hbm>>
          %dma_wait3A_268 = tpu.memref_squeeze %dma_wait3A_267 : memref<1x80x128xi32, #tpu.memory_space<hbm>> -> memref<80x128xi32, #tpu.memory_space<hbm>>
          %dma_wait3A_269 = arith.constant 0 : i32
          %dma_wait3A_270 = tpu.memref_slice %dma_wait3A_268[%mul3A_236, %dma_wait3A_269] : memref<80x128xi32, #tpu.memory_space<hbm>> -> memref<8x128xi32, #tpu.memory_space<hbm>>
          tpu.wait_dma2 semaphore(%run_scoped3A : memref<!tpu.dma_semaphore, #tpu.memory_space<semaphore_mem>>) src(%dma_wait3A_270 : memref<8x128xi32, #tpu.memory_space<hbm>>) dst(%dma_wait3A_264 : memref<8x128xi32, #tpu.memory_space<vmem>>)
          tpu.yield
        }) : () -> ()
        %mul3A_237 = arith.constant 8 : i32
        %mul3A_238 = arith.muli %shift_right_arithmetic3A_230, %mul3A_237 : i32
        "tpu.region"() ({
          %run_scoped3A = tpu.sem_alloc : memref<!tpu.dma_semaphore, #tpu.memory_space<semaphore_mem>>
          %dma_start3A_239 = arith.constant 0 : i32
          %dma_start3A_240 = tpu.memref_slice %arg9[%mul3A_234, %dma_start3A_239] : memref<16x128xi32, #tpu.memory_space<vmem>> -> memref<8x128xi32, #tpu.memory_space<vmem>>
          %dma_start3A_241 = arith.constant 0 : i32
          %dma_start3A_242 = arith.constant 0 : i32
          %dma_start3A_243 = tpu.memref_slice %arg6[%add3A, %dma_start3A_241, %dma_start3A_242] : memref<32x80x128xi32, #tpu.memory_space<hbm>> -> memref<1x80x128xi32, #tpu.memory_space<hbm>>
          %dma_start3A_244 = tpu.memref_squeeze %dma_start3A_243 : memref<1x80x128xi32, #tpu.memory_space<hbm>> -> memref<80x128xi32, #tpu.memory_space<hbm>>
          %dma_start3A_245 = arith.constant 0 : i32
          %dma_start3A_246 = tpu.memref_slice %dma_start3A_244[%mul3A_238, %dma_start3A_245] : memref<80x128xi32, #tpu.memory_space<hbm>> -> memref<8x128xi32, #tpu.memory_space<hbm>>
          %dma_start3A_247 = arith.constant 0 : i32
          %dma_start3A_248 = tpu.memref_slice %arg9[%mul3A_234, %dma_start3A_247] : memref<16x128xi32, #tpu.memory_space<vmem>> -> memref<8x128xi32, #tpu.memory_space<vmem>>
          %dma_start3A_249 = arith.constant 0 : i32
          %dma_start3A_250 = arith.constant 0 : i32
          %dma_start3A_251 = tpu.memref_slice %arg6[%add3A, %dma_start3A_249, %dma_start3A_250] : memref<32x80x128xi32, #tpu.memory_space<hbm>> -> memref<1x80x128xi32, #tpu.memory_space<hbm>>
          %dma_start3A_252 = tpu.memref_squeeze %dma_start3A_251 : memref<1x80x128xi32, #tpu.memory_space<hbm>> -> memref<80x128xi32, #tpu.memory_space<hbm>>
          %dma_start3A_253 = arith.constant 0 : i32
          %dma_start3A_254 = tpu.memref_slice %dma_start3A_252[%mul3A_238, %dma_start3A_253] : memref<80x128xi32, #tpu.memory_space<hbm>> -> memref<8x128xi32, #tpu.memory_space<hbm>>
          tpu.enqueue_dma source(%dma_start3A_254 : memref<8x128xi32, #tpu.memory_space<hbm>>) target(%dma_start3A_248 : memref<8x128xi32, #tpu.memory_space<vmem>>) target_semaphore(%run_scoped3A : memref<!tpu.dma_semaphore, #tpu.memory_space<semaphore_mem>>)
          %dma_wait3A_255 = arith.constant 0 : i32
          %dma_wait3A_256 = tpu.memref_slice %arg9[%mul3A_234, %dma_wait3A_255] : memref<16x128xi32, #tpu.memory_space<vmem>> -> memref<8x128xi32, #tpu.memory_space<vmem>>
          %dma_wait3A_257 = arith.constant 0 : i32
          %dma_wait3A_258 = arith.constant 0 : i32
          %dma_wait3A_259 = tpu.memref_slice %arg6[%add3A, %dma_wait3A_257, %dma_wait3A_258] : memref<32x80x128xi32, #tpu.memory_space<hbm>> -> memref<1x80x128xi32, #tpu.memory_space<hbm>>
          %dma_wait3A_260 = tpu.memref_squeeze %dma_wait3A_259 : memref<1x80x128xi32, #tpu.memory_space<hbm>> -> memref<80x128xi32, #tpu.memory_space<hbm>>
          %dma_wait3A_261 = arith.constant 0 : i32
          %dma_wait3A_262 = tpu.memref_slice %dma_wait3A_260[%mul3A_238, %dma_wait3A_261] : memref<80x128xi32, #tpu.memory_space<hbm>> -> memref<8x128xi32, #tpu.memory_space<hbm>>
          %dma_wait3A_263 = arith.constant 0 : i32
          %dma_wait3A_264 = tpu.memref_slice %arg9[%mul3A_234, %dma_wait3A_263] : memref<16x128xi32, #tpu.memory_space<vmem>> -> memref<8x128xi32, #tpu.memory_space<vmem>>
          %dma_wait3A_265 = arith.constant 0 : i32
          %dma_wait3A_266 = arith.constant 0 : i32
          %dma_wait3A_267 = tpu.memref_slice %arg6[%add3A, %dma_wait3A_265, %dma_wait3A_266] : memref<32x80x128xi32, #tpu.memory_space<hbm>> -> memref<1x80x128xi32, #tpu.memory_space<hbm>>
          %dma_wait3A_268 = tpu.memref_squeeze %dma_wait3A_267 : memref<1x80x128xi32, #tpu.memory_space<hbm>> -> memref<80x128xi32, #tpu.memory_space<hbm>>
          %dma_wait3A_269 = arith.constant 0 : i32
          %dma_wait3A_270 = tpu.memref_slice %dma_wait3A_268[%mul3A_238, %dma_wait3A_269] : memref<80x128xi32, #tpu.memory_space<hbm>> -> memref<8x128xi32, #tpu.memory_space<hbm>>
          tpu.wait_dma2 semaphore(%run_scoped3A : memref<!tpu.dma_semaphore, #tpu.memory_space<semaphore_mem>>) src(%dma_wait3A_270 : memref<8x128xi32, #tpu.memory_space<hbm>>) dst(%dma_wait3A_264 : memref<8x128xi32, #tpu.memory_space<vmem>>)
          tpu.yield
        }) : () -> ()
      } else {
      }
      %lt3A_173 = arith.constant 39 : i32
      %lt3A_174 = arith.cmpi slt, %scan3A_45, %lt3A_173 : i32
      %convert_element_type3A_175 = arith.extui %lt3A_174 : i1 to i32
      %cond3A_176 = arith.constant 0 : i32
      %cond3A_177 = arith.cmpi ne, %convert_element_type3A_175, %cond3A_176 : i32
      scf.if %cond3A_177 {
        %add3A_227 = arith.constant 1 : i32
        %add3A_228 = arith.addi %add3A_152, %add3A_227 : i32
        %mul3A_229 = arith.constant 10240 : i32
        %mul3A_230 = arith.muli %add3A, %mul3A_229 : i32
        %mul3A_231 = arith.constant 128 : i32
        %mul3A_232 = arith.muli %add3A_228, %mul3A_231 : i32
        %add3A_233 = arith.addi %mul3A_230, %mul3A_232 : i32
        %dma_start3A_234 = arith.constant 0 : i32
        %dma_start3A_235 = tpu.memref_slice %arg3[%add3A_233, %dma_start3A_234] : memref<327680x128xf32, #tpu.memory_space<hbm>> -> memref<128x128xf32, #tpu.memory_space<hbm>>
        %dma_start3A_236 = arith.constant 0 : i32
        %dma_start3A_237 = tpu.memref_slice %arg3[%add3A_233, %dma_start3A_236] : memref<327680x128xf32, #tpu.memory_space<hbm>> -> memref<128x128xf32, #tpu.memory_space<hbm>>
        tpu.enqueue_dma source(%dma_start3A_237 : memref<128x128xf32, #tpu.memory_space<hbm>>) target(%arg12 : memref<128x128xf32, #tpu.memory_space<vmem>>) target_semaphore(%arg14 : memref<!tpu.dma_semaphore, #tpu.memory_space<semaphore_mem>>)
      } else {
      }
      %shift_right_arithmetic3A_178 = arith.constant 3 : i32
      %shift_right_arithmetic3A_179 = arith.shrsi %add3A_152, %shift_right_arithmetic3A_178 : i32
      %and3A_180 = arith.constant 1 : i32
      %and3A_181 = arith.andi %shift_right_arithmetic3A_179, %and3A_180 : i32
      %mul3A_182 = arith.constant 8 : i32
      %mul3A_183 = arith.muli %and3A_181, %mul3A_182 : i32
      %and3A_184 = arith.constant 7 : i32
      %and3A_185 = arith.andi %add3A_152, %and3A_184 : i32
      %add3A_186 = arith.addi %mul3A_183, %and3A_185 : i32
      %dma_wait3A_187 = arith.constant 1 : i32
      %dma_wait3A_188 = arith.constant 0 : i32
      %dma_wait3A_189 = tpu.memref_slice %arg10[%dma_wait3A_187, %dma_wait3A_188] : memref<2x128xf32, #tpu.memory_space<vmem>> -> memref<1x128xf32, #tpu.memory_space<vmem>>
      %dma_wait3A_190 = tpu.memref_squeeze %dma_wait3A_189 : memref<1x128xf32, #tpu.memory_space<vmem>> -> memref<128xf32, #tpu.memory_space<vmem>>
      %dma_wait3A_191 = arith.constant 0 : i32
      %dma_wait3A_192 = tpu.memref_slice %arg8[%add3A_186, %dma_wait3A_191] : memref<16x128xi32, #tpu.memory_space<vmem>> -> memref<1x128xi32, #tpu.memory_space<vmem>>
      %dma_wait3A_193 = tpu.memref_squeeze %dma_wait3A_192 : memref<1x128xi32, #tpu.memory_space<vmem>> -> memref<128xi32, #tpu.memory_space<vmem>>
      %dma_wait3A_194 = arith.constant 0 : i32
      %dma_wait3A_195 = tpu.memref_slice %arg4[%dma_wait3A_194] : memref<10240xf32, #tpu.memory_space<hbm>> -> memref<10240xf32, #tpu.memory_space<hbm>>
      tpu.wait_indirect_dma semaphore(%arg16 : memref<!tpu.dma_semaphore, #tpu.memory_space<semaphore_mem>>) src(%dma_wait3A_195 : memref<10240xf32, #tpu.memory_space<hbm>>) dst(%dma_wait3A_190 : memref<128xf32, #tpu.memory_space<vmem>>)
      %shift_right_arithmetic3A_196 = arith.constant 3 : i32
      %shift_right_arithmetic3A_197 = arith.shrsi %add3A_152, %shift_right_arithmetic3A_196 : i32
      %and3A_198 = arith.constant 1 : i32
      %and3A_199 = arith.andi %shift_right_arithmetic3A_197, %and3A_198 : i32
      %mul3A_200 = arith.constant 8 : i32
      %mul3A_201 = arith.muli %and3A_199, %mul3A_200 : i32
      %and3A_202 = arith.constant 7 : i32
      %and3A_203 = arith.andi %add3A_152, %and3A_202 : i32
      %add3A_204 = arith.addi %mul3A_201, %and3A_203 : i32
      %dma_wait3A_205 = arith.constant 1 : i32
      %dma_wait3A_206 = arith.constant 0 : i32
      %dma_wait3A_207 = tpu.memref_slice %arg11[%dma_wait3A_205, %dma_wait3A_206] : memref<2x128xf32, #tpu.memory_space<vmem>> -> memref<1x128xf32, #tpu.memory_space<vmem>>
      %dma_wait3A_208 = tpu.memref_squeeze %dma_wait3A_207 : memref<1x128xf32, #tpu.memory_space<vmem>> -> memref<128xf32, #tpu.memory_space<vmem>>
      %dma_wait3A_209 = arith.constant 0 : i32
      %dma_wait3A_210 = tpu.memref_slice %arg9[%add3A_204, %dma_wait3A_209] : memref<16x128xi32, #tpu.memory_space<vmem>> -> memref<1x128xi32, #tpu.memory_space<vmem>>
      %dma_wait3A_211 = tpu.memref_squeeze %dma_wait3A_210 : memref<1x128xi32, #tpu.memory_space<vmem>> -> memref<128xi32, #tpu.memory_space<vmem>>
      %dma_wait3A_212 = arith.constant 0 : i32
      %dma_wait3A_213 = tpu.memref_slice %arg4[%dma_wait3A_212] : memref<10240xf32, #tpu.memory_space<hbm>> -> memref<10240xf32, #tpu.memory_space<hbm>>
      tpu.wait_indirect_dma semaphore(%arg16 : memref<!tpu.dma_semaphore, #tpu.memory_space<semaphore_mem>>) src(%dma_wait3A_213 : memref<10240xf32, #tpu.memory_space<hbm>>) dst(%dma_wait3A_208 : memref<128xf32, #tpu.memory_space<vmem>>)
      %scan3A_214 = arith.constant 0 : i32
      %scan3A_215 = arith.constant 0 : i32
      %scan3A_216 = arith.addi %scan3A_214, %scan3A_215 : i32
      %scan3A_217 = arith.constant 0 : i32
      %lt3A_218 = arith.constant 39 : i32
      %lt3A_219 = arith.cmpi slt, %scan3A_45, %lt3A_218 : i32
      %convert_element_type3A_220 = arith.extui %lt3A_219 : i1 to i32
      %cond3A_221 = arith.constant 0 : i32
      %cond3A_222 = arith.cmpi ne, %convert_element_type3A_220, %cond3A_221 : i32
      scf.if %cond3A_222 {
        %add3A_227 = arith.constant 1 : i32
        %add3A_228 = arith.addi %add3A_152, %add3A_227 : i32
        %shift_right_arithmetic3A_229 = arith.constant 3 : i32
        %shift_right_arithmetic3A_230 = arith.shrsi %add3A_228, %shift_right_arithmetic3A_229 : i32
        %and3A_231 = arith.constant 1 : i32
        %and3A_232 = arith.andi %shift_right_arithmetic3A_230, %and3A_231 : i32
        %mul3A_233 = arith.constant 8 : i32
        %mul3A_234 = arith.muli %and3A_232, %mul3A_233 : i32
        %and3A_235 = arith.constant 7 : i32
        %and3A_236 = arith.andi %add3A_228, %and3A_235 : i32
        %add3A_237 = arith.addi %mul3A_234, %and3A_236 : i32
        %dma_start3A_238 = arith.constant 0 : i32
        %dma_start3A_239 = arith.constant 0 : i32
        %dma_start3A_240 = tpu.memref_slice %arg10[%dma_start3A_238, %dma_start3A_239] : memref<2x128xf32, #tpu.memory_space<vmem>> -> memref<1x128xf32, #tpu.memory_space<vmem>>
        %dma_start3A_241 = tpu.memref_squeeze %dma_start3A_240 : memref<1x128xf32, #tpu.memory_space<vmem>> -> memref<128xf32, #tpu.memory_space<vmem>>
        %dma_start3A_242 = arith.constant 0 : i32
        %dma_start3A_243 = tpu.memref_slice %arg8[%add3A_237, %dma_start3A_242] : memref<16x128xi32, #tpu.memory_space<vmem>> -> memref<1x128xi32, #tpu.memory_space<vmem>>
        %dma_start3A_244 = tpu.memref_squeeze %dma_start3A_243 : memref<1x128xi32, #tpu.memory_space<vmem>> -> memref<128xi32, #tpu.memory_space<vmem>>
        %dma_start3A_245 = arith.constant 0 : i32
        %dma_start3A_246 = tpu.memref_slice %arg4[%dma_start3A_245] : memref<10240xf32, #tpu.memory_space<hbm>> -> memref<10240xf32, #tpu.memory_space<hbm>>
        tpu.enqueue_indirect_dma source(%dma_start3A_246 : memref<10240xf32, #tpu.memory_space<hbm>>) target(%dma_start3A_241 : memref<128xf32, #tpu.memory_space<vmem>>) offsets(%dma_start3A_244 : memref<128xi32, #tpu.memory_space<vmem>>) semaphore(%arg16 : memref<!tpu.dma_semaphore, #tpu.memory_space<semaphore_mem>>)
        %shift_right_arithmetic3A_247 = arith.constant 3 : i32
        %shift_right_arithmetic3A_248 = arith.shrsi %add3A_228, %shift_right_arithmetic3A_247 : i32
        %and3A_249 = arith.constant 1 : i32
        %and3A_250 = arith.andi %shift_right_arithmetic3A_248, %and3A_249 : i32
        %mul3A_251 = arith.constant 8 : i32
        %mul3A_252 = arith.muli %and3A_250, %mul3A_251 : i32
        %and3A_253 = arith.constant 7 : i32
        %and3A_254 = arith.andi %add3A_228, %and3A_253 : i32
        %add3A_255 = arith.addi %mul3A_252, %and3A_254 : i32
        %dma_start3A_256 = arith.constant 0 : i32
        %dma_start3A_257 = arith.constant 0 : i32
        %dma_start3A_258 = tpu.memref_slice %arg11[%dma_start3A_256, %dma_start3A_257] : memref<2x128xf32, #tpu.memory_space<vmem>> -> memref<1x128xf32, #tpu.memory_space<vmem>>
        %dma_start3A_259 = tpu.memref_squeeze %dma_start3A_258 : memref<1x128xf32, #tpu.memory_space<vmem>> -> memref<128xf32, #tpu.memory_space<vmem>>
        %dma_start3A_260 = arith.constant 0 : i32
        %dma_start3A_261 = tpu.memref_slice %arg9[%add3A_255, %dma_start3A_260] : memref<16x128xi32, #tpu.memory_space<vmem>> -> memref<1x128xi32, #tpu.memory_space<vmem>>
        %dma_start3A_262 = tpu.memref_squeeze %dma_start3A_261 : memref<1x128xi32, #tpu.memory_space<vmem>> -> memref<128xi32, #tpu.memory_space<vmem>>
        %dma_start3A_263 = arith.constant 0 : i32
        %dma_start3A_264 = tpu.memref_slice %arg4[%dma_start3A_263] : memref<10240xf32, #tpu.memory_space<hbm>> -> memref<10240xf32, #tpu.memory_space<hbm>>
        tpu.enqueue_indirect_dma source(%dma_start3A_264 : memref<10240xf32, #tpu.memory_space<hbm>>) target(%dma_start3A_259 : memref<128xf32, #tpu.memory_space<vmem>>) offsets(%dma_start3A_262 : memref<128xi32, #tpu.memory_space<vmem>>) semaphore(%arg16 : memref<!tpu.dma_semaphore, #tpu.memory_space<semaphore_mem>>)
      } else {
      }
      %scan3A_223 = arith.constant 4 : i32
      %scan3A_224 = arith.constant 0 : i32
      %scan3A_225 = arith.addi %scan3A_223, %scan3A_224 : i32
      %scan3A_226 = arith.constant 0 : i32
    }
    %scan3A_38 = arith.constant 40 : i32
    %barrier3A_39 = arith.constant 0 : index
    tpu.barrier barrier_id(%barrier3A_39)
    %lt3A_40 = arith.constant 10 : i32
    %lt3A_41 = arith.cmpi slt, %arg1, %lt3A_40 : i32
    %convert_element_type3A_42 = arith.extui %lt3A_41 : i1 to i32
    %cond3A_43 = arith.constant 0 : i32
    %cond3A_44 = arith.cmpi ne, %convert_element_type3A_42, %cond3A_43 : i32
    scf.if %cond3A_44 {
      %mul3A_45 = arith.constant 1000 : i32
      %mul3A_46 = arith.muli %arg1, %mul3A_45 : i32
      %mul3A_47 = arith.constant 10000 : i32
      %mul3A_48 = arith.muli %arg0, %mul3A_47 : i32
      %mul3A_49 = arith.constant 1000 : i32
      %mul3A_50 = arith.muli %arg1, %mul3A_49 : i32
      %add3A_51 = arith.addi %mul3A_48, %mul3A_50 : i32
      "tpu.region"() ({
        %run_scoped3A = tpu.sem_alloc : memref<!tpu.dma_semaphore, #tpu.memory_space<semaphore_mem>>
        %dma_start3A_52 = arith.constant 0 : i32
        %dma_start3A_53 = tpu.memref_slice %arg7[%add3A_51, %dma_start3A_52] : memref<20000x128xf32, #tpu.memory_space<hbm>> -> memref<1000x128xf32, #tpu.memory_space<hbm>>
        %dma_start3A_54 = arith.constant 0 : i32
        %dma_start3A_55 = tpu.memref_slice %arg18[%mul3A_46, %dma_start3A_54] : memref<10048x128xf32, #tpu.memory_space<vmem_shared>> -> memref<1000x128xf32, #tpu.memory_space<vmem_shared>>
        tpu.enqueue_dma source(%dma_start3A_55 : memref<1000x128xf32, #tpu.memory_space<vmem_shared>>) target(%dma_start3A_53 : memref<1000x128xf32, #tpu.memory_space<hbm>>) target_semaphore(%run_scoped3A : memref<!tpu.dma_semaphore, #tpu.memory_space<semaphore_mem>>)
        %dma_wait3A = arith.constant 0 : i32
        %dma_wait3A_56 = tpu.memref_slice %arg7[%add3A_51, %dma_wait3A] : memref<20000x128xf32, #tpu.memory_space<hbm>> -> memref<1000x128xf32, #tpu.memory_space<hbm>>
        %dma_wait3A_57 = arith.constant 0 : i32
        %dma_wait3A_58 = tpu.memref_slice %arg18[%mul3A_46, %dma_wait3A_57] : memref<10048x128xf32, #tpu.memory_space<vmem_shared>> -> memref<1000x128xf32, #tpu.memory_space<vmem_shared>>
        tpu.wait_dma2 semaphore(%run_scoped3A : memref<!tpu.dma_semaphore, #tpu.memory_space<semaphore_mem>>) src(%dma_wait3A_58 : memref<1000x128xf32, #tpu.memory_space<vmem_shared>>) dst(%dma_wait3A_56 : memref<1000x128xf32, #tpu.memory_space<hbm>>)
        tpu.yield
      }) : () -> ()
    } else {
    }
    return
  }
}

#map = affine_map<(d0, d1) -> (0, 0)>
#map1 = affine_map<(d0, d1) -> (0)>
#map2 = affine_map<(d0, d1) -> (0, 0, 0)>
module attributes {stable_mosaic.version = 14 : i64} {
  func.func @_conv_body(%arg0: i32, %arg1: i32, %arg2: memref<10240x128xf32, #tpu.memory_space<hbm>>, %arg3: memref<327680x128xf32, #tpu.memory_space<hbm>>, %arg4: memref<10240xf32, #tpu.memory_space<hbm>>, %arg5: memref<32x80x128xi32, #tpu.memory_space<hbm>>, %arg6: memref<32x80x128xi32, #tpu.memory_space<hbm>>, %arg7: memref<20000x128xf32, #tpu.memory_space<hbm>>, %arg8: memref<16x128xi32, #tpu.memory_space<vmem>>, %arg9: memref<16x128xi32, #tpu.memory_space<vmem>>, %arg10: memref<2x128xf32, #tpu.memory_space<vmem>>, %arg11: memref<2x128xf32, #tpu.memory_space<vmem>>, %arg12: memref<128x128xf32, #tpu.memory_space<vmem>>, %arg13: memref<128x128xf32, #tpu.memory_space<vmem>>, %arg14: memref<!tpu.dma_semaphore, #tpu.memory_space<semaphore_mem>>, %arg15: memref<!tpu.dma_semaphore, #tpu.memory_space<semaphore_mem>>, %arg16: memref<!tpu.dma_semaphore, #tpu.memory_space<semaphore_mem>>, %arg17: memref<!tpu.dma_semaphore, #tpu.memory_space<semaphore_mem>>, %arg18: memref<10048x128xf32, #tpu.memory_space<vmem_shared>>) attributes {dimension_semantics = [#tpu.dimension_semantics<core_parallel>, #tpu.dimension_semantics<subcore_parallel>], iteration_bounds = array<i64: 2, 16>, scalar_prefetch = 0 : i64, scratch_operands = 11 : i64, tpu.core_type = #tpu.core_type<sc_vector_subcore>, window_params = [{transform_indices = #map}, {transform_indices = #map}, {transform_indices = #map1}, {transform_indices = #map2}, {transform_indices = #map2}, {transform_indices = #map}]} {
    %mul3A = arith.constant 16 : i32
    %mul3A_0 = arith.muli %arg0, %mul3A : i32
    %add3A = arith.addi %mul3A_0, %arg1 : i32
    %scan3A = arith.constant 0 : i32
    %scan3A_1 = arith.constant 128 : i32
    %scan3A_2 = arith.addi %scan3A, %scan3A_1 : i32
    %scan3A_3 = arith.constant 1 : i32
    scf.for %scan3A_45 = %scan3A to %scan3A_2 step %scan3A_3  : i32 {
      %broadcast_in_dim3A = arith.constant 0.000000e+00 : f32
      %broadcast_in_dim3A_46 = vector.broadcast %broadcast_in_dim3A : f32 to vector<16xf32>
      %swap3A = arith.index_cast %scan3A_45 : i32 to index
      %swap3A_47 = arith.constant 0 : index
      %swap3A_48 = tpu.vector_load %arg12[%swap3A, %swap3A_47] {strides = array<i32>} : memref<128x128xf32, #tpu.memory_space<vmem>>, vector<1x16xf32>,
      %swap3A_49 = vector.shape_cast %swap3A_48 : vector<1x16xf32> to vector<16xf32>
      %swap3A_50 = vector.shape_cast %broadcast_in_dim3A_46 : vector<16xf32> to vector<1x16xf32>
      tpu.vector_store %arg12[%swap3A, %swap3A_47], %swap3A_50 {strides = array<i32>} : memref<128x128xf32, #tpu.memory_space<vmem>>, vector<1x16xf32>,
      %broadcast_in_dim3A_51 = arith.constant 0.000000e+00 : f32
      %broadcast_in_dim3A_52 = vector.broadcast %broadcast_in_dim3A_51 : f32 to vector<16xf32>
      %swap3A_53 = arith.index_cast %scan3A_45 : i32 to index
      %swap3A_54 = arith.constant 16 : index
      %swap3A_55 = tpu.vector_load %arg12[%swap3A_53, %swap3A_54] {strides = array<i32>} : memref<128x128xf32, #tpu.memory_space<vmem>>, vector<1x16xf32>,
      %swap3A_56 = vector.shape_cast %swap3A_55 : vector<1x16xf32> to vector<16xf32>
      %swap3A_57 = vector.shape_cast %broadcast_in_dim3A_52 : vector<16xf32> to vector<1x16xf32>
      tpu.vector_store %arg12[%swap3A_53, %swap3A_54], %swap3A_57 {strides = array<i32>} : memref<128x128xf32, #tpu.memory_space<vmem>>, vector<1x16xf32>,
      %broadcast_in_dim3A_58 = arith.constant 0.000000e+00 : f32
      %broadcast_in_dim3A_59 = vector.broadcast %broadcast_in_dim3A_58 : f32 to vector<16xf32>
      %swap3A_60 = arith.index_cast %scan3A_45 : i32 to index
      %swap3A_61 = arith.constant 32 : index
      %swap3A_62 = tpu.vector_load %arg12[%swap3A_60, %swap3A_61] {strides = array<i32>} : memref<128x128xf32, #tpu.memory_space<vmem>>, vector<1x16xf32>,
      %swap3A_63 = vector.shape_cast %swap3A_62 : vector<1x16xf32> to vector<16xf32>
      %swap3A_64 = vector.shape_cast %broadcast_in_dim3A_59 : vector<16xf32> to vector<1x16xf32>
      tpu.vector_store %arg12[%swap3A_60, %swap3A_61], %swap3A_64 {strides = array<i32>} : memref<128x128xf32, #tpu.memory_space<vmem>>, vector<1x16xf32>,
      %broadcast_in_dim3A_65 = arith.constant 0.000000e+00 : f32
      %broadcast_in_dim3A_66 = vector.broadcast %broadcast_in_dim3A_65 : f32 to vector<16xf32>
      %swap3A_67 = arith.index_cast %scan3A_45 : i32 to index
      %swap3A_68 = arith.constant 48 : index
      %swap3A_69 = tpu.vector_load %arg12[%swap3A_67, %swap3A_68] {strides = array<i32>} : memref<128x128xf32, #tpu.memory_space<vmem>>, vector<1x16xf32>,
      %swap3A_70 = vector.shape_cast %swap3A_69 : vector<1x16xf32> to vector<16xf32>
      %swap3A_71 = vector.shape_cast %broadcast_in_dim3A_66 : vector<16xf32> to vector<1x16xf32>
      tpu.vector_store %arg12[%swap3A_67, %swap3A_68], %swap3A_71 {strides = array<i32>} : memref<128x128xf32, #tpu.memory_space<vmem>>, vector<1x16xf32>,
      %broadcast_in_dim3A_72 = arith.constant 0.000000e+00 : f32
      %broadcast_in_dim3A_73 = vector.broadcast %broadcast_in_dim3A_72 : f32 to vector<16xf32>
      %swap3A_74 = arith.index_cast %scan3A_45 : i32 to index
      %swap3A_75 = arith.constant 64 : index
      %swap3A_76 = tpu.vector_load %arg12[%swap3A_74, %swap3A_75] {strides = array<i32>} : memref<128x128xf32, #tpu.memory_space<vmem>>, vector<1x16xf32>,
      %swap3A_77 = vector.shape_cast %swap3A_76 : vector<1x16xf32> to vector<16xf32>
      %swap3A_78 = vector.shape_cast %broadcast_in_dim3A_73 : vector<16xf32> to vector<1x16xf32>
      tpu.vector_store %arg12[%swap3A_74, %swap3A_75], %swap3A_78 {strides = array<i32>} : memref<128x128xf32, #tpu.memory_space<vmem>>, vector<1x16xf32>,
      %broadcast_in_dim3A_79 = arith.constant 0.000000e+00 : f32
      %broadcast_in_dim3A_80 = vector.broadcast %broadcast_in_dim3A_79 : f32 to vector<16xf32>
      %swap3A_81 = arith.index_cast %scan3A_45 : i32 to index
      %swap3A_82 = arith.constant 80 : index
      %swap3A_83 = tpu.vector_load %arg12[%swap3A_81, %swap3A_82] {strides = array<i32>} : memref<128x128xf32, #tpu.memory_space<vmem>>, vector<1x16xf32>,
      %swap3A_84 = vector.shape_cast %swap3A_83 : vector<1x16xf32> to vector<16xf32>
      %swap3A_85 = vector.shape_cast %broadcast_in_dim3A_80 : vector<16xf32> to vector<1x16xf32>
      tpu.vector_store %arg12[%swap3A_81, %swap3A_82], %swap3A_85 {strides = array<i32>} : memref<128x128xf32, #tpu.memory_space<vmem>>, vector<1x16xf32>,
      %broadcast_in_dim3A_86 = arith.constant 0.000000e+00 : f32
      %broadcast_in_dim3A_87 = vector.broadcast %broadcast_in_dim3A_86 : f32 to vector<16xf32>
      %swap3A_88 = arith.index_cast %scan3A_45 : i32 to index
      %swap3A_89 = arith.constant 96 : index
      %swap3A_90 = tpu.vector_load %arg12[%swap3A_88, %swap3A_89] {strides = array<i32>} : memref<128x128xf32, #tpu.memory_space<vmem>>, vector<1x16xf32>,
      %swap3A_91 = vector.shape_cast %swap3A_90 : vector<1x16xf32> to vector<16xf32>
      %swap3A_92 = vector.shape_cast %broadcast_in_dim3A_87 : vector<16xf32> to vector<1x16xf32>
      tpu.vector_store %arg12[%swap3A_88, %swap3A_89], %swap3A_92 {strides = array<i32>} : memref<128x128xf32, #tpu.memory_space<vmem>>, vector<1x16xf32>,
      %broadcast_in_dim3A_93 = arith.constant 0.000000e+00 : f32
      %broadcast_in_dim3A_94 = vector.broadcast %broadcast_in_dim3A_93 : f32 to vector<16xf32>
      %swap3A_95 = arith.index_cast %scan3A_45 : i32 to index
      %swap3A_96 = arith.constant 112 : index
      %swap3A_97 = tpu.vector_load %arg12[%swap3A_95, %swap3A_96] {strides = array<i32>} : memref<128x128xf32, #tpu.memory_space<vmem>>, vector<1x16xf32>,
      %swap3A_98 = vector.shape_cast %swap3A_97 : vector<1x16xf32> to vector<16xf32>
      %swap3A_99 = vector.shape_cast %broadcast_in_dim3A_94 : vector<16xf32> to vector<1x16xf32>
      tpu.vector_store %arg12[%swap3A_95, %swap3A_96], %swap3A_99 {strides = array<i32>} : memref<128x128xf32, #tpu.memory_space<vmem>>, vector<1x16xf32>,
    }
    %scan3A_4 = arith.constant 128 : i32
    %lt3A = arith.constant 10 : i32
    %lt3A_5 = arith.cmpi slt, %arg1, %lt3A : i32
    %convert_element_type3A = arith.extui %lt3A_5 : i1 to i32
    %cond3A = arith.constant 0 : i32
    %cond3A_6 = arith.cmpi ne, %convert_element_type3A, %cond3A : i32
    scf.if %cond3A_6 {
      %mul3A_45 = arith.constant 1000 : i32
      %mul3A_46 = arith.muli %arg1, %mul3A_45 : i32
      %add3A_47 = arith.constant 0 : i32
      %add3A_48 = arith.addi %mul3A_46, %add3A_47 : i32
      "tpu.region"() ({
        %run_scoped3A = tpu.sem_alloc : memref<!tpu.dma_semaphore, #tpu.memory_space<semaphore_mem>>
        %dma_start3A_77 = arith.constant 0 : i32
        %dma_start3A_78 = tpu.memref_slice %arg18[%add3A_48, %dma_start3A_77] : memref<10048x128xf32, #tpu.memory_space<vmem_shared>> -> memref<128x128xf32, #tpu.memory_space<vmem_shared>>
        %dma_start3A_79 = arith.constant 0 : i32
        %dma_start3A_80 = tpu.memref_slice %arg18[%add3A_48, %dma_start3A_79] : memref<10048x128xf32, #tpu.memory_space<vmem_shared>> -> memref<128x128xf32, #tpu.memory_space<vmem_shared>>
        tpu.enqueue_dma source(%arg12 : memref<128x128xf32, #tpu.memory_space<vmem>>) target(%dma_start3A_80 : memref<128x128xf32, #tpu.memory_space<vmem_shared>>) target_semaphore(%run_scoped3A : memref<!tpu.dma_semaphore, #tpu.memory_space<semaphore_mem>>)
        %dma_wait3A = arith.constant 0 : i32
        %dma_wait3A_81 = tpu.memref_slice %arg18[%add3A_48, %dma_wait3A] : memref<10048x128xf32, #tpu.memory_space<vmem_shared>> -> memref<128x128xf32, #tpu.memory_space<vmem_shared>>
        %dma_wait3A_82 = arith.constant 0 : i32
        %dma_wait3A_83 = tpu.memref_slice %arg18[%add3A_48, %dma_wait3A_82] : memref<10048x128xf32, #tpu.memory_space<vmem_shared>> -> memref<128x128xf32, #tpu.memory_space<vmem_shared>>
        tpu.wait_dma2 semaphore(%run_scoped3A : memref<!tpu.dma_semaphore, #tpu.memory_space<semaphore_mem>>) src(%arg12 : memref<128x128xf32, #tpu.memory_space<vmem>>) dst(%dma_wait3A_83 : memref<128x128xf32, #tpu.memory_space<vmem_shared>>)
        tpu.yield
      }) : () -> ()
      %mul3A_49 = arith.constant 1000 : i32
      %mul3A_50 = arith.muli %arg1, %mul3A_49 : i32
      %add3A_51 = arith.constant 128 : i32
      %add3A_52 = arith.addi %mul3A_50, %add3A_51 : i32
      "tpu.region"() ({
        %run_scoped3A = tpu.sem_alloc : memref<!tpu.dma_semaphore, #tpu.memory_space<semaphore_mem>>
        %dma_start3A_77 = arith.constant 0 : i32
        %dma_start3A_78 = tpu.memref_slice %arg18[%add3A_52, %dma_start3A_77] : memref<10048x128xf32, #tpu.memory_space<vmem_shared>> -> memref<128x128xf32, #tpu.memory_space<vmem_shared>>
        %dma_start3A_79 = arith.constant 0 : i32
        %dma_start3A_80 = tpu.memref_slice %arg18[%add3A_52, %dma_start3A_79] : memref<10048x128xf32, #tpu.memory_space<vmem_shared>> -> memref<128x128xf32, #tpu.memory_space<vmem_shared>>
        tpu.enqueue_dma source(%arg12 : memref<128x128xf32, #tpu.memory_space<vmem>>) target(%dma_start3A_80 : memref<128x128xf32, #tpu.memory_space<vmem_shared>>) target_semaphore(%run_scoped3A : memref<!tpu.dma_semaphore, #tpu.memory_space<semaphore_mem>>)
        %dma_wait3A = arith.constant 0 : i32
        %dma_wait3A_81 = tpu.memref_slice %arg18[%add3A_52, %dma_wait3A] : memref<10048x128xf32, #tpu.memory_space<vmem_shared>> -> memref<128x128xf32, #tpu.memory_space<vmem_shared>>
        %dma_wait3A_82 = arith.constant 0 : i32
        %dma_wait3A_83 = tpu.memref_slice %arg18[%add3A_52, %dma_wait3A_82] : memref<10048x128xf32, #tpu.memory_space<vmem_shared>> -> memref<128x128xf32, #tpu.memory_space<vmem_shared>>
        tpu.wait_dma2 semaphore(%run_scoped3A : memref<!tpu.dma_semaphore, #tpu.memory_space<semaphore_mem>>) src(%arg12 : memref<128x128xf32, #tpu.memory_space<vmem>>) dst(%dma_wait3A_83 : memref<128x128xf32, #tpu.memory_space<vmem_shared>>)
        tpu.yield
      }) : () -> ()
      %mul3A_53 = arith.constant 1000 : i32
      %mul3A_54 = arith.muli %arg1, %mul3A_53 : i32
      %add3A_55 = arith.constant 256 : i32
      %add3A_56 = arith.addi %mul3A_54, %add3A_55 : i32
      "tpu.region"() ({
        %run_scoped3A = tpu.sem_alloc : memref<!tpu.dma_semaphore, #tpu.memory_space<semaphore_mem>>
        %dma_start3A_77 = arith.constant 0 : i32
        %dma_start3A_78 = tpu.memref_slice %arg18[%add3A_56, %dma_start3A_77] : memref<10048x128xf32, #tpu.memory_space<vmem_shared>> -> memref<128x128xf32, #tpu.memory_space<vmem_shared>>
        %dma_start3A_79 = arith.constant 0 : i32
        %dma_start3A_80 = tpu.memref_slice %arg18[%add3A_56, %dma_start3A_79] : memref<10048x128xf32, #tpu.memory_space<vmem_shared>> -> memref<128x128xf32, #tpu.memory_space<vmem_shared>>
        tpu.enqueue_dma source(%arg12 : memref<128x128xf32, #tpu.memory_space<vmem>>) target(%dma_start3A_80 : memref<128x128xf32, #tpu.memory_space<vmem_shared>>) target_semaphore(%run_scoped3A : memref<!tpu.dma_semaphore, #tpu.memory_space<semaphore_mem>>)
        %dma_wait3A = arith.constant 0 : i32
        %dma_wait3A_81 = tpu.memref_slice %arg18[%add3A_56, %dma_wait3A] : memref<10048x128xf32, #tpu.memory_space<vmem_shared>> -> memref<128x128xf32, #tpu.memory_space<vmem_shared>>
        %dma_wait3A_82 = arith.constant 0 : i32
        %dma_wait3A_83 = tpu.memref_slice %arg18[%add3A_56, %dma_wait3A_82] : memref<10048x128xf32, #tpu.memory_space<vmem_shared>> -> memref<128x128xf32, #tpu.memory_space<vmem_shared>>
        tpu.wait_dma2 semaphore(%run_scoped3A : memref<!tpu.dma_semaphore, #tpu.memory_space<semaphore_mem>>) src(%arg12 : memref<128x128xf32, #tpu.memory_space<vmem>>) dst(%dma_wait3A_83 : memref<128x128xf32, #tpu.memory_space<vmem_shared>>)
        tpu.yield
      }) : () -> ()
      %mul3A_57 = arith.constant 1000 : i32
      %mul3A_58 = arith.muli %arg1, %mul3A_57 : i32
      %add3A_59 = arith.constant 384 : i32
      %add3A_60 = arith.addi %mul3A_58, %add3A_59 : i32
      "tpu.region"() ({
        %run_scoped3A = tpu.sem_alloc : memref<!tpu.dma_semaphore, #tpu.memory_space<semaphore_mem>>
        %dma_start3A_77 = arith.constant 0 : i32
        %dma_start3A_78 = tpu.memref_slice %arg18[%add3A_60, %dma_start3A_77] : memref<10048x128xf32, #tpu.memory_space<vmem_shared>> -> memref<128x128xf32, #tpu.memory_space<vmem_shared>>
        %dma_start3A_79 = arith.constant 0 : i32
        %dma_start3A_80 = tpu.memref_slice %arg18[%add3A_60, %dma_start3A_79] : memref<10048x128xf32, #tpu.memory_space<vmem_shared>> -> memref<128x128xf32, #tpu.memory_space<vmem_shared>>
        tpu.enqueue_dma source(%arg12 : memref<128x128xf32, #tpu.memory_space<vmem>>) target(%dma_start3A_80 : memref<128x128xf32, #tpu.memory_space<vmem_shared>>) target_semaphore(%run_scoped3A : memref<!tpu.dma_semaphore, #tpu.memory_space<semaphore_mem>>)
        %dma_wait3A = arith.constant 0 : i32
        %dma_wait3A_81 = tpu.memref_slice %arg18[%add3A_60, %dma_wait3A] : memref<10048x128xf32, #tpu.memory_space<vmem_shared>> -> memref<128x128xf32, #tpu.memory_space<vmem_shared>>
        %dma_wait3A_82 = arith.constant 0 : i32
        %dma_wait3A_83 = tpu.memref_slice %arg18[%add3A_60, %dma_wait3A_82] : memref<10048x128xf32, #tpu.memory_space<vmem_shared>> -> memref<128x128xf32, #tpu.memory_space<vmem_shared>>
        tpu.wait_dma2 semaphore(%run_scoped3A : memref<!tpu.dma_semaphore, #tpu.memory_space<semaphore_mem>>) src(%arg12 : memref<128x128xf32, #tpu.memory_space<vmem>>) dst(%dma_wait3A_83 : memref<128x128xf32, #tpu.memory_space<vmem_shared>>)
        tpu.yield
      }) : () -> ()
      %mul3A_61 = arith.constant 1000 : i32
      %mul3A_62 = arith.muli %arg1, %mul3A_61 : i32
      %add3A_63 = arith.constant 512 : i32
      %add3A_64 = arith.addi %mul3A_62, %add3A_63 : i32
      "tpu.region"() ({
        %run_scoped3A = tpu.sem_alloc : memref<!tpu.dma_semaphore, #tpu.memory_space<semaphore_mem>>
        %dma_start3A_77 = arith.constant 0 : i32
        %dma_start3A_78 = tpu.memref_slice %arg18[%add3A_64, %dma_start3A_77] : memref<10048x128xf32, #tpu.memory_space<vmem_shared>> -> memref<128x128xf32, #tpu.memory_space<vmem_shared>>
        %dma_start3A_79 = arith.constant 0 : i32
        %dma_start3A_80 = tpu.memref_slice %arg18[%add3A_64, %dma_start3A_79] : memref<10048x128xf32, #tpu.memory_space<vmem_shared>> -> memref<128x128xf32, #tpu.memory_space<vmem_shared>>
        tpu.enqueue_dma source(%arg12 : memref<128x128xf32, #tpu.memory_space<vmem>>) target(%dma_start3A_80 : memref<128x128xf32, #tpu.memory_space<vmem_shared>>) target_semaphore(%run_scoped3A : memref<!tpu.dma_semaphore, #tpu.memory_space<semaphore_mem>>)
        %dma_wait3A = arith.constant 0 : i32
        %dma_wait3A_81 = tpu.memref_slice %arg18[%add3A_64, %dma_wait3A] : memref<10048x128xf32, #tpu.memory_space<vmem_shared>> -> memref<128x128xf32, #tpu.memory_space<vmem_shared>>
        %dma_wait3A_82 = arith.constant 0 : i32
        %dma_wait3A_83 = tpu.memref_slice %arg18[%add3A_64, %dma_wait3A_82] : memref<10048x128xf32, #tpu.memory_space<vmem_shared>> -> memref<128x128xf32, #tpu.memory_space<vmem_shared>>
        tpu.wait_dma2 semaphore(%run_scoped3A : memref<!tpu.dma_semaphore, #tpu.memory_space<semaphore_mem>>) src(%arg12 : memref<128x128xf32, #tpu.memory_space<vmem>>) dst(%dma_wait3A_83 : memref<128x128xf32, #tpu.memory_space<vmem_shared>>)
        tpu.yield
      }) : () -> ()
      %mul3A_65 = arith.constant 1000 : i32
      %mul3A_66 = arith.muli %arg1, %mul3A_65 : i32
      %add3A_67 = arith.constant 640 : i32
      %add3A_68 = arith.addi %mul3A_66, %add3A_67 : i32
      "tpu.region"() ({
        %run_scoped3A = tpu.sem_alloc : memref<!tpu.dma_semaphore, #tpu.memory_space<semaphore_mem>>
        %dma_start3A_77 = arith.constant 0 : i32
        %dma_start3A_78 = tpu.memref_slice %arg18[%add3A_68, %dma_start3A_77] : memref<10048x128xf32, #tpu.memory_space<vmem_shared>> -> memref<128x128xf32, #tpu.memory_space<vmem_shared>>
        %dma_start3A_79 = arith.constant 0 : i32
        %dma_start3A_80 = tpu.memref_slice %arg18[%add3A_68, %dma_start3A_79] : memref<10048x128xf32, #tpu.memory_space<vmem_shared>> -> memref<128x128xf32, #tpu.memory_space<vmem_shared>>
        tpu.enqueue_dma source(%arg12 : memref<128x128xf32, #tpu.memory_space<vmem>>) target(%dma_start3A_80 : memref<128x128xf32, #tpu.memory_space<vmem_shared>>) target_semaphore(%run_scoped3A : memref<!tpu.dma_semaphore, #tpu.memory_space<semaphore_mem>>)
        %dma_wait3A = arith.constant 0 : i32
        %dma_wait3A_81 = tpu.memref_slice %arg18[%add3A_68, %dma_wait3A] : memref<10048x128xf32, #tpu.memory_space<vmem_shared>> -> memref<128x128xf32, #tpu.memory_space<vmem_shared>>
        %dma_wait3A_82 = arith.constant 0 : i32
        %dma_wait3A_83 = tpu.memref_slice %arg18[%add3A_68, %dma_wait3A_82] : memref<10048x128xf32, #tpu.memory_space<vmem_shared>> -> memref<128x128xf32, #tpu.memory_space<vmem_shared>>
        tpu.wait_dma2 semaphore(%run_scoped3A : memref<!tpu.dma_semaphore, #tpu.memory_space<semaphore_mem>>) src(%arg12 : memref<128x128xf32, #tpu.memory_space<vmem>>) dst(%dma_wait3A_83 : memref<128x128xf32, #tpu.memory_space<vmem_shared>>)
        tpu.yield
      }) : () -> ()
      %mul3A_69 = arith.constant 1000 : i32
      %mul3A_70 = arith.muli %arg1, %mul3A_69 : i32
      %add3A_71 = arith.constant 768 : i32
      %add3A_72 = arith.addi %mul3A_70, %add3A_71 : i32
      "tpu.region"() ({
        %run_scoped3A = tpu.sem_alloc : memref<!tpu.dma_semaphore, #tpu.memory_space<semaphore_mem>>
        %dma_start3A_77 = arith.constant 0 : i32
        %dma_start3A_78 = tpu.memref_slice %arg18[%add3A_72, %dma_start3A_77] : memref<10048x128xf32, #tpu.memory_space<vmem_shared>> -> memref<128x128xf32, #tpu.memory_space<vmem_shared>>
        %dma_start3A_79 = arith.constant 0 : i32
        %dma_start3A_80 = tpu.memref_slice %arg18[%add3A_72, %dma_start3A_79] : memref<10048x128xf32, #tpu.memory_space<vmem_shared>> -> memref<128x128xf32, #tpu.memory_space<vmem_shared>>
        tpu.enqueue_dma source(%arg12 : memref<128x128xf32, #tpu.memory_space<vmem>>) target(%dma_start3A_80 : memref<128x128xf32, #tpu.memory_space<vmem_shared>>) target_semaphore(%run_scoped3A : memref<!tpu.dma_semaphore, #tpu.memory_space<semaphore_mem>>)
        %dma_wait3A = arith.constant 0 : i32
        %dma_wait3A_81 = tpu.memref_slice %arg18[%add3A_72, %dma_wait3A] : memref<10048x128xf32, #tpu.memory_space<vmem_shared>> -> memref<128x128xf32, #tpu.memory_space<vmem_shared>>
        %dma_wait3A_82 = arith.constant 0 : i32
        %dma_wait3A_83 = tpu.memref_slice %arg18[%add3A_72, %dma_wait3A_82] : memref<10048x128xf32, #tpu.memory_space<vmem_shared>> -> memref<128x128xf32, #tpu.memory_space<vmem_shared>>
        tpu.wait_dma2 semaphore(%run_scoped3A : memref<!tpu.dma_semaphore, #tpu.memory_space<semaphore_mem>>) src(%arg12 : memref<128x128xf32, #tpu.memory_space<vmem>>) dst(%dma_wait3A_83 : memref<128x128xf32, #tpu.memory_space<vmem_shared>>)
        tpu.yield
      }) : () -> ()
      %mul3A_73 = arith.constant 1000 : i32
      %mul3A_74 = arith.muli %arg1, %mul3A_73 : i32
      %add3A_75 = arith.constant 896 : i32
      %add3A_76 = arith.addi %mul3A_74, %add3A_75 : i32
      "tpu.region"() ({
        %run_scoped3A = tpu.sem_alloc : memref<!tpu.dma_semaphore, #tpu.memory_space<semaphore_mem>>
        %dma_start3A_77 = arith.constant 0 : i32
        %dma_start3A_78 = arith.constant 0 : i32
        %dma_start3A_79 = tpu.memref_slice %arg12[%dma_start3A_77, %dma_start3A_78] : memref<128x128xf32, #tpu.memory_space<vmem>> -> memref<104x128xf32, #tpu.memory_space<vmem>>
        %dma_start3A_80 = arith.constant 0 : i32
        %dma_start3A_81 = tpu.memref_slice %arg18[%add3A_76, %dma_start3A_80] : memref<10048x128xf32, #tpu.memory_space<vmem_shared>> -> memref<104x128xf32, #tpu.memory_space<vmem_shared>>
        %dma_start3A_82 = arith.constant 0 : i32
        %dma_start3A_83 = tpu.memref_slice %arg18[%add3A_76, %dma_start3A_82] : memref<10048x128xf32, #tpu.memory_space<vmem_shared>> -> memref<104x128xf32, #tpu.memory_space<vmem_shared>>
        %dma_start3A_84 = arith.constant 0 : i32
        %dma_start3A_85 = arith.constant 0 : i32
        %dma_start3A_86 = tpu.memref_slice %arg12[%dma_start3A_84, %dma_start3A_85] : memref<128x128xf32, #tpu.memory_space<vmem>> -> memref<104x128xf32, #tpu.memory_space<vmem>>
        tpu.enqueue_dma source(%dma_start3A_86 : memref<104x128xf32, #tpu.memory_space<vmem>>) target(%dma_start3A_83 : memref<104x128xf32, #tpu.memory_space<vmem_shared>>) target_semaphore(%run_scoped3A : memref<!tpu.dma_semaphore, #tpu.memory_space<semaphore_mem>>)
        %dma_wait3A = arith.constant 0 : i32
        %dma_wait3A_87 = arith.constant 0 : i32
        %dma_wait3A_88 = tpu.memref_slice %arg12[%dma_wait3A, %dma_wait3A_87] : memref<128x128xf32, #tpu.memory_space<vmem>> -> memref<104x128xf32, #tpu.memory_space<vmem>>
        %dma_wait3A_89 = arith.constant 0 : i32
        %dma_wait3A_90 = tpu.memref_slice %arg18[%add3A_76, %dma_wait3A_89] : memref<10048x128xf32, #tpu.memory_space<vmem_shared>> -> memref<104x128xf32, #tpu.memory_space<vmem_shared>>
        %dma_wait3A_91 = arith.constant 0 : i32
        %dma_wait3A_92 = tpu.memref_slice %arg18[%add3A_76, %dma_wait3A_91] : memref<10048x128xf32, #tpu.memory_space<vmem_shared>> -> memref<104x128xf32, #tpu.memory_space<vmem_shared>>
        %dma_wait3A_93 = arith.constant 0 : i32
        %dma_wait3A_94 = arith.constant 0 : i32
        %dma_wait3A_95 = tpu.memref_slice %arg12[%dma_wait3A_93, %dma_wait3A_94] : memref<128x128xf32, #tpu.memory_space<vmem>> -> memref<104x128xf32, #tpu.memory_space<vmem>>
        tpu.wait_dma2 semaphore(%run_scoped3A : memref<!tpu.dma_semaphore, #tpu.memory_space<semaphore_mem>>) src(%dma_wait3A_95 : memref<104x128xf32, #tpu.memory_space<vmem>>) dst(%dma_wait3A_92 : memref<104x128xf32, #tpu.memory_space<vmem_shared>>)
        tpu.yield
      }) : () -> ()
    } else {
    }
    %barrier3A = arith.constant 0 : index
    tpu.barrier barrier_id(%barrier3A)
    "tpu.region"() ({
      %run_scoped3A = tpu.sem_alloc : memref<!tpu.dma_semaphore, #tpu.memory_space<semaphore_mem>>
      %dma_start3A_45 = arith.constant 0 : i32
      %dma_start3A_46 = arith.constant 0 : i32
      %dma_start3A_47 = tpu.memref_slice %arg8[%dma_start3A_45, %dma_start3A_46] : memref<16x128xi32, #tpu.memory_space<vmem>> -> memref<8x128xi32, #tpu.memory_space<vmem>>
      %dma_start3A_48 = arith.constant 0 : i32
      %dma_start3A_49 = arith.constant 0 : i32
      %dma_start3A_50 = tpu.memref_slice %arg5[%add3A, %dma_start3A_48, %dma_start3A_49] : memref<32x80x128xi32, #tpu.memory_space<hbm>> -> memref<1x80x128xi32, #tpu.memory_space<hbm>>
      %dma_start3A_51 = tpu.memref_squeeze %dma_start3A_50 : memref<1x80x128xi32, #tpu.memory_space<hbm>> -> memref<80x128xi32, #tpu.memory_space<hbm>>
      %dma_start3A_52 = arith.constant 0 : i32
      %dma_start3A_53 = arith.constant 0 : i32
      %dma_start3A_54 = tpu.memref_slice %dma_start3A_51[%dma_start3A_52, %dma_start3A_53] : memref<80x128xi32, #tpu.memory_space<hbm>> -> memref<8x128xi32, #tpu.memory_space<hbm>>
      %dma_start3A_55 = arith.constant 0 : i32
      %dma_start3A_56 = arith.constant 0 : i32
      %dma_start3A_57 = tpu.memref_slice %arg8[%dma_start3A_55, %dma_start3A_56] : memref<16x128xi32, #tpu.memory_space<vmem>> -> memref<8x128xi32, #tpu.memory_space<vmem>>
      %dma_start3A_58 = arith.constant 0 : i32
      %dma_start3A_59 = arith.constant 0 : i32
      %dma_start3A_60 = tpu.memref_slice %arg5[%add3A, %dma_start3A_58, %dma_start3A_59] : memref<32x80x128xi32, #tpu.memory_space<hbm>> -> memref<1x80x128xi32, #tpu.memory_space<hbm>>
      %dma_start3A_61 = tpu.memref_squeeze %dma_start3A_60 : memref<1x80x128xi32, #tpu.memory_space<hbm>> -> memref<80x128xi32, #tpu.memory_space<hbm>>
      %dma_start3A_62 = arith.constant 0 : i32
      %dma_start3A_63 = arith.constant 0 : i32
      %dma_start3A_64 = tpu.memref_slice %dma_start3A_61[%dma_start3A_62, %dma_start3A_63] : memref<80x128xi32, #tpu.memory_space<hbm>> -> memref<8x128xi32, #tpu.memory_space<hbm>>
      tpu.enqueue_dma source(%dma_start3A_64 : memref<8x128xi32, #tpu.memory_space<hbm>>) target(%dma_start3A_57 : memref<8x128xi32, #tpu.memory_space<vmem>>) target_semaphore(%run_scoped3A : memref<!tpu.dma_semaphore, #tpu.memory_space<semaphore_mem>>)
      %dma_wait3A = arith.constant 0 : i32
      %dma_wait3A_65 = arith.constant 0 : i32
      %dma_wait3A_66 = tpu.memref_slice %arg8[%dma_wait3A, %dma_wait3A_65] : memref<16x128xi32, #tpu.memory_space<vmem>> -> memref<8x128xi32, #tpu.memory_space<vmem>>
      %dma_wait3A_67 = arith.constant 0 : i32
      %dma_wait3A_68 = arith.constant 0 : i32
      %dma_wait3A_69 = tpu.memref_slice %arg5[%add3A, %dma_wait3A_67, %dma_wait3A_68] : memref<32x80x128xi32, #tpu.memory_space<hbm>> -> memref<1x80x128xi32, #tpu.memory_space<hbm>>
      %dma_wait3A_70 = tpu.memref_squeeze %dma_wait3A_69 : memref<1x80x128xi32, #tpu.memory_space<hbm>> -> memref<80x128xi32, #tpu.memory_space<hbm>>
      %dma_wait3A_71 = arith.constant 0 : i32
      %dma_wait3A_72 = arith.constant 0 : i32
      %dma_wait3A_73 = tpu.memref_slice %dma_wait3A_70[%dma_wait3A_71, %dma_wait3A_72] : memref<80x128xi32, #tpu.memory_space<hbm>> -> memref<8x128xi32, #tpu.memory_space<hbm>>
      %dma_wait3A_74 = arith.constant 0 : i32
      %dma_wait3A_75 = arith.constant 0 : i32
      %dma_wait3A_76 = tpu.memref_slice %arg8[%dma_wait3A_74, %dma_wait3A_75] : memref<16x128xi32, #tpu.memory_space<vmem>> -> memref<8x128xi32, #tpu.memory_space<vmem>>
      %dma_wait3A_77 = arith.constant 0 : i32
      %dma_wait3A_78 = arith.constant 0 : i32
      %dma_wait3A_79 = tpu.memref_slice %arg5[%add3A, %dma_wait3A_77, %dma_wait3A_78] : memref<32x80x128xi32, #tpu.memory_space<hbm>> -> memref<1x80x128xi32, #tpu.memory_space<hbm>>
      %dma_wait3A_80 = tpu.memref_squeeze %dma_wait3A_79 : memref<1x80x128xi32, #tpu.memory_space<hbm>> -> memref<80x128xi32, #tpu.memory_space<hbm>>
      %dma_wait3A_81 = arith.constant 0 : i32
      %dma_wait3A_82 = arith.constant 0 : i32
      %dma_wait3A_83 = tpu.memref_slice %dma_wait3A_80[%dma_wait3A_81, %dma_wait3A_82] : memref<80x128xi32, #tpu.memory_space<hbm>> -> memref<8x128xi32, #tpu.memory_space<hbm>>
      tpu.wait_dma2 semaphore(%run_scoped3A : memref<!tpu.dma_semaphore, #tpu.memory_space<semaphore_mem>>) src(%dma_wait3A_83 : memref<8x128xi32, #tpu.memory_space<hbm>>) dst(%dma_wait3A_76 : memref<8x128xi32, #tpu.memory_space<vmem>>)
      tpu.yield
    }) : () -> ()
    "tpu.region"() ({
      %run_scoped3A = tpu.sem_alloc : memref<!tpu.dma_semaphore, #tpu.memory_space<semaphore_mem>>
      %dma_start3A_45 = arith.constant 0 : i32
      %dma_start3A_46 = arith.constant 0 : i32
      %dma_start3A_47 = tpu.memref_slice %arg9[%dma_start3A_45, %dma_start3A_46] : memref<16x128xi32, #tpu.memory_space<vmem>> -> memref<8x128xi32, #tpu.memory_space<vmem>>
      %dma_start3A_48 = arith.constant 0 : i32
      %dma_start3A_49 = arith.constant 0 : i32
      %dma_start3A_50 = tpu.memref_slice %arg6[%add3A, %dma_start3A_48, %dma_start3A_49] : memref<32x80x128xi32, #tpu.memory_space<hbm>> -> memref<1x80x128xi32, #tpu.memory_space<hbm>>
      %dma_start3A_51 = tpu.memref_squeeze %dma_start3A_50 : memref<1x80x128xi32, #tpu.memory_space<hbm>> -> memref<80x128xi32, #tpu.memory_space<hbm>>
      %dma_start3A_52 = arith.constant 0 : i32
      %dma_start3A_53 = arith.constant 0 : i32
      %dma_start3A_54 = tpu.memref_slice %dma_start3A_51[%dma_start3A_52, %dma_start3A_53] : memref<80x128xi32, #tpu.memory_space<hbm>> -> memref<8x128xi32, #tpu.memory_space<hbm>>
      %dma_start3A_55 = arith.constant 0 : i32
      %dma_start3A_56 = arith.constant 0 : i32
      %dma_start3A_57 = tpu.memref_slice %arg9[%dma_start3A_55, %dma_start3A_56] : memref<16x128xi32, #tpu.memory_space<vmem>> -> memref<8x128xi32, #tpu.memory_space<vmem>>
      %dma_start3A_58 = arith.constant 0 : i32
      %dma_start3A_59 = arith.constant 0 : i32
      %dma_start3A_60 = tpu.memref_slice %arg6[%add3A, %dma_start3A_58, %dma_start3A_59] : memref<32x80x128xi32, #tpu.memory_space<hbm>> -> memref<1x80x128xi32, #tpu.memory_space<hbm>>
      %dma_start3A_61 = tpu.memref_squeeze %dma_start3A_60 : memref<1x80x128xi32, #tpu.memory_space<hbm>> -> memref<80x128xi32, #tpu.memory_space<hbm>>
      %dma_start3A_62 = arith.constant 0 : i32
      %dma_start3A_63 = arith.constant 0 : i32
      %dma_start3A_64 = tpu.memref_slice %dma_start3A_61[%dma_start3A_62, %dma_start3A_63] : memref<80x128xi32, #tpu.memory_space<hbm>> -> memref<8x128xi32, #tpu.memory_space<hbm>>
      tpu.enqueue_dma source(%dma_start3A_64 : memref<8x128xi32, #tpu.memory_space<hbm>>) target(%dma_start3A_57 : memref<8x128xi32, #tpu.memory_space<vmem>>) target_semaphore(%run_scoped3A : memref<!tpu.dma_semaphore, #tpu.memory_space<semaphore_mem>>)
      %dma_wait3A = arith.constant 0 : i32
      %dma_wait3A_65 = arith.constant 0 : i32
      %dma_wait3A_66 = tpu.memref_slice %arg9[%dma_wait3A, %dma_wait3A_65] : memref<16x128xi32, #tpu.memory_space<vmem>> -> memref<8x128xi32, #tpu.memory_space<vmem>>
      %dma_wait3A_67 = arith.constant 0 : i32
      %dma_wait3A_68 = arith.constant 0 : i32
      %dma_wait3A_69 = tpu.memref_slice %arg6[%add3A, %dma_wait3A_67, %dma_wait3A_68] : memref<32x80x128xi32, #tpu.memory_space<hbm>> -> memref<1x80x128xi32, #tpu.memory_space<hbm>>
      %dma_wait3A_70 = tpu.memref_squeeze %dma_wait3A_69 : memref<1x80x128xi32, #tpu.memory_space<hbm>> -> memref<80x128xi32, #tpu.memory_space<hbm>>
      %dma_wait3A_71 = arith.constant 0 : i32
      %dma_wait3A_72 = arith.constant 0 : i32
      %dma_wait3A_73 = tpu.memref_slice %dma_wait3A_70[%dma_wait3A_71, %dma_wait3A_72] : memref<80x128xi32, #tpu.memory_space<hbm>> -> memref<8x128xi32, #tpu.memory_space<hbm>>
      %dma_wait3A_74 = arith.constant 0 : i32
      %dma_wait3A_75 = arith.constant 0 : i32
      %dma_wait3A_76 = tpu.memref_slice %arg9[%dma_wait3A_74, %dma_wait3A_75] : memref<16x128xi32, #tpu.memory_space<vmem>> -> memref<8x128xi32, #tpu.memory_space<vmem>>
      %dma_wait3A_77 = arith.constant 0 : i32
      %dma_wait3A_78 = arith.constant 0 : i32
      %dma_wait3A_79 = tpu.memref_slice %arg6[%add3A, %dma_wait3A_77, %dma_wait3A_78] : memref<32x80x128xi32, #tpu.memory_space<hbm>> -> memref<1x80x128xi32, #tpu.memory_space<hbm>>
      %dma_wait3A_80 = tpu.memref_squeeze %dma_wait3A_79 : memref<1x80x128xi32, #tpu.memory_space<hbm>> -> memref<80x128xi32, #tpu.memory_space<hbm>>
      %dma_wait3A_81 = arith.constant 0 : i32
      %dma_wait3A_82 = arith.constant 0 : i32
      %dma_wait3A_83 = tpu.memref_slice %dma_wait3A_80[%dma_wait3A_81, %dma_wait3A_82] : memref<80x128xi32, #tpu.memory_space<hbm>> -> memref<8x128xi32, #tpu.memory_space<hbm>>
      tpu.wait_dma2 semaphore(%run_scoped3A : memref<!tpu.dma_semaphore, #tpu.memory_space<semaphore_mem>>) src(%dma_wait3A_83 : memref<8x128xi32, #tpu.memory_space<hbm>>) dst(%dma_wait3A_76 : memref<8x128xi32, #tpu.memory_space<vmem>>)
      tpu.yield
    }) : () -> ()
    %mul3A_7 = arith.constant 10240 : i32
    %mul3A_8 = arith.muli %add3A, %mul3A_7 : i32
    %add3A_9 = arith.constant 0 : i32
    %add3A_10 = arith.addi %mul3A_8, %add3A_9 : i32
    %dma_start3A = arith.constant 0 : i32
    %dma_start3A_11 = tpu.memref_slice %arg3[%add3A_10, %dma_start3A] : memref<327680x128xf32, #tpu.memory_space<hbm>> -> memref<128x128xf32, #tpu.memory_space<hbm>>
    %dma_start3A_12 = arith.constant 0 : i32
    %dma_start3A_13 = tpu.memref_slice %arg3[%add3A_10, %dma_start3A_12] : memref<327680x128xf32, #tpu.memory_space<hbm>> -> memref<128x128xf32, #tpu.memory_space<hbm>>
    tpu.enqueue_dma source(%dma_start3A_13 : memref<128x128xf32, #tpu.memory_space<hbm>>) target(%arg12 : memref<128x128xf32, #tpu.memory_space<vmem>>) target_semaphore(%arg14 : memref<!tpu.dma_semaphore, #tpu.memory_space<semaphore_mem>>)
    %dma_start3A_14 = arith.constant 0 : i32
    %dma_start3A_15 = arith.constant 0 : i32
    %dma_start3A_16 = arith.constant 0 : i32
    %dma_start3A_17 = tpu.memref_slice %arg10[%dma_start3A_15, %dma_start3A_16] : memref<2x128xf32, #tpu.memory_space<vmem>> -> memref<1x128xf32, #tpu.memory_space<vmem>>
    %dma_start3A_18 = tpu.memref_squeeze %dma_start3A_17 : memref<1x128xf32, #tpu.memory_space<vmem>> -> memref<128xf32, #tpu.memory_space<vmem>>
    %dma_start3A_19 = arith.constant 0 : i32
    %dma_start3A_20 = tpu.memref_slice %arg8[%dma_start3A_14, %dma_start3A_19] : memref<16x128xi32, #tpu.memory_space<vmem>> -> memref<1x128xi32, #tpu.memory_space<vmem>>
    %dma_start3A_21 = tpu.memref_squeeze %dma_start3A_20 : memref<1x128xi32, #tpu.memory_space<vmem>> -> memref<128xi32, #tpu.memory_space<vmem>>
    %dma_start3A_22 = arith.constant 0 : i32
    %dma_start3A_23 = tpu.memref_slice %arg4[%dma_start3A_22] : memref<10240xf32, #tpu.memory_space<hbm>> -> memref<10240xf32, #tpu.memory_space<hbm>>
    tpu.enqueue_indirect_dma source(%dma_start3A_23 : memref<10240xf32, #tpu.memory_space<hbm>>) target(%dma_start3A_18 : memref<128xf32, #tpu.memory_space<vmem>>) offsets(%dma_start3A_21 : memref<128xi32, #tpu.memory_space<vmem>>) semaphore(%arg16 : memref<!tpu.dma_semaphore, #tpu.memory_space<semaphore_mem>>)
    %dma_start3A_24 = arith.constant 0 : i32
    %dma_start3A_25 = arith.constant 0 : i32
    %dma_start3A_26 = arith.constant 0 : i32
    %dma_start3A_27 = tpu.memref_slice %arg11[%dma_start3A_25, %dma_start3A_26] : memref<2x128xf32, #tpu.memory_space<vmem>> -> memref<1x128xf32, #tpu.memory_space<vmem>>
    %dma_start3A_28 = tpu.memref_squeeze %dma_start3A_27 : memref<1x128xf32, #tpu.memory_space<vmem>> -> memref<128xf32, #tpu.memory_space<vmem>>
    %dma_start3A_29 = arith.constant 0 : i32
    %dma_start3A_30 = tpu.memref_slice %arg9[%dma_start3A_24, %dma_start3A_29] : memref<16x128xi32, #tpu.memory_space<vmem>> -> memref<1x128xi32, #tpu.memory_space<vmem>>
    %dma_start3A_31 = tpu.memref_squeeze %dma_start3A_30 : memref<1x128xi32, #tpu.memory_space<vmem>> -> memref<128xi32, #tpu.memory_space<vmem>>
    %dma_start3A_32 = arith.constant 0 : i32
    %dma_start3A_33 = tpu.memref_slice %arg4[%dma_start3A_32] : memref<10240xf32, #tpu.memory_space<hbm>> -> memref<10240xf32, #tpu.memory_space<hbm>>
    tpu.enqueue_indirect_dma source(%dma_start3A_33 : memref<10240xf32, #tpu.memory_space<hbm>>) target(%dma_start3A_28 : memref<128xf32, #tpu.memory_space<vmem>>) offsets(%dma_start3A_31 : memref<128xi32, #tpu.memory_space<vmem>>) semaphore(%arg16 : memref<!tpu.dma_semaphore, #tpu.memory_space<semaphore_mem>>)
    %scan3A_34 = arith.constant 0 : i32
    %scan3A_35 = arith.constant 40 : i32
    %scan3A_36 = arith.addi %scan3A_34, %scan3A_35 : i32
    %scan3A_37 = arith.constant 1 : i32
    scf.for %scan3A_45 = %scan3A_34 to %scan3A_36 step %scan3A_37  : i32 {
      %mul3A_46 = arith.constant 2 : i32
      %mul3A_47 = arith.muli %mul3A_46, %scan3A_45 : i32
      %add3A_48 = arith.constant 0 : i32
      %add3A_49 = arith.addi %mul3A_47, %add3A_48 : i32
      %mul3A_50 = arith.constant 10240 : i32
      %mul3A_51 = arith.muli %add3A, %mul3A_50 : i32
      %mul3A_52 = arith.constant 128 : i32
      %mul3A_53 = arith.muli %add3A_49, %mul3A_52 : i32
      %add3A_54 = arith.addi %mul3A_51, %mul3A_53 : i32
      %dma_wait3A = arith.constant 0 : i32
      %dma_wait3A_55 = tpu.memref_slice %arg3[%add3A_54, %dma_wait3A] : memref<327680x128xf32, #tpu.memory_space<hbm>> -> memref<128x128xf32, #tpu.memory_space<hbm>>
      %dma_wait3A_56 = arith.constant 0 : i32
      %dma_wait3A_57 = tpu.memref_slice %arg3[%add3A_54, %dma_wait3A_56] : memref<327680x128xf32, #tpu.memory_space<hbm>> -> memref<128x128xf32, #tpu.memory_space<hbm>>
      tpu.wait_dma2 semaphore(%arg14 : memref<!tpu.dma_semaphore, #tpu.memory_space<semaphore_mem>>) src(%dma_wait3A_57 : memref<128x128xf32, #tpu.memory_space<hbm>>) dst(%arg12 : memref<128x128xf32, #tpu.memory_space<vmem>>)
      %add3A_58 = arith.constant 1 : i32
      %add3A_59 = arith.addi %add3A_49, %add3A_58 : i32
      %mul3A_60 = arith.constant 10240 : i32
      %mul3A_61 = arith.muli %add3A, %mul3A_60 : i32
      %mul3A_62 = arith.constant 128 : i32
      %mul3A_63 = arith.muli %add3A_59, %mul3A_62 : i32
      %add3A_64 = arith.addi %mul3A_61, %mul3A_63 : i32
      %dma_start3A_65 = arith.constant 0 : i32
      %dma_start3A_66 = tpu.memref_slice %arg3[%add3A_64, %dma_start3A_65] : memref<327680x128xf32, #tpu.memory_space<hbm>> -> memref<128x128xf32, #tpu.memory_space<hbm>>
      %dma_start3A_67 = arith.constant 0 : i32
      %dma_start3A_68 = tpu.memref_slice %arg3[%add3A_64, %dma_start3A_67] : memref<327680x128xf32, #tpu.memory_space<hbm>> -> memref<128x128xf32, #tpu.memory_space<hbm>>
      tpu.enqueue_dma source(%dma_start3A_68 : memref<128x128xf32, #tpu.memory_space<hbm>>) target(%arg13 : memref<128x128xf32, #tpu.memory_space<vmem>>) target_semaphore(%arg14 : memref<!tpu.dma_semaphore, #tpu.memory_space<semaphore_mem>>)
      %shift_right_arithmetic3A = arith.constant 3 : i32
      %shift_right_arithmetic3A_69 = arith.shrsi %add3A_49, %shift_right_arithmetic3A : i32
      %and3A = arith.constant 1 : i32
      %and3A_70 = arith.andi %shift_right_arithmetic3A_69, %and3A : i32
      %mul3A_71 = arith.constant 8 : i32
      %mul3A_72 = arith.muli %and3A_70, %mul3A_71 : i32
      %and3A_73 = arith.constant 7 : i32
      %and3A_74 = arith.andi %add3A_49, %and3A_73 : i32
      %add3A_75 = arith.addi %mul3A_72, %and3A_74 : i32
      %dma_wait3A_76 = arith.constant 0 : i32
      %dma_wait3A_77 = arith.constant 0 : i32
      %dma_wait3A_78 = tpu.memref_slice %arg10[%dma_wait3A_76, %dma_wait3A_77] : memref<2x128xf32, #tpu.memory_space<vmem>> -> memref<1x128xf32, #tpu.memory_space<vmem>>
      %dma_wait3A_79 = tpu.memref_squeeze %dma_wait3A_78 : memref<1x128xf32, #tpu.memory_space<vmem>> -> memref<128xf32, #tpu.memory_space<vmem>>
      %dma_wait3A_80 = arith.constant 0 : i32
      %dma_wait3A_81 = tpu.memref_slice %arg8[%add3A_75, %dma_wait3A_80] : memref<16x128xi32, #tpu.memory_space<vmem>> -> memref<1x128xi32, #tpu.memory_space<vmem>>
      %dma_wait3A_82 = tpu.memref_squeeze %dma_wait3A_81 : memref<1x128xi32, #tpu.memory_space<vmem>> -> memref<128xi32, #tpu.memory_space<vmem>>
      %dma_wait3A_83 = arith.constant 0 : i32
      %dma_wait3A_84 = tpu.memref_slice %arg4[%dma_wait3A_83] : memref<10240xf32, #tpu.memory_space<hbm>> -> memref<10240xf32, #tpu.memory_space<hbm>>
      tpu.wait_indirect_dma semaphore(%arg16 : memref<!tpu.dma_semaphore, #tpu.memory_space<semaphore_mem>>) src(%dma_wait3A_84 : memref<10240xf32, #tpu.memory_space<hbm>>) dst(%dma_wait3A_79 : memref<128xf32, #tpu.memory_space<vmem>>)
      %shift_right_arithmetic3A_85 = arith.constant 3 : i32
      %shift_right_arithmetic3A_86 = arith.shrsi %add3A_49, %shift_right_arithmetic3A_85 : i32
      %and3A_87 = arith.constant 1 : i32
      %and3A_88 = arith.andi %shift_right_arithmetic3A_86, %and3A_87 : i32
      %mul3A_89 = arith.constant 8 : i32
      %mul3A_90 = arith.muli %and3A_88, %mul3A_89 : i32
      %and3A_91 = arith.constant 7 : i32
      %and3A_92 = arith.andi %add3A_49, %and3A_91 : i32
      %add3A_93 = arith.addi %mul3A_90, %and3A_92 : i32
      %dma_wait3A_94 = arith.constant 0 : i32
      %dma_wait3A_95 = arith.constant 0 : i32
      %dma_wait3A_96 = tpu.memref_slice %arg11[%dma_wait3A_94, %dma_wait3A_95] : memref<2x128xf32, #tpu.memory_space<vmem>> -> memref<1x128xf32, #tpu.memory_space<vmem>>
      %dma_wait3A_97 = tpu.memref_squeeze %dma_wait3A_96 : memref<1x128xf32, #tpu.memory_space<vmem>> -> memref<128xf32, #tpu.memory_space<vmem>>
      %dma_wait3A_98 = arith.constant 0 : i32
      %dma_wait3A_99 = tpu.memref_slice %arg9[%add3A_93, %dma_wait3A_98] : memref<16x128xi32, #tpu.memory_space<vmem>> -> memref<1x128xi32, #tpu.memory_space<vmem>>
      %dma_wait3A_100 = tpu.memref_squeeze %dma_wait3A_99 : memref<1x128xi32, #tpu.memory_space<vmem>> -> memref<128xi32, #tpu.memory_space<vmem>>
      %dma_wait3A_101 = arith.constant 0 : i32
      %dma_wait3A_102 = tpu.memref_slice %arg4[%dma_wait3A_101] : memref<10240xf32, #tpu.memory_space<hbm>> -> memref<10240xf32, #tpu.memory_space<hbm>>
      tpu.wait_indirect_dma semaphore(%arg16 : memref<!tpu.dma_semaphore, #tpu.memory_space<semaphore_mem>>) src(%dma_wait3A_102 : memref<10240xf32, #tpu.memory_space<hbm>>) dst(%dma_wait3A_97 : memref<128xf32, #tpu.memory_space<vmem>>)
      %scan3A_103 = arith.constant 0 : i32
      %scan3A_104 = arith.constant 0 : i32
      %scan3A_105 = arith.addi %scan3A_103, %scan3A_104 : i32
      %scan3A_106 = arith.constant 0 : i32
      %add3A_107 = arith.constant 1 : i32
      %add3A_108 = arith.addi %add3A_49, %add3A_107 : i32
      %shift_right_arithmetic3A_109 = arith.constant 3 : i32
      %shift_right_arithmetic3A_110 = arith.shrsi %add3A_108, %shift_right_arithmetic3A_109 : i32
      %and3A_111 = arith.constant 1 : i32
      %and3A_112 = arith.andi %shift_right_arithmetic3A_110, %and3A_111 : i32
      %mul3A_113 = arith.constant 8 : i32
      %mul3A_114 = arith.muli %and3A_112, %mul3A_113 : i32
      %and3A_115 = arith.constant 7 : i32
      %and3A_116 = arith.andi %add3A_108, %and3A_115 : i32
      %add3A_117 = arith.addi %mul3A_114, %and3A_116 : i32
      %dma_start3A_118 = arith.constant 1 : i32
      %dma_start3A_119 = arith.constant 0 : i32
      %dma_start3A_120 = tpu.memref_slice %arg10[%dma_start3A_118, %dma_start3A_119] : memref<2x128xf32, #tpu.memory_space<vmem>> -> memref<1x128xf32, #tpu.memory_space<vmem>>
      %dma_start3A_121 = tpu.memref_squeeze %dma_start3A_120 : memref<1x128xf32, #tpu.memory_space<vmem>> -> memref<128xf32, #tpu.memory_space<vmem>>
      %dma_start3A_122 = arith.constant 0 : i32
      %dma_start3A_123 = tpu.memref_slice %arg8[%add3A_117, %dma_start3A_122] : memref<16x128xi32, #tpu.memory_space<vmem>> -> memref<1x128xi32, #tpu.memory_space<vmem>>
      %dma_start3A_124 = tpu.memref_squeeze %dma_start3A_123 : memref<1x128xi32, #tpu.memory_space<vmem>> -> memref<128xi32, #tpu.memory_space<vmem>>
      %dma_start3A_125 = arith.constant 0 : i32
      %dma_start3A_126 = tpu.memref_slice %arg4[%dma_start3A_125] : memref<10240xf32, #tpu.memory_space<hbm>> -> memref<10240xf32, #tpu.memory_space<hbm>>
      tpu.enqueue_indirect_dma source(%dma_start3A_126 : memref<10240xf32, #tpu.memory_space<hbm>>) target(%dma_start3A_121 : memref<128xf32, #tpu.memory_space<vmem>>) offsets(%dma_start3A_124 : memref<128xi32, #tpu.memory_space<vmem>>) semaphore(%arg16 : memref<!tpu.dma_semaphore, #tpu.memory_space<semaphore_mem>>)
      %shift_right_arithmetic3A_127 = arith.constant 3 : i32
      %shift_right_arithmetic3A_128 = arith.shrsi %add3A_108, %shift_right_arithmetic3A_127 : i32
      %and3A_129 = arith.constant 1 : i32
      %and3A_130 = arith.andi %shift_right_arithmetic3A_128, %and3A_129 : i32
      %mul3A_131 = arith.constant 8 : i32
      %mul3A_132 = arith.muli %and3A_130, %mul3A_131 : i32
      %and3A_133 = arith.constant 7 : i32
      %and3A_134 = arith.andi %add3A_108, %and3A_133 : i32
      %add3A_135 = arith.addi %mul3A_132, %and3A_134 : i32
      %dma_start3A_136 = arith.constant 1 : i32
      %dma_start3A_137 = arith.constant 0 : i32
      %dma_start3A_138 = tpu.memref_slice %arg11[%dma_start3A_136, %dma_start3A_137] : memref<2x128xf32, #tpu.memory_space<vmem>> -> memref<1x128xf32, #tpu.memory_space<vmem>>
      %dma_start3A_139 = tpu.memref_squeeze %dma_start3A_138 : memref<1x128xf32, #tpu.memory_space<vmem>> -> memref<128xf32, #tpu.memory_space<vmem>>
      %dma_start3A_140 = arith.constant 0 : i32
      %dma_start3A_141 = tpu.memref_slice %arg9[%add3A_135, %dma_start3A_140] : memref<16x128xi32, #tpu.memory_space<vmem>> -> memref<1x128xi32, #tpu.memory_space<vmem>>
      %dma_start3A_142 = tpu.memref_squeeze %dma_start3A_141 : memref<1x128xi32, #tpu.memory_space<vmem>> -> memref<128xi32, #tpu.memory_space<vmem>>
      %dma_start3A_143 = arith.constant 0 : i32
      %dma_start3A_144 = tpu.memref_slice %arg4[%dma_start3A_143] : memref<10240xf32, #tpu.memory_space<hbm>> -> memref<10240xf32, #tpu.memory_space<hbm>>
      tpu.enqueue_indirect_dma source(%dma_start3A_144 : memref<10240xf32, #tpu.memory_space<hbm>>) target(%dma_start3A_139 : memref<128xf32, #tpu.memory_space<vmem>>) offsets(%dma_start3A_142 : memref<128xi32, #tpu.memory_space<vmem>>) semaphore(%arg16 : memref<!tpu.dma_semaphore, #tpu.memory_space<semaphore_mem>>)
      %scan3A_145 = arith.constant 4 : i32
      %scan3A_146 = arith.constant 0 : i32
      %scan3A_147 = arith.addi %scan3A_145, %scan3A_146 : i32
      %scan3A_148 = arith.constant 0 : i32
      %mul3A_149 = arith.constant 2 : i32
      %mul3A_150 = arith.muli %mul3A_149, %scan3A_45 : i32
      %add3A_151 = arith.constant 1 : i32
      %add3A_152 = arith.addi %mul3A_150, %add3A_151 : i32
      %mul3A_153 = arith.constant 10240 : i32
      %mul3A_154 = arith.muli %add3A, %mul3A_153 : i32
      %mul3A_155 = arith.constant 128 : i32
      %mul3A_156 = arith.muli %add3A_152, %mul3A_155 : i32
      %add3A_157 = arith.addi %mul3A_154, %mul3A_156 : i32
      %dma_wait3A_158 = arith.constant 0 : i32
      %dma_wait3A_159 = tpu.memref_slice %arg3[%add3A_157, %dma_wait3A_158] : memref<327680x128xf32, #tpu.memory_space<hbm>> -> memref<128x128xf32, #tpu.memory_space<hbm>>
      %dma_wait3A_160 = arith.constant 0 : i32
      %dma_wait3A_161 = tpu.memref_slice %arg3[%add3A_157, %dma_wait3A_160] : memref<327680x128xf32, #tpu.memory_space<hbm>> -> memref<128x128xf32, #tpu.memory_space<hbm>>
      tpu.wait_dma2 semaphore(%arg14 : memref<!tpu.dma_semaphore, #tpu.memory_space<semaphore_mem>>) src(%dma_wait3A_161 : memref<128x128xf32, #tpu.memory_space<hbm>>) dst(%arg13 : memref<128x128xf32, #tpu.memory_space<vmem>>)
      %add3A_162 = arith.constant 1 : i32
      %add3A_163 = arith.addi %scan3A_45, %add3A_162 : i32
      %and3A_164 = arith.constant 3 : i32
      %and3A_165 = arith.andi %add3A_163, %and3A_164 : i32
      %eq3A = arith.constant 0 : i32
      %eq3A_166 = arith.cmpi eq, %and3A_165, %eq3A : i32
      %lt3A_167 = arith.constant 39 : i32
      %lt3A_168 = arith.cmpi slt, %scan3A_45, %lt3A_167 : i32
      %and3A_169 = arith.andi %eq3A_166, %lt3A_168 : i1
      %convert_element_type3A_170 = arith.extui %and3A_169 : i1 to i32
      %cond3A_171 = arith.constant 0 : i32
      %cond3A_172 = arith.cmpi ne, %convert_element_type3A_170, %cond3A_171 : i32
      scf.if %cond3A_172 {
        %add3A_227 = arith.constant 1 : i32
        %add3A_228 = arith.addi %add3A_152, %add3A_227 : i32
        %shift_right_arithmetic3A_229 = arith.constant 3 : i32
        %shift_right_arithmetic3A_230 = arith.shrsi %add3A_228, %shift_right_arithmetic3A_229 : i32
        %and3A_231 = arith.constant 1 : i32
        %and3A_232 = arith.andi %shift_right_arithmetic3A_230, %and3A_231 : i32
        %mul3A_233 = arith.constant 8 : i32
        %mul3A_234 = arith.muli %and3A_232, %mul3A_233 : i32
        %mul3A_235 = arith.constant 8 : i32
        %mul3A_236 = arith.muli %shift_right_arithmetic3A_230, %mul3A_235 : i32
        "tpu.region"() ({
          %run_scoped3A = tpu.sem_alloc : memref<!tpu.dma_semaphore, #tpu.memory_space<semaphore_mem>>
          %dma_start3A_239 = arith.constant 0 : i32
          %dma_start3A_240 = tpu.memref_slice %arg8[%mul3A_234, %dma_start3A_239] : memref<16x128xi32, #tpu.memory_space<vmem>> -> memref<8x128xi32, #tpu.memory_space<vmem>>
          %dma_start3A_241 = arith.constant 0 : i32
          %dma_start3A_242 = arith.constant 0 : i32
          %dma_start3A_243 = tpu.memref_slice %arg5[%add3A, %dma_start3A_241, %dma_start3A_242] : memref<32x80x128xi32, #tpu.memory_space<hbm>> -> memref<1x80x128xi32, #tpu.memory_space<hbm>>
          %dma_start3A_244 = tpu.memref_squeeze %dma_start3A_243 : memref<1x80x128xi32, #tpu.memory_space<hbm>> -> memref<80x128xi32, #tpu.memory_space<hbm>>
          %dma_start3A_245 = arith.constant 0 : i32
          %dma_start3A_246 = tpu.memref_slice %dma_start3A_244[%mul3A_236, %dma_start3A_245] : memref<80x128xi32, #tpu.memory_space<hbm>> -> memref<8x128xi32, #tpu.memory_space<hbm>>
          %dma_start3A_247 = arith.constant 0 : i32
          %dma_start3A_248 = tpu.memref_slice %arg8[%mul3A_234, %dma_start3A_247] : memref<16x128xi32, #tpu.memory_space<vmem>> -> memref<8x128xi32, #tpu.memory_space<vmem>>
          %dma_start3A_249 = arith.constant 0 : i32
          %dma_start3A_250 = arith.constant 0 : i32
          %dma_start3A_251 = tpu.memref_slice %arg5[%add3A, %dma_start3A_249, %dma_start3A_250] : memref<32x80x128xi32, #tpu.memory_space<hbm>> -> memref<1x80x128xi32, #tpu.memory_space<hbm>>
          %dma_start3A_252 = tpu.memref_squeeze %dma_start3A_251 : memref<1x80x128xi32, #tpu.memory_space<hbm>> -> memref<80x128xi32, #tpu.memory_space<hbm>>
          %dma_start3A_253 = arith.constant 0 : i32
          %dma_start3A_254 = tpu.memref_slice %dma_start3A_252[%mul3A_236, %dma_start3A_253] : memref<80x128xi32, #tpu.memory_space<hbm>> -> memref<8x128xi32, #tpu.memory_space<hbm>>
          tpu.enqueue_dma source(%dma_start3A_254 : memref<8x128xi32, #tpu.memory_space<hbm>>) target(%dma_start3A_248 : memref<8x128xi32, #tpu.memory_space<vmem>>) target_semaphore(%run_scoped3A : memref<!tpu.dma_semaphore, #tpu.memory_space<semaphore_mem>>)
          %dma_wait3A_255 = arith.constant 0 : i32
          %dma_wait3A_256 = tpu.memref_slice %arg8[%mul3A_234, %dma_wait3A_255] : memref<16x128xi32, #tpu.memory_space<vmem>> -> memref<8x128xi32, #tpu.memory_space<vmem>>
          %dma_wait3A_257 = arith.constant 0 : i32
          %dma_wait3A_258 = arith.constant 0 : i32
          %dma_wait3A_259 = tpu.memref_slice %arg5[%add3A, %dma_wait3A_257, %dma_wait3A_258] : memref<32x80x128xi32, #tpu.memory_space<hbm>> -> memref<1x80x128xi32, #tpu.memory_space<hbm>>
          %dma_wait3A_260 = tpu.memref_squeeze %dma_wait3A_259 : memref<1x80x128xi32, #tpu.memory_space<hbm>> -> memref<80x128xi32, #tpu.memory_space<hbm>>
          %dma_wait3A_261 = arith.constant 0 : i32
          %dma_wait3A_262 = tpu.memref_slice %dma_wait3A_260[%mul3A_236, %dma_wait3A_261] : memref<80x128xi32, #tpu.memory_space<hbm>> -> memref<8x128xi32, #tpu.memory_space<hbm>>
          %dma_wait3A_263 = arith.constant 0 : i32
          %dma_wait3A_264 = tpu.memref_slice %arg8[%mul3A_234, %dma_wait3A_263] : memref<16x128xi32, #tpu.memory_space<vmem>> -> memref<8x128xi32, #tpu.memory_space<vmem>>
          %dma_wait3A_265 = arith.constant 0 : i32
          %dma_wait3A_266 = arith.constant 0 : i32
          %dma_wait3A_267 = tpu.memref_slice %arg5[%add3A, %dma_wait3A_265, %dma_wait3A_266] : memref<32x80x128xi32, #tpu.memory_space<hbm>> -> memref<1x80x128xi32, #tpu.memory_space<hbm>>
          %dma_wait3A_268 = tpu.memref_squeeze %dma_wait3A_267 : memref<1x80x128xi32, #tpu.memory_space<hbm>> -> memref<80x128xi32, #tpu.memory_space<hbm>>
          %dma_wait3A_269 = arith.constant 0 : i32
          %dma_wait3A_270 = tpu.memref_slice %dma_wait3A_268[%mul3A_236, %dma_wait3A_269] : memref<80x128xi32, #tpu.memory_space<hbm>> -> memref<8x128xi32, #tpu.memory_space<hbm>>
          tpu.wait_dma2 semaphore(%run_scoped3A : memref<!tpu.dma_semaphore, #tpu.memory_space<semaphore_mem>>) src(%dma_wait3A_270 : memref<8x128xi32, #tpu.memory_space<hbm>>) dst(%dma_wait3A_264 : memref<8x128xi32, #tpu.memory_space<vmem>>)
          tpu.yield
        }) : () -> ()
        %mul3A_237 = arith.constant 8 : i32
        %mul3A_238 = arith.muli %shift_right_arithmetic3A_230, %mul3A_237 : i32
        "tpu.region"() ({
          %run_scoped3A = tpu.sem_alloc : memref<!tpu.dma_semaphore, #tpu.memory_space<semaphore_mem>>
          %dma_start3A_239 = arith.constant 0 : i32
          %dma_start3A_240 = tpu.memref_slice %arg9[%mul3A_234, %dma_start3A_239] : memref<16x128xi32, #tpu.memory_space<vmem>> -> memref<8x128xi32, #tpu.memory_space<vmem>>
          %dma_start3A_241 = arith.constant 0 : i32
          %dma_start3A_242 = arith.constant 0 : i32
          %dma_start3A_243 = tpu.memref_slice %arg6[%add3A, %dma_start3A_241, %dma_start3A_242] : memref<32x80x128xi32, #tpu.memory_space<hbm>> -> memref<1x80x128xi32, #tpu.memory_space<hbm>>
          %dma_start3A_244 = tpu.memref_squeeze %dma_start3A_243 : memref<1x80x128xi32, #tpu.memory_space<hbm>> -> memref<80x128xi32, #tpu.memory_space<hbm>>
          %dma_start3A_245 = arith.constant 0 : i32
          %dma_start3A_246 = tpu.memref_slice %dma_start3A_244[%mul3A_238, %dma_start3A_245] : memref<80x128xi32, #tpu.memory_space<hbm>> -> memref<8x128xi32, #tpu.memory_space<hbm>>
          %dma_start3A_247 = arith.constant 0 : i32
          %dma_start3A_248 = tpu.memref_slice %arg9[%mul3A_234, %dma_start3A_247] : memref<16x128xi32, #tpu.memory_space<vmem>> -> memref<8x128xi32, #tpu.memory_space<vmem>>
          %dma_start3A_249 = arith.constant 0 : i32
          %dma_start3A_250 = arith.constant 0 : i32
          %dma_start3A_251 = tpu.memref_slice %arg6[%add3A, %dma_start3A_249, %dma_start3A_250] : memref<32x80x128xi32, #tpu.memory_space<hbm>> -> memref<1x80x128xi32, #tpu.memory_space<hbm>>
          %dma_start3A_252 = tpu.memref_squeeze %dma_start3A_251 : memref<1x80x128xi32, #tpu.memory_space<hbm>> -> memref<80x128xi32, #tpu.memory_space<hbm>>
          %dma_start3A_253 = arith.constant 0 : i32
          %dma_start3A_254 = tpu.memref_slice %dma_start3A_252[%mul3A_238, %dma_start3A_253] : memref<80x128xi32, #tpu.memory_space<hbm>> -> memref<8x128xi32, #tpu.memory_space<hbm>>
          tpu.enqueue_dma source(%dma_start3A_254 : memref<8x128xi32, #tpu.memory_space<hbm>>) target(%dma_start3A_248 : memref<8x128xi32, #tpu.memory_space<vmem>>) target_semaphore(%run_scoped3A : memref<!tpu.dma_semaphore, #tpu.memory_space<semaphore_mem>>)
          %dma_wait3A_255 = arith.constant 0 : i32
          %dma_wait3A_256 = tpu.memref_slice %arg9[%mul3A_234, %dma_wait3A_255] : memref<16x128xi32, #tpu.memory_space<vmem>> -> memref<8x128xi32, #tpu.memory_space<vmem>>
          %dma_wait3A_257 = arith.constant 0 : i32
          %dma_wait3A_258 = arith.constant 0 : i32
          %dma_wait3A_259 = tpu.memref_slice %arg6[%add3A, %dma_wait3A_257, %dma_wait3A_258] : memref<32x80x128xi32, #tpu.memory_space<hbm>> -> memref<1x80x128xi32, #tpu.memory_space<hbm>>
          %dma_wait3A_260 = tpu.memref_squeeze %dma_wait3A_259 : memref<1x80x128xi32, #tpu.memory_space<hbm>> -> memref<80x128xi32, #tpu.memory_space<hbm>>
          %dma_wait3A_261 = arith.constant 0 : i32
          %dma_wait3A_262 = tpu.memref_slice %dma_wait3A_260[%mul3A_238, %dma_wait3A_261] : memref<80x128xi32, #tpu.memory_space<hbm>> -> memref<8x128xi32, #tpu.memory_space<hbm>>
          %dma_wait3A_263 = arith.constant 0 : i32
          %dma_wait3A_264 = tpu.memref_slice %arg9[%mul3A_234, %dma_wait3A_263] : memref<16x128xi32, #tpu.memory_space<vmem>> -> memref<8x128xi32, #tpu.memory_space<vmem>>
          %dma_wait3A_265 = arith.constant 0 : i32
          %dma_wait3A_266 = arith.constant 0 : i32
          %dma_wait3A_267 = tpu.memref_slice %arg6[%add3A, %dma_wait3A_265, %dma_wait3A_266] : memref<32x80x128xi32, #tpu.memory_space<hbm>> -> memref<1x80x128xi32, #tpu.memory_space<hbm>>
          %dma_wait3A_268 = tpu.memref_squeeze %dma_wait3A_267 : memref<1x80x128xi32, #tpu.memory_space<hbm>> -> memref<80x128xi32, #tpu.memory_space<hbm>>
          %dma_wait3A_269 = arith.constant 0 : i32
          %dma_wait3A_270 = tpu.memref_slice %dma_wait3A_268[%mul3A_238, %dma_wait3A_269] : memref<80x128xi32, #tpu.memory_space<hbm>> -> memref<8x128xi32, #tpu.memory_space<hbm>>
          tpu.wait_dma2 semaphore(%run_scoped3A : memref<!tpu.dma_semaphore, #tpu.memory_space<semaphore_mem>>) src(%dma_wait3A_270 : memref<8x128xi32, #tpu.memory_space<hbm>>) dst(%dma_wait3A_264 : memref<8x128xi32, #tpu.memory_space<vmem>>)
          tpu.yield
        }) : () -> ()
      } else {
      }
      %lt3A_173 = arith.constant 39 : i32
      %lt3A_174 = arith.cmpi slt, %scan3A_45, %lt3A_173 : i32
      %convert_element_type3A_175 = arith.extui %lt3A_174 : i1 to i32
      %cond3A_176 = arith.constant 0 : i32
      %cond3A_177 = arith.cmpi ne, %convert_element_type3A_175, %cond3A_176 : i32
      scf.if %cond3A_177 {
        %add3A_227 = arith.constant 1 : i32
        %add3A_228 = arith.addi %add3A_152, %add3A_227 : i32
        %mul3A_229 = arith.constant 10240 : i32
        %mul3A_230 = arith.muli %add3A, %mul3A_229 : i32
        %mul3A_231 = arith.constant 128 : i32
        %mul3A_232 = arith.muli %add3A_228, %mul3A_231 : i32
        %add3A_233 = arith.addi %mul3A_230, %mul3A_232 : i32
        %dma_start3A_234 = arith.constant 0 : i32
        %dma_start3A_235 = tpu.memref_slice %arg3[%add3A_233, %dma_start3A_234] : memref<327680x128xf32, #tpu.memory_space<hbm>> -> memref<128x128xf32, #tpu.memory_space<hbm>>
        %dma_start3A_236 = arith.constant 0 : i32
        %dma_start3A_237 = tpu.memref_slice %arg3[%add3A_233, %dma_start3A_236] : memref<327680x128xf32, #tpu.memory_space<hbm>> -> memref<128x128xf32, #tpu.memory_space<hbm>>
        tpu.enqueue_dma source(%dma_start3A_237 : memref<128x128xf32, #tpu.memory_space<hbm>>) target(%arg12 : memref<128x128xf32, #tpu.memory_space<vmem>>) target_semaphore(%arg14 : memref<!tpu.dma_semaphore, #tpu.memory_space<semaphore_mem>>)
      } else {
      }
      %shift_right_arithmetic3A_178 = arith.constant 3 : i32
      %shift_right_arithmetic3A_179 = arith.shrsi %add3A_152, %shift_right_arithmetic3A_178 : i32
      %and3A_180 = arith.constant 1 : i32
      %and3A_181 = arith.andi %shift_right_arithmetic3A_179, %and3A_180 : i32
      %mul3A_182 = arith.constant 8 : i32
      %mul3A_183 = arith.muli %and3A_181, %mul3A_182 : i32
      %and3A_184 = arith.constant 7 : i32
      %and3A_185 = arith.andi %add3A_152, %and3A_184 : i32
      %add3A_186 = arith.addi %mul3A_183, %and3A_185 : i32
      %dma_wait3A_187 = arith.constant 1 : i32
      %dma_wait3A_188 = arith.constant 0 : i32
      %dma_wait3A_189 = tpu.memref_slice %arg10[%dma_wait3A_187, %dma_wait3A_188] : memref<2x128xf32, #tpu.memory_space<vmem>> -> memref<1x128xf32, #tpu.memory_space<vmem>>
      %dma_wait3A_190 = tpu.memref_squeeze %dma_wait3A_189 : memref<1x128xf32, #tpu.memory_space<vmem>> -> memref<128xf32, #tpu.memory_space<vmem>>
      %dma_wait3A_191 = arith.constant 0 : i32
      %dma_wait3A_192 = tpu.memref_slice %arg8[%add3A_186, %dma_wait3A_191] : memref<16x128xi32, #tpu.memory_space<vmem>> -> memref<1x128xi32, #tpu.memory_space<vmem>>
      %dma_wait3A_193 = tpu.memref_squeeze %dma_wait3A_192 : memref<1x128xi32, #tpu.memory_space<vmem>> -> memref<128xi32, #tpu.memory_space<vmem>>
      %dma_wait3A_194 = arith.constant 0 : i32
      %dma_wait3A_195 = tpu.memref_slice %arg4[%dma_wait3A_194] : memref<10240xf32, #tpu.memory_space<hbm>> -> memref<10240xf32, #tpu.memory_space<hbm>>
      tpu.wait_indirect_dma semaphore(%arg16 : memref<!tpu.dma_semaphore, #tpu.memory_space<semaphore_mem>>) src(%dma_wait3A_195 : memref<10240xf32, #tpu.memory_space<hbm>>) dst(%dma_wait3A_190 : memref<128xf32, #tpu.memory_space<vmem>>)
      %shift_right_arithmetic3A_196 = arith.constant 3 : i32
      %shift_right_arithmetic3A_197 = arith.shrsi %add3A_152, %shift_right_arithmetic3A_196 : i32
      %and3A_198 = arith.constant 1 : i32
      %and3A_199 = arith.andi %shift_right_arithmetic3A_197, %and3A_198 : i32
      %mul3A_200 = arith.constant 8 : i32
      %mul3A_201 = arith.muli %and3A_199, %mul3A_200 : i32
      %and3A_202 = arith.constant 7 : i32
      %and3A_203 = arith.andi %add3A_152, %and3A_202 : i32
      %add3A_204 = arith.addi %mul3A_201, %and3A_203 : i32
      %dma_wait3A_205 = arith.constant 1 : i32
      %dma_wait3A_206 = arith.constant 0 : i32
      %dma_wait3A_207 = tpu.memref_slice %arg11[%dma_wait3A_205, %dma_wait3A_206] : memref<2x128xf32, #tpu.memory_space<vmem>> -> memref<1x128xf32, #tpu.memory_space<vmem>>
      %dma_wait3A_208 = tpu.memref_squeeze %dma_wait3A_207 : memref<1x128xf32, #tpu.memory_space<vmem>> -> memref<128xf32, #tpu.memory_space<vmem>>
      %dma_wait3A_209 = arith.constant 0 : i32
      %dma_wait3A_210 = tpu.memref_slice %arg9[%add3A_204, %dma_wait3A_209] : memref<16x128xi32, #tpu.memory_space<vmem>> -> memref<1x128xi32, #tpu.memory_space<vmem>>
      %dma_wait3A_211 = tpu.memref_squeeze %dma_wait3A_210 : memref<1x128xi32, #tpu.memory_space<vmem>> -> memref<128xi32, #tpu.memory_space<vmem>>
      %dma_wait3A_212 = arith.constant 0 : i32
      %dma_wait3A_213 = tpu.memref_slice %arg4[%dma_wait3A_212] : memref<10240xf32, #tpu.memory_space<hbm>> -> memref<10240xf32, #tpu.memory_space<hbm>>
      tpu.wait_indirect_dma semaphore(%arg16 : memref<!tpu.dma_semaphore, #tpu.memory_space<semaphore_mem>>) src(%dma_wait3A_213 : memref<10240xf32, #tpu.memory_space<hbm>>) dst(%dma_wait3A_208 : memref<128xf32, #tpu.memory_space<vmem>>)
      %scan3A_214 = arith.constant 0 : i32
      %scan3A_215 = arith.constant 0 : i32
      %scan3A_216 = arith.addi %scan3A_214, %scan3A_215 : i32
      %scan3A_217 = arith.constant 0 : i32
      %lt3A_218 = arith.constant 39 : i32
      %lt3A_219 = arith.cmpi slt, %scan3A_45, %lt3A_218 : i32
      %convert_element_type3A_220 = arith.extui %lt3A_219 : i1 to i32
      %cond3A_221 = arith.constant 0 : i32
      %cond3A_222 = arith.cmpi ne, %convert_element_type3A_220, %cond3A_221 : i32
      scf.if %cond3A_222 {
        %add3A_227 = arith.constant 1 : i32
        %add3A_228 = arith.addi %add3A_152, %add3A_227 : i32
        %shift_right_arithmetic3A_229 = arith.constant 3 : i32
        %shift_right_arithmetic3A_230 = arith.shrsi %add3A_228, %shift_right_arithmetic3A_229 : i32
        %and3A_231 = arith.constant 1 : i32
        %and3A_232 = arith.andi %shift_right_arithmetic3A_230, %and3A_231 : i32
        %mul3A_233 = arith.constant 8 : i32
        %mul3A_234 = arith.muli %and3A_232, %mul3A_233 : i32
        %and3A_235 = arith.constant 7 : i32
        %and3A_236 = arith.andi %add3A_228, %and3A_235 : i32
        %add3A_237 = arith.addi %mul3A_234, %and3A_236 : i32
        %dma_start3A_238 = arith.constant 0 : i32
        %dma_start3A_239 = arith.constant 0 : i32
        %dma_start3A_240 = tpu.memref_slice %arg10[%dma_start3A_238, %dma_start3A_239] : memref<2x128xf32, #tpu.memory_space<vmem>> -> memref<1x128xf32, #tpu.memory_space<vmem>>
        %dma_start3A_241 = tpu.memref_squeeze %dma_start3A_240 : memref<1x128xf32, #tpu.memory_space<vmem>> -> memref<128xf32, #tpu.memory_space<vmem>>
        %dma_start3A_242 = arith.constant 0 : i32
        %dma_start3A_243 = tpu.memref_slice %arg8[%add3A_237, %dma_start3A_242] : memref<16x128xi32, #tpu.memory_space<vmem>> -> memref<1x128xi32, #tpu.memory_space<vmem>>
        %dma_start3A_244 = tpu.memref_squeeze %dma_start3A_243 : memref<1x128xi32, #tpu.memory_space<vmem>> -> memref<128xi32, #tpu.memory_space<vmem>>
        %dma_start3A_245 = arith.constant 0 : i32
        %dma_start3A_246 = tpu.memref_slice %arg4[%dma_start3A_245] : memref<10240xf32, #tpu.memory_space<hbm>> -> memref<10240xf32, #tpu.memory_space<hbm>>
        tpu.enqueue_indirect_dma source(%dma_start3A_246 : memref<10240xf32, #tpu.memory_space<hbm>>) target(%dma_start3A_241 : memref<128xf32, #tpu.memory_space<vmem>>) offsets(%dma_start3A_244 : memref<128xi32, #tpu.memory_space<vmem>>) semaphore(%arg16 : memref<!tpu.dma_semaphore, #tpu.memory_space<semaphore_mem>>)
        %shift_right_arithmetic3A_247 = arith.constant 3 : i32
        %shift_right_arithmetic3A_248 = arith.shrsi %add3A_228, %shift_right_arithmetic3A_247 : i32
        %and3A_249 = arith.constant 1 : i32
        %and3A_250 = arith.andi %shift_right_arithmetic3A_248, %and3A_249 : i32
        %mul3A_251 = arith.constant 8 : i32
        %mul3A_252 = arith.muli %and3A_250, %mul3A_251 : i32
        %and3A_253 = arith.constant 7 : i32
        %and3A_254 = arith.andi %add3A_228, %and3A_253 : i32
        %add3A_255 = arith.addi %mul3A_252, %and3A_254 : i32
        %dma_start3A_256 = arith.constant 0 : i32
        %dma_start3A_257 = arith.constant 0 : i32
        %dma_start3A_258 = tpu.memref_slice %arg11[%dma_start3A_256, %dma_start3A_257] : memref<2x128xf32, #tpu.memory_space<vmem>> -> memref<1x128xf32, #tpu.memory_space<vmem>>
        %dma_start3A_259 = tpu.memref_squeeze %dma_start3A_258 : memref<1x128xf32, #tpu.memory_space<vmem>> -> memref<128xf32, #tpu.memory_space<vmem>>
        %dma_start3A_260 = arith.constant 0 : i32
        %dma_start3A_261 = tpu.memref_slice %arg9[%add3A_255, %dma_start3A_260] : memref<16x128xi32, #tpu.memory_space<vmem>> -> memref<1x128xi32, #tpu.memory_space<vmem>>
        %dma_start3A_262 = tpu.memref_squeeze %dma_start3A_261 : memref<1x128xi32, #tpu.memory_space<vmem>> -> memref<128xi32, #tpu.memory_space<vmem>>
        %dma_start3A_263 = arith.constant 0 : i32
        %dma_start3A_264 = tpu.memref_slice %arg4[%dma_start3A_263] : memref<10240xf32, #tpu.memory_space<hbm>> -> memref<10240xf32, #tpu.memory_space<hbm>>
        tpu.enqueue_indirect_dma source(%dma_start3A_264 : memref<10240xf32, #tpu.memory_space<hbm>>) target(%dma_start3A_259 : memref<128xf32, #tpu.memory_space<vmem>>) offsets(%dma_start3A_262 : memref<128xi32, #tpu.memory_space<vmem>>) semaphore(%arg16 : memref<!tpu.dma_semaphore, #tpu.memory_space<semaphore_mem>>)
      } else {
      }
      %scan3A_223 = arith.constant 4 : i32
      %scan3A_224 = arith.constant 0 : i32
      %scan3A_225 = arith.addi %scan3A_223, %scan3A_224 : i32
      %scan3A_226 = arith.constant 0 : i32
    }
    %scan3A_38 = arith.constant 40 : i32
    %barrier3A_39 = arith.constant 0 : index
    tpu.barrier barrier_id(%barrier3A_39)
    %lt3A_40 = arith.constant 10 : i32
    %lt3A_41 = arith.cmpi slt, %arg1, %lt3A_40 : i32
    %convert_element_type3A_42 = arith.extui %lt3A_41 : i1 to i32
    %cond3A_43 = arith.constant 0 : i32
    %cond3A_44 = arith.cmpi ne, %convert_element_type3A_42, %cond3A_43 : i32
    scf.if %cond3A_44 {
      %mul3A_45 = arith.constant 1000 : i32
      %mul3A_46 = arith.muli %arg1, %mul3A_45 : i32
      %mul3A_47 = arith.constant 10000 : i32
      %mul3A_48 = arith.muli %arg0, %mul3A_47 : i32
      %mul3A_49 = arith.constant 1000 : i32
      %mul3A_50 = arith.muli %arg1, %mul3A_49 : i32
      %add3A_51 = arith.addi %mul3A_48, %mul3A_50 : i32
      "tpu.region"() ({
        %run_scoped3A = tpu.sem_alloc : memref<!tpu.dma_semaphore, #tpu.memory_space<semaphore_mem>>
        %dma_start3A_52 = arith.constant 0 : i32
        %dma_start3A_53 = tpu.memref_slice %arg7[%add3A_51, %dma_start3A_52] : memref<20000x128xf32, #tpu.memory_space<hbm>> -> memref<1000x128xf32, #tpu.memory_space<hbm>>
        %dma_start3A_54 = arith.constant 0 : i32
        %dma_start3A_55 = tpu.memref_slice %arg18[%mul3A_46, %dma_start3A_54] : memref<10048x128xf32, #tpu.memory_space<vmem_shared>> -> memref<1000x128xf32, #tpu.memory_space<vmem_shared>>
        tpu.enqueue_dma source(%dma_start3A_55 : memref<1000x128xf32, #tpu.memory_space<vmem_shared>>) target(%dma_start3A_53 : memref<1000x128xf32, #tpu.memory_space<hbm>>) target_semaphore(%run_scoped3A : memref<!tpu.dma_semaphore, #tpu.memory_space<semaphore_mem>>)
        %dma_wait3A = arith.constant 0 : i32
        %dma_wait3A_56 = tpu.memref_slice %arg7[%add3A_51, %dma_wait3A] : memref<20000x128xf32, #tpu.memory_space<hbm>> -> memref<1000x128xf32, #tpu.memory_space<hbm>>
        %dma_wait3A_57 = arith.constant 0 : i32
        %dma_wait3A_58 = tpu.memref_slice %arg18[%mul3A_46, %dma_wait3A_57] : memref<10048x128xf32, #tpu.memory_space<vmem_shared>> -> memref<1000x128xf32, #tpu.memory_space<vmem_shared>>
        tpu.wait_dma2 semaphore(%run_scoped3A : memref<!tpu.dma_semaphore, #tpu.memory_space<semaphore_mem>>) src(%dma_wait3A_58 : memref<1000x128xf32, #tpu.memory_space<vmem_shared>>) dst(%dma_wait3A_56 : memref<1000x128xf32, #tpu.memory_space<hbm>>)
        tpu.yield
      }) : () -> ()
    } else {
    }
    return
  }
}

#map = affine_map<(d0, d1) -> (0, 0, 0)>
#map1 = affine_map<(d0, d1) -> (0, 0)>
module attributes {stable_mosaic.version = 14 : i64} {
  func.func @_deg_body(%arg0: i32, %arg1: i32, %arg2: memref<32x80x128xi32, #tpu.memory_space<hbm>>, %arg3: memref<20000x128xf32, #tpu.memory_space<hbm>>, %arg4: memref<80x128xi32, #tpu.memory_space<vmem>>, %arg5: memref<128x128xf32, #tpu.memory_space<vmem>>, %arg6: memref<10048x128xf32, #tpu.memory_space<vmem_shared>>) attributes {dimension_semantics = [#tpu.dimension_semantics<core_parallel>, #tpu.dimension_semantics<subcore_parallel>], iteration_bounds = array<i64: 2, 16>, scalar_prefetch = 0 : i64, scratch_operands = 3 : i64, tpu.core_type = #tpu.core_type<sc_vector_subcore>, window_params = [{transform_indices = #map}, {transform_indices = #map1}]} {
    %mul3A = arith.constant 16 : i32
    %mul3A_0 = arith.muli %arg0, %mul3A : i32
    %add3A = arith.addi %mul3A_0, %arg1 : i32
    %scan3A = arith.constant 0 : i32
    %scan3A_1 = arith.constant 128 : i32
    %scan3A_2 = arith.addi %scan3A, %scan3A_1 : i32
    %scan3A_3 = arith.constant 1 : i32
    scf.for %scan3A_23 = %scan3A to %scan3A_2 step %scan3A_3  : i32 {
      %broadcast_in_dim3A = arith.constant 0.000000e+00 : f32
      %broadcast_in_dim3A_24 = vector.broadcast %broadcast_in_dim3A : f32 to vector<16xf32>
      %swap3A = arith.index_cast %scan3A_23 : i32 to index
      %swap3A_25 = arith.constant 0 : index
      %swap3A_26 = tpu.vector_load %arg5[%swap3A, %swap3A_25] {strides = array<i32>} : memref<128x128xf32, #tpu.memory_space<vmem>>, vector<1x16xf32>,
      %swap3A_27 = vector.shape_cast %swap3A_26 : vector<1x16xf32> to vector<16xf32>
      %swap3A_28 = vector.shape_cast %broadcast_in_dim3A_24 : vector<16xf32> to vector<1x16xf32>
      tpu.vector_store %arg5[%swap3A, %swap3A_25], %swap3A_28 {strides = array<i32>} : memref<128x128xf32, #tpu.memory_space<vmem>>, vector<1x16xf32>,
      %broadcast_in_dim3A_29 = arith.constant 0.000000e+00 : f32
      %broadcast_in_dim3A_30 = vector.broadcast %broadcast_in_dim3A_29 : f32 to vector<16xf32>
      %swap3A_31 = arith.index_cast %scan3A_23 : i32 to index
      %swap3A_32 = arith.constant 16 : index
      %swap3A_33 = tpu.vector_load %arg5[%swap3A_31, %swap3A_32] {strides = array<i32>} : memref<128x128xf32, #tpu.memory_space<vmem>>, vector<1x16xf32>,
      %swap3A_34 = vector.shape_cast %swap3A_33 : vector<1x16xf32> to vector<16xf32>
      %swap3A_35 = vector.shape_cast %broadcast_in_dim3A_30 : vector<16xf32> to vector<1x16xf32>
      tpu.vector_store %arg5[%swap3A_31, %swap3A_32], %swap3A_35 {strides = array<i32>} : memref<128x128xf32, #tpu.memory_space<vmem>>, vector<1x16xf32>,
      %broadcast_in_dim3A_36 = arith.constant 0.000000e+00 : f32
      %broadcast_in_dim3A_37 = vector.broadcast %broadcast_in_dim3A_36 : f32 to vector<16xf32>
      %swap3A_38 = arith.index_cast %scan3A_23 : i32 to index
      %swap3A_39 = arith.constant 32 : index
      %swap3A_40 = tpu.vector_load %arg5[%swap3A_38, %swap3A_39] {strides = array<i32>} : memref<128x128xf32, #tpu.memory_space<vmem>>, vector<1x16xf32>,
      %swap3A_41 = vector.shape_cast %swap3A_40 : vector<1x16xf32> to vector<16xf32>
      %swap3A_42 = vector.shape_cast %broadcast_in_dim3A_37 : vector<16xf32> to vector<1x16xf32>
      tpu.vector_store %arg5[%swap3A_38, %swap3A_39], %swap3A_42 {strides = array<i32>} : memref<128x128xf32, #tpu.memory_space<vmem>>, vector<1x16xf32>,
      %broadcast_in_dim3A_43 = arith.constant 0.000000e+00 : f32
      %broadcast_in_dim3A_44 = vector.broadcast %broadcast_in_dim3A_43 : f32 to vector<16xf32>
      %swap3A_45 = arith.index_cast %scan3A_23 : i32 to index
      %swap3A_46 = arith.constant 48 : index
      %swap3A_47 = tpu.vector_load %arg5[%swap3A_45, %swap3A_46] {strides = array<i32>} : memref<128x128xf32, #tpu.memory_space<vmem>>, vector<1x16xf32>,
      %swap3A_48 = vector.shape_cast %swap3A_47 : vector<1x16xf32> to vector<16xf32>
      %swap3A_49 = vector.shape_cast %broadcast_in_dim3A_44 : vector<16xf32> to vector<1x16xf32>
      tpu.vector_store %arg5[%swap3A_45, %swap3A_46], %swap3A_49 {strides = array<i32>} : memref<128x128xf32, #tpu.memory_space<vmem>>, vector<1x16xf32>,
      %broadcast_in_dim3A_50 = arith.constant 0.000000e+00 : f32
      %broadcast_in_dim3A_51 = vector.broadcast %broadcast_in_dim3A_50 : f32 to vector<16xf32>
      %swap3A_52 = arith.index_cast %scan3A_23 : i32 to index
      %swap3A_53 = arith.constant 64 : index
      %swap3A_54 = tpu.vector_load %arg5[%swap3A_52, %swap3A_53] {strides = array<i32>} : memref<128x128xf32, #tpu.memory_space<vmem>>, vector<1x16xf32>,
      %swap3A_55 = vector.shape_cast %swap3A_54 : vector<1x16xf32> to vector<16xf32>
      %swap3A_56 = vector.shape_cast %broadcast_in_dim3A_51 : vector<16xf32> to vector<1x16xf32>
      tpu.vector_store %arg5[%swap3A_52, %swap3A_53], %swap3A_56 {strides = array<i32>} : memref<128x128xf32, #tpu.memory_space<vmem>>, vector<1x16xf32>,
      %broadcast_in_dim3A_57 = arith.constant 0.000000e+00 : f32
      %broadcast_in_dim3A_58 = vector.broadcast %broadcast_in_dim3A_57 : f32 to vector<16xf32>
      %swap3A_59 = arith.index_cast %scan3A_23 : i32 to index
      %swap3A_60 = arith.constant 80 : index
      %swap3A_61 = tpu.vector_load %arg5[%swap3A_59, %swap3A_60] {strides = array<i32>} : memref<128x128xf32, #tpu.memory_space<vmem>>, vector<1x16xf32>,
      %swap3A_62 = vector.shape_cast %swap3A_61 : vector<1x16xf32> to vector<16xf32>
      %swap3A_63 = vector.shape_cast %broadcast_in_dim3A_58 : vector<16xf32> to vector<1x16xf32>
      tpu.vector_store %arg5[%swap3A_59, %swap3A_60], %swap3A_63 {strides = array<i32>} : memref<128x128xf32, #tpu.memory_space<vmem>>, vector<1x16xf32>,
      %broadcast_in_dim3A_64 = arith.constant 0.000000e+00 : f32
      %broadcast_in_dim3A_65 = vector.broadcast %broadcast_in_dim3A_64 : f32 to vector<16xf32>
      %swap3A_66 = arith.index_cast %scan3A_23 : i32 to index
      %swap3A_67 = arith.constant 96 : index
      %swap3A_68 = tpu.vector_load %arg5[%swap3A_66, %swap3A_67] {strides = array<i32>} : memref<128x128xf32, #tpu.memory_space<vmem>>, vector<1x16xf32>,
      %swap3A_69 = vector.shape_cast %swap3A_68 : vector<1x16xf32> to vector<16xf32>
      %swap3A_70 = vector.shape_cast %broadcast_in_dim3A_65 : vector<16xf32> to vector<1x16xf32>
      tpu.vector_store %arg5[%swap3A_66, %swap3A_67], %swap3A_70 {strides = array<i32>} : memref<128x128xf32, #tpu.memory_space<vmem>>, vector<1x16xf32>,
      %broadcast_in_dim3A_71 = arith.constant 0.000000e+00 : f32
      %broadcast_in_dim3A_72 = vector.broadcast %broadcast_in_dim3A_71 : f32 to vector<16xf32>
      %swap3A_73 = arith.index_cast %scan3A_23 : i32 to index
      %swap3A_74 = arith.constant 112 : index
      %swap3A_75 = tpu.vector_load %arg5[%swap3A_73, %swap3A_74] {strides = array<i32>} : memref<128x128xf32, #tpu.memory_space<vmem>>, vector<1x16xf32>,
      %swap3A_76 = vector.shape_cast %swap3A_75 : vector<1x16xf32> to vector<16xf32>
      %swap3A_77 = vector.shape_cast %broadcast_in_dim3A_72 : vector<16xf32> to vector<1x16xf32>
      tpu.vector_store %arg5[%swap3A_73, %swap3A_74], %swap3A_77 {strides = array<i32>} : memref<128x128xf32, #tpu.memory_space<vmem>>, vector<1x16xf32>,
    }
    %scan3A_4 = arith.constant 128 : i32
    %lt3A = arith.constant 10 : i32
    %lt3A_5 = arith.cmpi slt, %arg1, %lt3A : i32
    %convert_element_type3A = arith.extui %lt3A_5 : i1 to i32
    %cond3A = arith.constant 0 : i32
    %cond3A_6 = arith.cmpi ne, %convert_element_type3A, %cond3A : i32
    scf.if %cond3A_6 {
      %mul3A_23 = arith.constant 1000 : i32
      %mul3A_24 = arith.muli %arg1, %mul3A_23 : i32
      %add3A_25 = arith.constant 0 : i32
      %add3A_26 = arith.addi %mul3A_24, %add3A_25 : i32
      "tpu.region"() ({
        %run_scoped3A = tpu.sem_alloc : memref<!tpu.dma_semaphore, #tpu.memory_space<semaphore_mem>>
        %dma_start3A = arith.constant 0 : i32
        %dma_start3A_55 = tpu.memref_slice %arg6[%add3A_26, %dma_start3A] : memref<10048x128xf32, #tpu.memory_space<vmem_shared>> -> memref<128x128xf32, #tpu.memory_space<vmem_shared>>
        %dma_start3A_56 = arith.constant 0 : i32
        %dma_start3A_57 = tpu.memref_slice %arg6[%add3A_26, %dma_start3A_56] : memref<10048x128xf32, #tpu.memory_space<vmem_shared>> -> memref<128x128xf32, #tpu.memory_space<vmem_shared>>
        tpu.enqueue_dma source(%arg5 : memref<128x128xf32, #tpu.memory_space<vmem>>) target(%dma_start3A_57 : memref<128x128xf32, #tpu.memory_space<vmem_shared>>) target_semaphore(%run_scoped3A : memref<!tpu.dma_semaphore, #tpu.memory_space<semaphore_mem>>)
        %dma_wait3A = arith.constant 0 : i32
        %dma_wait3A_58 = tpu.memref_slice %arg6[%add3A_26, %dma_wait3A] : memref<10048x128xf32, #tpu.memory_space<vmem_shared>> -> memref<128x128xf32, #tpu.memory_space<vmem_shared>>
        %dma_wait3A_59 = arith.constant 0 : i32
        %dma_wait3A_60 = tpu.memref_slice %arg6[%add3A_26, %dma_wait3A_59] : memref<10048x128xf32, #tpu.memory_space<vmem_shared>> -> memref<128x128xf32, #tpu.memory_space<vmem_shared>>
        tpu.wait_dma2 semaphore(%run_scoped3A : memref<!tpu.dma_semaphore, #tpu.memory_space<semaphore_mem>>) src(%arg5 : memref<128x128xf32, #tpu.memory_space<vmem>>) dst(%dma_wait3A_60 : memref<128x128xf32, #tpu.memory_space<vmem_shared>>)
        tpu.yield
      }) : () -> ()
      %mul3A_27 = arith.constant 1000 : i32
      %mul3A_28 = arith.muli %arg1, %mul3A_27 : i32
      %add3A_29 = arith.constant 128 : i32
      %add3A_30 = arith.addi %mul3A_28, %add3A_29 : i32
      "tpu.region"() ({
        %run_scoped3A = tpu.sem_alloc : memref<!tpu.dma_semaphore, #tpu.memory_space<semaphore_mem>>
        %dma_start3A = arith.constant 0 : i32
        %dma_start3A_55 = tpu.memref_slice %arg6[%add3A_30, %dma_start3A] : memref<10048x128xf32, #tpu.memory_space<vmem_shared>> -> memref<128x128xf32, #tpu.memory_space<vmem_shared>>
        %dma_start3A_56 = arith.constant 0 : i32
        %dma_start3A_57 = tpu.memref_slice %arg6[%add3A_30, %dma_start3A_56] : memref<10048x128xf32, #tpu.memory_space<vmem_shared>> -> memref<128x128xf32, #tpu.memory_space<vmem_shared>>
        tpu.enqueue_dma source(%arg5 : memref<128x128xf32, #tpu.memory_space<vmem>>) target(%dma_start3A_57 : memref<128x128xf32, #tpu.memory_space<vmem_shared>>) target_semaphore(%run_scoped3A : memref<!tpu.dma_semaphore, #tpu.memory_space<semaphore_mem>>)
        %dma_wait3A = arith.constant 0 : i32
        %dma_wait3A_58 = tpu.memref_slice %arg6[%add3A_30, %dma_wait3A] : memref<10048x128xf32, #tpu.memory_space<vmem_shared>> -> memref<128x128xf32, #tpu.memory_space<vmem_shared>>
        %dma_wait3A_59 = arith.constant 0 : i32
        %dma_wait3A_60 = tpu.memref_slice %arg6[%add3A_30, %dma_wait3A_59] : memref<10048x128xf32, #tpu.memory_space<vmem_shared>> -> memref<128x128xf32, #tpu.memory_space<vmem_shared>>
        tpu.wait_dma2 semaphore(%run_scoped3A : memref<!tpu.dma_semaphore, #tpu.memory_space<semaphore_mem>>) src(%arg5 : memref<128x128xf32, #tpu.memory_space<vmem>>) dst(%dma_wait3A_60 : memref<128x128xf32, #tpu.memory_space<vmem_shared>>)
        tpu.yield
      }) : () -> ()
      %mul3A_31 = arith.constant 1000 : i32
      %mul3A_32 = arith.muli %arg1, %mul3A_31 : i32
      %add3A_33 = arith.constant 256 : i32
      %add3A_34 = arith.addi %mul3A_32, %add3A_33 : i32
      "tpu.region"() ({
        %run_scoped3A = tpu.sem_alloc : memref<!tpu.dma_semaphore, #tpu.memory_space<semaphore_mem>>
        %dma_start3A = arith.constant 0 : i32
        %dma_start3A_55 = tpu.memref_slice %arg6[%add3A_34, %dma_start3A] : memref<10048x128xf32, #tpu.memory_space<vmem_shared>> -> memref<128x128xf32, #tpu.memory_space<vmem_shared>>
        %dma_start3A_56 = arith.constant 0 : i32
        %dma_start3A_57 = tpu.memref_slice %arg6[%add3A_34, %dma_start3A_56] : memref<10048x128xf32, #tpu.memory_space<vmem_shared>> -> memref<128x128xf32, #tpu.memory_space<vmem_shared>>
        tpu.enqueue_dma source(%arg5 : memref<128x128xf32, #tpu.memory_space<vmem>>) target(%dma_start3A_57 : memref<128x128xf32, #tpu.memory_space<vmem_shared>>) target_semaphore(%run_scoped3A : memref<!tpu.dma_semaphore, #tpu.memory_space<semaphore_mem>>)
        %dma_wait3A = arith.constant 0 : i32
        %dma_wait3A_58 = tpu.memref_slice %arg6[%add3A_34, %dma_wait3A] : memref<10048x128xf32, #tpu.memory_space<vmem_shared>> -> memref<128x128xf32, #tpu.memory_space<vmem_shared>>
        %dma_wait3A_59 = arith.constant 0 : i32
        %dma_wait3A_60 = tpu.memref_slice %arg6[%add3A_34, %dma_wait3A_59] : memref<10048x128xf32, #tpu.memory_space<vmem_shared>> -> memref<128x128xf32, #tpu.memory_space<vmem_shared>>
        tpu.wait_dma2 semaphore(%run_scoped3A : memref<!tpu.dma_semaphore, #tpu.memory_space<semaphore_mem>>) src(%arg5 : memref<128x128xf32, #tpu.memory_space<vmem>>) dst(%dma_wait3A_60 : memref<128x128xf32, #tpu.memory_space<vmem_shared>>)
        tpu.yield
      }) : () -> ()
      %mul3A_35 = arith.constant 1000 : i32
      %mul3A_36 = arith.muli %arg1, %mul3A_35 : i32
      %add3A_37 = arith.constant 384 : i32
      %add3A_38 = arith.addi %mul3A_36, %add3A_37 : i32
      "tpu.region"() ({
        %run_scoped3A = tpu.sem_alloc : memref<!tpu.dma_semaphore, #tpu.memory_space<semaphore_mem>>
        %dma_start3A = arith.constant 0 : i32
        %dma_start3A_55 = tpu.memref_slice %arg6[%add3A_38, %dma_start3A] : memref<10048x128xf32, #tpu.memory_space<vmem_shared>> -> memref<128x128xf32, #tpu.memory_space<vmem_shared>>
        %dma_start3A_56 = arith.constant 0 : i32
        %dma_start3A_57 = tpu.memref_slice %arg6[%add3A_38, %dma_start3A_56] : memref<10048x128xf32, #tpu.memory_space<vmem_shared>> -> memref<128x128xf32, #tpu.memory_space<vmem_shared>>
        tpu.enqueue_dma source(%arg5 : memref<128x128xf32, #tpu.memory_space<vmem>>) target(%dma_start3A_57 : memref<128x128xf32, #tpu.memory_space<vmem_shared>>) target_semaphore(%run_scoped3A : memref<!tpu.dma_semaphore, #tpu.memory_space<semaphore_mem>>)
        %dma_wait3A = arith.constant 0 : i32
        %dma_wait3A_58 = tpu.memref_slice %arg6[%add3A_38, %dma_wait3A] : memref<10048x128xf32, #tpu.memory_space<vmem_shared>> -> memref<128x128xf32, #tpu.memory_space<vmem_shared>>
        %dma_wait3A_59 = arith.constant 0 : i32
        %dma_wait3A_60 = tpu.memref_slice %arg6[%add3A_38, %dma_wait3A_59] : memref<10048x128xf32, #tpu.memory_space<vmem_shared>> -> memref<128x128xf32, #tpu.memory_space<vmem_shared>>
        tpu.wait_dma2 semaphore(%run_scoped3A : memref<!tpu.dma_semaphore, #tpu.memory_space<semaphore_mem>>) src(%arg5 : memref<128x128xf32, #tpu.memory_space<vmem>>) dst(%dma_wait3A_60 : memref<128x128xf32, #tpu.memory_space<vmem_shared>>)
        tpu.yield
      }) : () -> ()
      %mul3A_39 = arith.constant 1000 : i32
      %mul3A_40 = arith.muli %arg1, %mul3A_39 : i32
      %add3A_41 = arith.constant 512 : i32
      %add3A_42 = arith.addi %mul3A_40, %add3A_41 : i32
      "tpu.region"() ({
        %run_scoped3A = tpu.sem_alloc : memref<!tpu.dma_semaphore, #tpu.memory_space<semaphore_mem>>
        %dma_start3A = arith.constant 0 : i32
        %dma_start3A_55 = tpu.memref_slice %arg6[%add3A_42, %dma_start3A] : memref<10048x128xf32, #tpu.memory_space<vmem_shared>> -> memref<128x128xf32, #tpu.memory_space<vmem_shared>>
        %dma_start3A_56 = arith.constant 0 : i32
        %dma_start3A_57 = tpu.memref_slice %arg6[%add3A_42, %dma_start3A_56] : memref<10048x128xf32, #tpu.memory_space<vmem_shared>> -> memref<128x128xf32, #tpu.memory_space<vmem_shared>>
        tpu.enqueue_dma source(%arg5 : memref<128x128xf32, #tpu.memory_space<vmem>>) target(%dma_start3A_57 : memref<128x128xf32, #tpu.memory_space<vmem_shared>>) target_semaphore(%run_scoped3A : memref<!tpu.dma_semaphore, #tpu.memory_space<semaphore_mem>>)
        %dma_wait3A = arith.constant 0 : i32
        %dma_wait3A_58 = tpu.memref_slice %arg6[%add3A_42, %dma_wait3A] : memref<10048x128xf32, #tpu.memory_space<vmem_shared>> -> memref<128x128xf32, #tpu.memory_space<vmem_shared>>
        %dma_wait3A_59 = arith.constant 0 : i32
        %dma_wait3A_60 = tpu.memref_slice %arg6[%add3A_42, %dma_wait3A_59] : memref<10048x128xf32, #tpu.memory_space<vmem_shared>> -> memref<128x128xf32, #tpu.memory_space<vmem_shared>>
        tpu.wait_dma2 semaphore(%run_scoped3A : memref<!tpu.dma_semaphore, #tpu.memory_space<semaphore_mem>>) src(%arg5 : memref<128x128xf32, #tpu.memory_space<vmem>>) dst(%dma_wait3A_60 : memref<128x128xf32, #tpu.memory_space<vmem_shared>>)
        tpu.yield
      }) : () -> ()
      %mul3A_43 = arith.constant 1000 : i32
      %mul3A_44 = arith.muli %arg1, %mul3A_43 : i32
      %add3A_45 = arith.constant 640 : i32
      %add3A_46 = arith.addi %mul3A_44, %add3A_45 : i32
      "tpu.region"() ({
        %run_scoped3A = tpu.sem_alloc : memref<!tpu.dma_semaphore, #tpu.memory_space<semaphore_mem>>
        %dma_start3A = arith.constant 0 : i32
        %dma_start3A_55 = tpu.memref_slice %arg6[%add3A_46, %dma_start3A] : memref<10048x128xf32, #tpu.memory_space<vmem_shared>> -> memref<128x128xf32, #tpu.memory_space<vmem_shared>>
        %dma_start3A_56 = arith.constant 0 : i32
        %dma_start3A_57 = tpu.memref_slice %arg6[%add3A_46, %dma_start3A_56] : memref<10048x128xf32, #tpu.memory_space<vmem_shared>> -> memref<128x128xf32, #tpu.memory_space<vmem_shared>>
        tpu.enqueue_dma source(%arg5 : memref<128x128xf32, #tpu.memory_space<vmem>>) target(%dma_start3A_57 : memref<128x128xf32, #tpu.memory_space<vmem_shared>>) target_semaphore(%run_scoped3A : memref<!tpu.dma_semaphore, #tpu.memory_space<semaphore_mem>>)
        %dma_wait3A = arith.constant 0 : i32
        %dma_wait3A_58 = tpu.memref_slice %arg6[%add3A_46, %dma_wait3A] : memref<10048x128xf32, #tpu.memory_space<vmem_shared>> -> memref<128x128xf32, #tpu.memory_space<vmem_shared>>
        %dma_wait3A_59 = arith.constant 0 : i32
        %dma_wait3A_60 = tpu.memref_slice %arg6[%add3A_46, %dma_wait3A_59] : memref<10048x128xf32, #tpu.memory_space<vmem_shared>> -> memref<128x128xf32, #tpu.memory_space<vmem_shared>>
        tpu.wait_dma2 semaphore(%run_scoped3A : memref<!tpu.dma_semaphore, #tpu.memory_space<semaphore_mem>>) src(%arg5 : memref<128x128xf32, #tpu.memory_space<vmem>>) dst(%dma_wait3A_60 : memref<128x128xf32, #tpu.memory_space<vmem_shared>>)
        tpu.yield
      }) : () -> ()
      %mul3A_47 = arith.constant 1000 : i32
      %mul3A_48 = arith.muli %arg1, %mul3A_47 : i32
      %add3A_49 = arith.constant 768 : i32
      %add3A_50 = arith.addi %mul3A_48, %add3A_49 : i32
      "tpu.region"() ({
        %run_scoped3A = tpu.sem_alloc : memref<!tpu.dma_semaphore, #tpu.memory_space<semaphore_mem>>
        %dma_start3A = arith.constant 0 : i32
        %dma_start3A_55 = tpu.memref_slice %arg6[%add3A_50, %dma_start3A] : memref<10048x128xf32, #tpu.memory_space<vmem_shared>> -> memref<128x128xf32, #tpu.memory_space<vmem_shared>>
        %dma_start3A_56 = arith.constant 0 : i32
        %dma_start3A_57 = tpu.memref_slice %arg6[%add3A_50, %dma_start3A_56] : memref<10048x128xf32, #tpu.memory_space<vmem_shared>> -> memref<128x128xf32, #tpu.memory_space<vmem_shared>>
        tpu.enqueue_dma source(%arg5 : memref<128x128xf32, #tpu.memory_space<vmem>>) target(%dma_start3A_57 : memref<128x128xf32, #tpu.memory_space<vmem_shared>>) target_semaphore(%run_scoped3A : memref<!tpu.dma_semaphore, #tpu.memory_space<semaphore_mem>>)
        %dma_wait3A = arith.constant 0 : i32
        %dma_wait3A_58 = tpu.memref_slice %arg6[%add3A_50, %dma_wait3A] : memref<10048x128xf32, #tpu.memory_space<vmem_shared>> -> memref<128x128xf32, #tpu.memory_space<vmem_shared>>
        %dma_wait3A_59 = arith.constant 0 : i32
        %dma_wait3A_60 = tpu.memref_slice %arg6[%add3A_50, %dma_wait3A_59] : memref<10048x128xf32, #tpu.memory_space<vmem_shared>> -> memref<128x128xf32, #tpu.memory_space<vmem_shared>>
        tpu.wait_dma2 semaphore(%run_scoped3A : memref<!tpu.dma_semaphore, #tpu.memory_space<semaphore_mem>>) src(%arg5 : memref<128x128xf32, #tpu.memory_space<vmem>>) dst(%dma_wait3A_60 : memref<128x128xf32, #tpu.memory_space<vmem_shared>>)
        tpu.yield
      }) : () -> ()
      %mul3A_51 = arith.constant 1000 : i32
      %mul3A_52 = arith.muli %arg1, %mul3A_51 : i32
      %add3A_53 = arith.constant 896 : i32
      %add3A_54 = arith.addi %mul3A_52, %add3A_53 : i32
      "tpu.region"() ({
        %run_scoped3A = tpu.sem_alloc : memref<!tpu.dma_semaphore, #tpu.memory_space<semaphore_mem>>
        %dma_start3A = arith.constant 0 : i32
        %dma_start3A_55 = arith.constant 0 : i32
        %dma_start3A_56 = tpu.memref_slice %arg5[%dma_start3A, %dma_start3A_55] : memref<128x128xf32, #tpu.memory_space<vmem>> -> memref<104x128xf32, #tpu.memory_space<vmem>>
        %dma_start3A_57 = arith.constant 0 : i32
        %dma_start3A_58 = tpu.memref_slice %arg6[%add3A_54, %dma_start3A_57] : memref<10048x128xf32, #tpu.memory_space<vmem_shared>> -> memref<104x128xf32, #tpu.memory_space<vmem_shared>>
        %dma_start3A_59 = arith.constant 0 : i32
        %dma_start3A_60 = tpu.memref_slice %arg6[%add3A_54, %dma_start3A_59] : memref<10048x128xf32, #tpu.memory_space<vmem_shared>> -> memref<104x128xf32, #tpu.memory_space<vmem_shared>>
        %dma_start3A_61 = arith.constant 0 : i32
        %dma_start3A_62 = arith.constant 0 : i32
        %dma_start3A_63 = tpu.memref_slice %arg5[%dma_start3A_61, %dma_start3A_62] : memref<128x128xf32, #tpu.memory_space<vmem>> -> memref<104x128xf32, #tpu.memory_space<vmem>>
        tpu.enqueue_dma source(%dma_start3A_63 : memref<104x128xf32, #tpu.memory_space<vmem>>) target(%dma_start3A_60 : memref<104x128xf32, #tpu.memory_space<vmem_shared>>) target_semaphore(%run_scoped3A : memref<!tpu.dma_semaphore, #tpu.memory_space<semaphore_mem>>)
        %dma_wait3A = arith.constant 0 : i32
        %dma_wait3A_64 = arith.constant 0 : i32
        %dma_wait3A_65 = tpu.memref_slice %arg5[%dma_wait3A, %dma_wait3A_64] : memref<128x128xf32, #tpu.memory_space<vmem>> -> memref<104x128xf32, #tpu.memory_space<vmem>>
        %dma_wait3A_66 = arith.constant 0 : i32
        %dma_wait3A_67 = tpu.memref_slice %arg6[%add3A_54, %dma_wait3A_66] : memref<10048x128xf32, #tpu.memory_space<vmem_shared>> -> memref<104x128xf32, #tpu.memory_space<vmem_shared>>
        %dma_wait3A_68 = arith.constant 0 : i32
        %dma_wait3A_69 = tpu.memref_slice %arg6[%add3A_54, %dma_wait3A_68] : memref<10048x128xf32, #tpu.memory_space<vmem_shared>> -> memref<104x128xf32, #tpu.memory_space<vmem_shared>>
        %dma_wait3A_70 = arith.constant 0 : i32
        %dma_wait3A_71 = arith.constant 0 : i32
        %dma_wait3A_72 = tpu.memref_slice %arg5[%dma_wait3A_70, %dma_wait3A_71] : memref<128x128xf32, #tpu.memory_space<vmem>> -> memref<104x128xf32, #tpu.memory_space<vmem>>
        tpu.wait_dma2 semaphore(%run_scoped3A : memref<!tpu.dma_semaphore, #tpu.memory_space<semaphore_mem>>) src(%dma_wait3A_72 : memref<104x128xf32, #tpu.memory_space<vmem>>) dst(%dma_wait3A_69 : memref<104x128xf32, #tpu.memory_space<vmem_shared>>)
        tpu.yield
      }) : () -> ()
    } else {
    }
    %barrier3A = arith.constant 0 : index
    tpu.barrier barrier_id(%barrier3A)
    %scan3A_7 = arith.constant 0 : i32
    %scan3A_8 = arith.constant 128 : i32
    %scan3A_9 = arith.addi %scan3A_7, %scan3A_8 : i32
    %scan3A_10 = arith.constant 1 : i32
    scf.for %scan3A_23 = %scan3A_7 to %scan3A_9 step %scan3A_10  : i32 {
      %broadcast_in_dim3A = arith.constant 1.000000e+00 : f32
      %broadcast_in_dim3A_24 = vector.broadcast %broadcast_in_dim3A : f32 to vector<16xf32>
      %swap3A = arith.index_cast %scan3A_23 : i32 to index
      %swap3A_25 = arith.constant 0 : index
      %swap3A_26 = tpu.vector_load %arg5[%swap3A, %swap3A_25] {strides = array<i32>} : memref<128x128xf32, #tpu.memory_space<vmem>>, vector<1x16xf32>,
      %swap3A_27 = vector.shape_cast %swap3A_26 : vector<1x16xf32> to vector<16xf32>
      %swap3A_28 = vector.shape_cast %broadcast_in_dim3A_24 : vector<16xf32> to vector<1x16xf32>
      tpu.vector_store %arg5[%swap3A, %swap3A_25], %swap3A_28 {strides = array<i32>} : memref<128x128xf32, #tpu.memory_space<vmem>>, vector<1x16xf32>,
      %broadcast_in_dim3A_29 = arith.constant 1.000000e+00 : f32
      %broadcast_in_dim3A_30 = vector.broadcast %broadcast_in_dim3A_29 : f32 to vector<16xf32>
      %swap3A_31 = arith.index_cast %scan3A_23 : i32 to index
      %swap3A_32 = arith.constant 16 : index
      %swap3A_33 = tpu.vector_load %arg5[%swap3A_31, %swap3A_32] {strides = array<i32>} : memref<128x128xf32, #tpu.memory_space<vmem>>, vector<1x16xf32>,
      %swap3A_34 = vector.shape_cast %swap3A_33 : vector<1x16xf32> to vector<16xf32>
      %swap3A_35 = vector.shape_cast %broadcast_in_dim3A_30 : vector<16xf32> to vector<1x16xf32>
      tpu.vector_store %arg5[%swap3A_31, %swap3A_32], %swap3A_35 {strides = array<i32>} : memref<128x128xf32, #tpu.memory_space<vmem>>, vector<1x16xf32>,
      %broadcast_in_dim3A_36 = arith.constant 1.000000e+00 : f32
      %broadcast_in_dim3A_37 = vector.broadcast %broadcast_in_dim3A_36 : f32 to vector<16xf32>
      %swap3A_38 = arith.index_cast %scan3A_23 : i32 to index
      %swap3A_39 = arith.constant 32 : index
      %swap3A_40 = tpu.vector_load %arg5[%swap3A_38, %swap3A_39] {strides = array<i32>} : memref<128x128xf32, #tpu.memory_space<vmem>>, vector<1x16xf32>,
      %swap3A_41 = vector.shape_cast %swap3A_40 : vector<1x16xf32> to vector<16xf32>
      %swap3A_42 = vector.shape_cast %broadcast_in_dim3A_37 : vector<16xf32> to vector<1x16xf32>
      tpu.vector_store %arg5[%swap3A_38, %swap3A_39], %swap3A_42 {strides = array<i32>} : memref<128x128xf32, #tpu.memory_space<vmem>>, vector<1x16xf32>,
      %broadcast_in_dim3A_43 = arith.constant 1.000000e+00 : f32
      %broadcast_in_dim3A_44 = vector.broadcast %broadcast_in_dim3A_43 : f32 to vector<16xf32>
      %swap3A_45 = arith.index_cast %scan3A_23 : i32 to index
      %swap3A_46 = arith.constant 48 : index
      %swap3A_47 = tpu.vector_load %arg5[%swap3A_45, %swap3A_46] {strides = array<i32>} : memref<128x128xf32, #tpu.memory_space<vmem>>, vector<1x16xf32>,
      %swap3A_48 = vector.shape_cast %swap3A_47 : vector<1x16xf32> to vector<16xf32>
      %swap3A_49 = vector.shape_cast %broadcast_in_dim3A_44 : vector<16xf32> to vector<1x16xf32>
      tpu.vector_store %arg5[%swap3A_45, %swap3A_46], %swap3A_49 {strides = array<i32>} : memref<128x128xf32, #tpu.memory_space<vmem>>, vector<1x16xf32>,
      %broadcast_in_dim3A_50 = arith.constant 1.000000e+00 : f32
      %broadcast_in_dim3A_51 = vector.broadcast %broadcast_in_dim3A_50 : f32 to vector<16xf32>
      %swap3A_52 = arith.index_cast %scan3A_23 : i32 to index
      %swap3A_53 = arith.constant 64 : index
      %swap3A_54 = tpu.vector_load %arg5[%swap3A_52, %swap3A_53] {strides = array<i32>} : memref<128x128xf32, #tpu.memory_space<vmem>>, vector<1x16xf32>,
      %swap3A_55 = vector.shape_cast %swap3A_54 : vector<1x16xf32> to vector<16xf32>
      %swap3A_56 = vector.shape_cast %broadcast_in_dim3A_51 : vector<16xf32> to vector<1x16xf32>
      tpu.vector_store %arg5[%swap3A_52, %swap3A_53], %swap3A_56 {strides = array<i32>} : memref<128x128xf32, #tpu.memory_space<vmem>>, vector<1x16xf32>,
      %broadcast_in_dim3A_57 = arith.constant 1.000000e+00 : f32
      %broadcast_in_dim3A_58 = vector.broadcast %broadcast_in_dim3A_57 : f32 to vector<16xf32>
      %swap3A_59 = arith.index_cast %scan3A_23 : i32 to index
      %swap3A_60 = arith.constant 80 : index
      %swap3A_61 = tpu.vector_load %arg5[%swap3A_59, %swap3A_60] {strides = array<i32>} : memref<128x128xf32, #tpu.memory_space<vmem>>, vector<1x16xf32>,
      %swap3A_62 = vector.shape_cast %swap3A_61 : vector<1x16xf32> to vector<16xf32>
      %swap3A_63 = vector.shape_cast %broadcast_in_dim3A_58 : vector<16xf32> to vector<1x16xf32>
      tpu.vector_store %arg5[%swap3A_59, %swap3A_60], %swap3A_63 {strides = array<i32>} : memref<128x128xf32, #tpu.memory_space<vmem>>, vector<1x16xf32>,
      %broadcast_in_dim3A_64 = arith.constant 1.000000e+00 : f32
      %broadcast_in_dim3A_65 = vector.broadcast %broadcast_in_dim3A_64 : f32 to vector<16xf32>
      %swap3A_66 = arith.index_cast %scan3A_23 : i32 to index
      %swap3A_67 = arith.constant 96 : index
      %swap3A_68 = tpu.vector_load %arg5[%swap3A_66, %swap3A_67] {strides = array<i32>} : memref<128x128xf32, #tpu.memory_space<vmem>>, vector<1x16xf32>,
      %swap3A_69 = vector.shape_cast %swap3A_68 : vector<1x16xf32> to vector<16xf32>
      %swap3A_70 = vector.shape_cast %broadcast_in_dim3A_65 : vector<16xf32> to vector<1x16xf32>
      tpu.vector_store %arg5[%swap3A_66, %swap3A_67], %swap3A_70 {strides = array<i32>} : memref<128x128xf32, #tpu.memory_space<vmem>>, vector<1x16xf32>,
      %broadcast_in_dim3A_71 = arith.constant 1.000000e+00 : f32
      %broadcast_in_dim3A_72 = vector.broadcast %broadcast_in_dim3A_71 : f32 to vector<16xf32>
      %swap3A_73 = arith.index_cast %scan3A_23 : i32 to index
      %swap3A_74 = arith.constant 112 : index
      %swap3A_75 = tpu.vector_load %arg5[%swap3A_73, %swap3A_74] {strides = array<i32>} : memref<128x128xf32, #tpu.memory_space<vmem>>, vector<1x16xf32>,
      %swap3A_76 = vector.shape_cast %swap3A_75 : vector<1x16xf32> to vector<16xf32>
      %swap3A_77 = vector.shape_cast %broadcast_in_dim3A_72 : vector<16xf32> to vector<1x16xf32>
      tpu.vector_store %arg5[%swap3A_73, %swap3A_74], %swap3A_77 {strides = array<i32>} : memref<128x128xf32, #tpu.memory_space<vmem>>, vector<1x16xf32>,
    }
    %scan3A_11 = arith.constant 128 : i32
    "tpu.region"() ({
      %run_scoped3A = tpu.sem_alloc : memref<!tpu.dma_semaphore, #tpu.memory_space<semaphore_mem>>
      %dma_start3A = arith.constant 0 : i32
      %dma_start3A_23 = arith.constant 0 : i32
      %dma_start3A_24 = tpu.memref_slice %arg2[%add3A, %dma_start3A, %dma_start3A_23] : memref<32x80x128xi32, #tpu.memory_space<hbm>> -> memref<1x80x128xi32, #tpu.memory_space<hbm>>
      %dma_start3A_25 = tpu.memref_squeeze %dma_start3A_24 : memref<1x80x128xi32, #tpu.memory_space<hbm>> -> memref<80x128xi32, #tpu.memory_space<hbm>>
      %dma_start3A_26 = arith.constant 0 : i32
      %dma_start3A_27 = arith.constant 0 : i32
      %dma_start3A_28 = tpu.memref_slice %arg2[%add3A, %dma_start3A_26, %dma_start3A_27] : memref<32x80x128xi32, #tpu.memory_space<hbm>> -> memref<1x80x128xi32, #tpu.memory_space<hbm>>
      %dma_start3A_29 = tpu.memref_squeeze %dma_start3A_28 : memref<1x80x128xi32, #tpu.memory_space<hbm>> -> memref<80x128xi32, #tpu.memory_space<hbm>>
      tpu.enqueue_dma source(%dma_start3A_29 : memref<80x128xi32, #tpu.memory_space<hbm>>) target(%arg4 : memref<80x128xi32, #tpu.memory_space<vmem>>) target_semaphore(%run_scoped3A : memref<!tpu.dma_semaphore, #tpu.memory_space<semaphore_mem>>)
      %dma_wait3A = arith.constant 0 : i32
      %dma_wait3A_30 = arith.constant 0 : i32
      %dma_wait3A_31 = tpu.memref_slice %arg2[%add3A, %dma_wait3A, %dma_wait3A_30] : memref<32x80x128xi32, #tpu.memory_space<hbm>> -> memref<1x80x128xi32, #tpu.memory_space<hbm>>
      %dma_wait3A_32 = tpu.memref_squeeze %dma_wait3A_31 : memref<1x80x128xi32, #tpu.memory_space<hbm>> -> memref<80x128xi32, #tpu.memory_space<hbm>>
      %dma_wait3A_33 = arith.constant 0 : i32
      %dma_wait3A_34 = arith.constant 0 : i32
      %dma_wait3A_35 = tpu.memref_slice %arg2[%add3A, %dma_wait3A_33, %dma_wait3A_34] : memref<32x80x128xi32, #tpu.memory_space<hbm>> -> memref<1x80x128xi32, #tpu.memory_space<hbm>>
      %dma_wait3A_36 = tpu.memref_squeeze %dma_wait3A_35 : memref<1x80x128xi32, #tpu.memory_space<hbm>> -> memref<80x128xi32, #tpu.memory_space<hbm>>
      tpu.wait_dma2 semaphore(%run_scoped3A : memref<!tpu.dma_semaphore, #tpu.memory_space<semaphore_mem>>) src(%dma_wait3A_36 : memref<80x128xi32, #tpu.memory_space<hbm>>) dst(%arg4 : memref<80x128xi32, #tpu.memory_space<vmem>>)
      tpu.yield
    }) : () -> ()
    %scan3A_12 = arith.constant 0 : i32
    %scan3A_13 = arith.constant 80 : i32
    %scan3A_14 = arith.addi %scan3A_12, %scan3A_13 : i32
    %scan3A_15 = arith.constant 1 : i32
    scf.for %scan3A_23 = %scan3A_12 to %scan3A_14 step %scan3A_15  : i32 {
      "tpu.region"() ({
        %run_scoped3A = tpu.sem_alloc : memref<!tpu.dma_semaphore, #tpu.memory_space<semaphore_mem>>
        %dma_start3A = arith.constant 0 : i32
        %dma_start3A_24 = tpu.memref_slice %arg4[%scan3A_23, %dma_start3A] : memref<80x128xi32, #tpu.memory_space<vmem>> -> memref<1x128xi32, #tpu.memory_space<vmem>>
        %dma_start3A_25 = tpu.memref_squeeze %dma_start3A_24 : memref<1x128xi32, #tpu.memory_space<vmem>> -> memref<128xi32, #tpu.memory_space<vmem>>
        %dma_start3A_26 = arith.constant 0 : i32
        %dma_start3A_27 = arith.constant 0 : i32
        %dma_start3A_28 = tpu.memref_slice %arg6[%dma_start3A_26, %dma_start3A_27] : memref<10048x128xf32, #tpu.memory_space<vmem_shared>> -> memref<10048x128xf32, #tpu.memory_space<vmem_shared>>
        tpu.enqueue_indirect_dma source(%arg5 : memref<128x128xf32, #tpu.memory_space<vmem>>) target(%dma_start3A_28 : memref<10048x128xf32, #tpu.memory_space<vmem_shared>>) offsets(%dma_start3A_25 : memref<128xi32, #tpu.memory_space<vmem>>) semaphore(%run_scoped3A : memref<!tpu.dma_semaphore, #tpu.memory_space<semaphore_mem>>) {add = true}
        %dma_wait3A = arith.constant 0 : i32
        %dma_wait3A_29 = tpu.memref_slice %arg4[%scan3A_23, %dma_wait3A] : memref<80x128xi32, #tpu.memory_space<vmem>> -> memref<1x128xi32, #tpu.memory_space<vmem>>
        %dma_wait3A_30 = tpu.memref_squeeze %dma_wait3A_29 : memref<1x128xi32, #tpu.memory_space<vmem>> -> memref<128xi32, #tpu.memory_space<vmem>>
        %dma_wait3A_31 = arith.constant 0 : i32
        %dma_wait3A_32 = arith.constant 0 : i32
        %dma_wait3A_33 = tpu.memref_slice %arg6[%dma_wait3A_31, %dma_wait3A_32] : memref<10048x128xf32, #tpu.memory_space<vmem_shared>> -> memref<10048x128xf32, #tpu.memory_space<vmem_shared>>
        tpu.wait_indirect_dma semaphore(%run_scoped3A : memref<!tpu.dma_semaphore, #tpu.memory_space<semaphore_mem>>) src(%arg5 : memref<128x128xf32, #tpu.memory_space<vmem>>) dst(%dma_wait3A_33 : memref<10048x128xf32, #tpu.memory_space<vmem_shared>>)
        tpu.yield
      }) : () -> ()
    }
    %scan3A_16 = arith.constant 80 : i32
    %barrier3A_17 = arith.constant 0 : index
    tpu.barrier barrier_id(%barrier3A_17)
    %lt3A_18 = arith.constant 10 : i32
    %lt3A_19 = arith.cmpi slt, %arg1, %lt3A_18 : i32
    %convert_element_type3A_20 = arith.extui %lt3A_19 : i1 to i32
    %cond3A_21 = arith.constant 0 : i32
    %cond3A_22 = arith.cmpi ne, %convert_element_type3A_20, %cond3A_21 : i32
    scf.if %cond3A_22 {
      %mul3A_23 = arith.constant 1000 : i32
      %mul3A_24 = arith.muli %arg1, %mul3A_23 : i32
      %mul3A_25 = arith.constant 10000 : i32
      %mul3A_26 = arith.muli %arg0, %mul3A_25 : i32
      %mul3A_27 = arith.constant 1000 : i32
      %mul3A_28 = arith.muli %arg1, %mul3A_27 : i32
      %add3A_29 = arith.addi %mul3A_26, %mul3A_28 : i32
      "tpu.region"() ({
        %run_scoped3A = tpu.sem_alloc : memref<!tpu.dma_semaphore, #tpu.memory_space<semaphore_mem>>
        %dma_start3A = arith.constant 0 : i32
        %dma_start3A_30 = tpu.memref_slice %arg3[%add3A_29, %dma_start3A] : memref<20000x128xf32, #tpu.memory_space<hbm>> -> memref<1000x128xf32, #tpu.memory_space<hbm>>
        %dma_start3A_31 = arith.constant 0 : i32
        %dma_start3A_32 = tpu.memref_slice %arg6[%mul3A_24, %dma_start3A_31] : memref<10048x128xf32, #tpu.memory_space<vmem_shared>> -> memref<1000x128xf32, #tpu.memory_space<vmem_shared>>
        tpu.enqueue_dma source(%dma_start3A_32 : memref<1000x128xf32, #tpu.memory_space<vmem_shared>>) target(%dma_start3A_30 : memref<1000x128xf32, #tpu.memory_space<hbm>>) target_semaphore(%run_scoped3A : memref<!tpu.dma_semaphore, #tpu.memory_space<semaphore_mem>>)
        %dma_wait3A = arith.constant 0 : i32
        %dma_wait3A_33 = tpu.memref_slice %arg3[%add3A_29, %dma_wait3A] : memref<20000x128xf32, #tpu.memory_space<hbm>> -> memref<1000x128xf32, #tpu.memory_space<hbm>>
        %dma_wait3A_34 = arith.constant 0 : i32
        %dma_wait3A_35 = tpu.memref_slice %arg6[%mul3A_24, %dma_wait3A_34] : memref<10048x128xf32, #tpu.memory_space<vmem_shared>> -> memref<1000x128xf32, #tpu.memory_space<vmem_shared>>
        tpu.wait_dma2 semaphore(%run_scoped3A : memref<!tpu.dma_semaphore, #tpu.memory_space<semaphore_mem>>) src(%dma_wait3A_35 : memref<1000x128xf32, #tpu.memory_space<vmem_shared>>) dst(%dma_wait3A_33 : memref<1000x128xf32, #tpu.memory_space<hbm>>)
        tpu.yield
      }) : () -> ()
    } else {
    }
    return
  }
}

module attributes {stable_mosaic.version = 14 : i64} {
  func.func @_mm_e_body(%arg0: i32, %arg1: memref<2048x16xf32, #tpu.memory_space<vmem>>, %arg2: memref<16x384xf32, #tpu.memory_space<vmem>>, %arg3: memref<1x384xf32, #tpu.memory_space<vmem>>, %arg4: memref<2048x128xf32, #tpu.memory_space<vmem>>, %arg5: memref<2048x128xf32, #tpu.memory_space<vmem>>, %arg6: memref<2048x128xf32, #tpu.memory_space<vmem>>) attributes {dimension_semantics = [#tpu.dimension_semantics<arbitrary>], iteration_bounds = array<i64: 160>, scalar_prefetch = 0 : i64, scratch_operands = 0 : i64, tpu.core_type = #tpu.core_type<tc>, window_params = [{transform_indices = @transform_0, window_bounds = array<i64: 2048, 16>}, {pipeline_mode = #tpu.pipeline_mode<synchronous>, transform_indices = @transform_1, window_bounds = array<i64: 16, 384>}, {pipeline_mode = #tpu.pipeline_mode<synchronous>, transform_indices = @transform_2, window_bounds = array<i64: 1, 384>}, {transform_indices = @transform_3, window_bounds = array<i64: 2048, 128>}, {transform_indices = @transform_4, window_bounds = array<i64: 2048, 128>}, {transform_indices = @transform_5, window_bounds = array<i64: 2048, 128>}]} {
    %get3A = arith.constant 0 : index
    %get3A_0 = arith.constant 0 : index
    %get3A_1 = vector.load %arg1[%get3A, %get3A_0] : memref<2048x16xf32, #tpu.memory_space<vmem>>, vector<2048x16xf32>
    %get3A_2 = arith.constant 0 : index
    %get3A_3 = arith.constant 0 : index
    %get3A_4 = vector.load %arg2[%get3A_2, %get3A_3] : memref<16x384xf32, #tpu.memory_space<vmem>>, vector<16x384xf32>
    %dot_general3A = arith.constant dense<0.000000e+00> : vector<2048x384xf32>
    %dot_general3A_5 = tpu.matmul %get3A_1, %get3A_4, %dot_general3A {dimension_numbers = #tpu.dot_dimension_numbers<[1], [0], [0], [1], [0, 0, 1, 1], [], []>, transpose_lhs_hint = false} : vector<2048x16xf32>, vector<16x384xf32>, vector<2048x384xf32> -> vector<2048x384xf32>
    %get3A_6 = arith.constant 0 : index
    %get3A_7 = arith.constant 0 : index
    %get3A_8 = vector.load %arg3[%get3A_6, %get3A_7] : memref<1x384xf32, #tpu.memory_space<vmem>>, vector<1x384xf32>
    %add3A = vector.broadcast %get3A_8 : vector<1x384xf32> to vector<2048x384xf32>
    %add3A_9 = arith.addf %dot_general3A_5, %add3A : vector<2048x384xf32>
    %slice3A = vector.extract_strided_slice %add3A_9 {offsets = [0, 0], sizes = [2048, 128], strides = [1, 1]} : vector<2048x384xf32> to vector<2048x128xf32>
    %swap3A = arith.constant 0 : index
    %swap3A_10 = arith.constant 0 : index
    %swap3A_11 = vector.load %arg4[%swap3A, %swap3A_10] : memref<2048x128xf32, #tpu.memory_space<vmem>>, vector<2048x128xf32>
    tpu.vector_store %arg4[%swap3A, %swap3A_10], %slice3A {strides = array<i32>} : memref<2048x128xf32, #tpu.memory_space<vmem>>, vector<2048x128xf32>,
    %slice3A_12 = vector.extract_strided_slice %add3A_9 {offsets = [0, 128], sizes = [2048, 128], strides = [1, 1]} : vector<2048x384xf32> to vector<2048x128xf32>
    %swap3A_13 = arith.constant 0 : index
    %swap3A_14 = arith.constant 0 : index
    %swap3A_15 = vector.load %arg5[%swap3A_13, %swap3A_14] : memref<2048x128xf32, #tpu.memory_space<vmem>>, vector<2048x128xf32>
    tpu.vector_store %arg5[%swap3A_13, %swap3A_14], %slice3A_12 {strides = array<i32>} : memref<2048x128xf32, #tpu.memory_space<vmem>>, vector<2048x128xf32>,
    %slice3A_16 = vector.extract_strided_slice %add3A_9 {offsets = [0, 256], sizes = [2048, 128], strides = [1, 1]} : vector<2048x384xf32> to vector<2048x128xf32>
    %swap3A_17 = arith.constant 0 : index
    %swap3A_18 = arith.constant 0 : index
    %swap3A_19 = vector.load %arg6[%swap3A_17, %swap3A_18] : memref<2048x128xf32, #tpu.memory_space<vmem>>, vector<2048x128xf32>
    tpu.vector_store %arg6[%swap3A_17, %swap3A_18], %slice3A_16 {strides = array<i32>} : memref<2048x128xf32, #tpu.memory_space<vmem>>, vector<2048x128xf32>,
    return
  }
  func.func @transform_0(%arg0: i32) -> (i32, i32) {
    %c0_i32 = arith.constant 0 : i32
    %c0_i32_0 = arith.constant 0 : i32
    return %arg0, %c0_i32 : i32, i32
  }
  func.func @transform_1(%arg0: i32) -> (i32, i32) {
    %c0_i32 = arith.constant 0 : i32
    %c0_i32_0 = arith.constant 0 : i32
    %c0_i32_1 = arith.constant 0 : i32
    return %c0_i32, %c0_i32_0 : i32, i32
  }
  func.func @transform_2(%arg0: i32) -> (i32, i32) {
    %c0_i32 = arith.constant 0 : i32
    %c0_i32_0 = arith.constant 0 : i32
    %c0_i32_1 = arith.constant 0 : i32
    return %c0_i32, %c0_i32_0 : i32, i32
  }
  func.func @transform_3(%arg0: i32) -> (i32, i32) {
    %c0_i32 = arith.constant 0 : i32
    %c0_i32_0 = arith.constant 0 : i32
    return %arg0, %c0_i32 : i32, i32
  }
  func.func @transform_4(%arg0: i32) -> (i32, i32) {
    %c0_i32 = arith.constant 0 : i32
    %c0_i32_0 = arith.constant 0 : i32
    return %arg0, %c0_i32 : i32, i32
  }
  func.func @transform_5(%arg0: i32) -> (i32, i32) {
    %c0_i32 = arith.constant 0 : i32
    %c0_i32_0 = arith.constant 0 : i32
    return %arg0, %c0_i32 : i32, i32
  }
}

module attributes {stable_mosaic.version = 14 : i64} {
  func.func @_mm_h1_body(%arg0: memref<10000x128xf32, #tpu.memory_space<vmem>>, %arg1: memref<128x128xf32, #tpu.memory_space<vmem>>, %arg2: memref<1x128xf32, #tpu.memory_space<vmem>>, %arg3: memref<80x128xf32, #tpu.memory_space<vmem>>, %arg4: memref<10000x128xf32, #tpu.memory_space<vmem>>, %arg5: memref<80x128xf32, #tpu.memory_space<vmem>>) attributes {dimension_semantics = [], scalar_prefetch = 0 : i64, scratch_operands = 0 : i64, tpu.core_type = #tpu.core_type<tc>} {
    %get3A = arith.constant 0 : index
    %get3A_0 = arith.constant 0 : index
    %get3A_1 = vector.load %arg0[%get3A, %get3A_0] : memref<10000x128xf32, #tpu.memory_space<vmem>>, vector<10000x128xf32>
    %get3A_2 = arith.constant 0 : index
    %get3A_3 = arith.constant 0 : index
    %get3A_4 = vector.load %arg1[%get3A_2, %get3A_3] : memref<128x128xf32, #tpu.memory_space<vmem>>, vector<128x128xf32>
    %dot_general3A = arith.constant dense<0.000000e+00> : vector<10000x128xf32>
    %dot_general3A_5 = tpu.matmul %get3A_1, %get3A_4, %dot_general3A {dimension_numbers = #tpu.dot_dimension_numbers<[1], [0], [0], [1], [0, 0, 1, 1], [], []>, transpose_lhs_hint = false} : vector<10000x128xf32>, vector<128x128xf32>, vector<10000x128xf32> -> vector<10000x128xf32>
    %get3A_6 = arith.constant 0 : index
    %get3A_7 = arith.constant 0 : index
    %get3A_8 = vector.load %arg2[%get3A_6, %get3A_7] : memref<1x128xf32, #tpu.memory_space<vmem>>, vector<1x128xf32>
    %add3A = vector.broadcast %get3A_8 : vector<1x128xf32> to vector<10000x128xf32>
    %add3A_9 = arith.addf %dot_general3A_5, %add3A : vector<10000x128xf32>
    %swap3A = arith.constant 0 : index
    %swap3A_10 = arith.constant 0 : index
    %swap3A_11 = vector.load %arg4[%swap3A, %swap3A_10] : memref<10000x128xf32, #tpu.memory_space<vmem>>, vector<10000x128xf32>
    tpu.vector_store %arg4[%swap3A, %swap3A_10], %add3A_9 {strides = array<i32>} : memref<10000x128xf32, #tpu.memory_space<vmem>>, vector<10000x128xf32>,
    %iota3A = tpu.iota {dimensions = array<i32: 0>} : vector<80x128xi32>
    %mul3A = arith.constant 128 : i32
    %mul3A_12 = vector.broadcast %mul3A : i32 to vector<80x128xi32>
    %mul3A_13 = arith.muli %iota3A, %mul3A_12 : vector<80x128xi32>
    %iota3A_14 = tpu.iota {dimensions = array<i32: 1>} : vector<80x128xi32>
    %add3A_15 = arith.addi %mul3A_13, %iota3A_14 : vector<80x128xi32>
    %lt3A = arith.constant 10000 : i32
    %lt3A_16 = vector.broadcast %lt3A : i32 to vector<80x128xi32>
    %lt3A_17 = arith.cmpi slt, %add3A_15, %lt3A_16 : vector<80x128xi32>
    %get3A_18 = arith.constant 0 : index
    %get3A_19 = arith.constant 0 : index
    %get3A_20 = vector.load %arg3[%get3A_18, %get3A_19] : memref<80x128xf32, #tpu.memory_space<vmem>>, vector<80x128xf32>
    %rsqrt3A = math.rsqrt %get3A_20 : vector<80x128xf32>
    %jit3A = arith.constant 0.000000e+00 : f32
    %broadcast_in_dim3A = vector.broadcast %jit3A : f32 to vector<80x128xf32>
    %select_n3A = arith.select %lt3A_17, %rsqrt3A, %broadcast_in_dim3A : vector<80x128xi1>, vector<80x128xf32>
    %swap3A_21 = arith.constant 0 : index
    %swap3A_22 = arith.constant 0 : index
    %swap3A_23 = vector.load %arg5[%swap3A_21, %swap3A_22] : memref<80x128xf32, #tpu.memory_space<vmem>>, vector<80x128xf32>
    tpu.vector_store %arg5[%swap3A_21, %swap3A_22], %select_n3A {strides = array<i32>} : memref<80x128xf32, #tpu.memory_space<vmem>>, vector<80x128xf32>,
    return
  }
}

module attributes {stable_mosaic.version = 14 : i64} {
  func.func @_bn_lin_body(%arg0: memref<20000x128xf32, #tpu.memory_space<vmem>>, %arg1: memref<1x128xf32, #tpu.memory_space<vmem>>, %arg2: memref<1x128xf32, #tpu.memory_space<vmem>>, %arg3: memref<128x128xf32, #tpu.memory_space<vmem>>, %arg4: memref<1x128xf32, #tpu.memory_space<vmem>>, %arg5: memref<10000x128xf32, #tpu.memory_space<vmem>>) attributes {dimension_semantics = [], scalar_prefetch = 0 : i64, scratch_operands = 0 : i64, tpu.core_type = #tpu.core_type<tc>} {
    %get3A = arith.constant 0 : index
    %get3A_0 = arith.constant 0 : index
    %get3A_1 = vector.load %arg0[%get3A, %get3A_0] : memref<20000x128xf32, #tpu.memory_space<vmem>>, vector<10000x128xf32>
    %get3A_2 = arith.constant 10000 : index
    %get3A_3 = arith.constant 0 : index
    %get3A_4 = vector.load %arg0[%get3A_2, %get3A_3] : memref<20000x128xf32, #tpu.memory_space<vmem>>, vector<10000x128xf32>
    %add3A = arith.addf %get3A_1, %get3A_4 : vector<10000x128xf32>
    %max3A = arith.constant 0.000000e+00 : f32
    %max3A_5 = vector.broadcast %max3A : f32 to vector<10000x128xf32>
    %max3A_6 = arith.maximumf %add3A, %max3A_5 : vector<10000x128xf32>
    %reduce_sum3A = arith.constant dense<0.000000e+00> : vector<128xf32>
    %reduce_sum3A_7 = vector.multi_reduction <add>, %max3A_6, %reduce_sum3A [0] : vector<10000x128xf32> to vector<128xf32>
    %broadcast_in_dim3A = vector.shape_cast %reduce_sum3A_7 : vector<128xf32> to vector<1x128xf32>
    %div3A = arith.constant 1.000000e+04 : f32
    %div3A_8 = vector.broadcast %div3A : f32 to vector<1x128xf32>
    %div3A_9 = arith.divf %broadcast_in_dim3A, %div3A_8 : vector<1x128xf32>
    %sub3A = vector.broadcast %div3A_9 : vector<1x128xf32> to vector<10000x128xf32>
    %sub3A_10 = arith.subf %max3A_6, %sub3A : vector<10000x128xf32>
    %mul3A = arith.mulf %sub3A_10, %sub3A_10 : vector<10000x128xf32>
    %reduce_sum3A_11 = arith.constant dense<0.000000e+00> : vector<128xf32>
    %reduce_sum3A_12 = vector.multi_reduction <add>, %mul3A, %reduce_sum3A_11 [0] : vector<10000x128xf32> to vector<128xf32>
    %broadcast_in_dim3A_13 = vector.shape_cast %reduce_sum3A_12 : vector<128xf32> to vector<1x128xf32>
    %div3A_14 = arith.constant 1.000000e+04 : f32
    %div3A_15 = vector.broadcast %div3A_14 : f32 to vector<1x128xf32>
    %div3A_16 = arith.divf %broadcast_in_dim3A_13, %div3A_15 : vector<1x128xf32>
    %get3A_17 = arith.constant 0 : index
    %get3A_18 = arith.constant 0 : index
    %get3A_19 = vector.load %arg1[%get3A_17, %get3A_18] : memref<1x128xf32, #tpu.memory_space<vmem>>, vector<1x128xf32>
    %mul3A_20 = vector.broadcast %get3A_19 : vector<1x128xf32> to vector<10000x128xf32>
    %mul3A_21 = arith.mulf %mul3A_20, %sub3A_10 : vector<10000x128xf32>
    %add3A_22 = arith.constant 9.99999974E-6 : f32
    %add3A_23 = vector.broadcast %add3A_22 : f32 to vector<1x128xf32>
    %add3A_24 = arith.addf %div3A_16, %add3A_23 : vector<1x128xf32>
    %rsqrt3A = math.rsqrt %add3A_24 : vector<1x128xf32>
    %mul3A_25 = vector.broadcast %rsqrt3A : vector<1x128xf32> to vector<10000x128xf32>
    %mul3A_26 = arith.mulf %mul3A_21, %mul3A_25 : vector<10000x128xf32>
    %get3A_27 = arith.constant 0 : index
    %get3A_28 = arith.constant 0 : index
    %get3A_29 = vector.load %arg2[%get3A_27, %get3A_28] : memref<1x128xf32, #tpu.memory_space<vmem>>, vector<1x128xf32>
    %add3A_30 = vector.broadcast %get3A_29 : vector<1x128xf32> to vector<10000x128xf32>
    %add3A_31 = arith.addf %mul3A_26, %add3A_30 : vector<10000x128xf32>
    %get3A_32 = arith.constant 0 : index
    %get3A_33 = arith.constant 0 : index
    %get3A_34 = vector.load %arg3[%get3A_32, %get3A_33] : memref<128x128xf32, #tpu.memory_space<vmem>>, vector<128x128xf32>
    %dot_general3A = arith.constant dense<0.000000e+00> : vector<10000x128xf32>
    %dot_general3A_35 = tpu.matmul %add3A_31, %get3A_34, %dot_general3A {dimension_numbers = #tpu.dot_dimension_numbers<[1], [0], [0], [1], [0, 0, 1, 1], [], []>, transpose_lhs_hint = false} : vector<10000x128xf32>, vector<128x128xf32>, vector<10000x128xf32> -> vector<10000x128xf32>
    %get3A_36 = arith.constant 0 : index
    %get3A_37 = arith.constant 0 : index
    %get3A_38 = vector.load %arg4[%get3A_36, %get3A_37] : memref<1x128xf32, #tpu.memory_space<vmem>>, vector<1x128xf32>
    %add3A_39 = vector.broadcast %get3A_38 : vector<1x128xf32> to vector<10000x128xf32>
    %add3A_40 = arith.addf %dot_general3A_35, %add3A_39 : vector<10000x128xf32>
    %swap3A = arith.constant 0 : index
    %swap3A_41 = arith.constant 0 : index
    %swap3A_42 = vector.load %arg5[%swap3A, %swap3A_41] : memref<10000x128xf32, #tpu.memory_space<vmem>>, vector<10000x128xf32>
    tpu.vector_store %arg5[%swap3A, %swap3A_41], %add3A_40 {strides = array<i32>} : memref<10000x128xf32, #tpu.memory_space<vmem>>, vector<10000x128xf32>,
    return
  }
}

module attributes {stable_mosaic.version = 14 : i64} {
  func.func @_bn_lin_body(%arg0: memref<20000x128xf32, #tpu.memory_space<vmem>>, %arg1: memref<1x128xf32, #tpu.memory_space<vmem>>, %arg2: memref<1x128xf32, #tpu.memory_space<vmem>>, %arg3: memref<128x128xf32, #tpu.memory_space<vmem>>, %arg4: memref<1x128xf32, #tpu.memory_space<vmem>>, %arg5: memref<10000x128xf32, #tpu.memory_space<vmem>>) attributes {dimension_semantics = [], scalar_prefetch = 0 : i64, scratch_operands = 0 : i64, tpu.core_type = #tpu.core_type<tc>} {
    %get3A = arith.constant 0 : index
    %get3A_0 = arith.constant 0 : index
    %get3A_1 = vector.load %arg0[%get3A, %get3A_0] : memref<20000x128xf32, #tpu.memory_space<vmem>>, vector<10000x128xf32>
    %get3A_2 = arith.constant 10000 : index
    %get3A_3 = arith.constant 0 : index
    %get3A_4 = vector.load %arg0[%get3A_2, %get3A_3] : memref<20000x128xf32, #tpu.memory_space<vmem>>, vector<10000x128xf32>
    %add3A = arith.addf %get3A_1, %get3A_4 : vector<10000x128xf32>
    %max3A = arith.constant 0.000000e+00 : f32
    %max3A_5 = vector.broadcast %max3A : f32 to vector<10000x128xf32>
    %max3A_6 = arith.maximumf %add3A, %max3A_5 : vector<10000x128xf32>
    %reduce_sum3A = arith.constant dense<0.000000e+00> : vector<128xf32>
    %reduce_sum3A_7 = vector.multi_reduction <add>, %max3A_6, %reduce_sum3A [0] : vector<10000x128xf32> to vector<128xf32>
    %broadcast_in_dim3A = vector.shape_cast %reduce_sum3A_7 : vector<128xf32> to vector<1x128xf32>
    %div3A = arith.constant 1.000000e+04 : f32
    %div3A_8 = vector.broadcast %div3A : f32 to vector<1x128xf32>
    %div3A_9 = arith.divf %broadcast_in_dim3A, %div3A_8 : vector<1x128xf32>
    %sub3A = vector.broadcast %div3A_9 : vector<1x128xf32> to vector<10000x128xf32>
    %sub3A_10 = arith.subf %max3A_6, %sub3A : vector<10000x128xf32>
    %mul3A = arith.mulf %sub3A_10, %sub3A_10 : vector<10000x128xf32>
    %reduce_sum3A_11 = arith.constant dense<0.000000e+00> : vector<128xf32>
    %reduce_sum3A_12 = vector.multi_reduction <add>, %mul3A, %reduce_sum3A_11 [0] : vector<10000x128xf32> to vector<128xf32>
    %broadcast_in_dim3A_13 = vector.shape_cast %reduce_sum3A_12 : vector<128xf32> to vector<1x128xf32>
    %div3A_14 = arith.constant 1.000000e+04 : f32
    %div3A_15 = vector.broadcast %div3A_14 : f32 to vector<1x128xf32>
    %div3A_16 = arith.divf %broadcast_in_dim3A_13, %div3A_15 : vector<1x128xf32>
    %get3A_17 = arith.constant 0 : index
    %get3A_18 = arith.constant 0 : index
    %get3A_19 = vector.load %arg1[%get3A_17, %get3A_18] : memref<1x128xf32, #tpu.memory_space<vmem>>, vector<1x128xf32>
    %mul3A_20 = vector.broadcast %get3A_19 : vector<1x128xf32> to vector<10000x128xf32>
    %mul3A_21 = arith.mulf %mul3A_20, %sub3A_10 : vector<10000x128xf32>
    %add3A_22 = arith.constant 9.99999974E-6 : f32
    %add3A_23 = vector.broadcast %add3A_22 : f32 to vector<1x128xf32>
    %add3A_24 = arith.addf %div3A_16, %add3A_23 : vector<1x128xf32>
    %rsqrt3A = math.rsqrt %add3A_24 : vector<1x128xf32>
    %mul3A_25 = vector.broadcast %rsqrt3A : vector<1x128xf32> to vector<10000x128xf32>
    %mul3A_26 = arith.mulf %mul3A_21, %mul3A_25 : vector<10000x128xf32>
    %get3A_27 = arith.constant 0 : index
    %get3A_28 = arith.constant 0 : index
    %get3A_29 = vector.load %arg2[%get3A_27, %get3A_28] : memref<1x128xf32, #tpu.memory_space<vmem>>, vector<1x128xf32>
    %add3A_30 = vector.broadcast %get3A_29 : vector<1x128xf32> to vector<10000x128xf32>
    %add3A_31 = arith.addf %mul3A_26, %add3A_30 : vector<10000x128xf32>
    %get3A_32 = arith.constant 0 : index
    %get3A_33 = arith.constant 0 : index
    %get3A_34 = vector.load %arg3[%get3A_32, %get3A_33] : memref<128x128xf32, #tpu.memory_space<vmem>>, vector<128x128xf32>
    %dot_general3A = arith.constant dense<0.000000e+00> : vector<10000x128xf32>
    %dot_general3A_35 = tpu.matmul %add3A_31, %get3A_34, %dot_general3A {dimension_numbers = #tpu.dot_dimension_numbers<[1], [0], [0], [1], [0, 0, 1, 1], [], []>, transpose_lhs_hint = false} : vector<10000x128xf32>, vector<128x128xf32>, vector<10000x128xf32> -> vector<10000x128xf32>
    %get3A_36 = arith.constant 0 : index
    %get3A_37 = arith.constant 0 : index
    %get3A_38 = vector.load %arg4[%get3A_36, %get3A_37] : memref<1x128xf32, #tpu.memory_space<vmem>>, vector<1x128xf32>
    %add3A_39 = vector.broadcast %get3A_38 : vector<1x128xf32> to vector<10000x128xf32>
    %add3A_40 = arith.addf %dot_general3A_35, %add3A_39 : vector<10000x128xf32>
    %swap3A = arith.constant 0 : index
    %swap3A_41 = arith.constant 0 : index
    %swap3A_42 = vector.load %arg5[%swap3A, %swap3A_41] : memref<10000x128xf32, #tpu.memory_space<vmem>>, vector<10000x128xf32>
    tpu.vector_store %arg5[%swap3A, %swap3A_41], %add3A_40 {strides = array<i32>} : memref<10000x128xf32, #tpu.memory_space<vmem>>, vector<10000x128xf32>,
    return
  }
}

</mosaic_0001>

<sc_bundles>
// kernel: kernel.11.cloned.1.call-start
scs
__scs_entry_jumppad:
0x0: {  	(pc) =	sbr.rel $0x88, $3  }
0x1: {  	(tag) =	ssettag $0x0;
	lr =	simm.s32 $0x1  }
0x2: {  	[smem:$0x3F8A] =	sst lr;
	_ =	strace $0xD0000000  }
0x3: {  	_ = 	snop  }
0x4: {  	_ = 	snop  }
0x5: {  	_ = 	snop  }
0x6: {  	_ = 	snop  }
0x7: {  	_ = 	snop  }
__scs_overlays_trampoline_lowered:
0x8: {  	[smem:$0x3F99] =	sst s0  }
0x9: {  	[smem:$0x3F9A] =	sst s1  }
0xa: {  	[smem:$0x3F9B] =	sst s2  }
0xb: {  	[smem:$0x3F9C] =	sst s3  }
0xc: {  	[smem:$0x3F9D] =	sst s4  }
0xd: {  	[smem:$0x3F9E] =	sst s5  }
0xe: {  	[smem:$0x3F9F] =	sst s6  }
0xf: {  	[smem:$0x3FA0] =	sst s7  }
0x10: {  	[smem:$0x3FA1] =	sst s8  }
0x11: {  	[smem:$0x3FA2] =	sst s9;
	s0 =	simm.s32 @!p0 $0x0  }
0x12: {  	s1 =	sld [smem:$0x3F88];
	s0 =	simm.s32 @p0 $0x1  }
0x13: {  	[smem:$0x3FA3] =	sst s0;
	s0 =	simm.s32 @!p1 $0x0  }
0x14: {  	s2 =	sld [smem:$0x3F87];
	s0 =	simm.s32 @p1 $0x1  }
0x15: {  	[smem:$0x3FA4] =	sst s0;
	s0 =	simm.s32 @!p2 $0x0  }
0x16: {  	s3 =	sld [smem:$0x3FDB];
	s0 =	simm.s32 @p2 $0x1  }
0x17: {  	s4 =	simm.s32 $0x1BF5;
	[smem:$0x3FA6] =	sst s0  }
0x18: {  	s0 =	sld [smem:$0x3F89];
	_ =	swait.ge [sflag:s4], $0x0  }
0x19: {  	s7 =	sld [smem:$0x3F8A]  }
0x1a: {  	s8 =	sadd.s32 $0xFFFFE003, lr  }
0x1b: {  	s9 =	sadd.s32 $0xFFFFFEF7, lr;
	s5 =	simm.s32 $0xFFFFFFFF;
	p2 =	slt.u32 s8, $0xFFFFF086  }
0x1c: {  	p1 =	slt.u32 s9, $0xF7A;
	s5 =	simm.s32 @!p2 $0x0  }
0x1d: {  	s5 =	simm.s32 @p1 $0x1;
	p0 =	seq.s32 s7, s2  }
0x1e: {  	s7 =	smul.u32 @!p0 $0xF7A, s2;
	p2 =	seq.s32 @!p0 s5, $0x0  }
0x1f: {  	s9 =	smul.u32 $0xF7A, s1;
	s8 =	simm.s32 @!p0 $0x1BF5;
	p2 =	por !p2, p0  }
0x20: {  	[sflag:s8] =	ssyncset.s32 @!p0 $0xFFFFF086;
	s6 =	sadd.s32 @!p0 s3, s7;
	s7 =	simm.s32 @!p0 $0x108  }
0x21: {  	s3 =	sadd.s32 s3, s9;
	s6 =	sadd.s32 @!p0 $0x88, s6;
	s7 =	simm.s32 @p2 $0x1082  }
0x22: {  	[simem:s7], [sflag:s8] =	dma.local @!p0 [hbm:s6], $0xF7A  }
0x23: {  	s9 =	sor.u32 $0xD0000000, s2;
	s6 =	simm.s32 $0x108;
	_ =	swait.ge @!p0 [sflag:s8], $0x0  }
0x24: {  	s3 =	sadd.s32 $0x88, s3;
	s6 =	simm.s32 @!p1 $0x1082;
	[sflag:s4] =	ssyncset.s32 $0xFFFFF086  }
0x25: {  	[simem:s6], [sflag:s4] =	dma.local [hbm:s3], $0xF7A  }
0x26: {  	[smem:$0x3F8A] =	sst s1;
	(tag) =	ssettag s2;
	_ =	strace s9  }
0x27: {  	s1 =	sld [smem:$0x3F9A]  }
0x28: {  	s2 =	sld [smem:$0x3F9B]  }
0x29: {  	s4 =	sld [smem:$0x3F9D]  }
0x2a: {  	p0 =	seq.s32 s5, $0x0;
	s5 =	sld [smem:$0x3F9E]  }
0x2b: {  	s6 =	sld [smem:$0x3F9F]  }
0x2c: {  	s7 =	sld [smem:$0x3FA0]  }
0x2d: {  	s3 =	simm.s32 $0x108;
	s8 =	sld [smem:$0x3FA1]  }
0x2e: {  	s3 =	simm.s32 @!p0 $0x1082;
	s9 =	sld [smem:$0x3FA2]  }
0x2f: {  	lr =	sadd.s32 s0, s3;
	s0 =	sld [smem:$0x3F99]  }
0x30: {  	s3 =	sld [smem:$0x3F9C]  }
0x31: {  	[smem:$0x3FA5] =	sst s10  }
0x32: {  	s10 =	sld [smem:$0x3FA3];
	_ =	sdelay $0x3  }
0x33: {  	p0 =	seq.s32 s10, $0x1;
	s10 =	sld [smem:$0x3FA5];
	_ =	sdelay $0x3  }
0x34: {  	[smem:$0x3FA5] =	sst s10  }
0x35: {  	s10 =	sld [smem:$0x3FA4];
	_ =	sdelay $0x3  }
0x36: {  	p1 =	seq.s32 s10, $0x1;
	s10 =	sld [smem:$0x3FA5];
	_ =	sdelay $0x3  }
0x37: {  	[smem:$0x3FA5] =	sst s10  }
0x38: {  	s10 =	sld [smem:$0x3FA6]  }
0x39: {  	_ = 	snop;
	(pc) =	sbr.ind lr, $3  }
0x3a: {  	_ = 	snop  }
0x3b: {  	_ = 	snop  }
0x3c: {  	p2 =	seq.s32 s10, $0x1;
	s10 =	sld [smem:$0x3FA5]  }
0x3d: {  	_ =	shalt  }
0x3e: {  	_ =	shalt  }
0x3f: {  	_ =	shalt  }
0x40: {  	_ =	shalt  }
0x41: {  	_ =	shalt  }
0x42: {  	_ =	shalt  }
0x43: {  	_ =	shalt  }
0x44: {  	_ =	shalt  }
0x45: {  	_ =	shalt  }
0x46: {  	_ =	shalt  }
0x47: {  	_ =	shalt  }
0x48: {  	_ =	shalt  }
0x49: {  	_ =	shalt  }
0x4a: {  	_ =	shalt  }
0x4b: {  	_ =	shalt  }
0x4c: {  	_ =	shalt  }
0x4d: {  	_ =	shalt  }
0x4e: {  	_ =	shalt  }
0x4f: {  	_ =	shalt  }
0x50: {  	_ =	shalt  }
0x51: {  	_ =	shalt  }
0x52: {  	_ =	shalt  }
0x53: {  	_ =	shalt  }
0x54: {  	_ =	shalt  }
0x55: {  	_ =	shalt  }
0x56: {  	_ =	shalt  }
0x57: {  	_ =	shalt  }
0x58: {  	_ =	shalt  }
0x59: {  	_ =	shalt  }
0x5a: {  	_ =	shalt  }
0x5b: {  	_ =	shalt  }
0x5c: {  	_ =	shalt  }
0x5d: {  	_ =	shalt  }
0x5e: {  	_ =	shalt  }
0x5f: {  	_ =	shalt  }
0x60: {  	_ =	shalt  }
0x61: {  	_ =	shalt  }
0x62: {  	_ =	shalt  }
0x63: {  	_ =	shalt  }
0x64: {  	_ =	shalt  }
0x65: {  	_ =	shalt  }
0x66: {  	_ =	shalt  }
0x67: {  	_ =	shalt  }
0x68: {  	_ =	shalt  }
0x69: {  	_ =	shalt  }
0x6a: {  	_ =	shalt  }
0x6b: {  	_ =	shalt  }
0x6c: {  	_ =	shalt  }
0x6d: {  	_ =	shalt  }
0x6e: {  	_ =	shalt  }
0x6f: {  	_ =	shalt  }
0x70: {  	_ =	shalt  }
0x71: {  	_ =	shalt  }
0x72: {  	_ =	shalt  }
0x73: {  	_ =	shalt  }
0x74: {  	_ =	shalt  }
0x75: {  	_ =	shalt  }
0x76: {  	_ =	shalt  }
0x77: {  	_ =	shalt  }
0x78: {  	_ =	shalt  }
0x79: {  	_ =	shalt  }
0x7a: {  	_ =	shalt  }
0x7b: {  	_ =	shalt  }
0x7c: {  	_ =	shalt  }
0x7d: {  	_ =	shalt  }
0x7e: {  	_ =	shalt  }
0x7f: {  	_ =	shalt  }
0x80: {  	_ =	shalt  }
0x81: {  	_ =	shalt  }
0x82: {  	_ =	shalt  }
0x83: {  	_ =	shalt  }
0x84: {  	_ =	shalt  }
0x85: {  	_ =	shalt  }
0x86: {  	_ =	shalt  }
0x87: {  	_ =	shalt  }
.Lfunc_end0:
.L_simem_size_0:
called_computation_lowered:
.L_overlay_start_0:
0x88: {  	s2 =	sld [smem:$0x3FD9]  }
0x89: {  	s3 =	sld [smem:$0x3FFE];
	_ =	sdelay $0x1  }
0x8a: {  	s1 =	srdreg.scid  }
0x8b: {  	s0 =	sand.u32 $0x1, s1  }
0x8c: {  	s17 =	sshll.u32 s0, $0xA;
	s2 =	sadd.s32 s3, s2  }
0x8d: {  	s2 =	sadd.s32 s2, s17  }
0x8e: {  	[smem:$0x3FB1] =	sst s2  }
0x8f: {  	_ = 	snop  }
0x90: {  	s2 =	sld [smem:$0x3FD0];
	(tm) =	ssettm $0x1  }
0x91: {  	s18 =	sld [smem:$0x3FFB];
	_ =	sdelay $0x3  }
0x92: {  	_ =	strace s18  }
0x93: {  	s3 =	sld [smem:$0x3FFC];
	_ =	sdelay $0x3  }
0x94: {  	_ =	strace s3  }
0x95: {  	s3 =	sld [smem:$0x3FFD];
	_ =	sdelay $0x3  }
0x96: {  	_ =	strace s3  }
0x97: {  	_ =	strace $0x8FFFFFFF  }
0x98: {  	s19 =	sld [smem:$0x3FDB];
	_ =	sdelay $0x1  }
0x99: {  	s4 =	simm.s32 $_scs_section_size  }
0x9a: {  	s5 =	simm.s32 $_size__tile_overlayer_lowered;
	s6 =	simm.s32 $_tile_overlayer_lowered  }
0x9b: {  	s22 =	simm.s32 $0x1BFF;
	s21 =	sshll.u32 s6, $0x1;
	s3 =	sadd.s32 s4, s19  }
0x9c: {  	s7 =	simm.s32 $0x0;
	s20 =	sshll.u32 s5, $0x1;
	s5 =	sadd.s32 s21, s3  }
0x9d: {  	[timem:s7], [sflag:s22] =	dma.local [hbm:s5], s20  }
0x9e: {  	_ =	swait.ge [sflag:s22], s20  }
0x9f: {  	s4 =	ssub.s32 $0x0, s20;
	[sflag:s22] =	ssyncset.done $0x0  }
0xa0: {  	[sflag:s22] =	ssyncadd.s32 s4;
	_ =	sdelay $0x1  }
0xa1: {  	s23 =	simm.s32 $0x1B8B  }
0xa2: {  	_ =	swait.ge [sflag:s23], $0x1  }
0xa3: {  	[sflag:s23] =	ssyncset.done $0x0  }
0xa4: {  	s25 =	simm.s32 $0x1B8E;
	s24 =	sld [smem:$0x3FFE];
	[sflag:s23] =	ssyncadd.s32 $0xFFFFFFFF  }
0xa5: {  	s26 =	simm.s32 $execute0_lowered;
	[smem:$0x3FD2] =	sst s25  }
0xa6: {  	s5 =	sshll.u32 s26, $0x1;
	_ =	strace $0x80000046;
	[dreg:$0x1] =	wrdreg $0xFFFFFFFF  }
0xa7: {  	s28 =	simm.s32 $_size_execute0_lowered;
	s3 =	sadd.s32 s3, s5;
	[dreg:$0x0] =	wrdreg $0x0  }
0xa8: {  	s5 =	sshll.u32 s28, $0x1;
	[dreg:$0x2] =	wrdreg s3  }
0xa9: {  	[dreg:$0x3] =	wrdreg s5  }
0xaa: {  	[dreg:$0x4] =	wrdreg $0xC0  }
0xab: {  	_ =	task [dreg:s7], $0x5FFFF  }
0xac: {  	[dreg:$0x1] =	wrdreg $0xFFFFFFFF  }
0xad: {  	[dreg:$0x0] =	wrdreg $0x60  }
0xae: {  	[dreg:$0x2] =	wrdreg s2  }
0xaf: {  	[dreg:$0x3] =	wrdreg s24  }
0xb0: {  	[dreg:$0x4] =	wrdreg $0x68000  }
0xb1: {  	[dreg:$0x5] =	wrdreg $0x9  }
0xb2: {  	_ =	task.clear_ibuf [dreg:s7], $0x6FFFF;
	_ =	strace $0x90000046  }
0xb3: {  	s29 =	simm.s32 $0x9;
	_ =	strace $0x80000048  }
0xb4: {  	_ =	swait.ge [sflag:s29], $0x1  }
0xb5: {  	[sflag:s29] =	ssyncadd.s32 $0xFFFFFFFF  }
0xb6: {  	_ =	strace $0x90000048  }
0xb7: {  	_ =	sfence  }
0xb8: {  	s30 =	sld [smem:$0x0];
	_ =	sdelay $0x2  }
0xb9: {  	s31 =	sshll.u32 s1, $0xD;
	s1 =	sshrl.u32 s1, $0x2  }
0xba: {  	s3 =	sand.u32 $0x4000, s31;
	s1 =	sadd.s32 s1, s30  }
0xbb: {  	s0 =	sor.u32 s3, s0;
	s1 =	sshll.u32 s1, $0x11  }
0xbc: {  	s0 =	sor.u32 s1, s0  }
0xbd: {  	s0 =	sadd.s32 $0x8F2B, s0  }
0xbe: {  	[sflag:s0] =	ssyncadd.remote.s32 $0x1  }
0xbf: {  	_ =	sfence.sel $0xFFFF  }
0xc0: {  	[dreg:$0x0] =	wrdreg $0xFFFFFFFF;
	(pc) =	sbr.abs _section_cstart, $3  }
0xc1: {  	[dreg:$0x1] =	wrdreg $0xFFFFFFFF  }
0xc2: {  	_ =	task.clear_ibuf [dreg:s7], $0x2FFFF;
	_ =	strace $0x9FFFFFFF  }
0xc3: {  	(tm) =	ssettm $0x7FFFFFFF  }
tec
execute0_lowered:
.L_overlay_start_1:
0x0: {  	(tag) =	ssettag $0x1  }
0x1: {  	s12 =	rddreg [dreg:$0x0]  }
0x2: {  	s4 =	rddreg [dreg:$0x1]  }
0x3: {  	s0 =	srdreg.scid;
	s2 =	rddreg [dreg:$0x2]  }
0x4: {  	s1 =	rddreg [dreg:$0x3];
	s3 =	simm.s32 $0x0;
	s5 =	sand.u32 $0x1, s0  }
0x5: {  	s16 =	simm.s32 $0x80;
	s0 =	stileid.u32;
	s6 =	smul.u32 $0x27100, s5  }
0x6: {  	s17 =	simm.s32 $0x2800;
	[smem:$0x7FF] =	sst s3;
	s7 =	smul.u32 $0x3E80, s0  }
0x7: {  	s29 =	smul.u32 $0x7D000, s0;
	_ =	strace $0x80000047;
	s30 =	ssub.s32 $0x2, s5  }
0x8: {  	s5 =	sshll.u32 s5, $0x4;
	p0 =	sgt.u32 s0, $0x9;
	s31 =	sshrl.u32 s30, $0x1  }
0x9: {  	s8 =	sor.u32 s0, s5;
	s18 =	sshll.u32 @!p0 s0, $0x6;
	s6 =	sadd.s32 s7, s6  }
0xa: {  	s7 =	sshrl.u32 s29, $0x2;
	s14 =	ssub.s32 s30, s31;
	s15 =	smul.u32 $0x500, s8  }
0xb: {  	s18 =	sor.u32 @!p0 $0x1C01, s18;
	s13 =	sadd.s32 s6, s4;
	s4 =	sadd.s32 s7, s2  }
0xc: {  	s14 =	smax.u32 s14, $0x1;
	s5 =	sadd.s32 $0x4000, s4;
	s6 =	sadd.s32 $0x8000, s4  }
0xd: {  	s7 =	sadd.s32 $0xC000, s4;
	s8 =	sadd.s32 $0x10000, s4;
	s9 =	sadd.s32 $0x14000, s4  }
0xe: {  	s10 =	sadd.s32 $0x18000, s4;
	s11 =	sadd.s32 $0x1C000, s4;
	s12 =	sadd.s32 s12, s15  }
0xf: {  	v0 =	vimm.f32 $0.0e+00;
	v1 =	vimm.f32 $1.000000000e+00;
	s13 =	sadd.s32 $0x5200, s13;
	s15 =	simm.s32 $0x1;
	s19 =	sshrl.u32 @!p0 s4, $0x3  }
.LBB2_1:
0x10: {  	s20 =	simm.s32 $0x0;
	s21 =	simm.s32 $0x200  }
.LBB2_2:
0x11: {  	p1 =	sne.s32 s21, $0xFE00;
	[tilespmem:s20+$0x2870] =	vst v0  }
0x12: {  	[tilespmem:s20+$0x2800] =	vst v0  }
0x13: {  	[tilespmem:s20+$0x2810] =	vst v0  }
.Ltmp0:
0x14: {  	[tilespmem:s20+$0x2820] =	vst v0;
	(pc) =	sbr.rel @p1 .LBB2_2-.Ltmp0, $4  }
0x15: {  	[tilespmem:s20+$0x2830] =	vst v0  }
0x16: {  	[tilespmem:s20+$0x2840] =	vst v0  }
0x17: {  	[tilespmem:s20+$0x2850] =	vst v0  }
0x18: {  	[tilespmem:s20+$0x2860] =	vst v0;
	s20 =	sshra.s32 s21, $0x2;
	s21 =	sadd.s32 $0x200, s21  }
0x19: {  	[tilespmem:s20+$0x2870] =	vst v0  }
0x1a: {  	[tilespmem:s20+$0x2800] =	vst v0  }
0x1b: {  	[tilespmem:s20+$0x2810] =	vst v0  }
0x1c: {  	[tilespmem:s20+$0x2820] =	vst v0  }
0x1d: {  	[tilespmem:s20+$0x2830] =	vst v0  }
0x1e: {  	[tilespmem:s20+$0x2840] =	vst v0  }
0x1f: {  	[tilespmem:s20+$0x2850] =	vst v0  }
0x20: {  	[tilespmem:s20+$0x2860] =	vst v0;
	s20 =	simm.s32 @!p0 $0x2800;
	s21 =	simm.s32 @!p0 $0x1  }
0x21: {  	[spmem:s4] =	stream.linear.scatter @!p0 [tilespmem:s20], [sflag:$0x1], $0x4000, $0x38;
	[tilespmem:$0x1A200] =	vst v63  }
0x22: {  	_ =	swait.ge @!p0 [sflag:s21], $0x4000  }
0x23: {  	[sflag:s21] =	ssyncset.done @!p0 $0x0  }
0x24: {  	[sflag:s21] =	ssyncadd.s32 @!p0 $0xFFFFC000  }
0x25: {  	[spmem:s5] =	stream.linear.scatter @!p0 [tilespmem:s20], [sflag:$0x1], $0x4000, $0x38;
	[tilespmem:$0x1A200] =	vst v63  }
0x26: {  	_ =	swait.ge @!p0 [sflag:s21], $0x4000  }
0x27: {  	[sflag:s21] =	ssyncset.done @!p0 $0x0  }
0x28: {  	[sflag:s21] =	ssyncadd.s32 @!p0 $0xFFFFC000  }
0x29: {  	[spmem:s6] =	stream.linear.scatter @!p0 [tilespmem:s20], [sflag:$0x1], $0x4000, $0x38;
	[tilespmem:$0x1A200] =	vst v63  }
0x2a: {  	_ =	swait.ge @!p0 [sflag:s21], $0x4000  }
0x2b: {  	[sflag:s21] =	ssyncset.done @!p0 $0x0  }
0x2c: {  	[sflag:s21] =	ssyncadd.s32 @!p0 $0xFFFFC000  }
0x2d: {  	[spmem:s7] =	stream.linear.scatter @!p0 [tilespmem:s20], [sflag:$0x1], $0x4000, $0x38;
	[tilespmem:$0x1A200] =	vst v63  }
0x2e: {  	_ =	swait.ge @!p0 [sflag:s21], $0x4000  }
0x2f: {  	[sflag:s21] =	ssyncset.done @!p0 $0x0  }
0x30: {  	[sflag:s21] =	ssyncadd.s32 @!p0 $0xFFFFC000  }
0x31: {  	[spmem:s8] =	stream.linear.scatter @!p0 [tilespmem:s20], [sflag:$0x1], $0x4000, $0x38;
	[tilespmem:$0x1A200] =	vst v63  }
0x32: {  	_ =	swait.ge @!p0 [sflag:s21], $0x4000  }
0x33: {  	[sflag:s21] =	ssyncset.done @!p0 $0x0  }
0x34: {  	[sflag:s21] =	ssyncadd.s32 @!p0 $0xFFFFC000  }
0x35: {  	[spmem:s9] =	stream.linear.scatter @!p0 [tilespmem:s20], [sflag:$0x1], $0x4000, $0x38;
	[tilespmem:$0x1A200] =	vst v63  }
0x36: {  	_ =	swait.ge @!p0 [sflag:s21], $0x4000  }
0x37: {  	[sflag:s21] =	ssyncset.done @!p0 $0x0  }
0x38: {  	[sflag:s21] =	ssyncadd.s32 @!p0 $0xFFFFC000  }
0x39: {  	[spmem:s10] =	stream.linear.scatter @!p0 [tilespmem:s20], [sflag:$0x1], $0x4000, $0x38;
	[tilespmem:$0x1A200] =	vst v63  }
0x3a: {  	_ =	swait.ge @!p0 [sflag:s21], $0x4000  }
0x3b: {  	[sflag:s21] =	ssyncset.done @!p0 $0x0  }
0x3c: {  	[sflag:s21] =	ssyncadd.s32 @!p0 $0xFFFFC000  }
0x3d: {  	[spmem:s11] =	stream.linear.scatter @!p0 [tilespmem:s20], [sflag:$0x1], $0x3400, $0x38;
	[tilespmem:$0x1A200] =	vst v63  }
0x3e: {  	_ =	swait.ge @!p0 [sflag:s21], $0x3400  }
0x3f: {  	[sflag:s21] =	ssyncset.done @!p0 $0x0  }
0x40: {  	[sflag:s21] =	ssyncadd.s32 @!p0 $0xFFFFCC00  }
0x41: {  	s20 =	simm.s32 $0x0;
	s21 =	simm.s32 $0x200;
	[bflag:$0x0] =	sbarrier.arrive $0xFFFF  }
.LBB2_4:
0x42: {  	p1 =	sne.s32 s21, $0xFE00;
	[tilespmem:s20+$0x2870] =	vst v1  }
0x43: {  	[tilespmem:s20+$0x2800] =	vst v1  }
0x44: {  	[tilespmem:s20+$0x2810] =	vst v1  }
.Ltmp1:
0x45: {  	[tilespmem:s20+$0x2820] =	vst v1;
	(pc) =	sbr.rel @p1 .LBB2_4-.Ltmp1, $4  }
0x46: {  	[tilespmem:s20+$0x2830] =	vst v1  }
0x47: {  	[tilespmem:s20+$0x2840] =	vst v1  }
0x48: {  	[tilespmem:s20+$0x2850] =	vst v1  }
0x49: {  	[tilespmem:s20+$0x2860] =	vst v1;
	s20 =	sshra.s32 s21, $0x2;
	s21 =	sadd.s32 $0x200, s21  }
0x4a: {  	[tilespmem:s20+$0x2870] =	vst v1  }
0x4b: {  	[tilespmem:s20+$0x2800] =	vst v1  }
0x4c: {  	[tilespmem:s20+$0x2810] =	vst v1  }
0x4d: {  	[tilespmem:s20+$0x2820] =	vst v1  }
0x4e: {  	[tilespmem:s20+$0x2830] =	vst v1  }
0x4f: {  	[tilespmem:s20+$0x2840] =	vst v1  }
0x50: {  	[tilespmem:s20+$0x2850] =	vst v1  }
0x51: {  	[tilespmem:s20+$0x2860] =	vst v1;
	s30 =	simm.s32 $0x0  }
0x52: {  	[tilespmem:s30], [sflag:$0x1] =	stream.linear.gather [hbm4b:s12+s30], $0x2800, $0x38;
	[tilespmem:$0x1A200] =	vst v63  }
0x53: {  	_ =	swait.ge [sflag:s15], $0x2800  }
0x54: {  	[sflag:s15] =	ssyncset.done $0x0  }
0x55: {  	s31 =	simm.s32 $0x0;
	[sflag:s15] =	ssyncadd.s32 $0xFFFFD800  }
0x56: {  	[spmem:s2] =	stream.indirect.scatter.add.f32 [tilespmem:s17], [sflag:$0x1], $0x80, s31, s16, $0xb8;
	[tilespmem:$0x1A200] =	vst v63  }
0x57: {  	_ =	swait.ge [sflag:s15], $0x4000  }
0x58: {  	s20 =	simm.s32 $0x200;
	[sflag:s15] =	ssyncset.done $0x0  }
.LBB2_6:
0x59: {  	s21 =	sshra.s32 s20, $0x2;
	[sflag:s15] =	ssyncadd.s32 $0xFFFFC000;
	p1 =	sne.s32 s20, $0x9E00  }
0x5a: {  	[spmem:s2] =	stream.indirect.scatter.add.f32 [tilespmem:s17], [sflag:$0x1], $0x80, s21, s16, $0xb8;
	[tilespmem:$0x1A200] =	vst v63  }
.Ltmp2:
0x5b: {  	_ = 	snop;
	(pc) =	sbr.rel @p1 .LBB2_6-.Ltmp2, $4  }
0x5c: {  	_ = 	snop  }
0x5d: {  	s20 =	sadd.s32 $0x200, s20  }
0x5e: {  	_ =	swait.ge [sflag:s15], $0x4000  }
0x5f: {  	[sflag:s15] =	ssyncset.done $0x0  }
0x60: {  	s3 =	sadd.s32 $0x1, s3  }
0x61: {  	[sflag:s15] =	ssyncadd.s32 $0xFFFFC000;
	p1 =	sne.s32 s3, s14  }
.Ltmp3:
0x62: {  	s20 =	simm.s32 @!p0 $0x1;
	[bflag:$0x0] =	sbarrier.arrive $0xFFFF;
	(pc) =	sbr.rel @p1 .LBB2_1-.Ltmp3, $4  }
0x63: {  	[hbm:s13], [sflag:s18] =	dma.local @!p0 [spmem:s19], $0x3E80  }
0x64: {  	_ =	swait.ge @!p0 [sflag:s20], $0x3E80  }
0x65: {  	[sflag:s20] =	ssyncset.done @!p0 $0x0  }
0x66: {  	[sflag:s20] =	ssyncadd.s32 @!p0 $0xFFFFC180  }
0x67: {  	_ =	sfence.sel $0x180000  }
0x68: {  	[bflag:$0x0] =	sbarrier.arrive $0xFFFF  }
0x69: {  	p0 =	sne.s32 s0, $0x0;
	_ =	strace $0x90000047  }
0x6a: {  	s0 =	sadd.s32 @!p0 $0x100000, s1;
	[bflag:$0x2] =	sbarrier.arrive $0xFFFF  }
0x6b: {  	[sflag:s0] =	ssyncadd.tile.s32 @!p0 $0x1;
	_ =	shalt  }
.Lfunc_end2:
_tile_overlayer_lowered:
.L_overlay_start_2:
0x6c: {  	(tag) =	ssettag $0x2  }
0x6d: {  	s0 =	rddreg [dreg:$0x0];
	s2 =	stileid.u32  }
0x6e: {  	s1 =	rddreg [dreg:$0x1];
	p0 =	sne.s32 s2, $0x0  }
0x6f: {  	s3 =	rddreg [dreg:$0x2];
	[bflag:$0x3] =	sbarrier.arrive $0xFFFF;
	s2 =	simm.s32 @!p0 $0x1C01  }
0x70: {  	[timem:s3], [sflag:s2] =	dma.local @!p0 [hbm:s0], s1  }
0x71: {  	s0 =	simm.s32 @!p0 $0x1  }
0x72: {  	_ =	swait.ge @!p0 [sflag:s0], s1  }
0x73: {  	s1 =	ssub.s32 @!p0 $0x0, s1;
	[sflag:s0] =	ssyncset.done @!p0 $0x0  }
0x74: {  	[sflag:s0] =	ssyncadd.s32 @!p0 s1  }
0x75: {  	[bflag:$0x3] =	sbarrier.arrive $0xFFFF  }
0x76: {  	_ =	shalt  }

// kernel: kernel.14.cloned.1.call-start
scs
__scs_entry_jumppad:
0x0: {  	(pc) =	sbr.rel $0x88, $3  }
0x1: {  	(tag) =	ssettag $0x0;
	lr =	simm.s32 $0x1  }
0x2: {  	[smem:$0x3F8A] =	sst lr;
	_ =	strace $0xD0000000  }
0x3: {  	_ = 	snop  }
0x4: {  	_ = 	snop  }
0x5: {  	_ = 	snop  }
0x6: {  	_ = 	snop  }
0x7: {  	_ = 	snop  }
__scs_overlays_trampoline_lowered:
0x8: {  	[smem:$0x3F99] =	sst s0  }
0x9: {  	[smem:$0x3F9A] =	sst s1  }
0xa: {  	[smem:$0x3F9B] =	sst s2  }
0xb: {  	[smem:$0x3F9C] =	sst s3  }
0xc: {  	[smem:$0x3F9D] =	sst s4  }
0xd: {  	[smem:$0x3F9E] =	sst s5  }
0xe: {  	[smem:$0x3F9F] =	sst s6  }
0xf: {  	[smem:$0x3FA0] =	sst s7  }
0x10: {  	[smem:$0x3FA1] =	sst s8  }
0x11: {  	[smem:$0x3FA2] =	sst s9;
	s0 =	simm.s32 @!p0 $0x0  }
0x12: {  	s1 =	sld [smem:$0x3F88];
	s0 =	simm.s32 @p0 $0x1  }
0x13: {  	[smem:$0x3FA3] =	sst s0;
	s0 =	simm.s32 @!p1 $0x0  }
0x14: {  	s2 =	sld [smem:$0x3F87];
	s0 =	simm.s32 @p1 $0x1  }
0x15: {  	[smem:$0x3FA4] =	sst s0;
	s0 =	simm.s32 @!p2 $0x0  }
0x16: {  	s3 =	sld [smem:$0x3FDB];
	s0 =	simm.s32 @p2 $0x1  }
0x17: {  	s4 =	simm.s32 $0x1BF5;
	[smem:$0x3FA6] =	sst s0  }
0x18: {  	s0 =	sld [smem:$0x3F89];
	_ =	swait.ge [sflag:s4], $0x0  }
0x19: {  	s7 =	sld [smem:$0x3F8A]  }
0x1a: {  	s8 =	sadd.s32 $0xFFFFE003, lr  }
0x1b: {  	s9 =	sadd.s32 $0xFFFFFEF7, lr;
	s5 =	simm.s32 $0xFFFFFFFF;
	p2 =	slt.u32 s8, $0xFFFFF086  }
0x1c: {  	p1 =	slt.u32 s9, $0xF7A;
	s5 =	simm.s32 @!p2 $0x0  }
0x1d: {  	s5 =	simm.s32 @p1 $0x1;
	p0 =	seq.s32 s7, s2  }
0x1e: {  	s7 =	smul.u32 @!p0 $0xF7A, s2;
	p2 =	seq.s32 @!p0 s5, $0x0  }
0x1f: {  	s9 =	smul.u32 $0xF7A, s1;
	s8 =	simm.s32 @!p0 $0x1BF5;
	p2 =	por !p2, p0  }
0x20: {  	[sflag:s8] =	ssyncset.s32 @!p0 $0xFFFFF086;
	s6 =	sadd.s32 @!p0 s3, s7;
	s7 =	simm.s32 @!p0 $0x108  }
0x21: {  	s3 =	sadd.s32 s3, s9;
	s6 =	sadd.s32 @!p0 $0x88, s6;
	s7 =	simm.s32 @p2 $0x1082  }
0x22: {  	[simem:s7], [sflag:s8] =	dma.local @!p0 [hbm:s6], $0xF7A  }
0x23: {  	s9 =	sor.u32 $0xD0000000, s2;
	s6 =	simm.s32 $0x108;
	_ =	swait.ge @!p0 [sflag:s8], $0x0  }
0x24: {  	s3 =	sadd.s32 $0x88, s3;
	s6 =	simm.s32 @!p1 $0x1082;
	[sflag:s4] =	ssyncset.s32 $0xFFFFF086  }
0x25: {  	[simem:s6], [sflag:s4] =	dma.local [hbm:s3], $0xF7A  }
0x26: {  	[smem:$0x3F8A] =	sst s1;
	(tag) =	ssettag s2;
	_ =	strace s9  }
0x27: {  	s1 =	sld [smem:$0x3F9A]  }
0x28: {  	s2 =	sld [smem:$0x3F9B]  }
0x29: {  	s4 =	sld [smem:$0x3F9D]  }
0x2a: {  	p0 =	seq.s32 s5, $0x0;
	s5 =	sld [smem:$0x3F9E]  }
0x2b: {  	s6 =	sld [smem:$0x3F9F]  }
0x2c: {  	s7 =	sld [smem:$0x3FA0]  }
0x2d: {  	s3 =	simm.s32 $0x108;
	s8 =	sld [smem:$0x3FA1]  }
0x2e: {  	s3 =	simm.s32 @!p0 $0x1082;
	s9 =	sld [smem:$0x3FA2]  }
0x2f: {  	lr =	sadd.s32 s0, s3;
	s0 =	sld [smem:$0x3F99]  }
0x30: {  	s3 =	sld [smem:$0x3F9C]  }
0x31: {  	[smem:$0x3FA5] =	sst s10  }
0x32: {  	s10 =	sld [smem:$0x3FA3];
	_ =	sdelay $0x3  }
0x33: {  	p0 =	seq.s32 s10, $0x1;
	s10 =	sld [smem:$0x3FA5];
	_ =	sdelay $0x3  }
0x34: {  	[smem:$0x3FA5] =	sst s10  }
0x35: {  	s10 =	sld [smem:$0x3FA4];
	_ =	sdelay $0x3  }
0x36: {  	p1 =	seq.s32 s10, $0x1;
	s10 =	sld [smem:$0x3FA5];
	_ =	sdelay $0x3  }
0x37: {  	[smem:$0x3FA5] =	sst s10  }
0x38: {  	s10 =	sld [smem:$0x3FA6]  }
0x39: {  	_ = 	snop;
	(pc) =	sbr.ind lr, $3  }
0x3a: {  	_ = 	snop  }
0x3b: {  	_ = 	snop  }
0x3c: {  	p2 =	seq.s32 s10, $0x1;
	s10 =	sld [smem:$0x3FA5]  }
0x3d: {  	_ =	shalt  }
0x3e: {  	_ =	shalt  }
0x3f: {  	_ =	shalt  }
0x40: {  	_ =	shalt  }
0x41: {  	_ =	shalt  }
0x42: {  	_ =	shalt  }
0x43: {  	_ =	shalt  }
0x44: {  	_ =	shalt  }
0x45: {  	_ =	shalt  }
0x46: {  	_ =	shalt  }
0x47: {  	_ =	shalt  }
0x48: {  	_ =	shalt  }
0x49: {  	_ =	shalt  }
0x4a: {  	_ =	shalt  }
0x4b: {  	_ =	shalt  }
0x4c: {  	_ =	shalt  }
0x4d: {  	_ =	shalt  }
0x4e: {  	_ =	shalt  }
0x4f: {  	_ =	shalt  }
0x50: {  	_ =	shalt  }
0x51: {  	_ =	shalt  }
0x52: {  	_ =	shalt  }
0x53: {  	_ =	shalt  }
0x54: {  	_ =	shalt  }
0x55: {  	_ =	shalt  }
0x56: {  	_ =	shalt  }
0x57: {  	_ =	shalt  }
0x58: {  	_ =	shalt  }
0x59: {  	_ =	shalt  }
0x5a: {  	_ =	shalt  }
0x5b: {  	_ =	shalt  }
0x5c: {  	_ =	shalt  }
0x5d: {  	_ =	shalt  }
0x5e: {  	_ =	shalt  }
0x5f: {  	_ =	shalt  }
0x60: {  	_ =	shalt  }
0x61: {  	_ =	shalt  }
0x62: {  	_ =	shalt  }
0x63: {  	_ =	shalt  }
0x64: {  	_ =	shalt  }
0x65: {  	_ =	shalt  }
0x66: {  	_ =	shalt  }
0x67: {  	_ =	shalt  }
0x68: {  	_ =	shalt  }
0x69: {  	_ =	shalt  }
0x6a: {  	_ =	shalt  }
0x6b: {  	_ =	shalt  }
0x6c: {  	_ =	shalt  }
0x6d: {  	_ =	shalt  }
0x6e: {  	_ =	shalt  }
0x6f: {  	_ =	shalt  }
0x70: {  	_ =	shalt  }
0x71: {  	_ =	shalt  }
0x72: {  	_ =	shalt  }
0x73: {  	_ =	shalt  }
0x74: {  	_ =	shalt  }
0x75: {  	_ =	shalt  }
0x76: {  	_ =	shalt  }
0x77: {  	_ =	shalt  }
0x78: {  	_ =	shalt  }
0x79: {  	_ =	shalt  }
0x7a: {  	_ =	shalt  }
0x7b: {  	_ =	shalt  }
0x7c: {  	_ =	shalt  }
0x7d: {  	_ =	shalt  }
0x7e: {  	_ =	shalt  }
0x7f: {  	_ =	shalt  }
0x80: {  	_ =	shalt  }
0x81: {  	_ =	shalt  }
0x82: {  	_ =	shalt  }
0x83: {  	_ =	shalt  }
0x84: {  	_ =	shalt  }
0x85: {  	_ =	shalt  }
0x86: {  	_ =	shalt  }
0x87: {  	_ =	shalt  }
.Lfunc_end0:
.L_simem_size_0:
called_computation.1_lowered:
.L_overlay_start_0:
0x88: {  	s2 =	sld [smem:$0x3FD9]  }
0x89: {  	s3 =	sld [smem:$0x3FFE];
	_ =	sdelay $0x1  }
0x8a: {  	s1 =	srdreg.scid  }
0x8b: {  	s0 =	sand.u32 $0x1, s1  }
0x8c: {  	s17 =	sshll.u32 s0, $0xA;
	s2 =	sadd.s32 s3, s2  }
0x8d: {  	s2 =	sadd.s32 s2, s17  }
0x8e: {  	[smem:$0x3FB1] =	sst s2  }
0x8f: {  	_ = 	snop  }
0x90: {  	s2 =	sld [smem:$0x3FD0];
	(tm) =	ssettm $0x1  }
0x91: {  	s18 =	sld [smem:$0x3FFB];
	_ =	sdelay $0x3  }
0x92: {  	_ =	strace s18  }
0x93: {  	s3 =	sld [smem:$0x3FFC];
	_ =	sdelay $0x3  }
0x94: {  	_ =	strace s3  }
0x95: {  	s3 =	sld [smem:$0x3FFD];
	_ =	sdelay $0x3  }
0x96: {  	_ =	strace s3  }
0x97: {  	_ =	strace $0x8FFFFFFF  }
0x98: {  	s19 =	sld [smem:$0x3FDB];
	_ =	sdelay $0x1  }
0x99: {  	s4 =	simm.s32 $_scs_section_size  }
0x9a: {  	s5 =	simm.s32 $_size__tile_overlayer_lowered;
	s6 =	simm.s32 $_tile_overlayer_lowered  }
0x9b: {  	s22 =	simm.s32 $0x1BFF;
	s21 =	sshll.u32 s6, $0x1;
	s3 =	sadd.s32 s4, s19  }
0x9c: {  	s7 =	simm.s32 $0x0;
	s20 =	sshll.u32 s5, $0x1;
	s5 =	sadd.s32 s21, s3  }
0x9d: {  	[timem:s7], [sflag:s22] =	dma.local [hbm:s5], s20  }
0x9e: {  	_ =	swait.ge [sflag:s22], s20  }
0x9f: {  	s4 =	ssub.s32 $0x0, s20;
	[sflag:s22] =	ssyncset.done $0x0  }
0xa0: {  	[sflag:s22] =	ssyncadd.s32 s4;
	_ =	sdelay $0x1  }
0xa1: {  	s23 =	simm.s32 $0x1B8B  }
0xa2: {  	_ =	swait.ge [sflag:s23], $0x1  }
0xa3: {  	[sflag:s23] =	ssyncset.done $0x0  }
0xa4: {  	s25 =	simm.s32 $0x1B8E;
	s24 =	sld [smem:$0x3FFE];
	[sflag:s23] =	ssyncadd.s32 $0xFFFFFFFF  }
0xa5: {  	s26 =	simm.s32 $execute0_lowered;
	[smem:$0x3FD2] =	sst s25  }
0xa6: {  	s5 =	sshll.u32 s26, $0x1;
	_ =	strace $0x80000049;
	[dreg:$0x1] =	wrdreg $0xFFFFFFFF  }
0xa7: {  	s28 =	simm.s32 $_size_execute0_lowered;
	s3 =	sadd.s32 s3, s5;
	[dreg:$0x0] =	wrdreg $0x0  }
0xa8: {  	s5 =	sshll.u32 s28, $0x1;
	[dreg:$0x2] =	wrdreg s3  }
0xa9: {  	[dreg:$0x3] =	wrdreg s5  }
0xaa: {  	[dreg:$0x4] =	wrdreg $0xC0  }
0xab: {  	_ =	task [dreg:s7], $0x5FFFF  }
0xac: {  	[dreg:$0x1] =	wrdreg $0xFFFFFFFF  }
0xad: {  	[dreg:$0x0] =	wrdreg $0x60  }
0xae: {  	[dreg:$0x2] =	wrdreg s24  }
0xaf: {  	[dreg:$0x3] =	wrdreg s2  }
0xb0: {  	[dreg:$0x4] =	wrdreg $0x92000  }
0xb1: {  	[dreg:$0x5] =	wrdreg $0x9  }
0xb2: {  	_ =	task.clear_ibuf [dreg:s7], $0x6FFFF;
	_ =	strace $0x90000049  }
0xb3: {  	s29 =	simm.s32 $0x9;
	_ =	strace $0x8000004B  }
0xb4: {  	_ =	swait.ge [sflag:s29], $0x1  }
0xb5: {  	[sflag:s29] =	ssyncadd.s32 $0xFFFFFFFF  }
0xb6: {  	_ =	strace $0x9000004B  }
0xb7: {  	_ =	sfence  }
0xb8: {  	s30 =	sld [smem:$0x0];
	_ =	sdelay $0x2  }
0xb9: {  	s31 =	sshll.u32 s1, $0xD;
	s1 =	sshrl.u32 s1, $0x2  }
0xba: {  	s3 =	sand.u32 $0x4000, s31;
	s1 =	sadd.s32 s1, s30  }
0xbb: {  	s0 =	sor.u32 s3, s0;
	s1 =	sshll.u32 s1, $0x11  }
0xbc: {  	s0 =	sor.u32 s1, s0  }
0xbd: {  	s0 =	sadd.s32 $0x8F2B, s0  }
0xbe: {  	[sflag:s0] =	ssyncadd.remote.s32 $0x1  }
0xbf: {  	_ =	sfence.sel $0xFFFF  }
0xc0: {  	[dreg:$0x0] =	wrdreg $0xFFFFFFFF;
	(pc) =	sbr.abs _section_cstart, $3  }
0xc1: {  	[dreg:$0x1] =	wrdreg $0xFFFFFFFF  }
0xc2: {  	_ =	task.clear_ibuf [dreg:s7], $0x2FFFF;
	_ =	strace $0x9FFFFFFF  }
0xc3: {  	(tm) =	ssettm $0x7FFFFFFF  }
tec
execute0_lowered:
.L_overlay_start_1:
0x0: {  	(tag) =	ssettag $0x1  }
0x1: {  	s1 =	rddreg [dreg:$0x0]  }
0x2: {  	s0 =	srdreg.scid;
	s5 =	rddreg [dreg:$0x1]  }
0x3: {  	s11 =	stileid.u32;
	s4 =	rddreg [dreg:$0x2]  }
0x4: {  	s28 =	simm.s32 $0x2;
	s29 =	simm.s32 $0x1080;
	s9 =	smul.u32 $0x3E80, s11  }
0x5: {  	s30 =	simm.s32 $0x1180;
	s31 =	simm.s32 $0x0;
	s10 =	smul.u32 $0x7D000, s11  }
0x6: {  	s0 =	sand.u32 $0x1, s0;
	s17 =	sadd.s32 $0xA3F400, s1;
	s24 =	smul.u32 $0x140000, s11  }
0x7: {  	s3 =	sadd.s32 $0x53F400, s1;
	p0 =	sgt.u32 s11, $0x9;
	s8 =	smul.u32 $0x27100, s0  }
0x8: {  	s2 =	sshll.u32 s0, $0x4;
	s16 =	ssub.s32 $0x2, s0;
	s0 =	smul.u32 $0x1400000, s0  }
0x9: {  	s6 =	sor.u32 s11, s2;
	s2 =	simm.s32 $0x0;
	s10 =	sshrl.u32 s10, $0x2  }
0xa: {  	s18 =	sshrl.u32 s16, $0x1;
	s7 =	smul.u32 $0x500, s6;
	[smem:$0x7FF] =	sst s2  }
0xb: {  	s8 =	sadd.s32 s9, s8;
	s4 =	sadd.s32 s10, s4;
	s6 =	smul.u32 $0x28000, s6  }
0xc: {  	s0 =	sadd.s32 s24, s0;
	s24 =	simm.s32 $0x1100;
	s19 =	sadd.s32 $0x4000, s4  }
0xd: {  	_ =	strace $0x8000004A;
	s20 =	sadd.s32 $0x8000, s4;
	[dreg:$0x4] =	wrdreg s19  }
0xe: {  	s21 =	sadd.s32 $0xC000, s4;
	s22 =	sadd.s32 $0x10000, s4;
	[dreg:$0x5] =	wrdreg s20  }
0xf: {  	s23 =	sadd.s32 $0x14000, s4;
	s10 =	sadd.s32 $0x18000, s4;
	[dreg:$0x6] =	wrdreg s21  }
0x10: {  	s25 =	sadd.s32 $0x1C000, s4;
	s26 =	sor.u32 $0x8000, s0;
	[dreg:$0x7] =	wrdreg s22  }
0x11: {  	s0 =	sor.u32 $0x4000, s0;
	s13 =	sadd.s32 s7, s1;
	[dreg:$0x8] =	wrdreg s23  }
0x12: {  	s1 =	sadd.s32 s8, s1;
	s8 =	ssub.s32 s16, s18;
	[dreg:$0x9] =	wrdreg s10  }
0x13: {  	[dreg:$0xa] =	wrdreg s25;
	s12 =	sadd.s32 s5, s7;
	s14 =	sadd.s32 s17, s6  }
.Ltmp0:
0x14: {  	s0 =	sshrl.u32 s0, $0x3;
	s19 =	simm.s32 $0x3;
	(pc) =	sbr.rel .LBB2_1-.Ltmp0, $4  }
0x15: {  	s20 =	simm.s32 $0x800;
	s21 =	simm.s32 $0x1200;
	s22 =	simm.s32 $0x80  }
0x16: {  	s23 =	simm.s32 $0x1000;
	s25 =	simm.s32 $0x1;
	s13 =	sadd.s32 $0x535400, s13  }
0x17: {  	s15 =	sadd.s32 $0x567A00, s1;
	s16 =	smax.u32 s8, $0x1;
	s1 =	sshrl.u32 s26, $0x3  }
0x18: {  	v0 =	vimm.f32 $0.0e+00;
	s7 =	sadd.s32 s0, s17;
	s26 =	simm.s32 $0x5200;
	s8 =	sadd.s32 s1, s17  }
.LBB2_9:
0x19: {  	s0 =	stileid.u32  }
0x1a: {  	[bflag:$0x0] =	sbarrier.arrive $0xFFFF;
	s31 =	sadd.s32 $0x1, s31;
	s0 =	sshll.u32 @!p0 s0, $0x6  }
0x1b: {  	s1 =	sshrl.u32 @!p0 s4, $0x3;
	p1 =	sne.s32 s31, s16;
	s0 =	sor.u32 @!p0 $0x1C03, s0  }
0x1c: {  	[hbm:s15], [sflag:s0] =	dma.local @!p0 [spmem:s1], $0x3E80  }
.Ltmp1:
0x1d: {  	_ = 	snop;
	(pc) =	sbr.rel @!p1 .LBB2_10-.Ltmp1, $4  }
0x1e: {  	s0 =	simm.s32 @!p0 $0x3  }
0x1f: {  	_ =	swait.ge @!p0 [sflag:s0], $0x3E80  }
0x20: {  	[sflag:s0] =	ssyncset.done @!p0 $0x0  }
0x21: {  	[sflag:s0] =	ssyncadd.s32 @!p0 $0xFFFFC180  }
.LBB2_1:
0x22: {  	s0 =	simm.s32 $0x0;
	s1 =	simm.s32 $0x200  }
.LBB2_2:
0x23: {  	p1 =	sne.s32 s1, $0xFE00;
	[tilespmem:s0+$0x1270] =	vst v0  }
0x24: {  	[tilespmem:s0+$0x1200] =	vst v0  }
0x25: {  	[tilespmem:s0+$0x1210] =	vst v0  }
.Ltmp2:
0x26: {  	[tilespmem:s0+$0x1220] =	vst v0;
	(pc) =	sbr.rel @p1 .LBB2_2-.Ltmp2, $4  }
0x27: {  	[tilespmem:s0+$0x1230] =	vst v0  }
0x28: {  	[tilespmem:s0+$0x1240] =	vst v0  }
0x29: {  	[tilespmem:s0+$0x1250] =	vst v0  }
0x2a: {  	[tilespmem:s0+$0x1260] =	vst v0;
	s0 =	sshra.s32 s1, $0x2;
	s1 =	sadd.s32 $0x200, s1  }
0x2b: {  	[tilespmem:s0+$0x1270] =	vst v0  }
0x2c: {  	[tilespmem:s0+$0x1200] =	vst v0  }
0x2d: {  	[tilespmem:s0+$0x1210] =	vst v0  }
0x2e: {  	[tilespmem:s0+$0x1220] =	vst v0  }
0x2f: {  	[tilespmem:s0+$0x1230] =	vst v0  }
0x30: {  	[tilespmem:s0+$0x1240] =	vst v0  }
0x31: {  	[tilespmem:s0+$0x1250] =	vst v0  }
0x32: {  	[tilespmem:s0+$0x1260] =	vst v0;
	s0 =	simm.s32 @!p0 $0x1200;
	s1 =	simm.s32 @!p0 $0x3  }
0x33: {  	[spmem:s4] =	stream.linear.scatter @!p0 [tilespmem:s0], [sflag:$0x3], $0x4000, $0x38;
	[tilespmem:$0x1CC00] =	vst v63  }
0x34: {  	_ =	swait.ge @!p0 [sflag:s1], $0x4000  }
0x35: {  	[sflag:s1] =	ssyncset.done @!p0 $0x0  }
0x36: {  	s5 =	rddreg [dreg:$0x4];
	[sflag:s1] =	ssyncadd.s32 @!p0 $0xFFFFC000  }
0x37: {  	[spmem:s5] =	stream.linear.scatter @!p0 [tilespmem:s0], [sflag:$0x3], $0x4000, $0x38;
	[tilespmem:$0x1CC00] =	vst v63  }
0x38: {  	_ =	swait.ge @!p0 [sflag:s1], $0x4000  }
0x39: {  	[sflag:s1] =	ssyncset.done @!p0 $0x0  }
0x3a: {  	s5 =	rddreg [dreg:$0x5];
	[sflag:s1] =	ssyncadd.s32 @!p0 $0xFFFFC000  }
0x3b: {  	[spmem:s5] =	stream.linear.scatter @!p0 [tilespmem:s0], [sflag:$0x3], $0x4000, $0x38;
	[tilespmem:$0x1CC00] =	vst v63  }
0x3c: {  	_ =	swait.ge @!p0 [sflag:s1], $0x4000  }
0x3d: {  	[sflag:s1] =	ssyncset.done @!p0 $0x0  }
0x3e: {  	s5 =	rddreg [dreg:$0x6];
	[sflag:s1] =	ssyncadd.s32 @!p0 $0xFFFFC000  }
0x3f: {  	[spmem:s5] =	stream.linear.scatter @!p0 [tilespmem:s0], [sflag:$0x3], $0x4000, $0x38;
	[tilespmem:$0x1CC00] =	vst v63  }
0x40: {  	_ =	swait.ge @!p0 [sflag:s1], $0x4000  }
0x41: {  	[sflag:s1] =	ssyncset.done @!p0 $0x0  }
0x42: {  	s5 =	rddreg [dreg:$0x7];
	[sflag:s1] =	ssyncadd.s32 @!p0 $0xFFFFC000  }
0x43: {  	[spmem:s5] =	stream.linear.scatter @!p0 [tilespmem:s0], [sflag:$0x3], $0x4000, $0x38;
	[tilespmem:$0x1CC00] =	vst v63  }
0x44: {  	_ =	swait.ge @!p0 [sflag:s1], $0x4000  }
0x45: {  	[sflag:s1] =	ssyncset.done @!p0 $0x0  }
0x46: {  	s5 =	rddreg [dreg:$0x8];
	[sflag:s1] =	ssyncadd.s32 @!p0 $0xFFFFC000  }
0x47: {  	[spmem:s5] =	stream.linear.scatter @!p0 [tilespmem:s0], [sflag:$0x3], $0x4000, $0x38;
	[tilespmem:$0x1CC00] =	vst v63  }
0x48: {  	_ =	swait.ge @!p0 [sflag:s1], $0x4000  }
0x49: {  	[sflag:s1] =	ssyncset.done @!p0 $0x0  }
0x4a: {  	s5 =	rddreg [dreg:$0x9];
	[sflag:s1] =	ssyncadd.s32 @!p0 $0xFFFFC000  }
0x4b: {  	[spmem:s5] =	stream.linear.scatter @!p0 [tilespmem:s0], [sflag:$0x3], $0x4000, $0x38;
	[tilespmem:$0x1CC00] =	vst v63  }
0x4c: {  	_ =	swait.ge @!p0 [sflag:s1], $0x4000  }
0x4d: {  	[sflag:s1] =	ssyncset.done @!p0 $0x0  }
0x4e: {  	s5 =	rddreg [dreg:$0xa];
	[sflag:s1] =	ssyncadd.s32 @!p0 $0xFFFFC000  }
0x4f: {  	[spmem:s5] =	stream.linear.scatter @!p0 [tilespmem:s0], [sflag:$0x3], $0x3400, $0x38;
	[tilespmem:$0x1CC00] =	vst v63  }
0x50: {  	_ =	swait.ge @!p0 [sflag:s1], $0x3400  }
0x51: {  	[sflag:s1] =	ssyncset.done @!p0 $0x0  }
0x52: {  	[sflag:s1] =	ssyncadd.s32 @!p0 $0xFFFFCC00  }
0x53: {  	s1 =	simm.s32 $0x0;
	[bflag:$0x0] =	sbarrier.arrive $0xFFFF  }
0x54: {  	[tilespmem:s1], [sflag:$0x3] =	stream.linear.gather [hbm4b:s12+s1], $0x400, $0x38;
	[tilespmem:$0x1CC00] =	vst v63  }
0x55: {  	_ =	swait.ge [sflag:s19], $0x400  }
0x56: {  	[sflag:s19] =	ssyncset.done $0x0  }
0x57: {  	[sflag:s19] =	ssyncadd.s32 $0xFFFFFC00  }
0x58: {  	[tilespmem:s20], [sflag:$0x3] =	stream.linear.gather [hbm4b:s13+s1], $0x400, $0x38;
	[tilespmem:$0x1CC00] =	vst v63  }
0x59: {  	_ =	swait.ge [sflag:s19], $0x400  }
0x5a: {  	[sflag:s19] =	ssyncset.done $0x0  }
0x5b: {  	[sflag:s19] =	ssyncadd.s32 $0xFFFFFC00  }
0x5c: {  	[tilespmem:s21], [sflag:$0x1] =	stream.linear.gather [hbm4b:s14+s1], $0x4000, $0x38;
	[tilespmem:$0x1CC00] =	vst v63  }
.Ltmp3:
0x5d: {  	_ = 	snop;
	(pc) =	sbr.rel .LBB2_4-.Ltmp3, $4  }
0x5e: {  	s6 =	simm.s32 $0x20;
	s18 =	smov.u32 s7  }
0x5f: {  	[tilespmem:s23], [sflag:$0x2] =	stream.indirect.gather [hbm4b:s3+s22], $0x1, s1, s22, $0xb8;
	[tilespmem:$0x1CC00] =	vst v63  }
0x60: {  	s17 =	smov.u32 s8;
	s0 =	simm.s32 $0x100;
	s5 =	simm.s32 $0x1  }
0x61: {  	[tilespmem:s24], [sflag:$0x2] =	stream.indirect.gather [hbm4b:s3+s22], $0x1, s20, s22, $0xb8;
	[tilespmem:$0x1CC00] =	vst v63  }
.LBB2_5:
0x62: {  	s9 =	sand.u32 $0xF80, s6  }
0x63: {  	s10 =	sand.u32 $0x400, s0;
	s11 =	sadd.s32 s12, s9  }
0x64: {  	[tilespmem:s10], [sflag:$0x3] =	stream.linear.gather [hbm4b:s11+s2], $0x400, $0x38;
	[tilespmem:$0x1CC00] =	vst v63  }
0x65: {  	_ =	swait.ge [sflag:s19], $0x400  }
0x66: {  	[sflag:s19] =	ssyncset.done $0x0  }
0x67: {  	s9 =	sadd.s32 s13, s9;
	s10 =	sor.u32 $0x800, s10;
	[sflag:s19] =	ssyncadd.s32 $0xFFFFFC00  }
0x68: {  	[tilespmem:s10], [sflag:$0x3] =	stream.linear.gather [hbm4b:s9+s2], $0x400, $0x38;
	[tilespmem:$0x1CC00] =	vst v63  }
0x69: {  	s11 =	sshll.u32 s1, $0x1;
	_ =	swait.ge [sflag:s19], $0x400  }
0x6a: {  	s9 =	sshll.u32 s11, $0x7;
	[sflag:s19] =	ssyncset.done $0x0  }
0x6b: {  	s9 =	sadd.s32 $0x100, s9;
	[sflag:s19] =	ssyncadd.s32 $0xFFFFFC00  }
.LBB2_6:
0x6c: {  	[tilespmem:s21], [sflag:$0x1] =	stream.linear.gather [hbm4b:s17+s2], $0x4000, $0x38;
	[tilespmem:$0x1CC00] =	vst v63  }
0x6d: {  	_ =	swait.ge [sflag:s28], $0x80  }
0x6e: {  	[sflag:s28] =	ssyncset.done $0x0  }
0x6f: {  	s0 =	sadd.s32 $0x100, s0;
	[sflag:s28] =	ssyncadd.s32 $0xFFFFFF80  }
0x70: {  	s9 =	sand.u32 $0x700, s9;
	p1 =	sne.s32 s0, $0x2900;
	_ =	swait.ge [sflag:s28], $0x80  }
.Ltmp4:
0x71: {  	s5 =	sadd.s32 $0x1, s5;
	[sflag:s28] =	ssyncset.done $0x0;
	(pc) =	sbr.rel @!p1 .LBB2_9-.Ltmp4, $4  }
0x72: {  	s17 =	sadd.s32 $0x1000, s17;
	s18 =	sadd.s32 $0x1000, s18;
	[sflag:s28] =	ssyncadd.s32 $0xFFFFFF80  }
0x73: {  	[tilespmem:s23], [sflag:$0x2] =	stream.indirect.gather [hbm4b:s3+s22], $0x1, s9, s22, $0xb8;
	[tilespmem:$0x1CC00] =	vst v63  }
0x74: {  	s6 =	sadd.s32 $0x20, s6;
	s1 =	sadd.s32 $0x1, s1;
	s9 =	sor.u32 $0x800, s9  }
0x75: {  	[tilespmem:s24], [sflag:$0x2] =	stream.indirect.gather [hbm4b:s3+s22], $0x1, s9, s22, $0xb8;
	[tilespmem:$0x1CC00] =	vst v63  }
.LBB2_4:
0x76: {  	_ =	swait.ge [sflag:s25], $0x4000  }
0x77: {  	[sflag:s25] =	ssyncset.done $0x0  }
0x78: {  	[sflag:s25] =	ssyncadd.s32 $0xFFFFC000  }
0x79: {  	[tilespmem:s26], [sflag:$0x1] =	stream.linear.gather [hbm4b:s18+s2], $0x4000, $0x38;
	[tilespmem:$0x1CC00] =	vst v63  }
0x7a: {  	_ =	swait.ge [sflag:s28], $0x80  }
0x7b: {  	[sflag:s28] =	ssyncset.done $0x0  }
0x7c: {  	[sflag:s28] =	ssyncadd.s32 $0xFFFFFF80  }
0x7d: {  	_ =	swait.ge [sflag:s28], $0x80  }
0x7e: {  	s9 =	sadd.s32 $0xFFFFFF80, s0;
	[sflag:s28] =	ssyncset.done $0x0  }
0x7f: {  	s9 =	sand.u32 $0x780, s9;
	[sflag:s28] =	ssyncadd.s32 $0xFFFFFF80  }
0x80: {  	[tilespmem:s29], [sflag:$0x2] =	stream.indirect.gather [hbm4b:s3+s22], $0x1, s9, s22, $0xb8;
	[tilespmem:$0x1CC00] =	vst v63  }
0x81: {  	s9 =	sor.u32 $0x800, s9  }
0x82: {  	[tilespmem:s30], [sflag:$0x2] =	stream.indirect.gather [hbm4b:s3+s22], $0x1, s9, s22, $0xb8;
	[tilespmem:$0x1CC00] =	vst v63  }
0x83: {  	p1 =	seq.s32 s0, $0x2800;
	s9 =	sand.u32 $0x3, s5  }
0x84: {  	p2 =	sne.s32 @!p1 s9, $0x0  }
0x85: {  	p1 =	por p1, p2  }
.Ltmp5:
0x86: {  	_ = 	snop;
	(pc) =	sbr.rel @!p1 .LBB2_5-.Ltmp5, $4  }
0x87: {  	_ = 	snop  }
0x88: {  	_ =	swait.ge [sflag:s25], $0x4000  }
0x89: {  	[sflag:s25] =	ssyncset.done $0x0  }
0x8a: {  	[sflag:s25] =	ssyncadd.s32 $0xFFFFC000  }
0x8b: {  	p1 =	sne.s32 s0, $0x2800  }
.Ltmp6:
0x8c: {  	_ = 	snop;
	(pc) =	sbr.rel @p1 .LBB2_6-.Ltmp6, $2  }
0x8d: {  	_ =	sdelay $0x2  }
0x8e: {  	s9 =	smov.u32 s0  }
0x8f: {  	_ =	swait.ge [sflag:s28], $0x80  }
.Ltmp7:
0x90: {  	[sflag:s28] =	ssyncset.done $0x0;
	(pc) =	sbr.rel .LBB2_9-.Ltmp7, $4  }
0x91: {  	[sflag:s28] =	ssyncadd.s32 $0xFFFFFF80  }
0x92: {  	_ =	swait.ge [sflag:s28], $0x80  }
0x93: {  	[sflag:s28] =	ssyncset.done $0x0  }
0x94: {  	[sflag:s28] =	ssyncadd.s32 $0xFFFFFF80  }
.LBB2_10:
0x95: {  	_ =	sfence.sel $0x180000  }
0x96: {  	[bflag:$0x0] =	sbarrier.arrive $0xFFFF  }
0x97: {  	_ =	strace $0x9000004A  }
0x98: {  	s0 =	stileid.u32;
	[bflag:$0x2] =	sbarrier.arrive $0xFFFF  }
0x99: {  	p0 =	sne.s32 s0, $0x0;
	s0 =	rddreg [dreg:$0x3]  }
0x9a: {  	s0 =	sadd.s32 @!p0 $0x100000, s0  }
0x9b: {  	[sflag:s0] =	ssyncadd.tile.s32 @!p0 $0x1;
	_ =	shalt  }
.Lfunc_end2:
_tile_overlayer_lowered:
.L_overlay_start_2:
0x9c: {  	(tag) =	ssettag $0x2  }
0x9d: {  	s0 =	rddreg [dreg:$0x0];
	s2 =	stileid.u32  }
0x9e: {  	s1 =	rddreg [dreg:$0x1];
	p0 =	sne.s32 s2, $0x0  }
0x9f: {  	s3 =	rddreg [dreg:$0x2];
	[bflag:$0x3] =	sbarrier.arrive $0xFFFF;
	s2 =	simm.s32 @!p0 $0x1C03  }
0xa0: {  	[timem:s3], [sflag:s2] =	dma.local @!p0 [hbm:s0], s1  }
0xa1: {  	s0 =	simm.s32 @!p0 $0x3  }
0xa2: {  	_ =	swait.ge @!p0 [sflag:s0], s1  }
0xa3: {  	s1 =	ssub.s32 @!p0 $0x0, s1;
	[sflag:s0] =	ssyncset.done @!p0 $0x0  }
0xa4: {  	[sflag:s0] =	ssyncadd.s32 @!p0 s1  }
0xa5: {  	[bflag:$0x3] =	sbarrier.arrive $0xFFFF  }
0xa6: {  	_ =	shalt  }

// kernel: kernel.17.cloned.1.call-start
scs
__scs_entry_jumppad:
0x0: {  	(pc) =	sbr.rel $0x88, $3  }
0x1: {  	(tag) =	ssettag $0x0;
	lr =	simm.s32 $0x1  }
0x2: {  	[smem:$0x3F8A] =	sst lr;
	_ =	strace $0xD0000000  }
0x3: {  	_ = 	snop  }
0x4: {  	_ = 	snop  }
0x5: {  	_ = 	snop  }
0x6: {  	_ = 	snop  }
0x7: {  	_ = 	snop  }
__scs_overlays_trampoline_lowered:
0x8: {  	[smem:$0x3F99] =	sst s0  }
0x9: {  	[smem:$0x3F9A] =	sst s1  }
0xa: {  	[smem:$0x3F9B] =	sst s2  }
0xb: {  	[smem:$0x3F9C] =	sst s3  }
0xc: {  	[smem:$0x3F9D] =	sst s4  }
0xd: {  	[smem:$0x3F9E] =	sst s5  }
0xe: {  	[smem:$0x3F9F] =	sst s6  }
0xf: {  	[smem:$0x3FA0] =	sst s7  }
0x10: {  	[smem:$0x3FA1] =	sst s8  }
0x11: {  	[smem:$0x3FA2] =	sst s9;
	s0 =	simm.s32 @!p0 $0x0  }
0x12: {  	s1 =	sld [smem:$0x3F88];
	s0 =	simm.s32 @p0 $0x1  }
0x13: {  	[smem:$0x3FA3] =	sst s0;
	s0 =	simm.s32 @!p1 $0x0  }
0x14: {  	s2 =	sld [smem:$0x3F87];
	s0 =	simm.s32 @p1 $0x1  }
0x15: {  	[smem:$0x3FA4] =	sst s0;
	s0 =	simm.s32 @!p2 $0x0  }
0x16: {  	s3 =	sld [smem:$0x3FDB];
	s0 =	simm.s32 @p2 $0x1  }
0x17: {  	s4 =	simm.s32 $0x1BF5;
	[smem:$0x3FA6] =	sst s0  }
0x18: {  	s0 =	sld [smem:$0x3F89];
	_ =	swait.ge [sflag:s4], $0x0  }
0x19: {  	s7 =	sld [smem:$0x3F8A]  }
0x1a: {  	s8 =	sadd.s32 $0xFFFFE003, lr  }
0x1b: {  	s9 =	sadd.s32 $0xFFFFFEF7, lr;
	s5 =	simm.s32 $0xFFFFFFFF;
	p2 =	slt.u32 s8, $0xFFFFF086  }
0x1c: {  	p1 =	slt.u32 s9, $0xF7A;
	s5 =	simm.s32 @!p2 $0x0  }
0x1d: {  	s5 =	simm.s32 @p1 $0x1;
	p0 =	seq.s32 s7, s2  }
0x1e: {  	s7 =	smul.u32 @!p0 $0xF7A, s2;
	p2 =	seq.s32 @!p0 s5, $0x0  }
0x1f: {  	s9 =	smul.u32 $0xF7A, s1;
	s8 =	simm.s32 @!p0 $0x1BF5;
	p2 =	por !p2, p0  }
0x20: {  	[sflag:s8] =	ssyncset.s32 @!p0 $0xFFFFF086;
	s6 =	sadd.s32 @!p0 s3, s7;
	s7 =	simm.s32 @!p0 $0x108  }
0x21: {  	s3 =	sadd.s32 s3, s9;
	s6 =	sadd.s32 @!p0 $0x88, s6;
	s7 =	simm.s32 @p2 $0x1082  }
0x22: {  	[simem:s7], [sflag:s8] =	dma.local @!p0 [hbm:s6], $0xF7A  }
0x23: {  	s9 =	sor.u32 $0xD0000000, s2;
	s6 =	simm.s32 $0x108;
	_ =	swait.ge @!p0 [sflag:s8], $0x0  }
0x24: {  	s3 =	sadd.s32 $0x88, s3;
	s6 =	simm.s32 @!p1 $0x1082;
	[sflag:s4] =	ssyncset.s32 $0xFFFFF086  }
0x25: {  	[simem:s6], [sflag:s4] =	dma.local [hbm:s3], $0xF7A  }
0x26: {  	[smem:$0x3F8A] =	sst s1;
	(tag) =	ssettag s2;
	_ =	strace s9  }
0x27: {  	s1 =	sld [smem:$0x3F9A]  }
0x28: {  	s2 =	sld [smem:$0x3F9B]  }
0x29: {  	s4 =	sld [smem:$0x3F9D]  }
0x2a: {  	p0 =	seq.s32 s5, $0x0;
	s5 =	sld [smem:$0x3F9E]  }
0x2b: {  	s6 =	sld [smem:$0x3F9F]  }
0x2c: {  	s7 =	sld [smem:$0x3FA0]  }
0x2d: {  	s3 =	simm.s32 $0x108;
	s8 =	sld [smem:$0x3FA1]  }
0x2e: {  	s3 =	simm.s32 @!p0 $0x1082;
	s9 =	sld [smem:$0x3FA2]  }
0x2f: {  	lr =	sadd.s32 s0, s3;
	s0 =	sld [smem:$0x3F99]  }
0x30: {  	s3 =	sld [smem:$0x3F9C]  }
0x31: {  	[smem:$0x3FA5] =	sst s10  }
0x32: {  	s10 =	sld [smem:$0x3FA3];
	_ =	sdelay $0x3  }
0x33: {  	p0 =	seq.s32 s10, $0x1;
	s10 =	sld [smem:$0x3FA5];
	_ =	sdelay $0x3  }
0x34: {  	[smem:$0x3FA5] =	sst s10  }
0x35: {  	s10 =	sld [smem:$0x3FA4];
	_ =	sdelay $0x3  }
0x36: {  	p1 =	seq.s32 s10, $0x1;
	s10 =	sld [smem:$0x3FA5];
	_ =	sdelay $0x3  }
0x37: {  	[smem:$0x3FA5] =	sst s10  }
0x38: {  	s10 =	sld [smem:$0x3FA6]  }
0x39: {  	_ = 	snop;
	(pc) =	sbr.ind lr, $3  }
0x3a: {  	_ = 	snop  }
0x3b: {  	_ = 	snop  }
0x3c: {  	p2 =	seq.s32 s10, $0x1;
	s10 =	sld [smem:$0x3FA5]  }
0x3d: {  	_ =	shalt  }
0x3e: {  	_ =	shalt  }
0x3f: {  	_ =	shalt  }
0x40: {  	_ =	shalt  }
0x41: {  	_ =	shalt  }
0x42: {  	_ =	shalt  }
0x43: {  	_ =	shalt  }
0x44: {  	_ =	shalt  }
0x45: {  	_ =	shalt  }
0x46: {  	_ =	shalt  }
0x47: {  	_ =	shalt  }
0x48: {  	_ =	shalt  }
0x49: {  	_ =	shalt  }
0x4a: {  	_ =	shalt  }
0x4b: {  	_ =	shalt  }
0x4c: {  	_ =	shalt  }
0x4d: {  	_ =	shalt  }
0x4e: {  	_ =	shalt  }
0x4f: {  	_ =	shalt  }
0x50: {  	_ =	shalt  }
0x51: {  	_ =	shalt  }
0x52: {  	_ =	shalt  }
0x53: {  	_ =	shalt  }
0x54: {  	_ =	shalt  }
0x55: {  	_ =	shalt  }
0x56: {  	_ =	shalt  }
0x57: {  	_ =	shalt  }
0x58: {  	_ =	shalt  }
0x59: {  	_ =	shalt  }
0x5a: {  	_ =	shalt  }
0x5b: {  	_ =	shalt  }
0x5c: {  	_ =	shalt  }
0x5d: {  	_ =	shalt  }
0x5e: {  	_ =	shalt  }
0x5f: {  	_ =	shalt  }
0x60: {  	_ =	shalt  }
0x61: {  	_ =	shalt  }
0x62: {  	_ =	shalt  }
0x63: {  	_ =	shalt  }
0x64: {  	_ =	shalt  }
0x65: {  	_ =	shalt  }
0x66: {  	_ =	shalt  }
0x67: {  	_ =	shalt  }
0x68: {  	_ =	shalt  }
0x69: {  	_ =	shalt  }
0x6a: {  	_ =	shalt  }
0x6b: {  	_ =	shalt  }
0x6c: {  	_ =	shalt  }
0x6d: {  	_ =	shalt  }
0x6e: {  	_ =	shalt  }
0x6f: {  	_ =	shalt  }
0x70: {  	_ =	shalt  }
0x71: {  	_ =	shalt  }
0x72: {  	_ =	shalt  }
0x73: {  	_ =	shalt  }
0x74: {  	_ =	shalt  }
0x75: {  	_ =	shalt  }
0x76: {  	_ =	shalt  }
0x77: {  	_ =	shalt  }
0x78: {  	_ =	shalt  }
0x79: {  	_ =	shalt  }
0x7a: {  	_ =	shalt  }
0x7b: {  	_ =	shalt  }
0x7c: {  	_ =	shalt  }
0x7d: {  	_ =	shalt  }
0x7e: {  	_ =	shalt  }
0x7f: {  	_ =	shalt  }
0x80: {  	_ =	shalt  }
0x81: {  	_ =	shalt  }
0x82: {  	_ =	shalt  }
0x83: {  	_ =	shalt  }
0x84: {  	_ =	shalt  }
0x85: {  	_ =	shalt  }
0x86: {  	_ =	shalt  }
0x87: {  	_ =	shalt  }
.Lfunc_end0:
.L_simem_size_0:
called_computation.2_lowered:
.L_overlay_start_0:
0x88: {  	s2 =	sld [smem:$0x3FD9]  }
0x89: {  	s3 =	sld [smem:$0x3FFE];
	_ =	sdelay $0x1  }
0x8a: {  	s1 =	srdreg.scid  }
0x8b: {  	s0 =	sand.u32 $0x1, s1  }
0x8c: {  	s17 =	sshll.u32 s0, $0xA;
	s2 =	sadd.s32 s3, s2  }
0x8d: {  	s2 =	sadd.s32 s2, s17  }
0x8e: {  	[smem:$0x3FB1] =	sst s2  }
0x8f: {  	_ = 	snop  }
0x90: {  	s2 =	sld [smem:$0x3FD0];
	(tm) =	ssettm $0x1  }
0x91: {  	s18 =	sld [smem:$0x3FFB];
	_ =	sdelay $0x3  }
0x92: {  	_ =	strace s18  }
0x93: {  	s3 =	sld [smem:$0x3FFC];
	_ =	sdelay $0x3  }
0x94: {  	_ =	strace s3  }
0x95: {  	s3 =	sld [smem:$0x3FFD];
	_ =	sdelay $0x3  }
0x96: {  	_ =	strace s3  }
0x97: {  	_ =	strace $0x8FFFFFFF  }
0x98: {  	s19 =	sld [smem:$0x3FDB];
	_ =	sdelay $0x1  }
0x99: {  	s4 =	simm.s32 $_scs_section_size  }
0x9a: {  	s5 =	simm.s32 $_size__tile_overlayer_lowered;
	s6 =	simm.s32 $_tile_overlayer_lowered  }
0x9b: {  	s22 =	simm.s32 $0x1BFF;
	s21 =	sshll.u32 s6, $0x1;
	s3 =	sadd.s32 s4, s19  }
0x9c: {  	s7 =	simm.s32 $0x0;
	s20 =	sshll.u32 s5, $0x1;
	s5 =	sadd.s32 s21, s3  }
0x9d: {  	[timem:s7], [sflag:s22] =	dma.local [hbm:s5], s20  }
0x9e: {  	_ =	swait.ge [sflag:s22], s20  }
0x9f: {  	s4 =	ssub.s32 $0x0, s20;
	[sflag:s22] =	ssyncset.done $0x0  }
0xa0: {  	[sflag:s22] =	ssyncadd.s32 s4;
	_ =	sdelay $0x1  }
0xa1: {  	s23 =	simm.s32 $0x1B8B  }
0xa2: {  	_ =	swait.ge [sflag:s23], $0x1  }
0xa3: {  	[sflag:s23] =	ssyncset.done $0x0  }
0xa4: {  	s25 =	simm.s32 $0x1B8E;
	s24 =	sld [smem:$0x3FFE];
	[sflag:s23] =	ssyncadd.s32 $0xFFFFFFFF  }
0xa5: {  	s26 =	simm.s32 $execute0_lowered;
	[smem:$0x3FD2] =	sst s25  }
0xa6: {  	s5 =	sshll.u32 s26, $0x1;
	_ =	strace $0x8000004C;
	[dreg:$0x1] =	wrdreg $0xFFFFFFFF  }
0xa7: {  	s28 =	simm.s32 $_size_execute0_lowered;
	s3 =	sadd.s32 s3, s5;
	[dreg:$0x0] =	wrdreg $0x0  }
0xa8: {  	s5 =	sshll.u32 s28, $0x1;
	[dreg:$0x2] =	wrdreg s3  }
0xa9: {  	[dreg:$0x3] =	wrdreg s5  }
0xaa: {  	[dreg:$0x4] =	wrdreg $0xC0  }
0xab: {  	_ =	task [dreg:s7], $0x5FFFF  }
0xac: {  	[dreg:$0x1] =	wrdreg $0xFFFFFFFF  }
0xad: {  	[dreg:$0x0] =	wrdreg $0x60  }
0xae: {  	[dreg:$0x2] =	wrdreg s24  }
0xaf: {  	[dreg:$0x3] =	wrdreg s2  }
0xb0: {  	[dreg:$0x4] =	wrdreg $0x92000  }
0xb1: {  	[dreg:$0x5] =	wrdreg $0x9  }
0xb2: {  	_ =	task.clear_ibuf [dreg:s7], $0x6FFFF;
	_ =	strace $0x9000004C  }
0xb3: {  	s29 =	simm.s32 $0x9;
	_ =	strace $0x8000004E  }
0xb4: {  	_ =	swait.ge [sflag:s29], $0x1  }
0xb5: {  	[sflag:s29] =	ssyncadd.s32 $0xFFFFFFFF  }
0xb6: {  	_ =	strace $0x9000004E  }
0xb7: {  	_ =	sfence  }
0xb8: {  	s30 =	sld [smem:$0x0];
	_ =	sdelay $0x2  }
0xb9: {  	s31 =	sshll.u32 s1, $0xD;
	s1 =	sshrl.u32 s1, $0x2  }
0xba: {  	s3 =	sand.u32 $0x4000, s31;
	s1 =	sadd.s32 s1, s30  }
0xbb: {  	s0 =	sor.u32 s3, s0;
	s1 =	sshll.u32 s1, $0x11  }
0xbc: {  	s0 =	sor.u32 s1, s0  }
0xbd: {  	s0 =	sadd.s32 $0x8F2B, s0  }
0xbe: {  	[sflag:s0] =	ssyncadd.remote.s32 $0x1  }
0xbf: {  	_ =	sfence.sel $0xFFFF  }
0xc0: {  	[dreg:$0x0] =	wrdreg $0xFFFFFFFF;
	(pc) =	sbr.abs _section_cstart, $3  }
0xc1: {  	[dreg:$0x1] =	wrdreg $0xFFFFFFFF  }
0xc2: {  	_ =	task.clear_ibuf [dreg:s7], $0x2FFFF;
	_ =	strace $0x9FFFFFFF  }
0xc3: {  	(tm) =	ssettm $0x7FFFFFFF  }
tec
execute0_lowered:
.L_overlay_start_1:
0x0: {  	(tag) =	ssettag $0x1  }
0x1: {  	s1 =	rddreg [dreg:$0x0]  }
0x2: {  	s0 =	srdreg.scid;
	s5 =	rddreg [dreg:$0x1]  }
0x3: {  	s11 =	stileid.u32;
	s4 =	rddreg [dreg:$0x2]  }
0x4: {  	s28 =	simm.s32 $0x2;
	s29 =	simm.s32 $0x1080;
	s9 =	smul.u32 $0x3E80, s11  }
0x5: {  	s30 =	simm.s32 $0x1180;
	s31 =	simm.s32 $0x0;
	s10 =	smul.u32 $0x7D000, s11  }
0x6: {  	s0 =	sand.u32 $0x1, s0;
	s17 =	sadd.s32 $0xF3F400, s1;
	s24 =	smul.u32 $0x140000, s11  }
0x7: {  	s3 =	sadd.s32 $0x53F400, s1;
	p0 =	sgt.u32 s11, $0x9;
	s8 =	smul.u32 $0x27100, s0  }
0x8: {  	s2 =	sshll.u32 s0, $0x4;
	s16 =	ssub.s32 $0x2, s0;
	s0 =	smul.u32 $0x1400000, s0  }
0x9: {  	s6 =	sor.u32 s11, s2;
	s2 =	simm.s32 $0x0;
	s10 =	sshrl.u32 s10, $0x2  }
0xa: {  	s18 =	sshrl.u32 s16, $0x1;
	s7 =	smul.u32 $0x500, s6;
	[smem:$0x7FF] =	sst s2  }
0xb: {  	s8 =	sadd.s32 s9, s8;
	s4 =	sadd.s32 s10, s4;
	s6 =	smul.u32 $0x28000, s6  }
0xc: {  	s0 =	sadd.s32 s24, s0;
	s24 =	simm.s32 $0x1100;
	s19 =	sadd.s32 $0x4000, s4  }
0xd: {  	_ =	strace $0x8000004D;
	s20 =	sadd.s32 $0x8000, s4;
	[dreg:$0x4] =	wrdreg s19  }
0xe: {  	s21 =	sadd.s32 $0xC000, s4;
	s22 =	sadd.s32 $0x10000, s4;
	[dreg:$0x5] =	wrdreg s20  }
0xf: {  	s23 =	sadd.s32 $0x14000, s4;
	s10 =	sadd.s32 $0x18000, s4;
	[dreg:$0x6] =	wrdreg s21  }
0x10: {  	s25 =	sadd.s32 $0x1C000, s4;
	s26 =	sor.u32 $0x8000, s0;
	[dreg:$0x7] =	wrdreg s22  }
0x11: {  	s0 =	sor.u32 $0x4000, s0;
	s13 =	sadd.s32 s7, s1;
	[dreg:$0x8] =	wrdreg s23  }
0x12: {  	s1 =	sadd.s32 s8, s1;
	s8 =	ssub.s32 s16, s18;
	[dreg:$0x9] =	wrdreg s10  }
0x13: {  	[dreg:$0xa] =	wrdreg s25;
	s12 =	sadd.s32 s5, s7;
	s14 =	sadd.s32 s17, s6  }
.Ltmp0:
0x14: {  	s0 =	sshrl.u32 s0, $0x3;
	s19 =	simm.s32 $0x3;
	(pc) =	sbr.rel .LBB2_1-.Ltmp0, $4  }
0x15: {  	s20 =	simm.s32 $0x800;
	s21 =	simm.s32 $0x1200;
	s22 =	simm.s32 $0x80  }
0x16: {  	s23 =	simm.s32 $0x1000;
	s25 =	simm.s32 $0x1;
	s13 =	sadd.s32 $0x535400, s13  }
0x17: {  	s15 =	sadd.s32 $0x2D200, s1;
	s16 =	smax.u32 s8, $0x1;
	s1 =	sshrl.u32 s26, $0x3  }
0x18: {  	v0 =	vimm.f32 $0.0e+00;
	s7 =	sadd.s32 s0, s17;
	s26 =	simm.s32 $0x5200;
	s8 =	sadd.s32 s1, s17  }
.LBB2_9:
0x19: {  	s0 =	stileid.u32  }
0x1a: {  	[bflag:$0x0] =	sbarrier.arrive $0xFFFF;
	s31 =	sadd.s32 $0x1, s31;
	s0 =	sshll.u32 @!p0 s0, $0x6  }
0x1b: {  	s1 =	sshrl.u32 @!p0 s4, $0x3;
	p1 =	sne.s32 s31, s16;
	s0 =	sor.u32 @!p0 $0x1C03, s0  }
0x1c: {  	[hbm:s15], [sflag:s0] =	dma.local @!p0 [spmem:s1], $0x3E80  }
.Ltmp1:
0x1d: {  	_ = 	snop;
	(pc) =	sbr.rel @!p1 .LBB2_10-.Ltmp1, $4  }
0x1e: {  	s0 =	simm.s32 @!p0 $0x3  }
0x1f: {  	_ =	swait.ge @!p0 [sflag:s0], $0x3E80  }
0x20: {  	[sflag:s0] =	ssyncset.done @!p0 $0x0  }
0x21: {  	[sflag:s0] =	ssyncadd.s32 @!p0 $0xFFFFC180  }
.LBB2_1:
0x22: {  	s0 =	simm.s32 $0x0;
	s1 =	simm.s32 $0x200  }
.LBB2_2:
0x23: {  	p1 =	sne.s32 s1, $0xFE00;
	[tilespmem:s0+$0x1270] =	vst v0  }
0x24: {  	[tilespmem:s0+$0x1200] =	vst v0  }
0x25: {  	[tilespmem:s0+$0x1210] =	vst v0  }
.Ltmp2:
0x26: {  	[tilespmem:s0+$0x1220] =	vst v0;
	(pc) =	sbr.rel @p1 .LBB2_2-.Ltmp2, $4  }
0x27: {  	[tilespmem:s0+$0x1230] =	vst v0  }
0x28: {  	[tilespmem:s0+$0x1240] =	vst v0  }
0x29: {  	[tilespmem:s0+$0x1250] =	vst v0  }
0x2a: {  	[tilespmem:s0+$0x1260] =	vst v0;
	s0 =	sshra.s32 s1, $0x2;
	s1 =	sadd.s32 $0x200, s1  }
0x2b: {  	[tilespmem:s0+$0x1270] =	vst v0  }
0x2c: {  	[tilespmem:s0+$0x1200] =	vst v0  }
0x2d: {  	[tilespmem:s0+$0x1210] =	vst v0  }
0x2e: {  	[tilespmem:s0+$0x1220] =	vst v0  }
0x2f: {  	[tilespmem:s0+$0x1230] =	vst v0  }
0x30: {  	[tilespmem:s0+$0x1240] =	vst v0  }
0x31: {  	[tilespmem:s0+$0x1250] =	vst v0  }
0x32: {  	[tilespmem:s0+$0x1260] =	vst v0;
	s0 =	simm.s32 @!p0 $0x1200;
	s1 =	simm.s32 @!p0 $0x3  }
0x33: {  	[spmem:s4] =	stream.linear.scatter @!p0 [tilespmem:s0], [sflag:$0x3], $0x4000, $0x38;
	[tilespmem:$0x1CC00] =	vst v63  }
0x34: {  	_ =	swait.ge @!p0 [sflag:s1], $0x4000  }
0x35: {  	[sflag:s1] =	ssyncset.done @!p0 $0x0  }
0x36: {  	s5 =	rddreg [dreg:$0x4];
	[sflag:s1] =	ssyncadd.s32 @!p0 $0xFFFFC000  }
0x37: {  	[spmem:s5] =	stream.linear.scatter @!p0 [tilespmem:s0], [sflag:$0x3], $0x4000, $0x38;
	[tilespmem:$0x1CC00] =	vst v63  }
0x38: {  	_ =	swait.ge @!p0 [sflag:s1], $0x4000  }
0x39: {  	[sflag:s1] =	ssyncset.done @!p0 $0x0  }
0x3a: {  	s5 =	rddreg [dreg:$0x5];
	[sflag:s1] =	ssyncadd.s32 @!p0 $0xFFFFC000  }
0x3b: {  	[spmem:s5] =	stream.linear.scatter @!p0 [tilespmem:s0], [sflag:$0x3], $0x4000, $0x38;
	[tilespmem:$0x1CC00] =	vst v63  }
0x3c: {  	_ =	swait.ge @!p0 [sflag:s1], $0x4000  }
0x3d: {  	[sflag:s1] =	ssyncset.done @!p0 $0x0  }
0x3e: {  	s5 =	rddreg [dreg:$0x6];
	[sflag:s1] =	ssyncadd.s32 @!p0 $0xFFFFC000  }
0x3f: {  	[spmem:s5] =	stream.linear.scatter @!p0 [tilespmem:s0], [sflag:$0x3], $0x4000, $0x38;
	[tilespmem:$0x1CC00] =	vst v63  }
0x40: {  	_ =	swait.ge @!p0 [sflag:s1], $0x4000  }
0x41: {  	[sflag:s1] =	ssyncset.done @!p0 $0x0  }
0x42: {  	s5 =	rddreg [dreg:$0x7];
	[sflag:s1] =	ssyncadd.s32 @!p0 $0xFFFFC000  }
0x43: {  	[spmem:s5] =	stream.linear.scatter @!p0 [tilespmem:s0], [sflag:$0x3], $0x4000, $0x38;
	[tilespmem:$0x1CC00] =	vst v63  }
0x44: {  	_ =	swait.ge @!p0 [sflag:s1], $0x4000  }
0x45: {  	[sflag:s1] =	ssyncset.done @!p0 $0x0  }
0x46: {  	s5 =	rddreg [dreg:$0x8];
	[sflag:s1] =	ssyncadd.s32 @!p0 $0xFFFFC000  }
0x47: {  	[spmem:s5] =	stream.linear.scatter @!p0 [tilespmem:s0], [sflag:$0x3], $0x4000, $0x38;
	[tilespmem:$0x1CC00] =	vst v63  }
0x48: {  	_ =	swait.ge @!p0 [sflag:s1], $0x4000  }
0x49: {  	[sflag:s1] =	ssyncset.done @!p0 $0x0  }
0x4a: {  	s5 =	rddreg [dreg:$0x9];
	[sflag:s1] =	ssyncadd.s32 @!p0 $0xFFFFC000  }
0x4b: {  	[spmem:s5] =	stream.linear.scatter @!p0 [tilespmem:s0], [sflag:$0x3], $0x4000, $0x38;
	[tilespmem:$0x1CC00] =	vst v63  }
0x4c: {  	_ =	swait.ge @!p0 [sflag:s1], $0x4000  }
0x4d: {  	[sflag:s1] =	ssyncset.done @!p0 $0x0  }
0x4e: {  	s5 =	rddreg [dreg:$0xa];
	[sflag:s1] =	ssyncadd.s32 @!p0 $0xFFFFC000  }
0x4f: {  	[spmem:s5] =	stream.linear.scatter @!p0 [tilespmem:s0], [sflag:$0x3], $0x3400, $0x38;
	[tilespmem:$0x1CC00] =	vst v63  }
0x50: {  	_ =	swait.ge @!p0 [sflag:s1], $0x3400  }
0x51: {  	[sflag:s1] =	ssyncset.done @!p0 $0x0  }
0x52: {  	[sflag:s1] =	ssyncadd.s32 @!p0 $0xFFFFCC00  }
0x53: {  	s1 =	simm.s32 $0x0;
	[bflag:$0x0] =	sbarrier.arrive $0xFFFF  }
0x54: {  	[tilespmem:s1], [sflag:$0x3] =	stream.linear.gather [hbm4b:s12+s1], $0x400, $0x38;
	[tilespmem:$0x1CC00] =	vst v63  }
0x55: {  	_ =	swait.ge [sflag:s19], $0x400  }
0x56: {  	[sflag:s19] =	ssyncset.done $0x0  }
0x57: {  	[sflag:s19] =	ssyncadd.s32 $0xFFFFFC00  }
0x58: {  	[tilespmem:s20], [sflag:$0x3] =	stream.linear.gather [hbm4b:s13+s1], $0x400, $0x38;
	[tilespmem:$0x1CC00] =	vst v63  }
0x59: {  	_ =	swait.ge [sflag:s19], $0x400  }
0x5a: {  	[sflag:s19] =	ssyncset.done $0x0  }
0x5b: {  	[sflag:s19] =	ssyncadd.s32 $0xFFFFFC00  }
0x5c: {  	[tilespmem:s21], [sflag:$0x1] =	stream.linear.gather [hbm4b:s14+s1], $0x4000, $0x38;
	[tilespmem:$0x1CC00] =	vst v63  }
.Ltmp3:
0x5d: {  	_ = 	snop;
	(pc) =	sbr.rel .LBB2_4-.Ltmp3, $4  }
0x5e: {  	s6 =	simm.s32 $0x20;
	s18 =	smov.u32 s7  }
0x5f: {  	[tilespmem:s23], [sflag:$0x2] =	stream.indirect.gather [hbm4b:s3+s22], $0x1, s1, s22, $0xb8;
	[tilespmem:$0x1CC00] =	vst v63  }
0x60: {  	s17 =	smov.u32 s8;
	s0 =	simm.s32 $0x100;
	s5 =	simm.s32 $0x1  }
0x61: {  	[tilespmem:s24], [sflag:$0x2] =	stream.indirect.gather [hbm4b:s3+s22], $0x1, s20, s22, $0xb8;
	[tilespmem:$0x1CC00] =	vst v63  }
.LBB2_5:
0x62: {  	s9 =	sand.u32 $0xF80, s6  }
0x63: {  	s10 =	sand.u32 $0x400, s0;
	s11 =	sadd.s32 s12, s9  }
0x64: {  	[tilespmem:s10], [sflag:$0x3] =	stream.linear.gather [hbm4b:s11+s2], $0x400, $0x38;
	[tilespmem:$0x1CC00] =	vst v63  }
0x65: {  	_ =	swait.ge [sflag:s19], $0x400  }
0x66: {  	[sflag:s19] =	ssyncset.done $0x0  }
0x67: {  	s9 =	sadd.s32 s13, s9;
	s10 =	sor.u32 $0x800, s10;
	[sflag:s19] =	ssyncadd.s32 $0xFFFFFC00  }
0x68: {  	[tilespmem:s10], [sflag:$0x3] =	stream.linear.gather [hbm4b:s9+s2], $0x400, $0x38;
	[tilespmem:$0x1CC00] =	vst v63  }
0x69: {  	s11 =	sshll.u32 s1, $0x1;
	_ =	swait.ge [sflag:s19], $0x400  }
0x6a: {  	s9 =	sshll.u32 s11, $0x7;
	[sflag:s19] =	ssyncset.done $0x0  }
0x6b: {  	s9 =	sadd.s32 $0x100, s9;
	[sflag:s19] =	ssyncadd.s32 $0xFFFFFC00  }
.LBB2_6:
0x6c: {  	[tilespmem:s21], [sflag:$0x1] =	stream.linear.gather [hbm4b:s17+s2], $0x4000, $0x38;
	[tilespmem:$0x1CC00] =	vst v63  }
0x6d: {  	_ =	swait.ge [sflag:s28], $0x80  }
0x6e: {  	[sflag:s28] =	ssyncset.done $0x0  }
0x6f: {  	s0 =	sadd.s32 $0x100, s0;
	[sflag:s28] =	ssyncadd.s32 $0xFFFFFF80  }
0x70: {  	s9 =	sand.u32 $0x700, s9;
	p1 =	sne.s32 s0, $0x2900;
	_ =	swait.ge [sflag:s28], $0x80  }
.Ltmp4:
0x71: {  	s5 =	sadd.s32 $0x1, s5;
	[sflag:s28] =	ssyncset.done $0x0;
	(pc) =	sbr.rel @!p1 .LBB2_9-.Ltmp4, $4  }
0x72: {  	s17 =	sadd.s32 $0x1000, s17;
	s18 =	sadd.s32 $0x1000, s18;
	[sflag:s28] =	ssyncadd.s32 $0xFFFFFF80  }
0x73: {  	[tilespmem:s23], [sflag:$0x2] =	stream.indirect.gather [hbm4b:s3+s22], $0x1, s9, s22, $0xb8;
	[tilespmem:$0x1CC00] =	vst v63  }
0x74: {  	s6 =	sadd.s32 $0x20, s6;
	s1 =	sadd.s32 $0x1, s1;
	s9 =	sor.u32 $0x800, s9  }
0x75: {  	[tilespmem:s24], [sflag:$0x2] =	stream.indirect.gather [hbm4b:s3+s22], $0x1, s9, s22, $0xb8;
	[tilespmem:$0x1CC00] =	vst v63  }
.LBB2_4:
0x76: {  	_ =	swait.ge [sflag:s25], $0x4000  }
0x77: {  	[sflag:s25] =	ssyncset.done $0x0  }
0x78: {  	[sflag:s25] =	ssyncadd.s32 $0xFFFFC000  }
0x79: {  	[tilespmem:s26], [sflag:$0x1] =	stream.linear.gather [hbm4b:s18+s2], $0x4000, $0x38;
	[tilespmem:$0x1CC00] =	vst v63  }
0x7a: {  	_ =	swait.ge [sflag:s28], $0x80  }
0x7b: {  	[sflag:s28] =	ssyncset.done $0x0  }
0x7c: {  	[sflag:s28] =	ssyncadd.s32 $0xFFFFFF80  }
0x7d: {  	_ =	swait.ge [sflag:s28], $0x80  }
0x7e: {  	s9 =	sadd.s32 $0xFFFFFF80, s0;
	[sflag:s28] =	ssyncset.done $0x0  }
0x7f: {  	s9 =	sand.u32 $0x780, s9;
	[sflag:s28] =	ssyncadd.s32 $0xFFFFFF80  }
0x80: {  	[tilespmem:s29], [sflag:$0x2] =	stream.indirect.gather [hbm4b:s3+s22], $0x1, s9, s22, $0xb8;
	[tilespmem:$0x1CC00] =	vst v63  }
0x81: {  	s9 =	sor.u32 $0x800, s9  }
0x82: {  	[tilespmem:s30], [sflag:$0x2] =	stream.indirect.gather [hbm4b:s3+s22], $0x1, s9, s22, $0xb8;
	[tilespmem:$0x1CC00] =	vst v63  }
0x83: {  	p1 =	seq.s32 s0, $0x2800;
	s9 =	sand.u32 $0x3, s5  }
0x84: {  	p2 =	sne.s32 @!p1 s9, $0x0  }
0x85: {  	p1 =	por p1, p2  }
.Ltmp5:
0x86: {  	_ = 	snop;
	(pc) =	sbr.rel @!p1 .LBB2_5-.Ltmp5, $4  }
0x87: {  	_ = 	snop  }
0x88: {  	_ =	swait.ge [sflag:s25], $0x4000  }
0x89: {  	[sflag:s25] =	ssyncset.done $0x0  }
0x8a: {  	[sflag:s25] =	ssyncadd.s32 $0xFFFFC000  }
0x8b: {  	p1 =	sne.s32 s0, $0x2800  }
.Ltmp6:
0x8c: {  	_ = 	snop;
	(pc) =	sbr.rel @p1 .LBB2_6-.Ltmp6, $2  }
0x8d: {  	_ =	sdelay $0x2  }
0x8e: {  	s9 =	smov.u32 s0  }
0x8f: {  	_ =	swait.ge [sflag:s28], $0x80  }
.Ltmp7:
0x90: {  	[sflag:s28] =	ssyncset.done $0x0;
	(pc) =	sbr.rel .LBB2_9-.Ltmp7, $4  }
0x91: {  	[sflag:s28] =	ssyncadd.s32 $0xFFFFFF80  }
0x92: {  	_ =	swait.ge [sflag:s28], $0x80  }
0x93: {  	[sflag:s28] =	ssyncset.done $0x0  }
0x94: {  	[sflag:s28] =	ssyncadd.s32 $0xFFFFFF80  }
.LBB2_10:
0x95: {  	_ =	sfence.sel $0x180000  }
0x96: {  	[bflag:$0x0] =	sbarrier.arrive $0xFFFF  }
0x97: {  	_ =	strace $0x9000004D  }
0x98: {  	s0 =	stileid.u32;
	[bflag:$0x2] =	sbarrier.arrive $0xFFFF  }
0x99: {  	p0 =	sne.s32 s0, $0x0;
	s0 =	rddreg [dreg:$0x3]  }
0x9a: {  	s0 =	sadd.s32 @!p0 $0x100000, s0  }
0x9b: {  	[sflag:s0] =	ssyncadd.tile.s32 @!p0 $0x1;
	_ =	shalt  }
.Lfunc_end2:
_tile_overlayer_lowered:
.L_overlay_start_2:
0x9c: {  	(tag) =	ssettag $0x2  }
0x9d: {  	s0 =	rddreg [dreg:$0x0];
	s2 =	stileid.u32  }
0x9e: {  	s1 =	rddreg [dreg:$0x1];
	p0 =	sne.s32 s2, $0x0  }
0x9f: {  	s3 =	rddreg [dreg:$0x2];
	[bflag:$0x3] =	sbarrier.arrive $0xFFFF;
	s2 =	simm.s32 @!p0 $0x1C03  }
0xa0: {  	[timem:s3], [sflag:s2] =	dma.local @!p0 [hbm:s0], s1  }
0xa1: {  	s0 =	simm.s32 @!p0 $0x3  }
0xa2: {  	_ =	swait.ge @!p0 [sflag:s0], s1  }
0xa3: {  	s1 =	ssub.s32 @!p0 $0x0, s1;
	[sflag:s0] =	ssyncset.done @!p0 $0x0  }
0xa4: {  	[sflag:s0] =	ssyncadd.s32 @!p0 s1  }
0xa5: {  	[bflag:$0x3] =	sbarrier.arrive $0xFFFF  }
0xa6: {  	_ =	shalt  }

// kernel: kernel.20.cloned.1.call-start
scs
__scs_entry_jumppad:
0x0: {  	(pc) =	sbr.rel $0x88, $3  }
0x1: {  	(tag) =	ssettag $0x0;
	lr =	simm.s32 $0x1  }
0x2: {  	[smem:$0x3F8A] =	sst lr;
	_ =	strace $0xD0000000  }
0x3: {  	_ = 	snop  }
0x4: {  	_ = 	snop  }
0x5: {  	_ = 	snop  }
0x6: {  	_ = 	snop  }
0x7: {  	_ = 	snop  }
__scs_overlays_trampoline_lowered:
0x8: {  	[smem:$0x3F99] =	sst s0  }
0x9: {  	[smem:$0x3F9A] =	sst s1  }
0xa: {  	[smem:$0x3F9B] =	sst s2  }
0xb: {  	[smem:$0x3F9C] =	sst s3  }
0xc: {  	[smem:$0x3F9D] =	sst s4  }
0xd: {  	[smem:$0x3F9E] =	sst s5  }
0xe: {  	[smem:$0x3F9F] =	sst s6  }
0xf: {  	[smem:$0x3FA0] =	sst s7  }
0x10: {  	[smem:$0x3FA1] =	sst s8  }
0x11: {  	[smem:$0x3FA2] =	sst s9;
	s0 =	simm.s32 @!p0 $0x0  }
0x12: {  	s1 =	sld [smem:$0x3F88];
	s0 =	simm.s32 @p0 $0x1  }
0x13: {  	[smem:$0x3FA3] =	sst s0;
	s0 =	simm.s32 @!p1 $0x0  }
0x14: {  	s2 =	sld [smem:$0x3F87];
	s0 =	simm.s32 @p1 $0x1  }
0x15: {  	[smem:$0x3FA4] =	sst s0;
	s0 =	simm.s32 @!p2 $0x0  }
0x16: {  	s3 =	sld [smem:$0x3FDB];
	s0 =	simm.s32 @p2 $0x1  }
0x17: {  	s4 =	simm.s32 $0x1BF5;
	[smem:$0x3FA6] =	sst s0  }
0x18: {  	s0 =	sld [smem:$0x3F89];
	_ =	swait.ge [sflag:s4], $0x0  }
0x19: {  	s7 =	sld [smem:$0x3F8A]  }
0x1a: {  	s8 =	sadd.s32 $0xFFFFE003, lr  }
0x1b: {  	s9 =	sadd.s32 $0xFFFFFEF7, lr;
	s5 =	simm.s32 $0xFFFFFFFF;
	p2 =	slt.u32 s8, $0xFFFFF086  }
0x1c: {  	p1 =	slt.u32 s9, $0xF7A;
	s5 =	simm.s32 @!p2 $0x0  }
0x1d: {  	s5 =	simm.s32 @p1 $0x1;
	p0 =	seq.s32 s7, s2  }
0x1e: {  	s7 =	smul.u32 @!p0 $0xF7A, s2;
	p2 =	seq.s32 @!p0 s5, $0x0  }
0x1f: {  	s9 =	smul.u32 $0xF7A, s1;
	s8 =	simm.s32 @!p0 $0x1BF5;
	p2 =	por !p2, p0  }
0x20: {  	[sflag:s8] =	ssyncset.s32 @!p0 $0xFFFFF086;
	s6 =	sadd.s32 @!p0 s3, s7;
	s7 =	simm.s32 @!p0 $0x108  }
0x21: {  	s3 =	sadd.s32 s3, s9;
	s6 =	sadd.s32 @!p0 $0x88, s6;
	s7 =	simm.s32 @p2 $0x1082  }
0x22: {  	[simem:s7], [sflag:s8] =	dma.local @!p0 [hbm:s6], $0xF7A  }
0x23: {  	s9 =	sor.u32 $0xD0000000, s2;
	s6 =	simm.s32 $0x108;
	_ =	swait.ge @!p0 [sflag:s8], $0x0  }
0x24: {  	s3 =	sadd.s32 $0x88, s3;
	s6 =	simm.s32 @!p1 $0x1082;
	[sflag:s4] =	ssyncset.s32 $0xFFFFF086  }
0x25: {  	[simem:s6], [sflag:s4] =	dma.local [hbm:s3], $0xF7A  }
0x26: {  	[smem:$0x3F8A] =	sst s1;
	(tag) =	ssettag s2;
	_ =	strace s9  }
0x27: {  	s1 =	sld [smem:$0x3F9A]  }
0x28: {  	s2 =	sld [smem:$0x3F9B]  }
0x29: {  	s4 =	sld [smem:$0x3F9D]  }
0x2a: {  	p0 =	seq.s32 s5, $0x0;
	s5 =	sld [smem:$0x3F9E]  }
0x2b: {  	s6 =	sld [smem:$0x3F9F]  }
0x2c: {  	s7 =	sld [smem:$0x3FA0]  }
0x2d: {  	s3 =	simm.s32 $0x108;
	s8 =	sld [smem:$0x3FA1]  }
0x2e: {  	s3 =	simm.s32 @!p0 $0x1082;
	s9 =	sld [smem:$0x3FA2]  }
0x2f: {  	lr =	sadd.s32 s0, s3;
	s0 =	sld [smem:$0x3F99]  }
0x30: {  	s3 =	sld [smem:$0x3F9C]  }
0x31: {  	[smem:$0x3FA5] =	sst s10  }
0x32: {  	s10 =	sld [smem:$0x3FA3];
	_ =	sdelay $0x3  }
0x33: {  	p0 =	seq.s32 s10, $0x1;
	s10 =	sld [smem:$0x3FA5];
	_ =	sdelay $0x3  }
0x34: {  	[smem:$0x3FA5] =	sst s10  }
0x35: {  	s10 =	sld [smem:$0x3FA4];
	_ =	sdelay $0x3  }
0x36: {  	p1 =	seq.s32 s10, $0x1;
	s10 =	sld [smem:$0x3FA5];
	_ =	sdelay $0x3  }
0x37: {  	[smem:$0x3FA5] =	sst s10  }
0x38: {  	s10 =	sld [smem:$0x3FA6]  }
0x39: {  	_ = 	snop;
	(pc) =	sbr.ind lr, $3  }
0x3a: {  	_ = 	snop  }
0x3b: {  	_ = 	snop  }
0x3c: {  	p2 =	seq.s32 s10, $0x1;
	s10 =	sld [smem:$0x3FA5]  }
0x3d: {  	_ =	shalt  }
0x3e: {  	_ =	shalt  }
0x3f: {  	_ =	shalt  }
0x40: {  	_ =	shalt  }
0x41: {  	_ =	shalt  }
0x42: {  	_ =	shalt  }
0x43: {  	_ =	shalt  }
0x44: {  	_ =	shalt  }
0x45: {  	_ =	shalt  }
0x46: {  	_ =	shalt  }
0x47: {  	_ =	shalt  }
0x48: {  	_ =	shalt  }
0x49: {  	_ =	shalt  }
0x4a: {  	_ =	shalt  }
0x4b: {  	_ =	shalt  }
0x4c: {  	_ =	shalt  }
0x4d: {  	_ =	shalt  }
0x4e: {  	_ =	shalt  }
0x4f: {  	_ =	shalt  }
0x50: {  	_ =	shalt  }
0x51: {  	_ =	shalt  }
0x52: {  	_ =	shalt  }
0x53: {  	_ =	shalt  }
0x54: {  	_ =	shalt  }
0x55: {  	_ =	shalt  }
0x56: {  	_ =	shalt  }
0x57: {  	_ =	shalt  }
0x58: {  	_ =	shalt  }
0x59: {  	_ =	shalt  }
0x5a: {  	_ =	shalt  }
0x5b: {  	_ =	shalt  }
0x5c: {  	_ =	shalt  }
0x5d: {  	_ =	shalt  }
0x5e: {  	_ =	shalt  }
0x5f: {  	_ =	shalt  }
0x60: {  	_ =	shalt  }
0x61: {  	_ =	shalt  }
0x62: {  	_ =	shalt  }
0x63: {  	_ =	shalt  }
0x64: {  	_ =	shalt  }
0x65: {  	_ =	shalt  }
0x66: {  	_ =	shalt  }
0x67: {  	_ =	shalt  }
0x68: {  	_ =	shalt  }
0x69: {  	_ =	shalt  }
0x6a: {  	_ =	shalt  }
0x6b: {  	_ =	shalt  }
0x6c: {  	_ =	shalt  }
0x6d: {  	_ =	shalt  }
0x6e: {  	_ =	shalt  }
0x6f: {  	_ =	shalt  }
0x70: {  	_ =	shalt  }
0x71: {  	_ =	shalt  }
0x72: {  	_ =	shalt  }
0x73: {  	_ =	shalt  }
0x74: {  	_ =	shalt  }
0x75: {  	_ =	shalt  }
0x76: {  	_ =	shalt  }
0x77: {  	_ =	shalt  }
0x78: {  	_ =	shalt  }
0x79: {  	_ =	shalt  }
0x7a: {  	_ =	shalt  }
0x7b: {  	_ =	shalt  }
0x7c: {  	_ =	shalt  }
0x7d: {  	_ =	shalt  }
0x7e: {  	_ =	shalt  }
0x7f: {  	_ =	shalt  }
0x80: {  	_ =	shalt  }
0x81: {  	_ =	shalt  }
0x82: {  	_ =	shalt  }
0x83: {  	_ =	shalt  }
0x84: {  	_ =	shalt  }
0x85: {  	_ =	shalt  }
0x86: {  	_ =	shalt  }
0x87: {  	_ =	shalt  }
.Lfunc_end0:
.L_simem_size_0:
called_computation.3_lowered:
.L_overlay_start_0:
0x88: {  	s2 =	sld [smem:$0x3FD9]  }
0x89: {  	s3 =	sld [smem:$0x3FFE];
	_ =	sdelay $0x1  }
0x8a: {  	s1 =	srdreg.scid  }
0x8b: {  	s0 =	sand.u32 $0x1, s1  }
0x8c: {  	s17 =	sshll.u32 s0, $0xA;
	s2 =	sadd.s32 s3, s2  }
0x8d: {  	s2 =	sadd.s32 s2, s17  }
0x8e: {  	[smem:$0x3FB1] =	sst s2  }
0x8f: {  	_ = 	snop  }
0x90: {  	s2 =	sld [smem:$0x3FD0];
	(tm) =	ssettm $0x1  }
0x91: {  	s18 =	sld [smem:$0x3FFB];
	_ =	sdelay $0x3  }
0x92: {  	_ =	strace s18  }
0x93: {  	s3 =	sld [smem:$0x3FFC];
	_ =	sdelay $0x3  }
0x94: {  	_ =	strace s3  }
0x95: {  	s3 =	sld [smem:$0x3FFD];
	_ =	sdelay $0x3  }
0x96: {  	_ =	strace s3  }
0x97: {  	_ =	strace $0x8FFFFFFF  }
0x98: {  	s19 =	sld [smem:$0x3FDB];
	_ =	sdelay $0x1  }
0x99: {  	s4 =	simm.s32 $_scs_section_size  }
0x9a: {  	s5 =	simm.s32 $_size__tile_overlayer_lowered;
	s6 =	simm.s32 $_tile_overlayer_lowered  }
0x9b: {  	s22 =	simm.s32 $0x1BFF;
	s21 =	sshll.u32 s6, $0x1;
	s3 =	sadd.s32 s4, s19  }
0x9c: {  	s7 =	simm.s32 $0x0;
	s20 =	sshll.u32 s5, $0x1;
	s5 =	sadd.s32 s21, s3  }
0x9d: {  	[timem:s7], [sflag:s22] =	dma.local [hbm:s5], s20  }
0x9e: {  	_ =	swait.ge [sflag:s22], s20  }
0x9f: {  	s4 =	ssub.s32 $0x0, s20;
	[sflag:s22] =	ssyncset.done $0x0  }
0xa0: {  	[sflag:s22] =	ssyncadd.s32 s4;
	_ =	sdelay $0x1  }
0xa1: {  	s23 =	simm.s32 $0x1B8B  }
0xa2: {  	_ =	swait.ge [sflag:s23], $0x1  }
0xa3: {  	[sflag:s23] =	ssyncset.done $0x0  }
0xa4: {  	s25 =	simm.s32 $0x1B8E;
	s24 =	sld [smem:$0x3FFE];
	[sflag:s23] =	ssyncadd.s32 $0xFFFFFFFF  }
0xa5: {  	s26 =	simm.s32 $execute0_lowered;
	[smem:$0x3FD2] =	sst s25  }
0xa6: {  	s5 =	sshll.u32 s26, $0x1;
	_ =	strace $0x8000004F;
	[dreg:$0x1] =	wrdreg $0xFFFFFFFF  }
0xa7: {  	s28 =	simm.s32 $_size_execute0_lowered;
	s3 =	sadd.s32 s3, s5;
	[dreg:$0x0] =	wrdreg $0x0  }
0xa8: {  	s5 =	sshll.u32 s28, $0x1;
	[dreg:$0x2] =	wrdreg s3  }
0xa9: {  	[dreg:$0x3] =	wrdreg s5  }
0xaa: {  	[dreg:$0x4] =	wrdreg $0xC0  }
0xab: {  	_ =	task [dreg:s7], $0x5FFFF  }
0xac: {  	[dreg:$0x1] =	wrdreg $0xFFFFFFFF  }
0xad: {  	[dreg:$0x0] =	wrdreg $0x60  }
0xae: {  	[dreg:$0x2] =	wrdreg s24  }
0xaf: {  	[dreg:$0x3] =	wrdreg s2  }
0xb0: {  	[dreg:$0x4] =	wrdreg $0x92000  }
0xb1: {  	[dreg:$0x5] =	wrdreg $0x9  }
0xb2: {  	_ =	task.clear_ibuf [dreg:s7], $0x6FFFF;
	_ =	strace $0x9000004F  }
0xb3: {  	s29 =	simm.s32 $0x9;
	_ =	strace $0x80000051  }
0xb4: {  	_ =	swait.ge [sflag:s29], $0x1  }
0xb5: {  	[sflag:s29] =	ssyncadd.s32 $0xFFFFFFFF  }
0xb6: {  	_ =	strace $0x90000051  }
0xb7: {  	_ =	sfence  }
0xb8: {  	s30 =	sld [smem:$0x0];
	_ =	sdelay $0x2  }
0xb9: {  	s31 =	sshll.u32 s1, $0xD;
	s1 =	sshrl.u32 s1, $0x2  }
0xba: {  	s3 =	sand.u32 $0x4000, s31;
	s1 =	sadd.s32 s1, s30  }
0xbb: {  	s0 =	sor.u32 s3, s0;
	s1 =	sshll.u32 s1, $0x11  }
0xbc: {  	s0 =	sor.u32 s1, s0  }
0xbd: {  	s0 =	sadd.s32 $0x8F2B, s0  }
0xbe: {  	[sflag:s0] =	ssyncadd.remote.s32 $0x1  }
0xbf: {  	_ =	sfence.sel $0xFFFF  }
0xc0: {  	[dreg:$0x0] =	wrdreg $0xFFFFFFFF;
	(pc) =	sbr.abs _section_cstart, $3  }
0xc1: {  	[dreg:$0x1] =	wrdreg $0xFFFFFFFF  }
0xc2: {  	_ =	task.clear_ibuf [dreg:s7], $0x2FFFF;
	_ =	strace $0x9FFFFFFF  }
0xc3: {  	(tm) =	ssettm $0x7FFFFFFF  }
tec
execute0_lowered:
.L_overlay_start_1:
0x0: {  	(tag) =	ssettag $0x1  }
0x1: {  	s1 =	rddreg [dreg:$0x0]  }
0x2: {  	s0 =	srdreg.scid;
	s5 =	rddreg [dreg:$0x1]  }
0x3: {  	s11 =	stileid.u32;
	s4 =	rddreg [dreg:$0x2]  }
0x4: {  	s28 =	simm.s32 $0x2;
	s29 =	simm.s32 $0x1080;
	s9 =	smul.u32 $0x3E80, s11  }
0x5: {  	s30 =	simm.s32 $0x1180;
	s31 =	simm.s32 $0x0;
	s10 =	smul.u32 $0x7D000, s11  }
0x6: {  	s0 =	sand.u32 $0x1, s0;
	s17 =	sadd.s32 $0x143F400, s1;
	s24 =	smul.u32 $0x140000, s11  }
0x7: {  	s3 =	sadd.s32 $0x53F400, s1;
	p0 =	sgt.u32 s11, $0x9;
	s8 =	smul.u32 $0x27100, s0  }
0x8: {  	s2 =	sshll.u32 s0, $0x4;
	s16 =	ssub.s32 $0x2, s0;
	s0 =	smul.u32 $0x1400000, s0  }
0x9: {  	s6 =	sor.u32 s11, s2;
	s2 =	simm.s32 $0x0;
	s10 =	sshrl.u32 s10, $0x2  }
0xa: {  	s18 =	sshrl.u32 s16, $0x1;
	s7 =	smul.u32 $0x500, s6;
	[smem:$0x7FF] =	sst s2  }
0xb: {  	s8 =	sadd.s32 s9, s8;
	s4 =	sadd.s32 s10, s4;
	s6 =	smul.u32 $0x28000, s6  }
0xc: {  	s0 =	sadd.s32 s24, s0;
	s24 =	simm.s32 $0x1100;
	s19 =	sadd.s32 $0x4000, s4  }
0xd: {  	_ =	strace $0x80000050;
	s20 =	sadd.s32 $0x8000, s4;
	[dreg:$0x4] =	wrdreg s19  }
0xe: {  	s21 =	sadd.s32 $0xC000, s4;
	s22 =	sadd.s32 $0x10000, s4;
	[dreg:$0x5] =	wrdreg s20  }
0xf: {  	s23 =	sadd.s32 $0x14000, s4;
	s10 =	sadd.s32 $0x18000, s4;
	[dreg:$0x6] =	wrdreg s21  }
0x10: {  	s25 =	sadd.s32 $0x1C000, s4;
	s26 =	sor.u32 $0x8000, s0;
	[dreg:$0x7] =	wrdreg s22  }
0x11: {  	s0 =	sor.u32 $0x4000, s0;
	s13 =	sadd.s32 s7, s1;
	[dreg:$0x8] =	wrdreg s23  }
0x12: {  	s1 =	sadd.s32 s8, s1;
	s8 =	ssub.s32 s16, s18;
	[dreg:$0x9] =	wrdreg s10  }
0x13: {  	[dreg:$0xa] =	wrdreg s25;
	s12 =	sadd.s32 s5, s7;
	s14 =	sadd.s32 s17, s6  }
.Ltmp0:
0x14: {  	s0 =	sshrl.u32 s0, $0x3;
	s19 =	simm.s32 $0x3;
	(pc) =	sbr.rel .LBB2_1-.Ltmp0, $4  }
0x15: {  	s20 =	simm.s32 $0x800;
	s21 =	simm.s32 $0x1200;
	s22 =	simm.s32 $0x80  }
0x16: {  	s23 =	simm.s32 $0x1000;
	s25 =	simm.s32 $0x1;
	s13 =	sadd.s32 $0x535400, s13  }
0x17: {  	s15 =	sadd.s32 $0x2D200, s1;
	s16 =	smax.u32 s8, $0x1;
	s1 =	sshrl.u32 s26, $0x3  }
0x18: {  	v0 =	vimm.f32 $0.0e+00;
	s7 =	sadd.s32 s0, s17;
	s26 =	simm.s32 $0x5200;
	s8 =	sadd.s32 s1, s17  }
.LBB2_9:
0x19: {  	s0 =	stileid.u32  }
0x1a: {  	[bflag:$0x0] =	sbarrier.arrive $0xFFFF;
	s31 =	sadd.s32 $0x1, s31;
	s0 =	sshll.u32 @!p0 s0, $0x6  }
0x1b: {  	s1 =	sshrl.u32 @!p0 s4, $0x3;
	p1 =	sne.s32 s31, s16;
	s0 =	sor.u32 @!p0 $0x1C03, s0  }
0x1c: {  	[hbm:s15], [sflag:s0] =	dma.local @!p0 [spmem:s1], $0x3E80  }
.Ltmp1:
0x1d: {  	_ = 	snop;
	(pc) =	sbr.rel @!p1 .LBB2_10-.Ltmp1, $4  }
0x1e: {  	s0 =	simm.s32 @!p0 $0x3  }
0x1f: {  	_ =	swait.ge @!p0 [sflag:s0], $0x3E80  }
0x20: {  	[sflag:s0] =	ssyncset.done @!p0 $0x0  }
0x21: {  	[sflag:s0] =	ssyncadd.s32 @!p0 $0xFFFFC180  }
.LBB2_1:
0x22: {  	s0 =	simm.s32 $0x0;
	s1 =	simm.s32 $0x200  }
.LBB2_2:
0x23: {  	p1 =	sne.s32 s1, $0xFE00;
	[tilespmem:s0+$0x1270] =	vst v0  }
0x24: {  	[tilespmem:s0+$0x1200] =	vst v0  }
0x25: {  	[tilespmem:s0+$0x1210] =	vst v0  }
.Ltmp2:
0x26: {  	[tilespmem:s0+$0x1220] =	vst v0;
	(pc) =	sbr.rel @p1 .LBB2_2-.Ltmp2, $4  }
0x27: {  	[tilespmem:s0+$0x1230] =	vst v0  }
0x28: {  	[tilespmem:s0+$0x1240] =	vst v0  }
0x29: {  	[tilespmem:s0+$0x1250] =	vst v0  }
0x2a: {  	[tilespmem:s0+$0x1260] =	vst v0;
	s0 =	sshra.s32 s1, $0x2;
	s1 =	sadd.s32 $0x200, s1  }
0x2b: {  	[tilespmem:s0+$0x1270] =	vst v0  }
0x2c: {  	[tilespmem:s0+$0x1200] =	vst v0  }
0x2d: {  	[tilespmem:s0+$0x1210] =	vst v0  }
0x2e: {  	[tilespmem:s0+$0x1220] =	vst v0  }
0x2f: {  	[tilespmem:s0+$0x1230] =	vst v0  }
0x30: {  	[tilespmem:s0+$0x1240] =	vst v0  }
0x31: {  	[tilespmem:s0+$0x1250] =	vst v0  }
0x32: {  	[tilespmem:s0+$0x1260] =	vst v0;
	s0 =	simm.s32 @!p0 $0x1200;
	s1 =	simm.s32 @!p0 $0x3  }
0x33: {  	[spmem:s4] =	stream.linear.scatter @!p0 [tilespmem:s0], [sflag:$0x3], $0x4000, $0x38;
	[tilespmem:$0x1CC00] =	vst v63  }
0x34: {  	_ =	swait.ge @!p0 [sflag:s1], $0x4000  }
0x35: {  	[sflag:s1] =	ssyncset.done @!p0 $0x0  }
0x36: {  	s5 =	rddreg [dreg:$0x4];
	[sflag:s1] =	ssyncadd.s32 @!p0 $0xFFFFC000  }
0x37: {  	[spmem:s5] =	stream.linear.scatter @!p0 [tilespmem:s0], [sflag:$0x3], $0x4000, $0x38;
	[tilespmem:$0x1CC00] =	vst v63  }
0x38: {  	_ =	swait.ge @!p0 [sflag:s1], $0x4000  }
0x39: {  	[sflag:s1] =	ssyncset.done @!p0 $0x0  }
0x3a: {  	s5 =	rddreg [dreg:$0x5];
	[sflag:s1] =	ssyncadd.s32 @!p0 $0xFFFFC000  }
0x3b: {  	[spmem:s5] =	stream.linear.scatter @!p0 [tilespmem:s0], [sflag:$0x3], $0x4000, $0x38;
	[tilespmem:$0x1CC00] =	vst v63  }
0x3c: {  	_ =	swait.ge @!p0 [sflag:s1], $0x4000  }
0x3d: {  	[sflag:s1] =	ssyncset.done @!p0 $0x0  }
0x3e: {  	s5 =	rddreg [dreg:$0x6];
	[sflag:s1] =	ssyncadd.s32 @!p0 $0xFFFFC000  }
0x3f: {  	[spmem:s5] =	stream.linear.scatter @!p0 [tilespmem:s0], [sflag:$0x3], $0x4000, $0x38;
	[tilespmem:$0x1CC00] =	vst v63  }
0x40: {  	_ =	swait.ge @!p0 [sflag:s1], $0x4000  }
0x41: {  	[sflag:s1] =	ssyncset.done @!p0 $0x0  }
0x42: {  	s5 =	rddreg [dreg:$0x7];
	[sflag:s1] =	ssyncadd.s32 @!p0 $0xFFFFC000  }
0x43: {  	[spmem:s5] =	stream.linear.scatter @!p0 [tilespmem:s0], [sflag:$0x3], $0x4000, $0x38;
	[tilespmem:$0x1CC00] =	vst v63  }
0x44: {  	_ =	swait.ge @!p0 [sflag:s1], $0x4000  }
0x45: {  	[sflag:s1] =	ssyncset.done @!p0 $0x0  }
0x46: {  	s5 =	rddreg [dreg:$0x8];
	[sflag:s1] =	ssyncadd.s32 @!p0 $0xFFFFC000  }
0x47: {  	[spmem:s5] =	stream.linear.scatter @!p0 [tilespmem:s0], [sflag:$0x3], $0x4000, $0x38;
	[tilespmem:$0x1CC00] =	vst v63  }
0x48: {  	_ =	swait.ge @!p0 [sflag:s1], $0x4000  }
0x49: {  	[sflag:s1] =	ssyncset.done @!p0 $0x0  }
0x4a: {  	s5 =	rddreg [dreg:$0x9];
	[sflag:s1] =	ssyncadd.s32 @!p0 $0xFFFFC000  }
0x4b: {  	[spmem:s5] =	stream.linear.scatter @!p0 [tilespmem:s0], [sflag:$0x3], $0x4000, $0x38;
	[tilespmem:$0x1CC00] =	vst v63  }
0x4c: {  	_ =	swait.ge @!p0 [sflag:s1], $0x4000  }
0x4d: {  	[sflag:s1] =	ssyncset.done @!p0 $0x0  }
0x4e: {  	s5 =	rddreg [dreg:$0xa];
	[sflag:s1] =	ssyncadd.s32 @!p0 $0xFFFFC000  }
0x4f: {  	[spmem:s5] =	stream.linear.scatter @!p0 [tilespmem:s0], [sflag:$0x3], $0x3400, $0x38;
	[tilespmem:$0x1CC00] =	vst v63  }
0x50: {  	_ =	swait.ge @!p0 [sflag:s1], $0x3400  }
0x51: {  	[sflag:s1] =	ssyncset.done @!p0 $0x0  }
0x52: {  	[sflag:s1] =	ssyncadd.s32 @!p0 $0xFFFFCC00  }
0x53: {  	s1 =	simm.s32 $0x0;
	[bflag:$0x0] =	sbarrier.arrive $0xFFFF  }
0x54: {  	[tilespmem:s1], [sflag:$0x3] =	stream.linear.gather [hbm4b:s12+s1], $0x400, $0x38;
	[tilespmem:$0x1CC00] =	vst v63  }
0x55: {  	_ =	swait.ge [sflag:s19], $0x400  }
0x56: {  	[sflag:s19] =	ssyncset.done $0x0  }
0x57: {  	[sflag:s19] =	ssyncadd.s32 $0xFFFFFC00  }
0x58: {  	[tilespmem:s20], [sflag:$0x3] =	stream.linear.gather [hbm4b:s13+s1], $0x400, $0x38;
	[tilespmem:$0x1CC00] =	vst v63  }
0x59: {  	_ =	swait.ge [sflag:s19], $0x400  }
0x5a: {  	[sflag:s19] =	ssyncset.done $0x0  }
0x5b: {  	[sflag:s19] =	ssyncadd.s32 $0xFFFFFC00  }
0x5c: {  	[tilespmem:s21], [sflag:$0x1] =	stream.linear.gather [hbm4b:s14+s1], $0x4000, $0x38;
	[tilespmem:$0x1CC00] =	vst v63  }
.Ltmp3:
0x5d: {  	_ = 	snop;
	(pc) =	sbr.rel .LBB2_4-.Ltmp3, $4  }
0x5e: {  	s6 =	simm.s32 $0x20;
	s18 =	smov.u32 s7  }
0x5f: {  	[tilespmem:s23], [sflag:$0x2] =	stream.indirect.gather [hbm4b:s3+s22], $0x1, s1, s22, $0xb8;
	[tilespmem:$0x1CC00] =	vst v63  }
0x60: {  	s17 =	smov.u32 s8;
	s0 =	simm.s32 $0x100;
	s5 =	simm.s32 $0x1  }
0x61: {  	[tilespmem:s24], [sflag:$0x2] =	stream.indirect.gather [hbm4b:s3+s22], $0x1, s20, s22, $0xb8;
	[tilespmem:$0x1CC00] =	vst v63  }
.LBB2_5:
0x62: {  	s9 =	sand.u32 $0xF80, s6  }
0x63: {  	s10 =	sand.u32 $0x400, s0;
	s11 =	sadd.s32 s12, s9  }
0x64: {  	[tilespmem:s10], [sflag:$0x3] =	stream.linear.gather [hbm4b:s11+s2], $0x400, $0x38;
	[tilespmem:$0x1CC00] =	vst v63  }
0x65: {  	_ =	swait.ge [sflag:s19], $0x400  }
0x66: {  	[sflag:s19] =	ssyncset.done $0x0  }
0x67: {  	s9 =	sadd.s32 s13, s9;
	s10 =	sor.u32 $0x800, s10;
	[sflag:s19] =	ssyncadd.s32 $0xFFFFFC00  }
0x68: {  	[tilespmem:s10], [sflag:$0x3] =	stream.linear.gather [hbm4b:s9+s2], $0x400, $0x38;
	[tilespmem:$0x1CC00] =	vst v63  }
0x69: {  	s11 =	sshll.u32 s1, $0x1;
	_ =	swait.ge [sflag:s19], $0x400  }
0x6a: {  	s9 =	sshll.u32 s11, $0x7;
	[sflag:s19] =	ssyncset.done $0x0  }
0x6b: {  	s9 =	sadd.s32 $0x100, s9;
	[sflag:s19] =	ssyncadd.s32 $0xFFFFFC00  }
.LBB2_6:
0x6c: {  	[tilespmem:s21], [sflag:$0x1] =	stream.linear.gather [hbm4b:s17+s2], $0x4000, $0x38;
	[tilespmem:$0x1CC00] =	vst v63  }
0x6d: {  	_ =	swait.ge [sflag:s28], $0x80  }
0x6e: {  	[sflag:s28] =	ssyncset.done $0x0  }
0x6f: {  	s0 =	sadd.s32 $0x100, s0;
	[sflag:s28] =	ssyncadd.s32 $0xFFFFFF80  }
0x70: {  	s9 =	sand.u32 $0x700, s9;
	p1 =	sne.s32 s0, $0x2900;
	_ =	swait.ge [sflag:s28], $0x80  }
.Ltmp4:
0x71: {  	s5 =	sadd.s32 $0x1, s5;
	[sflag:s28] =	ssyncset.done $0x0;
	(pc) =	sbr.rel @!p1 .LBB2_9-.Ltmp4, $4  }
0x72: {  	s17 =	sadd.s32 $0x1000, s17;
	s18 =	sadd.s32 $0x1000, s18;
	[sflag:s28] =	ssyncadd.s32 $0xFFFFFF80  }
0x73: {  	[tilespmem:s23], [sflag:$0x2] =	stream.indirect.gather [hbm4b:s3+s22], $0x1, s9, s22, $0xb8;
	[tilespmem:$0x1CC00] =	vst v63  }
0x74: {  	s6 =	sadd.s32 $0x20, s6;
	s1 =	sadd.s32 $0x1, s1;
	s9 =	sor.u32 $0x800, s9  }
0x75: {  	[tilespmem:s24], [sflag:$0x2] =	stream.indirect.gather [hbm4b:s3+s22], $0x1, s9, s22, $0xb8;
	[tilespmem:$0x1CC00] =	vst v63  }
.LBB2_4:
0x76: {  	_ =	swait.ge [sflag:s25], $0x4000  }
0x77: {  	[sflag:s25] =	ssyncset.done $0x0  }
0x78: {  	[sflag:s25] =	ssyncadd.s32 $0xFFFFC000  }
0x79: {  	[tilespmem:s26], [sflag:$0x1] =	stream.linear.gather [hbm4b:s18+s2], $0x4000, $0x38;
	[tilespmem:$0x1CC00] =	vst v63  }
0x7a: {  	_ =	swait.ge [sflag:s28], $0x80  }
0x7b: {  	[sflag:s28] =	ssyncset.done $0x0  }
0x7c: {  	[sflag:s28] =	ssyncadd.s32 $0xFFFFFF80  }
0x7d: {  	_ =	swait.ge [sflag:s28], $0x80  }
0x7e: {  	s9 =	sadd.s32 $0xFFFFFF80, s0;
	[sflag:s28] =	ssyncset.done $0x0  }
0x7f: {  	s9 =	sand.u32 $0x780, s9;
	[sflag:s28] =	ssyncadd.s32 $0xFFFFFF80  }
0x80: {  	[tilespmem:s29], [sflag:$0x2] =	stream.indirect.gather [hbm4b:s3+s22], $0x1, s9, s22, $0xb8;
	[tilespmem:$0x1CC00] =	vst v63  }
0x81: {  	s9 =	sor.u32 $0x800, s9  }
0x82: {  	[tilespmem:s30], [sflag:$0x2] =	stream.indirect.gather [hbm4b:s3+s22], $0x1, s9, s22, $0xb8;
	[tilespmem:$0x1CC00] =	vst v63  }
0x83: {  	p1 =	seq.s32 s0, $0x2800;
	s9 =	sand.u32 $0x3, s5  }
0x84: {  	p2 =	sne.s32 @!p1 s9, $0x0  }
0x85: {  	p1 =	por p1, p2  }
.Ltmp5:
0x86: {  	_ = 	snop;
	(pc) =	sbr.rel @!p1 .LBB2_5-.Ltmp5, $4  }
0x87: {  	_ = 	snop  }
0x88: {  	_ =	swait.ge [sflag:s25], $0x4000  }
0x89: {  	[sflag:s25] =	ssyncset.done $0x0  }
0x8a: {  	[sflag:s25] =	ssyncadd.s32 $0xFFFFC000  }
0x8b: {  	p1 =	sne.s32 s0, $0x2800  }
.Ltmp6:
0x8c: {  	_ = 	snop;
	(pc) =	sbr.rel @p1 .LBB2_6-.Ltmp6, $2  }
0x8d: {  	_ =	sdelay $0x2  }
0x8e: {  	s9 =	smov.u32 s0  }
0x8f: {  	_ =	swait.ge [sflag:s28], $0x80  }
.Ltmp7:
0x90: {  	[sflag:s28] =	ssyncset.done $0x0;
	(pc) =	sbr.rel .LBB2_9-.Ltmp7, $4  }
0x91: {  	[sflag:s28] =	ssyncadd.s32 $0xFFFFFF80  }
0x92: {  	_ =	swait.ge [sflag:s28], $0x80  }
0x93: {  	[sflag:s28] =	ssyncset.done $0x0  }
0x94: {  	[sflag:s28] =	ssyncadd.s32 $0xFFFFFF80  }
.LBB2_10:
0x95: {  	_ =	sfence.sel $0x180000  }
0x96: {  	[bflag:$0x0] =	sbarrier.arrive $0xFFFF  }
0x97: {  	_ =	strace $0x90000050  }
0x98: {  	s0 =	stileid.u32;
	[bflag:$0x2] =	sbarrier.arrive $0xFFFF  }
0x99: {  	p0 =	sne.s32 s0, $0x0;
	s0 =	rddreg [dreg:$0x3]  }
0x9a: {  	s0 =	sadd.s32 @!p0 $0x100000, s0  }
0x9b: {  	[sflag:s0] =	ssyncadd.tile.s32 @!p0 $0x1;
	_ =	shalt  }
.Lfunc_end2:
_tile_overlayer_lowered:
.L_overlay_start_2:
0x9c: {  	(tag) =	ssettag $0x2  }
0x9d: {  	s0 =	rddreg [dreg:$0x0];
	s2 =	stileid.u32  }
0x9e: {  	s1 =	rddreg [dreg:$0x1];
	p0 =	sne.s32 s2, $0x0  }
0x9f: {  	s3 =	rddreg [dreg:$0x2];
	[bflag:$0x3] =	sbarrier.arrive $0xFFFF;
	s2 =	simm.s32 @!p0 $0x1C03  }
0xa0: {  	[timem:s3], [sflag:s2] =	dma.local @!p0 [hbm:s0], s1  }
0xa1: {  	s0 =	simm.s32 @!p0 $0x3  }
0xa2: {  	_ =	swait.ge @!p0 [sflag:s0], s1  }
0xa3: {  	s1 =	ssub.s32 @!p0 $0x0, s1;
	[sflag:s0] =	ssyncset.done @!p0 $0x0  }
0xa4: {  	[sflag:s0] =	ssyncadd.s32 @!p0 s1  }
0xa5: {  	[bflag:$0x3] =	sbarrier.arrive $0xFFFF  }
0xa6: {  	_ =	shalt  }

</sc_bundles>
